<compile_context>
chip_gen: v7x
topology: tpu7x:2x2x1
jax: 0.10.2.dev20260603
libtpu: 0.0.44.dev20260713+nightly
codegen_flags: <defaults>
</compile_context>

<pallas_src>
import functools

import numpy as np
import jax
import jax.numpy as jnp
from jax import lax
from jax.experimental import pallas as pl
from jax.experimental.pallas import tpu as pltpu
from jax.experimental.pallas import tpu_sc as plsc

N = 10000
E = 320000
NB = 64
H = 10

NC = 2
NS = 16
NW = NC * NS
CH = 80
NPAD = 10240



def _sc_gather(num_tables, table_rows, B, D):
    per_w = B // NW
    nch = per_w // CH
    mesh = plsc.VectorSubcoreMesh(core_axis_name="c", subcore_axis_name="s")
    out_type = tuple(jax.ShapeDtypeStruct((B, D), jnp.float32)
                     for _ in range(num_tables))
    scratch = []
    for _ in range(num_tables):
        scratch += [pltpu.VMEM((CH,), jnp.int32),
                    pltpu.VMEM((CH, D), jnp.float32),
                    pltpu.SemaphoreType.DMA]

    @functools.partial(pl.kernel, mesh=mesh, out_type=out_type,
                       scratch_types=scratch,
                       compiler_params=pltpu.CompilerParams(
                           use_tc_tiling_on_sc=False))
    def k(*refs):
        tables = refs[:num_tables]
        idxs = refs[num_tables:2 * num_tables]
        outs = refs[2 * num_tables:3 * num_tables]
        scr = refs[3 * num_tables:]
        wid = lax.axis_index("s") * NC + lax.axis_index("c")
        base = wid * per_w

        def body(j, carry):
            off = base + j * CH
            for t in range(num_tables):
                idx_v, rows_v, sem = scr[3 * t:3 * t + 3]
                pltpu.sync_copy(idxs[t].at[pl.ds(off, CH)], idx_v)
                pltpu.async_copy(tables[t].at[idx_v], rows_v, sem).wait()
                pltpu.sync_copy(rows_v, outs[t].at[pl.ds(off, CH)])
            return carry

        lax.fori_loop(0, nch, body, 0)

    return k


def _sc_scatter_add(B, D, NT):
    per_w = B // NW
    nch = per_w // CH
    rps = NT // NS
    mesh = plsc.VectorSubcoreMesh(core_axis_name="c", subcore_axis_name="s")

    @functools.partial(
        pl.kernel, mesh=mesh,
        out_type=jax.ShapeDtypeStruct((NC, NT, D), jnp.float32),
        scratch_types=[pltpu.VMEM_SHARED((NT, D), jnp.float32),
                       pltpu.VMEM((CH,), jnp.int32),
                       pltpu.VMEM((CH, D), jnp.float32)],
        compiler_params=pltpu.CompilerParams(use_tc_tiling_on_sc=False))
    def k(vals_hbm, idx_hbm, zeros_hbm, out_hbm, acc, idx_v, vals_v):
        c = lax.axis_index("c")
        s = lax.axis_index("s")
        pltpu.sync_copy(zeros_hbm, acc.at[pl.ds(s * rps, rps)])
        plsc.subcore_barrier()
        wid = s * NC + c
        base = wid * per_w

        def body(j, carry):
            off = base + j * CH
            pltpu.sync_copy(idx_hbm.at[pl.ds(off, CH)], idx_v)
            pltpu.sync_copy(vals_hbm.at[pl.ds(off, CH)], vals_v)
            pltpu.sync_copy(vals_v, acc.at[idx_v], add=True)
            return carry

        lax.fori_loop(0, nch, body, 0)
        plsc.subcore_barrier()
        pltpu.sync_copy(acc.at[pl.ds(s * rps, rps)],
                        out_hbm.at[c, pl.ds(s * rps, rps)])

    return k



NBLK = 1000
EBLK = 4000


def _full(shape):
    return pl.BlockSpec(shape, lambda i: tuple(0 for _ in shape))


def _tc_proj1(x, Wl, bl, Wr, br):
    def body(x_ref, wl_ref, bl_ref, wr_ref, br_ref, xl_ref, xr_ref):
        xb = x_ref[...]
        xl_ref[...] = jnp.dot(xb, wl_ref[...],
                              preferred_element_type=jnp.float32) + bl_ref[...]
        xr_ref[...] = jnp.dot(xb, wr_ref[...],
                              preferred_element_type=jnp.float32) + br_ref[...]

    return pl.pallas_call(
        body,
        grid=(N // NBLK,),
        in_specs=[pl.BlockSpec((NBLK, 128), lambda i: (i, 0)),
                  _full((128, 64)), _full((1, 64)),
                  _full((128, 64)), _full((1, 64))],
        out_specs=[pl.BlockSpec((NBLK, 64), lambda i: (i, 0))] * 2,
        out_shape=[jax.ShapeDtypeStruct((N, 64), jnp.float32)] * 2,
    )(x, Wl, bl, Wr, br)


def _tc_alpha1(xsrc, xdst, eattr, Wep, attb, G, pmask):
    def body(xs_ref, xd_ref, ea_ref, we_ref, att_ref, g_ref, pm_ref,
             alpha_ref, p_ref):
        z = xs_ref[...] + xd_ref[...] + jnp.dot(
            ea_ref[...], we_ref[...], preferred_element_type=jnp.float32)
        z = jnp.where(z >= 0, z, 0.2 * z)
        t = z * att_ref[...]
        alpha = jnp.dot(t, g_ref[...], preferred_element_type=jnp.float32)
        q = jnp.clip(jnp.floor(alpha + 0.5), -120.0, 100.0)
        alpha_ref[...] = alpha
        p_ref[...] = jnp.exp2(q) * pm_ref[...]

    return pl.pallas_call(
        body,
        grid=(E // EBLK,),
        in_specs=[pl.BlockSpec((EBLK, 64), lambda i: (i, 0)),
                  pl.BlockSpec((EBLK, 64), lambda i: (i, 0)),
                  pl.BlockSpec((EBLK, 16), lambda i: (i, 0)),
                  _full((16, 64)), _full((1, 64)), _full((64, 16)),
                  _full((1, 16))],
        out_specs=[pl.BlockSpec((EBLK, 16), lambda i: (i, 0))] * 2,
        out_shape=[jax.ShapeDtypeStruct((E, 16), jnp.float32)] * 2,
    )(xsrc, xdst, eattr, Wep, attb, G, pmask)


def _tc_mprime(Spow, NT):
    blk = min(NT, 2000)

    def body(s_ref, m_ref):
        S = s_ref[0] + s_ref[1]
        m_ref[...] = jnp.where(S > 0, jnp.floor(jnp.log2(
            jnp.maximum(S, 1e-38))), 0.0)

    return pl.pallas_call(
        body,
        grid=(NT // blk,),
        in_specs=[pl.BlockSpec((2, blk, 16), lambda i: (0, i, 0))],
        out_specs=pl.BlockSpec((blk, 16), lambda i: (i, 0)),
        out_shape=jax.ShapeDtypeStruct((NT, 16), jnp.float32),
    )(Spow)


def _tc_eaw1(alpha, mdst, xsrc, GT, pmask):
    def body(a_ref, m_ref, xs_ref, gt_ref, pm_ref, out_ref):
        ea = jnp.exp(a_ref[...] - m_ref[...]) * pm_ref[...]
        eaex = jnp.dot(ea, gt_ref[...], preferred_element_type=jnp.float32)
        w = xs_ref[...] * eaex
        out_ref[...] = jnp.concatenate([ea, w], axis=1)

    return pl.pallas_call(
        body,
        grid=(E // EBLK,),
        in_specs=[pl.BlockSpec((EBLK, 16), lambda i: (i, 0)),
                  pl.BlockSpec((EBLK, 16), lambda i: (i, 0)),
                  pl.BlockSpec((EBLK, 64), lambda i: (i, 0)),
                  _full((16, 64)), _full((1, 16))],
        out_specs=pl.BlockSpec((EBLK, 80), lambda i: (i, 0)),
        out_shape=jax.ShapeDtypeStruct((E, 80), jnp.float32),
    )(alpha, mdst, xsrc, GT, pmask)


def _tc_out1gn(acc, GT, Gm, bias1):
    def body(a_ref, gt_ref, gm_ref, b_ref, h1_ref, gn_ref):
        A = a_ref[0] + a_ref[1]
        S = A[:, :16]
        W = A[:, 16:]
        Sx = jnp.dot(S, gt_ref[...], preferred_element_type=jnp.float32)
        out = jnp.where(Sx > 0, W / jnp.where(Sx > 0, Sx, 1.0), 0.0)
        h1 = jnp.dot(out, gm_ref[...],
                     preferred_element_type=jnp.float32) + b_ref[...]
        h1_ref[...] = h1
        hc = h1[:, :5]
        gn_ref[...] = jnp.concatenate(
            [hc, hc * hc,
             jnp.ones((hc.shape[0], 1), jnp.float32),
             jnp.zeros((hc.shape[0], 5), jnp.float32)], axis=1)

    return pl.pallas_call(
        body,
        grid=(N // NBLK,),
        in_specs=[pl.BlockSpec((2, NBLK, 80), lambda i: (0, i, 0)),
                  _full((16, 64)), _full((64, 8)), _full((1, 8))],
        out_specs=[pl.BlockSpec((NBLK, 8), lambda i: (i, 0)),
                   pl.BlockSpec((NBLK, 16), lambda i: (i, 0))],
        out_shape=[jax.ShapeDtypeStruct((N, 8), jnp.float32),
                   jax.ShapeDtypeStruct((N, 16), jnp.float32)],
    )(acc, GT, Gm, bias1)


def _tc_gnstats(acc, gn_w, gn_ms):
    def body(a_ref, w_ref, ms_ref, g_ref):
        A = a_ref[0] + a_ref[1]
        cnt = jnp.maximum(A[:, 10:11], 1.0)
        mean = A[:, 0:5] / cnt
        Eh2 = A[:, 5:10] / cnt
        ms = ms_ref[...][:, :5]
        w = w_ref[...][:, :5]
        var = Eh2 - mean * mean * ms * (2.0 - ms)
        std = jnp.sqrt(var + 1e-5)
        g_ref[...] = jnp.concatenate(
            [mean * ms, w / std, jnp.zeros((A.shape[0], 6), jnp.float32)],
            axis=1)

    return pl.pallas_call(
        body,
        grid=(1,),
        in_specs=[_full((2, NB, 16)), _full((1, 8)), _full((1, 8))],
        out_specs=_full((NB, 16)),
        out_shape=jax.ShapeDtypeStruct((NB, 16), jnp.float32),
    )(acc, gn_w, gn_ms)


def _tc_normproj2(h1, gb, gnb, Wl2, bl2, Wr2, br2):
    def body(h_ref, g_ref, b_ref, wl_ref, bl_ref, wr_ref, br_ref,
             xl_ref, xr_ref):
        h = h_ref[...]
        g = g_ref[...]
        hn5 = (h[:, :5] - g[:, :5]) * g[:, 5:10] + b_ref[...][:, :5]
        hn5 = jnp.maximum(hn5, 0.0)
        hn8 = jnp.concatenate(
            [hn5, jnp.zeros((hn5.shape[0], 3), jnp.float32)], axis=1)
        xl_ref[...] = jnp.dot(hn8, wl_ref[...],
                              preferred_element_type=jnp.float32) + bl_ref[...]
        xr_ref[...] = jnp.dot(hn8, wr_ref[...],
                              preferred_element_type=jnp.float32) + br_ref[...]

    return pl.pallas_call(
        body,
        grid=(N // NBLK,),
        in_specs=[pl.BlockSpec((NBLK, 8), lambda i: (i, 0)),
                  pl.BlockSpec((NBLK, 16), lambda i: (i, 0)),
                  _full((1, 8)), _full((8, 16)), _full((1, 16)),
                  _full((8, 16)), _full((1, 16))],
        out_specs=[pl.BlockSpec((NBLK, 16), lambda i: (i, 0))] * 2,
        out_shape=[jax.ShapeDtypeStruct((N, 16), jnp.float32)] * 2,
    )(h1, gb, gnb, Wl2, bl2, Wr2, br2)


def _tc_alpha2(xsrc, xdst, eattr, Wep, attb, pmask):
    def body(xs_ref, xd_ref, ea_ref, we_ref, att_ref, pm_ref,
             alpha_ref, p_ref):
        z = xs_ref[...] + xd_ref[...] + jnp.dot(
            ea_ref[...], we_ref[...], preferred_element_type=jnp.float32)
        z = jnp.where(z >= 0, z, 0.2 * z)
        alpha = z * att_ref[...] * pm_ref[...]
        q = jnp.clip(jnp.floor(alpha + 0.5), -120.0, 100.0)
        alpha_ref[...] = alpha
        p_ref[...] = jnp.exp2(q) * pm_ref[...]

    return pl.pallas_call(
        body,
        grid=(E // EBLK,),
        in_specs=[pl.BlockSpec((EBLK, 16), lambda i: (i, 0)),
                  pl.BlockSpec((EBLK, 16), lambda i: (i, 0)),
                  pl.BlockSpec((EBLK, 16), lambda i: (i, 0)),
                  _full((16, 16)), _full((1, 16)), _full((1, 16))],
        out_specs=[pl.BlockSpec((EBLK, 16), lambda i: (i, 0))] * 2,
        out_shape=[jax.ShapeDtypeStruct((E, 16), jnp.float32)] * 2,
    )(xsrc, xdst, eattr, Wep, attb, pmask)


def _tc_eaw2(alpha, mdst, xsrc, pmask):
    def body(a_ref, m_ref, xs_ref, pm_ref, out_ref):
        ea = jnp.exp(a_ref[...] - m_ref[...]) * pm_ref[...]
        out_ref[...] = jnp.concatenate([ea, xs_ref[...] * ea], axis=1)

    return pl.pallas_call(
        body,
        grid=(E // EBLK,),
        in_specs=[pl.BlockSpec((EBLK, 16), lambda i: (i, 0)),
                  pl.BlockSpec((EBLK, 16), lambda i: (i, 0)),
                  pl.BlockSpec((EBLK, 16), lambda i: (i, 0)),
                  _full((1, 16))],
        out_specs=pl.BlockSpec((EBLK, 32), lambda i: (i, 0)),
        out_shape=jax.ShapeDtypeStruct((E, 32), jnp.float32),
    )(alpha, mdst, xsrc, pmask)


def _tc_final(acc, Mh, bias2):
    def body(a_ref, mh_ref, b_ref, out_ref):
        A = a_ref[0] + a_ref[1]
        S = A[:, :16]
        W = A[:, 16:]
        out = jnp.where(S > 0, W / jnp.where(S > 0, S, 1.0), 0.0)
        r = jnp.dot(out, mh_ref[...],
                    preferred_element_type=jnp.float32) + b_ref[...]
        out_ref[...] = jax.nn.sigmoid(r)

    return pl.pallas_call(
        body,
        grid=(N // NBLK,),
        in_specs=[pl.BlockSpec((2, NBLK, 32), lambda i: (0, i, 0)),
                  _full((16, 8)), _full((1, 8))],
        out_specs=pl.BlockSpec((NBLK, 8), lambda i: (i, 0)),
        out_shape=jax.ShapeDtypeStruct((N, 8), jnp.float32),
    )(acc, Mh, bias2)



_G = np.zeros((64, 16), np.float32)
for _h in range(H):
    _G[5 * _h:5 * _h + 5, _h] = 1.0
_GT = np.ascontiguousarray(_G.T)
_GM = np.zeros((64, 8), np.float32)
for _h in range(H):
    for _c in range(5):
        _GM[5 * _h + _c, _c] = 1.0 / H
_MH = np.zeros((16, 8), np.float32)
_MH[:H, 0] = 1.0 / H
_PMASK = np.zeros((1, 16), np.float32)
_PMASK[0, :H] = 1.0


def _pad2(a, r, c):
    a = jnp.asarray(a, jnp.float32)
    if a.ndim == 1:
        a = a[None, :]
    return jnp.pad(a, ((0, r - a.shape[0]), (0, c - a.shape[1])))




def kernel(x, edge_index, edge_attr, batch_idx, W_l1, b_l1, W_r1, b_r1,
           W_e1, att1, bias1, gn_w, gn_b, gn_ms, W_l2, b_l2, W_r2, b_r2,
           W_e2, att2, bias2):
    src = edge_index[0]
    dst = edge_index[1]

    G = jnp.asarray(_G)
    GT = jnp.asarray(_GT)
    Gm = jnp.asarray(_GM)
    Mh = jnp.asarray(_MH)
    pmask = jnp.asarray(_PMASK)

    Wl1p = _pad2(W_l1, 128, 64)
    bl1p = _pad2(b_l1, 1, 64)
    Wr1p = _pad2(W_r1, 128, 64)
    br1p = _pad2(b_r1, 1, 64)
    We1p = _pad2(W_e1, 16, 64)
    att1b = _pad2(att1.reshape(-1), 1, 64)
    bias1p = _pad2(bias1, 1, 8)
    gnwp = _pad2(gn_w, 1, 8)
    gnmsp = _pad2(gn_ms, 1, 8)
    gnbp = _pad2(gn_b, 1, 8)
    Wl2p = _pad2(W_l2, 8, 16)
    bl2p = _pad2(b_l2, 1, 16)
    Wr2p = _pad2(W_r2, 8, 16)
    br2p = _pad2(b_r2, 1, 16)
    We2p = _pad2(W_e2, 16, 16)
    att2b = _pad2(att2[:, 0], 1, 16)
    bias2p = _pad2(bias2, 1, 8)

    z625_80 = jnp.zeros((N // NS, 80), jnp.float32)
    z625_16 = jnp.zeros((N // NS, 16), jnp.float32)
    z625_32 = jnp.zeros((N // NS, 32), jnp.float32)
    z4_16 = jnp.zeros((NB // NS, 16), jnp.float32)

    batch_pad = jnp.pad(batch_idx, (0, NPAD - N))
    npad_idx = jnp.pad(jnp.arange(N, dtype=jnp.int32), (0, NPAD - N))

    xl1, xr1 = _tc_proj1(x, Wl1p, bl1p, Wr1p, br1p)
    xsrc1, xdst1 = _sc_gather(2, N, E, 64)(xl1, xr1, src, dst)
    alpha1, p1 = _tc_alpha1(xsrc1, xdst1, edge_attr, We1p, att1b, G, pmask)
    Spow1 = _sc_scatter_add(E, 16, N)(p1, dst, z625_16)
    m1 = _tc_mprime(Spow1, N)
    (mdst1,) = _sc_gather(1, N, E, 16)(m1, dst)
    eaw1 = _tc_eaw1(alpha1, mdst1, xsrc1, GT, pmask)
    acc1 = _sc_scatter_add(E, 80, N)(eaw1, dst, z625_80)
    h1, gnrows = _tc_out1gn(acc1, GT, Gm, bias1p)

    gnrows_pad = jnp.pad(gnrows, ((0, NPAD - N), (0, 0)))
    gacc = _sc_scatter_add(NPAD, 16, NB)(gnrows_pad, batch_pad, z4_16)
    g = _tc_gnstats(gacc, gnwp, gnmsp)
    (gb_pad,) = _sc_gather(1, NB, NPAD, 16)(g, batch_pad)
    gb = gb_pad[:N]

    xl2, xr2 = _tc_normproj2(h1, gb, gnbp, Wl2p, bl2p, Wr2p, br2p)
    xsrc2, xdst2 = _sc_gather(2, N, E, 16)(xl2, xr2, src, dst)
    alpha2, p2 = _tc_alpha2(xsrc2, xdst2, edge_attr, We2p, att2b, pmask)
    Spow2 = _sc_scatter_add(E, 16, N)(p2, dst, z625_16)
    m2 = _tc_mprime(Spow2, N)
    (mdst2,) = _sc_gather(1, N, E, 16)(m2, dst)
    eaw2 = _tc_eaw2(alpha2, mdst2, xsrc2, pmask)
    acc2 = _sc_scatter_add(E, 32, N)(eaw2, dst, z625_32)
    out = _tc_final(acc2, Mh, bias2p)

    return out[:, :1]

# --- scband reference (transcript-rebuilt; emitter-appended) ---
"""Pipeline reference for scband-glfp-f-61237643706853 (READ-ONLY COPY).

The authoritative reference and input builder live on the scoring server;
editing this copy changes nothing except your own understanding.
"""

import jax, jax.numpy as jnp
import numpy as np

N = 10000
E = 320000
NB = 64
ND = 128
ED = 16

def gatv2(x, edge_index, edge_attr, W_l, b_l, W_r, b_r, W_e, att, bias, H, C):
    src = edge_index[0]
    dst = edge_index[1]
    x_l = (x @ W_l + b_l).reshape(-1, H, C)
    x_r = (x @ W_r + b_r).reshape(-1, H, C)
    e = (edge_attr @ W_e).reshape(-1, H, C)
    xj = x_l[src]
    z = xj + x_r[dst] + e
    z = jax.nn.leaky_relu(z, 0.2)
    alpha = jnp.sum(z * att[None, :, :], axis=-1)
    m = jax.ops.segment_max(alpha, dst, num_segments=N)
    m = jnp.where(jnp.isfinite(m), m, 0.0)
    ea = jnp.exp(alpha - m[dst])
    s = jax.ops.segment_sum(ea, dst, num_segments=N)
    a = ea / (s[dst] + 1e-16)
    out = jax.ops.segment_sum(xj * a[:, :, None], dst, num_segments=N)
    return out.mean(axis=1) + bias

def graph_norm(x, batch, w, b, ms):
    cnt = jax.ops.segment_sum(jnp.ones((x.shape[0],), jnp.float32), batch, num_segments=NB)
    cnt = jnp.maximum(cnt, 1.0)[:, None]
    mean = jax.ops.segment_sum(x, batch, num_segments=NB) / cnt
    out = x - mean[batch] * ms
    var = jax.ops.segment_sum(out * out, batch, num_segments=NB) / cnt
    std = jnp.sqrt(var + 1e-5)
    return w * out / std[batch] + b

def setup_inputs(seed: int = 0):
    key = jax.random.key(seed)
    ks = jax.random.split(key, 16)
    def p(i, shape, scale):
        return jax.random.normal(ks[i], shape, dtype=jnp.float32) * scale
    x = p(0, (N, ND), 1.0)
    edge_index = jax.random.randint(ks[1], (2, E), 0, N, dtype=jnp.int32)
    edge_attr = p(2, (E, ED), 1.0)
    batch_idx = jnp.sort(jax.random.randint(ks[3], (N,), 0, NB, dtype=jnp.int32))
    s1 = 1.0 / np.sqrt(ND)
    s2 = 1.0 / np.sqrt(5.0)
    se = 1.0 / np.sqrt(ED)
    return {
        "x": x, "edge_index": edge_index, "edge_attr": edge_attr, "batch_idx": batch_idx,
        "W_l1": p(4, (ND, 50), s1), "b_l1": jnp.zeros((50,), jnp.float32),
        "W_r1": p(5, (ND, 50), s1), "b_r1": jnp.zeros((50,), jnp.float32),
        "W_e1": p(6, (ED, 50), se), "att1": p(7, (10, 5), s2), "bias1": jnp.zeros((5,), jnp.float32),
        "gn_w": jnp.ones((5,), jnp.float32), "gn_b": jnp.zeros((5,), jnp.float32), "gn_ms": jnp.ones((5,), jnp.float32),
        "W_l2": p(8, (5, 10), s2), "b_l2": jnp.zeros((10,), jnp.float32),
        "W_r2": p(9, (5, 10), s2), "b_r2": jnp.zeros((10,), jnp.float32),
        "W_e2": p(10, (ED, 10), se), "att2": p(11, (10, 1), 1.0), "bias2": jnp.zeros((1,), jnp.float32),
    }

def reference(x, edge_index, edge_attr, batch_idx, W_l1, b_l1, W_r1, b_r1, W_e1, att1, bias1, gn_w, gn_b, gn_ms, W_l2, b_l2, W_r2, b_r2, W_e2, att2, bias2):
    h = gatv2(x, edge_index, edge_attr, W_l1, b_l1, W_r1, b_r1, W_e1, att1, bias1, 10, 5)
    h = graph_norm(h, batch_idx, gn_w, gn_b, gn_ms)
    h = jax.nn.relu(h)
    h = gatv2(h, edge_index, edge_attr, W_l2, b_l2, W_r2, b_r2, W_e2, att2, bias2, 10, 1)
    return jax.nn.sigmoid(h)

if __name__ == "__main__":
    import jax
    _d = setup_inputs()
    print(jax.jit(kernel)(*tuple(_d.values())))

</pallas_src>

<mosaic_0001>
#map = affine_map<(d0, d1) -> (0, 0)>
#map1 = affine_map<(d0, d1) -> (0)>
#map2 = affine_map<(d0, d1) -> (0, 0, 0)>
module attributes {stable_mosaic.version = 14 : i64} {
  func.func @k(%arg0: i32, %arg1: i32, %arg2: memref<320000x80xf32, #tpu.memory_space<hbm>>, %arg3: memref<320000xi32, #tpu.memory_space<hbm>>, %arg4: memref<625x80xf32, #tpu.memory_space<hbm>>, %arg5: memref<2x10000x80xf32, #tpu.memory_space<hbm>>, %arg6: memref<10000x80xf32, #tpu.memory_space<vmem_shared>>, %arg7: memref<80xi32, #tpu.memory_space<vmem>>, %arg8: memref<80x80xf32, #tpu.memory_space<vmem>>) attributes {dimension_semantics = [#tpu.dimension_semantics<core_parallel>, #tpu.dimension_semantics<subcore_parallel>], iteration_bounds = array<i64: 2, 16>, scalar_prefetch = 0 : i64, scratch_operands = 3 : i64, tpu.core_type = #tpu.core_type<sc_vector_subcore>, window_params = [{transform_indices = #map}, {transform_indices = #map1}, {transform_indices = #map}, {transform_indices = #map2}]} {
    %mul3A = arith.constant 625 : i32
    %mul3A_0 = arith.muli %arg1, %mul3A : i32
    "tpu.region"() ({
      %run_scoped3A = tpu.sem_alloc : memref<!tpu.dma_semaphore, #tpu.memory_space<semaphore_mem>>
      %dma_start3A = arith.constant 0 : i32
      %dma_start3A_15 = tpu.memref_slice %arg6[%mul3A_0, %dma_start3A] : memref<10000x80xf32, #tpu.memory_space<vmem_shared>> -> memref<625x80xf32, #tpu.memory_space<vmem_shared>>
      tpu.enqueue_dma source(%arg4 : memref<625x80xf32, #tpu.memory_space<hbm>>) target(%dma_start3A_15 : memref<625x80xf32, #tpu.memory_space<vmem_shared>>) target_semaphore(%run_scoped3A : memref<!tpu.dma_semaphore, #tpu.memory_space<semaphore_mem>>)
      %dma_wait3A = arith.constant 0 : i32
      %dma_wait3A_16 = tpu.memref_slice %arg6[%mul3A_0, %dma_wait3A] : memref<10000x80xf32, #tpu.memory_space<vmem_shared>> -> memref<625x80xf32, #tpu.memory_space<vmem_shared>>
      tpu.wait_dma2 semaphore(%run_scoped3A : memref<!tpu.dma_semaphore, #tpu.memory_space<semaphore_mem>>) src(%arg4 : memref<625x80xf32, #tpu.memory_space<hbm>>) dst(%dma_wait3A_16 : memref<625x80xf32, #tpu.memory_space<vmem_shared>>)
      tpu.yield
    }) : () -> ()
    %barrier3A = arith.constant 0 : index
    tpu.barrier barrier_id(%barrier3A)
    %mul3A_1 = arith.constant 2 : i32
    %mul3A_2 = arith.muli %arg1, %mul3A_1 : i32
    %add3A = arith.addi %mul3A_2, %arg0 : i32
    %mul3A_3 = arith.constant 10000 : i32
    %mul3A_4 = arith.muli %add3A, %mul3A_3 : i32
    %scan3A = arith.constant 0 : i32
    %scan3A_5 = arith.constant 0 : i32
    %scan3A_6 = arith.constant 125 : i32
    %scan3A_7 = arith.addi %scan3A_5, %scan3A_6 : i32
    %scan3A_8 = arith.constant 1 : i32
    scf.for %scan3A_15 = %scan3A_5 to %scan3A_7 step %scan3A_8  : i32 {
      %mul3A_16 = arith.constant 80 : i32
      %mul3A_17 = arith.muli %scan3A_15, %mul3A_16 : i32
      %add3A_18 = arith.addi %mul3A_4, %mul3A_17 : i32
      "tpu.region"() ({
        %run_scoped3A = tpu.sem_alloc : memref<!tpu.dma_semaphore, #tpu.memory_space<semaphore_mem>>
        %dma_start3A = tpu.memref_slice %arg3[%add3A_18] : memref<320000xi32, #tpu.memory_space<hbm>> -> memref<80xi32, #tpu.memory_space<hbm>>
        %dma_start3A_19 = tpu.memref_slice %arg3[%add3A_18] : memref<320000xi32, #tpu.memory_space<hbm>> -> memref<80xi32, #tpu.memory_space<hbm>>
        tpu.enqueue_dma source(%dma_start3A_19 : memref<80xi32, #tpu.memory_space<hbm>>) target(%arg7 : memref<80xi32, #tpu.memory_space<vmem>>) target_semaphore(%run_scoped3A : memref<!tpu.dma_semaphore, #tpu.memory_space<semaphore_mem>>)
        %dma_wait3A = tpu.memref_slice %arg3[%add3A_18] : memref<320000xi32, #tpu.memory_space<hbm>> -> memref<80xi32, #tpu.memory_space<hbm>>
        %dma_wait3A_20 = tpu.memref_slice %arg3[%add3A_18] : memref<320000xi32, #tpu.memory_space<hbm>> -> memref<80xi32, #tpu.memory_space<hbm>>
        tpu.wait_dma2 semaphore(%run_scoped3A : memref<!tpu.dma_semaphore, #tpu.memory_space<semaphore_mem>>) src(%dma_wait3A_20 : memref<80xi32, #tpu.memory_space<hbm>>) dst(%arg7 : memref<80xi32, #tpu.memory_space<vmem>>)
        tpu.yield
      }) : () -> ()
      "tpu.region"() ({
        %run_scoped3A = tpu.sem_alloc : memref<!tpu.dma_semaphore, #tpu.memory_space<semaphore_mem>>
        %dma_start3A = arith.constant 0 : i32
        %dma_start3A_19 = tpu.memref_slice %arg2[%add3A_18, %dma_start3A] : memref<320000x80xf32, #tpu.memory_space<hbm>> -> memref<80x80xf32, #tpu.memory_space<hbm>>
        %dma_start3A_20 = arith.constant 0 : i32
        %dma_start3A_21 = tpu.memref_slice %arg2[%add3A_18, %dma_start3A_20] : memref<320000x80xf32, #tpu.memory_space<hbm>> -> memref<80x80xf32, #tpu.memory_space<hbm>>
        tpu.enqueue_dma source(%dma_start3A_21 : memref<80x80xf32, #tpu.memory_space<hbm>>) target(%arg8 : memref<80x80xf32, #tpu.memory_space<vmem>>) target_semaphore(%run_scoped3A : memref<!tpu.dma_semaphore, #tpu.memory_space<semaphore_mem>>)
        %dma_wait3A = arith.constant 0 : i32
        %dma_wait3A_22 = tpu.memref_slice %arg2[%add3A_18, %dma_wait3A] : memref<320000x80xf32, #tpu.memory_space<hbm>> -> memref<80x80xf32, #tpu.memory_space<hbm>>
        %dma_wait3A_23 = arith.constant 0 : i32
        %dma_wait3A_24 = tpu.memref_slice %arg2[%add3A_18, %dma_wait3A_23] : memref<320000x80xf32, #tpu.memory_space<hbm>> -> memref<80x80xf32, #tpu.memory_space<hbm>>
        tpu.wait_dma2 semaphore(%run_scoped3A : memref<!tpu.dma_semaphore, #tpu.memory_space<semaphore_mem>>) src(%dma_wait3A_24 : memref<80x80xf32, #tpu.memory_space<hbm>>) dst(%arg8 : memref<80x80xf32, #tpu.memory_space<vmem>>)
        tpu.yield
      }) : () -> ()
      "tpu.region"() ({
        %run_scoped3A = tpu.sem_alloc : memref<!tpu.dma_semaphore, #tpu.memory_space<semaphore_mem>>
        %dma_start3A = arith.constant 0 : i32
        %dma_start3A_19 = arith.constant 0 : i32
        %dma_start3A_20 = tpu.memref_slice %arg6[%dma_start3A, %dma_start3A_19] : memref<10000x80xf32, #tpu.memory_space<vmem_shared>> -> memref<10000x80xf32, #tpu.memory_space<vmem_shared>>
        tpu.enqueue_indirect_dma source(%arg8 : memref<80x80xf32, #tpu.memory_space<vmem>>) target(%dma_start3A_20 : memref<10000x80xf32, #tpu.memory_space<vmem_shared>>) offsets(%arg7 : memref<80xi32, #tpu.memory_space<vmem>>) semaphore(%run_scoped3A : memref<!tpu.dma_semaphore, #tpu.memory_space<semaphore_mem>>) {add = true}
        %dma_wait3A = arith.constant 0 : i32
        %dma_wait3A_21 = arith.constant 0 : i32
        %dma_wait3A_22 = tpu.memref_slice %arg6[%dma_wait3A, %dma_wait3A_21] : memref<10000x80xf32, #tpu.memory_space<vmem_shared>> -> memref<10000x80xf32, #tpu.memory_space<vmem_shared>>
        tpu.wait_indirect_dma semaphore(%run_scoped3A : memref<!tpu.dma_semaphore, #tpu.memory_space<semaphore_mem>>) src(%arg8 : memref<80x80xf32, #tpu.memory_space<vmem>>) dst(%dma_wait3A_22 : memref<10000x80xf32, #tpu.memory_space<vmem_shared>>)
        tpu.yield
      }) : () -> ()
    }
    %scan3A_9 = arith.constant 125 : i32
    %barrier3A_10 = arith.constant 0 : index
    tpu.barrier barrier_id(%barrier3A_10)
    %mul3A_11 = arith.constant 625 : i32
    %mul3A_12 = arith.muli %arg1, %mul3A_11 : i32
    %mul3A_13 = arith.constant 625 : i32
    %mul3A_14 = arith.muli %arg1, %mul3A_13 : i32
    "tpu.region"() ({
      %run_scoped3A = tpu.sem_alloc : memref<!tpu.dma_semaphore, #tpu.memory_space<semaphore_mem>>
      %dma_start3A = arith.constant 0 : i32
      %dma_start3A_15 = tpu.memref_slice %arg5[%arg0, %mul3A_14, %dma_start3A] : memref<2x10000x80xf32, #tpu.memory_space<hbm>> -> memref<1x625x80xf32, #tpu.memory_space<hbm>>
      %dma_start3A_16 = tpu.memref_squeeze %dma_start3A_15 : memref<1x625x80xf32, #tpu.memory_space<hbm>> -> memref<625x80xf32, #tpu.memory_space<hbm>>
      %dma_start3A_17 = arith.constant 0 : i32
      %dma_start3A_18 = tpu.memref_slice %arg6[%mul3A_12, %dma_start3A_17] : memref<10000x80xf32, #tpu.memory_space<vmem_shared>> -> memref<625x80xf32, #tpu.memory_space<vmem_shared>>
      tpu.enqueue_dma source(%dma_start3A_18 : memref<625x80xf32, #tpu.memory_space<vmem_shared>>) target(%dma_start3A_16 : memref<625x80xf32, #tpu.memory_space<hbm>>) target_semaphore(%run_scoped3A : memref<!tpu.dma_semaphore, #tpu.memory_space<semaphore_mem>>)
      %dma_wait3A = arith.constant 0 : i32
      %dma_wait3A_19 = tpu.memref_slice %arg5[%arg0, %mul3A_14, %dma_wait3A] : memref<2x10000x80xf32, #tpu.memory_space<hbm>> -> memref<1x625x80xf32, #tpu.memory_space<hbm>>
      %dma_wait3A_20 = tpu.memref_squeeze %dma_wait3A_19 : memref<1x625x80xf32, #tpu.memory_space<hbm>> -> memref<625x80xf32, #tpu.memory_space<hbm>>
      %dma_wait3A_21 = arith.constant 0 : i32
      %dma_wait3A_22 = tpu.memref_slice %arg6[%mul3A_12, %dma_wait3A_21] : memref<10000x80xf32, #tpu.memory_space<vmem_shared>> -> memref<625x80xf32, #tpu.memory_space<vmem_shared>>
      tpu.wait_dma2 semaphore(%run_scoped3A : memref<!tpu.dma_semaphore, #tpu.memory_space<semaphore_mem>>) src(%dma_wait3A_22 : memref<625x80xf32, #tpu.memory_space<vmem_shared>>) dst(%dma_wait3A_20 : memref<625x80xf32, #tpu.memory_space<hbm>>)
      tpu.yield
    }) : () -> ()
    return
  }
}

#map = affine_map<(d0, d1) -> (0, 0)>
#map1 = affine_map<(d0, d1) -> (0)>
module attributes {stable_mosaic.version = 14 : i64} {
  func.func @k(%arg0: i32, %arg1: i32, %arg2: memref<10000x16xf32, #tpu.memory_space<hbm>>, %arg3: memref<320000xi32, #tpu.memory_space<hbm>>, %arg4: memref<320000x16xf32, #tpu.memory_space<hbm>>, %arg5: memref<80xi32, #tpu.memory_space<vmem>>, %arg6: memref<80x16xf32, #tpu.memory_space<vmem>>, %arg7: memref<!tpu.dma_semaphore, #tpu.memory_space<semaphore_mem>>) attributes {dimension_semantics = [#tpu.dimension_semantics<core_parallel>, #tpu.dimension_semantics<subcore_parallel>], iteration_bounds = array<i64: 2, 16>, scalar_prefetch = 0 : i64, scratch_operands = 3 : i64, tpu.core_type = #tpu.core_type<sc_vector_subcore>, window_params = [{transform_indices = #map}, {transform_indices = #map1}, {transform_indices = #map}]} {
    %mul3A = arith.constant 2 : i32
    %mul3A_0 = arith.muli %arg1, %mul3A : i32
    %add3A = arith.addi %mul3A_0, %arg0 : i32
    %mul3A_1 = arith.constant 10000 : i32
    %mul3A_2 = arith.muli %add3A, %mul3A_1 : i32
    %scan3A = arith.constant 0 : i32
    %scan3A_3 = arith.constant 0 : i32
    %scan3A_4 = arith.constant 125 : i32
    %scan3A_5 = arith.addi %scan3A_3, %scan3A_4 : i32
    %scan3A_6 = arith.constant 1 : i32
    scf.for %scan3A_8 = %scan3A_3 to %scan3A_5 step %scan3A_6  : i32 {
      %mul3A_9 = arith.constant 80 : i32
      %mul3A_10 = arith.muli %scan3A_8, %mul3A_9 : i32
      %add3A_11 = arith.addi %mul3A_2, %mul3A_10 : i32
      "tpu.region"() ({
        %run_scoped3A = tpu.sem_alloc : memref<!tpu.dma_semaphore, #tpu.memory_space<semaphore_mem>>
        %dma_start3A_16 = tpu.memref_slice %arg3[%add3A_11] : memref<320000xi32, #tpu.memory_space<hbm>> -> memref<80xi32, #tpu.memory_space<hbm>>
        %dma_start3A_17 = tpu.memref_slice %arg3[%add3A_11] : memref<320000xi32, #tpu.memory_space<hbm>> -> memref<80xi32, #tpu.memory_space<hbm>>
        tpu.enqueue_dma source(%dma_start3A_17 : memref<80xi32, #tpu.memory_space<hbm>>) target(%arg5 : memref<80xi32, #tpu.memory_space<vmem>>) target_semaphore(%run_scoped3A : memref<!tpu.dma_semaphore, #tpu.memory_space<semaphore_mem>>)
        %dma_wait3A_18 = tpu.memref_slice %arg3[%add3A_11] : memref<320000xi32, #tpu.memory_space<hbm>> -> memref<80xi32, #tpu.memory_space<hbm>>
        %dma_wait3A_19 = tpu.memref_slice %arg3[%add3A_11] : memref<320000xi32, #tpu.memory_space<hbm>> -> memref<80xi32, #tpu.memory_space<hbm>>
        tpu.wait_dma2 semaphore(%run_scoped3A : memref<!tpu.dma_semaphore, #tpu.memory_space<semaphore_mem>>) src(%dma_wait3A_19 : memref<80xi32, #tpu.memory_space<hbm>>) dst(%arg5 : memref<80xi32, #tpu.memory_space<vmem>>)
        tpu.yield
      }) : () -> ()
      %dma_start3A = arith.constant 0 : i32
      %dma_start3A_12 = arith.constant 0 : i32
      %dma_start3A_13 = tpu.memref_slice %arg2[%dma_start3A, %dma_start3A_12] : memref<10000x16xf32, #tpu.memory_space<hbm>> -> memref<10000x16xf32, #tpu.memory_space<hbm>>
      tpu.enqueue_indirect_dma source(%dma_start3A_13 : memref<10000x16xf32, #tpu.memory_space<hbm>>) target(%arg6 : memref<80x16xf32, #tpu.memory_space<vmem>>) offsets(%arg5 : memref<80xi32, #tpu.memory_space<vmem>>) semaphore(%arg7 : memref<!tpu.dma_semaphore, #tpu.memory_space<semaphore_mem>>)
      %dma_wait3A = arith.constant 0 : i32
      %dma_wait3A_14 = arith.constant 0 : i32
      %dma_wait3A_15 = tpu.memref_slice %arg2[%dma_wait3A, %dma_wait3A_14] : memref<10000x16xf32, #tpu.memory_space<hbm>> -> memref<10000x16xf32, #tpu.memory_space<hbm>>
      tpu.wait_indirect_dma semaphore(%arg7 : memref<!tpu.dma_semaphore, #tpu.memory_space<semaphore_mem>>) src(%dma_wait3A_15 : memref<10000x16xf32, #tpu.memory_space<hbm>>) dst(%arg6 : memref<80x16xf32, #tpu.memory_space<vmem>>)
      "tpu.region"() ({
        %run_scoped3A = tpu.sem_alloc : memref<!tpu.dma_semaphore, #tpu.memory_space<semaphore_mem>>
        %dma_start3A_16 = arith.constant 0 : i32
        %dma_start3A_17 = tpu.memref_slice %arg4[%add3A_11, %dma_start3A_16] : memref<320000x16xf32, #tpu.memory_space<hbm>> -> memref<80x16xf32, #tpu.memory_space<hbm>>
        %dma_start3A_18 = arith.constant 0 : i32
        %dma_start3A_19 = tpu.memref_slice %arg4[%add3A_11, %dma_start3A_18] : memref<320000x16xf32, #tpu.memory_space<hbm>> -> memref<80x16xf32, #tpu.memory_space<hbm>>
        tpu.enqueue_dma source(%arg6 : memref<80x16xf32, #tpu.memory_space<vmem>>) target(%dma_start3A_19 : memref<80x16xf32, #tpu.memory_space<hbm>>) target_semaphore(%run_scoped3A : memref<!tpu.dma_semaphore, #tpu.memory_space<semaphore_mem>>)
        %dma_wait3A_20 = arith.constant 0 : i32
        %dma_wait3A_21 = tpu.memref_slice %arg4[%add3A_11, %dma_wait3A_20] : memref<320000x16xf32, #tpu.memory_space<hbm>> -> memref<80x16xf32, #tpu.memory_space<hbm>>
        %dma_wait3A_22 = arith.constant 0 : i32
        %dma_wait3A_23 = tpu.memref_slice %arg4[%add3A_11, %dma_wait3A_22] : memref<320000x16xf32, #tpu.memory_space<hbm>> -> memref<80x16xf32, #tpu.memory_space<hbm>>
        tpu.wait_dma2 semaphore(%run_scoped3A : memref<!tpu.dma_semaphore, #tpu.memory_space<semaphore_mem>>) src(%arg6 : memref<80x16xf32, #tpu.memory_space<vmem>>) dst(%dma_wait3A_23 : memref<80x16xf32, #tpu.memory_space<hbm>>)
        tpu.yield
      }) : () -> ()
    }
    %scan3A_7 = arith.constant 125 : i32
    return
  }
}

#map = affine_map<(d0, d1) -> (0, 0)>
#map1 = affine_map<(d0, d1) -> (0)>
module attributes {stable_mosaic.version = 14 : i64} {
  func.func @k(%arg0: i32, %arg1: i32, %arg2: memref<10000x64xf32, #tpu.memory_space<hbm>>, %arg3: memref<10000x64xf32, #tpu.memory_space<hbm>>, %arg4: memref<320000xi32, #tpu.memory_space<hbm>>, %arg5: memref<320000xi32, #tpu.memory_space<hbm>>, %arg6: memref<320000x64xf32, #tpu.memory_space<hbm>>, %arg7: memref<320000x64xf32, #tpu.memory_space<hbm>>, %arg8: memref<80xi32, #tpu.memory_space<vmem>>, %arg9: memref<80x64xf32, #tpu.memory_space<vmem>>, %arg10: memref<!tpu.dma_semaphore, #tpu.memory_space<semaphore_mem>>, %arg11: memref<80xi32, #tpu.memory_space<vmem>>, %arg12: memref<80x64xf32, #tpu.memory_space<vmem>>, %arg13: memref<!tpu.dma_semaphore, #tpu.memory_space<semaphore_mem>>) attributes {dimension_semantics = [#tpu.dimension_semantics<core_parallel>, #tpu.dimension_semantics<subcore_parallel>], iteration_bounds = array<i64: 2, 16>, scalar_prefetch = 0 : i64, scratch_operands = 6 : i64, tpu.core_type = #tpu.core_type<sc_vector_subcore>, window_params = [{transform_indices = #map}, {transform_indices = #map}, {transform_indices = #map1}, {transform_indices = #map1}, {transform_indices = #map}, {transform_indices = #map}]} {
    %mul3A = arith.constant 2 : i32
    %mul3A_0 = arith.muli %arg1, %mul3A : i32
    %add3A = arith.addi %mul3A_0, %arg0 : i32
    %mul3A_1 = arith.constant 10000 : i32
    %mul3A_2 = arith.muli %add3A, %mul3A_1 : i32
    %scan3A = arith.constant 0 : i32
    %scan3A_3 = arith.constant 0 : i32
    %scan3A_4 = arith.constant 125 : i32
    %scan3A_5 = arith.addi %scan3A_3, %scan3A_4 : i32
    %scan3A_6 = arith.constant 1 : i32
    scf.for %scan3A_8 = %scan3A_3 to %scan3A_5 step %scan3A_6  : i32 {
      %mul3A_9 = arith.constant 80 : i32
      %mul3A_10 = arith.muli %scan3A_8, %mul3A_9 : i32
      %add3A_11 = arith.addi %mul3A_2, %mul3A_10 : i32
      "tpu.region"() ({
        %run_scoped3A = tpu.sem_alloc : memref<!tpu.dma_semaphore, #tpu.memory_space<semaphore_mem>>
        %dma_start3A_22 = tpu.memref_slice %arg4[%add3A_11] : memref<320000xi32, #tpu.memory_space<hbm>> -> memref<80xi32, #tpu.memory_space<hbm>>
        %dma_start3A_23 = tpu.memref_slice %arg4[%add3A_11] : memref<320000xi32, #tpu.memory_space<hbm>> -> memref<80xi32, #tpu.memory_space<hbm>>
        tpu.enqueue_dma source(%dma_start3A_23 : memref<80xi32, #tpu.memory_space<hbm>>) target(%arg8 : memref<80xi32, #tpu.memory_space<vmem>>) target_semaphore(%run_scoped3A : memref<!tpu.dma_semaphore, #tpu.memory_space<semaphore_mem>>)
        %dma_wait3A_24 = tpu.memref_slice %arg4[%add3A_11] : memref<320000xi32, #tpu.memory_space<hbm>> -> memref<80xi32, #tpu.memory_space<hbm>>
        %dma_wait3A_25 = tpu.memref_slice %arg4[%add3A_11] : memref<320000xi32, #tpu.memory_space<hbm>> -> memref<80xi32, #tpu.memory_space<hbm>>
        tpu.wait_dma2 semaphore(%run_scoped3A : memref<!tpu.dma_semaphore, #tpu.memory_space<semaphore_mem>>) src(%dma_wait3A_25 : memref<80xi32, #tpu.memory_space<hbm>>) dst(%arg8 : memref<80xi32, #tpu.memory_space<vmem>>)
        tpu.yield
      }) : () -> ()
      %dma_start3A = arith.constant 0 : i32
      %dma_start3A_12 = arith.constant 0 : i32
      %dma_start3A_13 = tpu.memref_slice %arg2[%dma_start3A, %dma_start3A_12] : memref<10000x64xf32, #tpu.memory_space<hbm>> -> memref<10000x64xf32, #tpu.memory_space<hbm>>
      tpu.enqueue_indirect_dma source(%dma_start3A_13 : memref<10000x64xf32, #tpu.memory_space<hbm>>) target(%arg9 : memref<80x64xf32, #tpu.memory_space<vmem>>) offsets(%arg8 : memref<80xi32, #tpu.memory_space<vmem>>) semaphore(%arg10 : memref<!tpu.dma_semaphore, #tpu.memory_space<semaphore_mem>>)
      %dma_wait3A = arith.constant 0 : i32
      %dma_wait3A_14 = arith.constant 0 : i32
      %dma_wait3A_15 = tpu.memref_slice %arg2[%dma_wait3A, %dma_wait3A_14] : memref<10000x64xf32, #tpu.memory_space<hbm>> -> memref<10000x64xf32, #tpu.memory_space<hbm>>
      tpu.wait_indirect_dma semaphore(%arg10 : memref<!tpu.dma_semaphore, #tpu.memory_space<semaphore_mem>>) src(%dma_wait3A_15 : memref<10000x64xf32, #tpu.memory_space<hbm>>) dst(%arg9 : memref<80x64xf32, #tpu.memory_space<vmem>>)
      "tpu.region"() ({
        %run_scoped3A = tpu.sem_alloc : memref<!tpu.dma_semaphore, #tpu.memory_space<semaphore_mem>>
        %dma_start3A_22 = arith.constant 0 : i32
        %dma_start3A_23 = tpu.memref_slice %arg6[%add3A_11, %dma_start3A_22] : memref<320000x64xf32, #tpu.memory_space<hbm>> -> memref<80x64xf32, #tpu.memory_space<hbm>>
        %dma_start3A_24 = arith.constant 0 : i32
        %dma_start3A_25 = tpu.memref_slice %arg6[%add3A_11, %dma_start3A_24] : memref<320000x64xf32, #tpu.memory_space<hbm>> -> memref<80x64xf32, #tpu.memory_space<hbm>>
        tpu.enqueue_dma source(%arg9 : memref<80x64xf32, #tpu.memory_space<vmem>>) target(%dma_start3A_25 : memref<80x64xf32, #tpu.memory_space<hbm>>) target_semaphore(%run_scoped3A : memref<!tpu.dma_semaphore, #tpu.memory_space<semaphore_mem>>)
        %dma_wait3A_26 = arith.constant 0 : i32
        %dma_wait3A_27 = tpu.memref_slice %arg6[%add3A_11, %dma_wait3A_26] : memref<320000x64xf32, #tpu.memory_space<hbm>> -> memref<80x64xf32, #tpu.memory_space<hbm>>
        %dma_wait3A_28 = arith.constant 0 : i32
        %dma_wait3A_29 = tpu.memref_slice %arg6[%add3A_11, %dma_wait3A_28] : memref<320000x64xf32, #tpu.memory_space<hbm>> -> memref<80x64xf32, #tpu.memory_space<hbm>>
        tpu.wait_dma2 semaphore(%run_scoped3A : memref<!tpu.dma_semaphore, #tpu.memory_space<semaphore_mem>>) src(%arg9 : memref<80x64xf32, #tpu.memory_space<vmem>>) dst(%dma_wait3A_29 : memref<80x64xf32, #tpu.memory_space<hbm>>)
        tpu.yield
      }) : () -> ()
      "tpu.region"() ({
        %run_scoped3A = tpu.sem_alloc : memref<!tpu.dma_semaphore, #tpu.memory_space<semaphore_mem>>
        %dma_start3A_22 = tpu.memref_slice %arg5[%add3A_11] : memref<320000xi32, #tpu.memory_space<hbm>> -> memref<80xi32, #tpu.memory_space<hbm>>
        %dma_start3A_23 = tpu.memref_slice %arg5[%add3A_11] : memref<320000xi32, #tpu.memory_space<hbm>> -> memref<80xi32, #tpu.memory_space<hbm>>
        tpu.enqueue_dma source(%dma_start3A_23 : memref<80xi32, #tpu.memory_space<hbm>>) target(%arg11 : memref<80xi32, #tpu.memory_space<vmem>>) target_semaphore(%run_scoped3A : memref<!tpu.dma_semaphore, #tpu.memory_space<semaphore_mem>>)
        %dma_wait3A_24 = tpu.memref_slice %arg5[%add3A_11] : memref<320000xi32, #tpu.memory_space<hbm>> -> memref<80xi32, #tpu.memory_space<hbm>>
        %dma_wait3A_25 = tpu.memref_slice %arg5[%add3A_11] : memref<320000xi32, #tpu.memory_space<hbm>> -> memref<80xi32, #tpu.memory_space<hbm>>
        tpu.wait_dma2 semaphore(%run_scoped3A : memref<!tpu.dma_semaphore, #tpu.memory_space<semaphore_mem>>) src(%dma_wait3A_25 : memref<80xi32, #tpu.memory_space<hbm>>) dst(%arg11 : memref<80xi32, #tpu.memory_space<vmem>>)
        tpu.yield
      }) : () -> ()
      %dma_start3A_16 = arith.constant 0 : i32
      %dma_start3A_17 = arith.constant 0 : i32
      %dma_start3A_18 = tpu.memref_slice %arg3[%dma_start3A_16, %dma_start3A_17] : memref<10000x64xf32, #tpu.memory_space<hbm>> -> memref<10000x64xf32, #tpu.memory_space<hbm>>
      tpu.enqueue_indirect_dma source(%dma_start3A_18 : memref<10000x64xf32, #tpu.memory_space<hbm>>) target(%arg12 : memref<80x64xf32, #tpu.memory_space<vmem>>) offsets(%arg11 : memref<80xi32, #tpu.memory_space<vmem>>) semaphore(%arg13 : memref<!tpu.dma_semaphore, #tpu.memory_space<semaphore_mem>>)
      %dma_wait3A_19 = arith.constant 0 : i32
      %dma_wait3A_20 = arith.constant 0 : i32
      %dma_wait3A_21 = tpu.memref_slice %arg3[%dma_wait3A_19, %dma_wait3A_20] : memref<10000x64xf32, #tpu.memory_space<hbm>> -> memref<10000x64xf32, #tpu.memory_space<hbm>>
      tpu.wait_indirect_dma semaphore(%arg13 : memref<!tpu.dma_semaphore, #tpu.memory_space<semaphore_mem>>) src(%dma_wait3A_21 : memref<10000x64xf32, #tpu.memory_space<hbm>>) dst(%arg12 : memref<80x64xf32, #tpu.memory_space<vmem>>)
      "tpu.region"() ({
        %run_scoped3A = tpu.sem_alloc : memref<!tpu.dma_semaphore, #tpu.memory_space<semaphore_mem>>
        %dma_start3A_22 = arith.constant 0 : i32
        %dma_start3A_23 = tpu.memref_slice %arg7[%add3A_11, %dma_start3A_22] : memref<320000x64xf32, #tpu.memory_space<hbm>> -> memref<80x64xf32, #tpu.memory_space<hbm>>
        %dma_start3A_24 = arith.constant 0 : i32
        %dma_start3A_25 = tpu.memref_slice %arg7[%add3A_11, %dma_start3A_24] : memref<320000x64xf32, #tpu.memory_space<hbm>> -> memref<80x64xf32, #tpu.memory_space<hbm>>
        tpu.enqueue_dma source(%arg12 : memref<80x64xf32, #tpu.memory_space<vmem>>) target(%dma_start3A_25 : memref<80x64xf32, #tpu.memory_space<hbm>>) target_semaphore(%run_scoped3A : memref<!tpu.dma_semaphore, #tpu.memory_space<semaphore_mem>>)
        %dma_wait3A_26 = arith.constant 0 : i32
        %dma_wait3A_27 = tpu.memref_slice %arg7[%add3A_11, %dma_wait3A_26] : memref<320000x64xf32, #tpu.memory_space<hbm>> -> memref<80x64xf32, #tpu.memory_space<hbm>>
        %dma_wait3A_28 = arith.constant 0 : i32
        %dma_wait3A_29 = tpu.memref_slice %arg7[%add3A_11, %dma_wait3A_28] : memref<320000x64xf32, #tpu.memory_space<hbm>> -> memref<80x64xf32, #tpu.memory_space<hbm>>
        tpu.wait_dma2 semaphore(%run_scoped3A : memref<!tpu.dma_semaphore, #tpu.memory_space<semaphore_mem>>) src(%arg12 : memref<80x64xf32, #tpu.memory_space<vmem>>) dst(%dma_wait3A_29 : memref<80x64xf32, #tpu.memory_space<hbm>>)
        tpu.yield
      }) : () -> ()
    }
    %scan3A_7 = arith.constant 125 : i32
    return
  }
}

#map = affine_map<(d0, d1) -> (0, 0)>
#map1 = affine_map<(d0, d1) -> (0)>
#map2 = affine_map<(d0, d1) -> (0, 0, 0)>
module attributes {stable_mosaic.version = 14 : i64} {
  func.func @k(%arg0: i32, %arg1: i32, %arg2: memref<320000x16xf32, #tpu.memory_space<hbm>>, %arg3: memref<320000xi32, #tpu.memory_space<hbm>>, %arg4: memref<625x16xf32, #tpu.memory_space<hbm>>, %arg5: memref<2x10000x16xf32, #tpu.memory_space<hbm>>, %arg6: memref<10000x16xf32, #tpu.memory_space<vmem_shared>>, %arg7: memref<80xi32, #tpu.memory_space<vmem>>, %arg8: memref<80x16xf32, #tpu.memory_space<vmem>>) attributes {dimension_semantics = [#tpu.dimension_semantics<core_parallel>, #tpu.dimension_semantics<subcore_parallel>], iteration_bounds = array<i64: 2, 16>, scalar_prefetch = 0 : i64, scratch_operands = 3 : i64, tpu.core_type = #tpu.core_type<sc_vector_subcore>, window_params = [{transform_indices = #map}, {transform_indices = #map1}, {transform_indices = #map}, {transform_indices = #map2}]} {
    %mul3A = arith.constant 625 : i32
    %mul3A_0 = arith.muli %arg1, %mul3A : i32
    "tpu.region"() ({
      %run_scoped3A = tpu.sem_alloc : memref<!tpu.dma_semaphore, #tpu.memory_space<semaphore_mem>>
      %dma_start3A = arith.constant 0 : i32
      %dma_start3A_15 = tpu.memref_slice %arg6[%mul3A_0, %dma_start3A] : memref<10000x16xf32, #tpu.memory_space<vmem_shared>> -> memref<625x16xf32, #tpu.memory_space<vmem_shared>>
      tpu.enqueue_dma source(%arg4 : memref<625x16xf32, #tpu.memory_space<hbm>>) target(%dma_start3A_15 : memref<625x16xf32, #tpu.memory_space<vmem_shared>>) target_semaphore(%run_scoped3A : memref<!tpu.dma_semaphore, #tpu.memory_space<semaphore_mem>>)
      %dma_wait3A = arith.constant 0 : i32
      %dma_wait3A_16 = tpu.memref_slice %arg6[%mul3A_0, %dma_wait3A] : memref<10000x16xf32, #tpu.memory_space<vmem_shared>> -> memref<625x16xf32, #tpu.memory_space<vmem_shared>>
      tpu.wait_dma2 semaphore(%run_scoped3A : memref<!tpu.dma_semaphore, #tpu.memory_space<semaphore_mem>>) src(%arg4 : memref<625x16xf32, #tpu.memory_space<hbm>>) dst(%dma_wait3A_16 : memref<625x16xf32, #tpu.memory_space<vmem_shared>>)
      tpu.yield
    }) : () -> ()
    %barrier3A = arith.constant 0 : index
    tpu.barrier barrier_id(%barrier3A)
    %mul3A_1 = arith.constant 2 : i32
    %mul3A_2 = arith.muli %arg1, %mul3A_1 : i32
    %add3A = arith.addi %mul3A_2, %arg0 : i32
    %mul3A_3 = arith.constant 10000 : i32
    %mul3A_4 = arith.muli %add3A, %mul3A_3 : i32
    %scan3A = arith.constant 0 : i32
    %scan3A_5 = arith.constant 0 : i32
    %scan3A_6 = arith.constant 125 : i32
    %scan3A_7 = arith.addi %scan3A_5, %scan3A_6 : i32
    %scan3A_8 = arith.constant 1 : i32
    scf.for %scan3A_15 = %scan3A_5 to %scan3A_7 step %scan3A_8  : i32 {
      %mul3A_16 = arith.constant 80 : i32
      %mul3A_17 = arith.muli %scan3A_15, %mul3A_16 : i32
      %add3A_18 = arith.addi %mul3A_4, %mul3A_17 : i32
      "tpu.region"() ({
        %run_scoped3A = tpu.sem_alloc : memref<!tpu.dma_semaphore, #tpu.memory_space<semaphore_mem>>
        %dma_start3A = tpu.memref_slice %arg3[%add3A_18] : memref<320000xi32, #tpu.memory_space<hbm>> -> memref<80xi32, #tpu.memory_space<hbm>>
        %dma_start3A_19 = tpu.memref_slice %arg3[%add3A_18] : memref<320000xi32, #tpu.memory_space<hbm>> -> memref<80xi32, #tpu.memory_space<hbm>>
        tpu.enqueue_dma source(%dma_start3A_19 : memref<80xi32, #tpu.memory_space<hbm>>) target(%arg7 : memref<80xi32, #tpu.memory_space<vmem>>) target_semaphore(%run_scoped3A : memref<!tpu.dma_semaphore, #tpu.memory_space<semaphore_mem>>)
        %dma_wait3A = tpu.memref_slice %arg3[%add3A_18] : memref<320000xi32, #tpu.memory_space<hbm>> -> memref<80xi32, #tpu.memory_space<hbm>>
        %dma_wait3A_20 = tpu.memref_slice %arg3[%add3A_18] : memref<320000xi32, #tpu.memory_space<hbm>> -> memref<80xi32, #tpu.memory_space<hbm>>
        tpu.wait_dma2 semaphore(%run_scoped3A : memref<!tpu.dma_semaphore, #tpu.memory_space<semaphore_mem>>) src(%dma_wait3A_20 : memref<80xi32, #tpu.memory_space<hbm>>) dst(%arg7 : memref<80xi32, #tpu.memory_space<vmem>>)
        tpu.yield
      }) : () -> ()
      "tpu.region"() ({
        %run_scoped3A = tpu.sem_alloc : memref<!tpu.dma_semaphore, #tpu.memory_space<semaphore_mem>>
        %dma_start3A = arith.constant 0 : i32
        %dma_start3A_19 = tpu.memref_slice %arg2[%add3A_18, %dma_start3A] : memref<320000x16xf32, #tpu.memory_space<hbm>> -> memref<80x16xf32, #tpu.memory_space<hbm>>
        %dma_start3A_20 = arith.constant 0 : i32
        %dma_start3A_21 = tpu.memref_slice %arg2[%add3A_18, %dma_start3A_20] : memref<320000x16xf32, #tpu.memory_space<hbm>> -> memref<80x16xf32, #tpu.memory_space<hbm>>
        tpu.enqueue_dma source(%dma_start3A_21 : memref<80x16xf32, #tpu.memory_space<hbm>>) target(%arg8 : memref<80x16xf32, #tpu.memory_space<vmem>>) target_semaphore(%run_scoped3A : memref<!tpu.dma_semaphore, #tpu.memory_space<semaphore_mem>>)
        %dma_wait3A = arith.constant 0 : i32
        %dma_wait3A_22 = tpu.memref_slice %arg2[%add3A_18, %dma_wait3A] : memref<320000x16xf32, #tpu.memory_space<hbm>> -> memref<80x16xf32, #tpu.memory_space<hbm>>
        %dma_wait3A_23 = arith.constant 0 : i32
        %dma_wait3A_24 = tpu.memref_slice %arg2[%add3A_18, %dma_wait3A_23] : memref<320000x16xf32, #tpu.memory_space<hbm>> -> memref<80x16xf32, #tpu.memory_space<hbm>>
        tpu.wait_dma2 semaphore(%run_scoped3A : memref<!tpu.dma_semaphore, #tpu.memory_space<semaphore_mem>>) src(%dma_wait3A_24 : memref<80x16xf32, #tpu.memory_space<hbm>>) dst(%arg8 : memref<80x16xf32, #tpu.memory_space<vmem>>)
        tpu.yield
      }) : () -> ()
      "tpu.region"() ({
        %run_scoped3A = tpu.sem_alloc : memref<!tpu.dma_semaphore, #tpu.memory_space<semaphore_mem>>
        %dma_start3A = arith.constant 0 : i32
        %dma_start3A_19 = arith.constant 0 : i32
        %dma_start3A_20 = tpu.memref_slice %arg6[%dma_start3A, %dma_start3A_19] : memref<10000x16xf32, #tpu.memory_space<vmem_shared>> -> memref<10000x16xf32, #tpu.memory_space<vmem_shared>>
        tpu.enqueue_indirect_dma source(%arg8 : memref<80x16xf32, #tpu.memory_space<vmem>>) target(%dma_start3A_20 : memref<10000x16xf32, #tpu.memory_space<vmem_shared>>) offsets(%arg7 : memref<80xi32, #tpu.memory_space<vmem>>) semaphore(%run_scoped3A : memref<!tpu.dma_semaphore, #tpu.memory_space<semaphore_mem>>) {add = true}
        %dma_wait3A = arith.constant 0 : i32
        %dma_wait3A_21 = arith.constant 0 : i32
        %dma_wait3A_22 = tpu.memref_slice %arg6[%dma_wait3A, %dma_wait3A_21] : memref<10000x16xf32, #tpu.memory_space<vmem_shared>> -> memref<10000x16xf32, #tpu.memory_space<vmem_shared>>
        tpu.wait_indirect_dma semaphore(%run_scoped3A : memref<!tpu.dma_semaphore, #tpu.memory_space<semaphore_mem>>) src(%arg8 : memref<80x16xf32, #tpu.memory_space<vmem>>) dst(%dma_wait3A_22 : memref<10000x16xf32, #tpu.memory_space<vmem_shared>>)
        tpu.yield
      }) : () -> ()
    }
    %scan3A_9 = arith.constant 125 : i32
    %barrier3A_10 = arith.constant 0 : index
    tpu.barrier barrier_id(%barrier3A_10)
    %mul3A_11 = arith.constant 625 : i32
    %mul3A_12 = arith.muli %arg1, %mul3A_11 : i32
    %mul3A_13 = arith.constant 625 : i32
    %mul3A_14 = arith.muli %arg1, %mul3A_13 : i32
    "tpu.region"() ({
      %run_scoped3A = tpu.sem_alloc : memref<!tpu.dma_semaphore, #tpu.memory_space<semaphore_mem>>
      %dma_start3A = arith.constant 0 : i32
      %dma_start3A_15 = tpu.memref_slice %arg5[%arg0, %mul3A_14, %dma_start3A] : memref<2x10000x16xf32, #tpu.memory_space<hbm>> -> memref<1x625x16xf32, #tpu.memory_space<hbm>>
      %dma_start3A_16 = tpu.memref_squeeze %dma_start3A_15 : memref<1x625x16xf32, #tpu.memory_space<hbm>> -> memref<625x16xf32, #tpu.memory_space<hbm>>
      %dma_start3A_17 = arith.constant 0 : i32
      %dma_start3A_18 = tpu.memref_slice %arg6[%mul3A_12, %dma_start3A_17] : memref<10000x16xf32, #tpu.memory_space<vmem_shared>> -> memref<625x16xf32, #tpu.memory_space<vmem_shared>>
      tpu.enqueue_dma source(%dma_start3A_18 : memref<625x16xf32, #tpu.memory_space<vmem_shared>>) target(%dma_start3A_16 : memref<625x16xf32, #tpu.memory_space<hbm>>) target_semaphore(%run_scoped3A : memref<!tpu.dma_semaphore, #tpu.memory_space<semaphore_mem>>)
      %dma_wait3A = arith.constant 0 : i32
      %dma_wait3A_19 = tpu.memref_slice %arg5[%arg0, %mul3A_14, %dma_wait3A] : memref<2x10000x16xf32, #tpu.memory_space<hbm>> -> memref<1x625x16xf32, #tpu.memory_space<hbm>>
      %dma_wait3A_20 = tpu.memref_squeeze %dma_wait3A_19 : memref<1x625x16xf32, #tpu.memory_space<hbm>> -> memref<625x16xf32, #tpu.memory_space<hbm>>
      %dma_wait3A_21 = arith.constant 0 : i32
      %dma_wait3A_22 = tpu.memref_slice %arg6[%mul3A_12, %dma_wait3A_21] : memref<10000x16xf32, #tpu.memory_space<vmem_shared>> -> memref<625x16xf32, #tpu.memory_space<vmem_shared>>
      tpu.wait_dma2 semaphore(%run_scoped3A : memref<!tpu.dma_semaphore, #tpu.memory_space<semaphore_mem>>) src(%dma_wait3A_22 : memref<625x16xf32, #tpu.memory_space<vmem_shared>>) dst(%dma_wait3A_20 : memref<625x16xf32, #tpu.memory_space<hbm>>)
      tpu.yield
    }) : () -> ()
    return
  }
}

#map = affine_map<(d0, d1) -> (0, 0)>
#map1 = affine_map<(d0, d1) -> (0)>
module attributes {stable_mosaic.version = 14 : i64} {
  func.func @k(%arg0: i32, %arg1: i32, %arg2: memref<10000x16xf32, #tpu.memory_space<hbm>>, %arg3: memref<10000x16xf32, #tpu.memory_space<hbm>>, %arg4: memref<320000xi32, #tpu.memory_space<hbm>>, %arg5: memref<320000xi32, #tpu.memory_space<hbm>>, %arg6: memref<320000x16xf32, #tpu.memory_space<hbm>>, %arg7: memref<320000x16xf32, #tpu.memory_space<hbm>>, %arg8: memref<80xi32, #tpu.memory_space<vmem>>, %arg9: memref<80x16xf32, #tpu.memory_space<vmem>>, %arg10: memref<!tpu.dma_semaphore, #tpu.memory_space<semaphore_mem>>, %arg11: memref<80xi32, #tpu.memory_space<vmem>>, %arg12: memref<80x16xf32, #tpu.memory_space<vmem>>, %arg13: memref<!tpu.dma_semaphore, #tpu.memory_space<semaphore_mem>>) attributes {dimension_semantics = [#tpu.dimension_semantics<core_parallel>, #tpu.dimension_semantics<subcore_parallel>], iteration_bounds = array<i64: 2, 16>, scalar_prefetch = 0 : i64, scratch_operands = 6 : i64, tpu.core_type = #tpu.core_type<sc_vector_subcore>, window_params = [{transform_indices = #map}, {transform_indices = #map}, {transform_indices = #map1}, {transform_indices = #map1}, {transform_indices = #map}, {transform_indices = #map}]} {
    %mul3A = arith.constant 2 : i32
    %mul3A_0 = arith.muli %arg1, %mul3A : i32
    %add3A = arith.addi %mul3A_0, %arg0 : i32
    %mul3A_1 = arith.constant 10000 : i32
    %mul3A_2 = arith.muli %add3A, %mul3A_1 : i32
    %scan3A = arith.constant 0 : i32
    %scan3A_3 = arith.constant 0 : i32
    %scan3A_4 = arith.constant 125 : i32
    %scan3A_5 = arith.addi %scan3A_3, %scan3A_4 : i32
    %scan3A_6 = arith.constant 1 : i32
    scf.for %scan3A_8 = %scan3A_3 to %scan3A_5 step %scan3A_6  : i32 {
      %mul3A_9 = arith.constant 80 : i32
      %mul3A_10 = arith.muli %scan3A_8, %mul3A_9 : i32
      %add3A_11 = arith.addi %mul3A_2, %mul3A_10 : i32
      "tpu.region"() ({
        %run_scoped3A = tpu.sem_alloc : memref<!tpu.dma_semaphore, #tpu.memory_space<semaphore_mem>>
        %dma_start3A_22 = tpu.memref_slice %arg4[%add3A_11] : memref<320000xi32, #tpu.memory_space<hbm>> -> memref<80xi32, #tpu.memory_space<hbm>>
        %dma_start3A_23 = tpu.memref_slice %arg4[%add3A_11] : memref<320000xi32, #tpu.memory_space<hbm>> -> memref<80xi32, #tpu.memory_space<hbm>>
        tpu.enqueue_dma source(%dma_start3A_23 : memref<80xi32, #tpu.memory_space<hbm>>) target(%arg8 : memref<80xi32, #tpu.memory_space<vmem>>) target_semaphore(%run_scoped3A : memref<!tpu.dma_semaphore, #tpu.memory_space<semaphore_mem>>)
        %dma_wait3A_24 = tpu.memref_slice %arg4[%add3A_11] : memref<320000xi32, #tpu.memory_space<hbm>> -> memref<80xi32, #tpu.memory_space<hbm>>
        %dma_wait3A_25 = tpu.memref_slice %arg4[%add3A_11] : memref<320000xi32, #tpu.memory_space<hbm>> -> memref<80xi32, #tpu.memory_space<hbm>>
        tpu.wait_dma2 semaphore(%run_scoped3A : memref<!tpu.dma_semaphore, #tpu.memory_space<semaphore_mem>>) src(%dma_wait3A_25 : memref<80xi32, #tpu.memory_space<hbm>>) dst(%arg8 : memref<80xi32, #tpu.memory_space<vmem>>)
        tpu.yield
      }) : () -> ()
      %dma_start3A = arith.constant 0 : i32
      %dma_start3A_12 = arith.constant 0 : i32
      %dma_start3A_13 = tpu.memref_slice %arg2[%dma_start3A, %dma_start3A_12] : memref<10000x16xf32, #tpu.memory_space<hbm>> -> memref<10000x16xf32, #tpu.memory_space<hbm>>
      tpu.enqueue_indirect_dma source(%dma_start3A_13 : memref<10000x16xf32, #tpu.memory_space<hbm>>) target(%arg9 : memref<80x16xf32, #tpu.memory_space<vmem>>) offsets(%arg8 : memref<80xi32, #tpu.memory_space<vmem>>) semaphore(%arg10 : memref<!tpu.dma_semaphore, #tpu.memory_space<semaphore_mem>>)
      %dma_wait3A = arith.constant 0 : i32
      %dma_wait3A_14 = arith.constant 0 : i32
      %dma_wait3A_15 = tpu.memref_slice %arg2[%dma_wait3A, %dma_wait3A_14] : memref<10000x16xf32, #tpu.memory_space<hbm>> -> memref<10000x16xf32, #tpu.memory_space<hbm>>
      tpu.wait_indirect_dma semaphore(%arg10 : memref<!tpu.dma_semaphore, #tpu.memory_space<semaphore_mem>>) src(%dma_wait3A_15 : memref<10000x16xf32, #tpu.memory_space<hbm>>) dst(%arg9 : memref<80x16xf32, #tpu.memory_space<vmem>>)
      "tpu.region"() ({
        %run_scoped3A = tpu.sem_alloc : memref<!tpu.dma_semaphore, #tpu.memory_space<semaphore_mem>>
        %dma_start3A_22 = arith.constant 0 : i32
        %dma_start3A_23 = tpu.memref_slice %arg6[%add3A_11, %dma_start3A_22] : memref<320000x16xf32, #tpu.memory_space<hbm>> -> memref<80x16xf32, #tpu.memory_space<hbm>>
        %dma_start3A_24 = arith.constant 0 : i32
        %dma_start3A_25 = tpu.memref_slice %arg6[%add3A_11, %dma_start3A_24] : memref<320000x16xf32, #tpu.memory_space<hbm>> -> memref<80x16xf32, #tpu.memory_space<hbm>>
        tpu.enqueue_dma source(%arg9 : memref<80x16xf32, #tpu.memory_space<vmem>>) target(%dma_start3A_25 : memref<80x16xf32, #tpu.memory_space<hbm>>) target_semaphore(%run_scoped3A : memref<!tpu.dma_semaphore, #tpu.memory_space<semaphore_mem>>)
        %dma_wait3A_26 = arith.constant 0 : i32
        %dma_wait3A_27 = tpu.memref_slice %arg6[%add3A_11, %dma_wait3A_26] : memref<320000x16xf32, #tpu.memory_space<hbm>> -> memref<80x16xf32, #tpu.memory_space<hbm>>
        %dma_wait3A_28 = arith.constant 0 : i32
        %dma_wait3A_29 = tpu.memref_slice %arg6[%add3A_11, %dma_wait3A_28] : memref<320000x16xf32, #tpu.memory_space<hbm>> -> memref<80x16xf32, #tpu.memory_space<hbm>>
        tpu.wait_dma2 semaphore(%run_scoped3A : memref<!tpu.dma_semaphore, #tpu.memory_space<semaphore_mem>>) src(%arg9 : memref<80x16xf32, #tpu.memory_space<vmem>>) dst(%dma_wait3A_29 : memref<80x16xf32, #tpu.memory_space<hbm>>)
        tpu.yield
      }) : () -> ()
      "tpu.region"() ({
        %run_scoped3A = tpu.sem_alloc : memref<!tpu.dma_semaphore, #tpu.memory_space<semaphore_mem>>
        %dma_start3A_22 = tpu.memref_slice %arg5[%add3A_11] : memref<320000xi32, #tpu.memory_space<hbm>> -> memref<80xi32, #tpu.memory_space<hbm>>
        %dma_start3A_23 = tpu.memref_slice %arg5[%add3A_11] : memref<320000xi32, #tpu.memory_space<hbm>> -> memref<80xi32, #tpu.memory_space<hbm>>
        tpu.enqueue_dma source(%dma_start3A_23 : memref<80xi32, #tpu.memory_space<hbm>>) target(%arg11 : memref<80xi32, #tpu.memory_space<vmem>>) target_semaphore(%run_scoped3A : memref<!tpu.dma_semaphore, #tpu.memory_space<semaphore_mem>>)
        %dma_wait3A_24 = tpu.memref_slice %arg5[%add3A_11] : memref<320000xi32, #tpu.memory_space<hbm>> -> memref<80xi32, #tpu.memory_space<hbm>>
        %dma_wait3A_25 = tpu.memref_slice %arg5[%add3A_11] : memref<320000xi32, #tpu.memory_space<hbm>> -> memref<80xi32, #tpu.memory_space<hbm>>
        tpu.wait_dma2 semaphore(%run_scoped3A : memref<!tpu.dma_semaphore, #tpu.memory_space<semaphore_mem>>) src(%dma_wait3A_25 : memref<80xi32, #tpu.memory_space<hbm>>) dst(%arg11 : memref<80xi32, #tpu.memory_space<vmem>>)
        tpu.yield
      }) : () -> ()
      %dma_start3A_16 = arith.constant 0 : i32
      %dma_start3A_17 = arith.constant 0 : i32
      %dma_start3A_18 = tpu.memref_slice %arg3[%dma_start3A_16, %dma_start3A_17] : memref<10000x16xf32, #tpu.memory_space<hbm>> -> memref<10000x16xf32, #tpu.memory_space<hbm>>
      tpu.enqueue_indirect_dma source(%dma_start3A_18 : memref<10000x16xf32, #tpu.memory_space<hbm>>) target(%arg12 : memref<80x16xf32, #tpu.memory_space<vmem>>) offsets(%arg11 : memref<80xi32, #tpu.memory_space<vmem>>) semaphore(%arg13 : memref<!tpu.dma_semaphore, #tpu.memory_space<semaphore_mem>>)
      %dma_wait3A_19 = arith.constant 0 : i32
      %dma_wait3A_20 = arith.constant 0 : i32
      %dma_wait3A_21 = tpu.memref_slice %arg3[%dma_wait3A_19, %dma_wait3A_20] : memref<10000x16xf32, #tpu.memory_space<hbm>> -> memref<10000x16xf32, #tpu.memory_space<hbm>>
      tpu.wait_indirect_dma semaphore(%arg13 : memref<!tpu.dma_semaphore, #tpu.memory_space<semaphore_mem>>) src(%dma_wait3A_21 : memref<10000x16xf32, #tpu.memory_space<hbm>>) dst(%arg12 : memref<80x16xf32, #tpu.memory_space<vmem>>)
      "tpu.region"() ({
        %run_scoped3A = tpu.sem_alloc : memref<!tpu.dma_semaphore, #tpu.memory_space<semaphore_mem>>
        %dma_start3A_22 = arith.constant 0 : i32
        %dma_start3A_23 = tpu.memref_slice %arg7[%add3A_11, %dma_start3A_22] : memref<320000x16xf32, #tpu.memory_space<hbm>> -> memref<80x16xf32, #tpu.memory_space<hbm>>
        %dma_start3A_24 = arith.constant 0 : i32
        %dma_start3A_25 = tpu.memref_slice %arg7[%add3A_11, %dma_start3A_24] : memref<320000x16xf32, #tpu.memory_space<hbm>> -> memref<80x16xf32, #tpu.memory_space<hbm>>
        tpu.enqueue_dma source(%arg12 : memref<80x16xf32, #tpu.memory_space<vmem>>) target(%dma_start3A_25 : memref<80x16xf32, #tpu.memory_space<hbm>>) target_semaphore(%run_scoped3A : memref<!tpu.dma_semaphore, #tpu.memory_space<semaphore_mem>>)
        %dma_wait3A_26 = arith.constant 0 : i32
        %dma_wait3A_27 = tpu.memref_slice %arg7[%add3A_11, %dma_wait3A_26] : memref<320000x16xf32, #tpu.memory_space<hbm>> -> memref<80x16xf32, #tpu.memory_space<hbm>>
        %dma_wait3A_28 = arith.constant 0 : i32
        %dma_wait3A_29 = tpu.memref_slice %arg7[%add3A_11, %dma_wait3A_28] : memref<320000x16xf32, #tpu.memory_space<hbm>> -> memref<80x16xf32, #tpu.memory_space<hbm>>
        tpu.wait_dma2 semaphore(%run_scoped3A : memref<!tpu.dma_semaphore, #tpu.memory_space<semaphore_mem>>) src(%arg12 : memref<80x16xf32, #tpu.memory_space<vmem>>) dst(%dma_wait3A_29 : memref<80x16xf32, #tpu.memory_space<hbm>>)
        tpu.yield
      }) : () -> ()
    }
    %scan3A_7 = arith.constant 125 : i32
    return
  }
}

#map = affine_map<(d0, d1) -> (0, 0)>
#map1 = affine_map<(d0, d1) -> (0)>
module attributes {stable_mosaic.version = 14 : i64} {
  func.func @k(%arg0: i32, %arg1: i32, %arg2: memref<64x16xf32, #tpu.memory_space<hbm>>, %arg3: memref<10240xi32, #tpu.memory_space<hbm>>, %arg4: memref<10240x16xf32, #tpu.memory_space<hbm>>, %arg5: memref<80xi32, #tpu.memory_space<vmem>>, %arg6: memref<80x16xf32, #tpu.memory_space<vmem>>, %arg7: memref<!tpu.dma_semaphore, #tpu.memory_space<semaphore_mem>>) attributes {dimension_semantics = [#tpu.dimension_semantics<core_parallel>, #tpu.dimension_semantics<subcore_parallel>], iteration_bounds = array<i64: 2, 16>, scalar_prefetch = 0 : i64, scratch_operands = 3 : i64, tpu.core_type = #tpu.core_type<sc_vector_subcore>, window_params = [{transform_indices = #map}, {transform_indices = #map1}, {transform_indices = #map}]} {
    %mul3A = arith.constant 2 : i32
    %mul3A_0 = arith.muli %arg1, %mul3A : i32
    %add3A = arith.addi %mul3A_0, %arg0 : i32
    %mul3A_1 = arith.constant 320 : i32
    %mul3A_2 = arith.muli %add3A, %mul3A_1 : i32
    %scan3A = arith.constant 0 : i32
    %scan3A_3 = arith.constant 0 : i32
    %scan3A_4 = arith.constant 4 : i32
    %scan3A_5 = arith.addi %scan3A_3, %scan3A_4 : i32
    %scan3A_6 = arith.constant 1 : i32
    scf.for %scan3A_8 = %scan3A_3 to %scan3A_5 step %scan3A_6  : i32 {
      %mul3A_9 = arith.constant 80 : i32
      %mul3A_10 = arith.muli %scan3A_8, %mul3A_9 : i32
      %add3A_11 = arith.addi %mul3A_2, %mul3A_10 : i32
      "tpu.region"() ({
        %run_scoped3A = tpu.sem_alloc : memref<!tpu.dma_semaphore, #tpu.memory_space<semaphore_mem>>
        %dma_start3A_16 = tpu.memref_slice %arg3[%add3A_11] : memref<10240xi32, #tpu.memory_space<hbm>> -> memref<80xi32, #tpu.memory_space<hbm>>
        %dma_start3A_17 = tpu.memref_slice %arg3[%add3A_11] : memref<10240xi32, #tpu.memory_space<hbm>> -> memref<80xi32, #tpu.memory_space<hbm>>
        tpu.enqueue_dma source(%dma_start3A_17 : memref<80xi32, #tpu.memory_space<hbm>>) target(%arg5 : memref<80xi32, #tpu.memory_space<vmem>>) target_semaphore(%run_scoped3A : memref<!tpu.dma_semaphore, #tpu.memory_space<semaphore_mem>>)
        %dma_wait3A_18 = tpu.memref_slice %arg3[%add3A_11] : memref<10240xi32, #tpu.memory_space<hbm>> -> memref<80xi32, #tpu.memory_space<hbm>>
        %dma_wait3A_19 = tpu.memref_slice %arg3[%add3A_11] : memref<10240xi32, #tpu.memory_space<hbm>> -> memref<80xi32, #tpu.memory_space<hbm>>
        tpu.wait_dma2 semaphore(%run_scoped3A : memref<!tpu.dma_semaphore, #tpu.memory_space<semaphore_mem>>) src(%dma_wait3A_19 : memref<80xi32, #tpu.memory_space<hbm>>) dst(%arg5 : memref<80xi32, #tpu.memory_space<vmem>>)
        tpu.yield
      }) : () -> ()
      %dma_start3A = arith.constant 0 : i32
      %dma_start3A_12 = arith.constant 0 : i32
      %dma_start3A_13 = tpu.memref_slice %arg2[%dma_start3A, %dma_start3A_12] : memref<64x16xf32, #tpu.memory_space<hbm>> -> memref<64x16xf32, #tpu.memory_space<hbm>>
      tpu.enqueue_indirect_dma source(%dma_start3A_13 : memref<64x16xf32, #tpu.memory_space<hbm>>) target(%arg6 : memref<80x16xf32, #tpu.memory_space<vmem>>) offsets(%arg5 : memref<80xi32, #tpu.memory_space<vmem>>) semaphore(%arg7 : memref<!tpu.dma_semaphore, #tpu.memory_space<semaphore_mem>>)
      %dma_wait3A = arith.constant 0 : i32
      %dma_wait3A_14 = arith.constant 0 : i32
      %dma_wait3A_15 = tpu.memref_slice %arg2[%dma_wait3A, %dma_wait3A_14] : memref<64x16xf32, #tpu.memory_space<hbm>> -> memref<64x16xf32, #tpu.memory_space<hbm>>
      tpu.wait_indirect_dma semaphore(%arg7 : memref<!tpu.dma_semaphore, #tpu.memory_space<semaphore_mem>>) src(%dma_wait3A_15 : memref<64x16xf32, #tpu.memory_space<hbm>>) dst(%arg6 : memref<80x16xf32, #tpu.memory_space<vmem>>)
      "tpu.region"() ({
        %run_scoped3A = tpu.sem_alloc : memref<!tpu.dma_semaphore, #tpu.memory_space<semaphore_mem>>
        %dma_start3A_16 = arith.constant 0 : i32
        %dma_start3A_17 = tpu.memref_slice %arg4[%add3A_11, %dma_start3A_16] : memref<10240x16xf32, #tpu.memory_space<hbm>> -> memref<80x16xf32, #tpu.memory_space<hbm>>
        %dma_start3A_18 = arith.constant 0 : i32
        %dma_start3A_19 = tpu.memref_slice %arg4[%add3A_11, %dma_start3A_18] : memref<10240x16xf32, #tpu.memory_space<hbm>> -> memref<80x16xf32, #tpu.memory_space<hbm>>
        tpu.enqueue_dma source(%arg6 : memref<80x16xf32, #tpu.memory_space<vmem>>) target(%dma_start3A_19 : memref<80x16xf32, #tpu.memory_space<hbm>>) target_semaphore(%run_scoped3A : memref<!tpu.dma_semaphore, #tpu.memory_space<semaphore_mem>>)
        %dma_wait3A_20 = arith.constant 0 : i32
        %dma_wait3A_21 = tpu.memref_slice %arg4[%add3A_11, %dma_wait3A_20] : memref<10240x16xf32, #tpu.memory_space<hbm>> -> memref<80x16xf32, #tpu.memory_space<hbm>>
        %dma_wait3A_22 = arith.constant 0 : i32
        %dma_wait3A_23 = tpu.memref_slice %arg4[%add3A_11, %dma_wait3A_22] : memref<10240x16xf32, #tpu.memory_space<hbm>> -> memref<80x16xf32, #tpu.memory_space<hbm>>
        tpu.wait_dma2 semaphore(%run_scoped3A : memref<!tpu.dma_semaphore, #tpu.memory_space<semaphore_mem>>) src(%arg6 : memref<80x16xf32, #tpu.memory_space<vmem>>) dst(%dma_wait3A_23 : memref<80x16xf32, #tpu.memory_space<hbm>>)
        tpu.yield
      }) : () -> ()
    }
    %scan3A_7 = arith.constant 4 : i32
    return
  }
}

#map = affine_map<(d0, d1) -> (0, 0)>
#map1 = affine_map<(d0, d1) -> (0)>
#map2 = affine_map<(d0, d1) -> (0, 0, 0)>
module attributes {stable_mosaic.version = 14 : i64} {
  func.func @k(%arg0: i32, %arg1: i32, %arg2: memref<10240x16xf32, #tpu.memory_space<hbm>>, %arg3: memref<10240xi32, #tpu.memory_space<hbm>>, %arg4: memref<4x16xf32, #tpu.memory_space<hbm>>, %arg5: memref<2x64x16xf32, #tpu.memory_space<hbm>>, %arg6: memref<64x16xf32, #tpu.memory_space<vmem_shared>>, %arg7: memref<80xi32, #tpu.memory_space<vmem>>, %arg8: memref<80x16xf32, #tpu.memory_space<vmem>>) attributes {dimension_semantics = [#tpu.dimension_semantics<core_parallel>, #tpu.dimension_semantics<subcore_parallel>], iteration_bounds = array<i64: 2, 16>, scalar_prefetch = 0 : i64, scratch_operands = 3 : i64, tpu.core_type = #tpu.core_type<sc_vector_subcore>, window_params = [{transform_indices = #map}, {transform_indices = #map1}, {transform_indices = #map}, {transform_indices = #map2}]} {
    %mul3A = arith.constant 4 : i32
    %mul3A_0 = arith.muli %arg1, %mul3A : i32
    "tpu.region"() ({
      %run_scoped3A = tpu.sem_alloc : memref<!tpu.dma_semaphore, #tpu.memory_space<semaphore_mem>>
      %dma_start3A = arith.constant 0 : i32
      %dma_start3A_15 = tpu.memref_slice %arg6[%mul3A_0, %dma_start3A] : memref<64x16xf32, #tpu.memory_space<vmem_shared>> -> memref<4x16xf32, #tpu.memory_space<vmem_shared>>
      tpu.enqueue_dma source(%arg4 : memref<4x16xf32, #tpu.memory_space<hbm>>) target(%dma_start3A_15 : memref<4x16xf32, #tpu.memory_space<vmem_shared>>) target_semaphore(%run_scoped3A : memref<!tpu.dma_semaphore, #tpu.memory_space<semaphore_mem>>)
      %dma_wait3A = arith.constant 0 : i32
      %dma_wait3A_16 = tpu.memref_slice %arg6[%mul3A_0, %dma_wait3A] : memref<64x16xf32, #tpu.memory_space<vmem_shared>> -> memref<4x16xf32, #tpu.memory_space<vmem_shared>>
      tpu.wait_dma2 semaphore(%run_scoped3A : memref<!tpu.dma_semaphore, #tpu.memory_space<semaphore_mem>>) src(%arg4 : memref<4x16xf32, #tpu.memory_space<hbm>>) dst(%dma_wait3A_16 : memref<4x16xf32, #tpu.memory_space<vmem_shared>>)
      tpu.yield
    }) : () -> ()
    %barrier3A = arith.constant 0 : index
    tpu.barrier barrier_id(%barrier3A)
    %mul3A_1 = arith.constant 2 : i32
    %mul3A_2 = arith.muli %arg1, %mul3A_1 : i32
    %add3A = arith.addi %mul3A_2, %arg0 : i32
    %mul3A_3 = arith.constant 320 : i32
    %mul3A_4 = arith.muli %add3A, %mul3A_3 : i32
    %scan3A = arith.constant 0 : i32
    %scan3A_5 = arith.constant 0 : i32
    %scan3A_6 = arith.constant 4 : i32
    %scan3A_7 = arith.addi %scan3A_5, %scan3A_6 : i32
    %scan3A_8 = arith.constant 1 : i32
    scf.for %scan3A_15 = %scan3A_5 to %scan3A_7 step %scan3A_8  : i32 {
      %mul3A_16 = arith.constant 80 : i32
      %mul3A_17 = arith.muli %scan3A_15, %mul3A_16 : i32
      %add3A_18 = arith.addi %mul3A_4, %mul3A_17 : i32
      "tpu.region"() ({
        %run_scoped3A = tpu.sem_alloc : memref<!tpu.dma_semaphore, #tpu.memory_space<semaphore_mem>>
        %dma_start3A = tpu.memref_slice %arg3[%add3A_18] : memref<10240xi32, #tpu.memory_space<hbm>> -> memref<80xi32, #tpu.memory_space<hbm>>
        %dma_start3A_19 = tpu.memref_slice %arg3[%add3A_18] : memref<10240xi32, #tpu.memory_space<hbm>> -> memref<80xi32, #tpu.memory_space<hbm>>
        tpu.enqueue_dma source(%dma_start3A_19 : memref<80xi32, #tpu.memory_space<hbm>>) target(%arg7 : memref<80xi32, #tpu.memory_space<vmem>>) target_semaphore(%run_scoped3A : memref<!tpu.dma_semaphore, #tpu.memory_space<semaphore_mem>>)
        %dma_wait3A = tpu.memref_slice %arg3[%add3A_18] : memref<10240xi32, #tpu.memory_space<hbm>> -> memref<80xi32, #tpu.memory_space<hbm>>
        %dma_wait3A_20 = tpu.memref_slice %arg3[%add3A_18] : memref<10240xi32, #tpu.memory_space<hbm>> -> memref<80xi32, #tpu.memory_space<hbm>>
        tpu.wait_dma2 semaphore(%run_scoped3A : memref<!tpu.dma_semaphore, #tpu.memory_space<semaphore_mem>>) src(%dma_wait3A_20 : memref<80xi32, #tpu.memory_space<hbm>>) dst(%arg7 : memref<80xi32, #tpu.memory_space<vmem>>)
        tpu.yield
      }) : () -> ()
      "tpu.region"() ({
        %run_scoped3A = tpu.sem_alloc : memref<!tpu.dma_semaphore, #tpu.memory_space<semaphore_mem>>
        %dma_start3A = arith.constant 0 : i32
        %dma_start3A_19 = tpu.memref_slice %arg2[%add3A_18, %dma_start3A] : memref<10240x16xf32, #tpu.memory_space<hbm>> -> memref<80x16xf32, #tpu.memory_space<hbm>>
        %dma_start3A_20 = arith.constant 0 : i32
        %dma_start3A_21 = tpu.memref_slice %arg2[%add3A_18, %dma_start3A_20] : memref<10240x16xf32, #tpu.memory_space<hbm>> -> memref<80x16xf32, #tpu.memory_space<hbm>>
        tpu.enqueue_dma source(%dma_start3A_21 : memref<80x16xf32, #tpu.memory_space<hbm>>) target(%arg8 : memref<80x16xf32, #tpu.memory_space<vmem>>) target_semaphore(%run_scoped3A : memref<!tpu.dma_semaphore, #tpu.memory_space<semaphore_mem>>)
        %dma_wait3A = arith.constant 0 : i32
        %dma_wait3A_22 = tpu.memref_slice %arg2[%add3A_18, %dma_wait3A] : memref<10240x16xf32, #tpu.memory_space<hbm>> -> memref<80x16xf32, #tpu.memory_space<hbm>>
        %dma_wait3A_23 = arith.constant 0 : i32
        %dma_wait3A_24 = tpu.memref_slice %arg2[%add3A_18, %dma_wait3A_23] : memref<10240x16xf32, #tpu.memory_space<hbm>> -> memref<80x16xf32, #tpu.memory_space<hbm>>
        tpu.wait_dma2 semaphore(%run_scoped3A : memref<!tpu.dma_semaphore, #tpu.memory_space<semaphore_mem>>) src(%dma_wait3A_24 : memref<80x16xf32, #tpu.memory_space<hbm>>) dst(%arg8 : memref<80x16xf32, #tpu.memory_space<vmem>>)
        tpu.yield
      }) : () -> ()
      "tpu.region"() ({
        %run_scoped3A = tpu.sem_alloc : memref<!tpu.dma_semaphore, #tpu.memory_space<semaphore_mem>>
        %dma_start3A = arith.constant 0 : i32
        %dma_start3A_19 = arith.constant 0 : i32
        %dma_start3A_20 = tpu.memref_slice %arg6[%dma_start3A, %dma_start3A_19] : memref<64x16xf32, #tpu.memory_space<vmem_shared>> -> memref<64x16xf32, #tpu.memory_space<vmem_shared>>
        tpu.enqueue_indirect_dma source(%arg8 : memref<80x16xf32, #tpu.memory_space<vmem>>) target(%dma_start3A_20 : memref<64x16xf32, #tpu.memory_space<vmem_shared>>) offsets(%arg7 : memref<80xi32, #tpu.memory_space<vmem>>) semaphore(%run_scoped3A : memref<!tpu.dma_semaphore, #tpu.memory_space<semaphore_mem>>) {add = true}
        %dma_wait3A = arith.constant 0 : i32
        %dma_wait3A_21 = arith.constant 0 : i32
        %dma_wait3A_22 = tpu.memref_slice %arg6[%dma_wait3A, %dma_wait3A_21] : memref<64x16xf32, #tpu.memory_space<vmem_shared>> -> memref<64x16xf32, #tpu.memory_space<vmem_shared>>
        tpu.wait_indirect_dma semaphore(%run_scoped3A : memref<!tpu.dma_semaphore, #tpu.memory_space<semaphore_mem>>) src(%arg8 : memref<80x16xf32, #tpu.memory_space<vmem>>) dst(%dma_wait3A_22 : memref<64x16xf32, #tpu.memory_space<vmem_shared>>)
        tpu.yield
      }) : () -> ()
    }
    %scan3A_9 = arith.constant 4 : i32
    %barrier3A_10 = arith.constant 0 : index
    tpu.barrier barrier_id(%barrier3A_10)
    %mul3A_11 = arith.constant 4 : i32
    %mul3A_12 = arith.muli %arg1, %mul3A_11 : i32
    %mul3A_13 = arith.constant 4 : i32
    %mul3A_14 = arith.muli %arg1, %mul3A_13 : i32
    "tpu.region"() ({
      %run_scoped3A = tpu.sem_alloc : memref<!tpu.dma_semaphore, #tpu.memory_space<semaphore_mem>>
      %dma_start3A = arith.constant 0 : i32
      %dma_start3A_15 = tpu.memref_slice %arg5[%arg0, %mul3A_14, %dma_start3A] : memref<2x64x16xf32, #tpu.memory_space<hbm>> -> memref<1x4x16xf32, #tpu.memory_space<hbm>>
      %dma_start3A_16 = tpu.memref_squeeze %dma_start3A_15 : memref<1x4x16xf32, #tpu.memory_space<hbm>> -> memref<4x16xf32, #tpu.memory_space<hbm>>
      %dma_start3A_17 = arith.constant 0 : i32
      %dma_start3A_18 = tpu.memref_slice %arg6[%mul3A_12, %dma_start3A_17] : memref<64x16xf32, #tpu.memory_space<vmem_shared>> -> memref<4x16xf32, #tpu.memory_space<vmem_shared>>
      tpu.enqueue_dma source(%dma_start3A_18 : memref<4x16xf32, #tpu.memory_space<vmem_shared>>) target(%dma_start3A_16 : memref<4x16xf32, #tpu.memory_space<hbm>>) target_semaphore(%run_scoped3A : memref<!tpu.dma_semaphore, #tpu.memory_space<semaphore_mem>>)
      %dma_wait3A = arith.constant 0 : i32
      %dma_wait3A_19 = tpu.memref_slice %arg5[%arg0, %mul3A_14, %dma_wait3A] : memref<2x64x16xf32, #tpu.memory_space<hbm>> -> memref<1x4x16xf32, #tpu.memory_space<hbm>>
      %dma_wait3A_20 = tpu.memref_squeeze %dma_wait3A_19 : memref<1x4x16xf32, #tpu.memory_space<hbm>> -> memref<4x16xf32, #tpu.memory_space<hbm>>
      %dma_wait3A_21 = arith.constant 0 : i32
      %dma_wait3A_22 = tpu.memref_slice %arg6[%mul3A_12, %dma_wait3A_21] : memref<64x16xf32, #tpu.memory_space<vmem_shared>> -> memref<4x16xf32, #tpu.memory_space<vmem_shared>>
      tpu.wait_dma2 semaphore(%run_scoped3A : memref<!tpu.dma_semaphore, #tpu.memory_space<semaphore_mem>>) src(%dma_wait3A_22 : memref<4x16xf32, #tpu.memory_space<vmem_shared>>) dst(%dma_wait3A_20 : memref<4x16xf32, #tpu.memory_space<hbm>>)
      tpu.yield
    }) : () -> ()
    return
  }
}

#map = affine_map<(d0, d1) -> (0, 0)>
#map1 = affine_map<(d0, d1) -> (0)>
#map2 = affine_map<(d0, d1) -> (0, 0, 0)>
module attributes {stable_mosaic.version = 14 : i64} {
  func.func @k(%arg0: i32, %arg1: i32, %arg2: memref<320000x16xf32, #tpu.memory_space<hbm>>, %arg3: memref<320000xi32, #tpu.memory_space<hbm>>, %arg4: memref<625x16xf32, #tpu.memory_space<hbm>>, %arg5: memref<2x10000x16xf32, #tpu.memory_space<hbm>>, %arg6: memref<10000x16xf32, #tpu.memory_space<vmem_shared>>, %arg7: memref<80xi32, #tpu.memory_space<vmem>>, %arg8: memref<80x16xf32, #tpu.memory_space<vmem>>) attributes {dimension_semantics = [#tpu.dimension_semantics<core_parallel>, #tpu.dimension_semantics<subcore_parallel>], iteration_bounds = array<i64: 2, 16>, scalar_prefetch = 0 : i64, scratch_operands = 3 : i64, tpu.core_type = #tpu.core_type<sc_vector_subcore>, window_params = [{transform_indices = #map}, {transform_indices = #map1}, {transform_indices = #map}, {transform_indices = #map2}]} {
    %mul3A = arith.constant 625 : i32
    %mul3A_0 = arith.muli %arg1, %mul3A : i32
    "tpu.region"() ({
      %run_scoped3A = tpu.sem_alloc : memref<!tpu.dma_semaphore, #tpu.memory_space<semaphore_mem>>
      %dma_start3A = arith.constant 0 : i32
      %dma_start3A_15 = tpu.memref_slice %arg6[%mul3A_0, %dma_start3A] : memref<10000x16xf32, #tpu.memory_space<vmem_shared>> -> memref<625x16xf32, #tpu.memory_space<vmem_shared>>
      tpu.enqueue_dma source(%arg4 : memref<625x16xf32, #tpu.memory_space<hbm>>) target(%dma_start3A_15 : memref<625x16xf32, #tpu.memory_space<vmem_shared>>) target_semaphore(%run_scoped3A : memref<!tpu.dma_semaphore, #tpu.memory_space<semaphore_mem>>)
      %dma_wait3A = arith.constant 0 : i32
      %dma_wait3A_16 = tpu.memref_slice %arg6[%mul3A_0, %dma_wait3A] : memref<10000x16xf32, #tpu.memory_space<vmem_shared>> -> memref<625x16xf32, #tpu.memory_space<vmem_shared>>
      tpu.wait_dma2 semaphore(%run_scoped3A : memref<!tpu.dma_semaphore, #tpu.memory_space<semaphore_mem>>) src(%arg4 : memref<625x16xf32, #tpu.memory_space<hbm>>) dst(%dma_wait3A_16 : memref<625x16xf32, #tpu.memory_space<vmem_shared>>)
      tpu.yield
    }) : () -> ()
    %barrier3A = arith.constant 0 : index
    tpu.barrier barrier_id(%barrier3A)
    %mul3A_1 = arith.constant 2 : i32
    %mul3A_2 = arith.muli %arg1, %mul3A_1 : i32
    %add3A = arith.addi %mul3A_2, %arg0 : i32
    %mul3A_3 = arith.constant 10000 : i32
    %mul3A_4 = arith.muli %add3A, %mul3A_3 : i32
    %scan3A = arith.constant 0 : i32
    %scan3A_5 = arith.constant 0 : i32
    %scan3A_6 = arith.constant 125 : i32
    %scan3A_7 = arith.addi %scan3A_5, %scan3A_6 : i32
    %scan3A_8 = arith.constant 1 : i32
    scf.for %scan3A_15 = %scan3A_5 to %scan3A_7 step %scan3A_8  : i32 {
      %mul3A_16 = arith.constant 80 : i32
      %mul3A_17 = arith.muli %scan3A_15, %mul3A_16 : i32
      %add3A_18 = arith.addi %mul3A_4, %mul3A_17 : i32
      "tpu.region"() ({
        %run_scoped3A = tpu.sem_alloc : memref<!tpu.dma_semaphore, #tpu.memory_space<semaphore_mem>>
        %dma_start3A = tpu.memref_slice %arg3[%add3A_18] : memref<320000xi32, #tpu.memory_space<hbm>> -> memref<80xi32, #tpu.memory_space<hbm>>
        %dma_start3A_19 = tpu.memref_slice %arg3[%add3A_18] : memref<320000xi32, #tpu.memory_space<hbm>> -> memref<80xi32, #tpu.memory_space<hbm>>
        tpu.enqueue_dma source(%dma_start3A_19 : memref<80xi32, #tpu.memory_space<hbm>>) target(%arg7 : memref<80xi32, #tpu.memory_space<vmem>>) target_semaphore(%run_scoped3A : memref<!tpu.dma_semaphore, #tpu.memory_space<semaphore_mem>>)
        %dma_wait3A = tpu.memref_slice %arg3[%add3A_18] : memref<320000xi32, #tpu.memory_space<hbm>> -> memref<80xi32, #tpu.memory_space<hbm>>
        %dma_wait3A_20 = tpu.memref_slice %arg3[%add3A_18] : memref<320000xi32, #tpu.memory_space<hbm>> -> memref<80xi32, #tpu.memory_space<hbm>>
        tpu.wait_dma2 semaphore(%run_scoped3A : memref<!tpu.dma_semaphore, #tpu.memory_space<semaphore_mem>>) src(%dma_wait3A_20 : memref<80xi32, #tpu.memory_space<hbm>>) dst(%arg7 : memref<80xi32, #tpu.memory_space<vmem>>)
        tpu.yield
      }) : () -> ()
      "tpu.region"() ({
        %run_scoped3A = tpu.sem_alloc : memref<!tpu.dma_semaphore, #tpu.memory_space<semaphore_mem>>
        %dma_start3A = arith.constant 0 : i32
        %dma_start3A_19 = tpu.memref_slice %arg2[%add3A_18, %dma_start3A] : memref<320000x16xf32, #tpu.memory_space<hbm>> -> memref<80x16xf32, #tpu.memory_space<hbm>>
        %dma_start3A_20 = arith.constant 0 : i32
        %dma_start3A_21 = tpu.memref_slice %arg2[%add3A_18, %dma_start3A_20] : memref<320000x16xf32, #tpu.memory_space<hbm>> -> memref<80x16xf32, #tpu.memory_space<hbm>>
        tpu.enqueue_dma source(%dma_start3A_21 : memref<80x16xf32, #tpu.memory_space<hbm>>) target(%arg8 : memref<80x16xf32, #tpu.memory_space<vmem>>) target_semaphore(%run_scoped3A : memref<!tpu.dma_semaphore, #tpu.memory_space<semaphore_mem>>)
        %dma_wait3A = arith.constant 0 : i32
        %dma_wait3A_22 = tpu.memref_slice %arg2[%add3A_18, %dma_wait3A] : memref<320000x16xf32, #tpu.memory_space<hbm>> -> memref<80x16xf32, #tpu.memory_space<hbm>>
        %dma_wait3A_23 = arith.constant 0 : i32
        %dma_wait3A_24 = tpu.memref_slice %arg2[%add3A_18, %dma_wait3A_23] : memref<320000x16xf32, #tpu.memory_space<hbm>> -> memref<80x16xf32, #tpu.memory_space<hbm>>
        tpu.wait_dma2 semaphore(%run_scoped3A : memref<!tpu.dma_semaphore, #tpu.memory_space<semaphore_mem>>) src(%dma_wait3A_24 : memref<80x16xf32, #tpu.memory_space<hbm>>) dst(%arg8 : memref<80x16xf32, #tpu.memory_space<vmem>>)
        tpu.yield
      }) : () -> ()
      "tpu.region"() ({
        %run_scoped3A = tpu.sem_alloc : memref<!tpu.dma_semaphore, #tpu.memory_space<semaphore_mem>>
        %dma_start3A = arith.constant 0 : i32
        %dma_start3A_19 = arith.constant 0 : i32
        %dma_start3A_20 = tpu.memref_slice %arg6[%dma_start3A, %dma_start3A_19] : memref<10000x16xf32, #tpu.memory_space<vmem_shared>> -> memref<10000x16xf32, #tpu.memory_space<vmem_shared>>
        tpu.enqueue_indirect_dma source(%arg8 : memref<80x16xf32, #tpu.memory_space<vmem>>) target(%dma_start3A_20 : memref<10000x16xf32, #tpu.memory_space<vmem_shared>>) offsets(%arg7 : memref<80xi32, #tpu.memory_space<vmem>>) semaphore(%run_scoped3A : memref<!tpu.dma_semaphore, #tpu.memory_space<semaphore_mem>>) {add = true}
        %dma_wait3A = arith.constant 0 : i32
        %dma_wait3A_21 = arith.constant 0 : i32
        %dma_wait3A_22 = tpu.memref_slice %arg6[%dma_wait3A, %dma_wait3A_21] : memref<10000x16xf32, #tpu.memory_space<vmem_shared>> -> memref<10000x16xf32, #tpu.memory_space<vmem_shared>>
        tpu.wait_indirect_dma semaphore(%run_scoped3A : memref<!tpu.dma_semaphore, #tpu.memory_space<semaphore_mem>>) src(%arg8 : memref<80x16xf32, #tpu.memory_space<vmem>>) dst(%dma_wait3A_22 : memref<10000x16xf32, #tpu.memory_space<vmem_shared>>)
        tpu.yield
      }) : () -> ()
    }
    %scan3A_9 = arith.constant 125 : i32
    %barrier3A_10 = arith.constant 0 : index
    tpu.barrier barrier_id(%barrier3A_10)
    %mul3A_11 = arith.constant 625 : i32
    %mul3A_12 = arith.muli %arg1, %mul3A_11 : i32
    %mul3A_13 = arith.constant 625 : i32
    %mul3A_14 = arith.muli %arg1, %mul3A_13 : i32
    "tpu.region"() ({
      %run_scoped3A = tpu.sem_alloc : memref<!tpu.dma_semaphore, #tpu.memory_space<semaphore_mem>>
      %dma_start3A = arith.constant 0 : i32
      %dma_start3A_15 = tpu.memref_slice %arg5[%arg0, %mul3A_14, %dma_start3A] : memref<2x10000x16xf32, #tpu.memory_space<hbm>> -> memref<1x625x16xf32, #tpu.memory_space<hbm>>
      %dma_start3A_16 = tpu.memref_squeeze %dma_start3A_15 : memref<1x625x16xf32, #tpu.memory_space<hbm>> -> memref<625x16xf32, #tpu.memory_space<hbm>>
      %dma_start3A_17 = arith.constant 0 : i32
      %dma_start3A_18 = tpu.memref_slice %arg6[%mul3A_12, %dma_start3A_17] : memref<10000x16xf32, #tpu.memory_space<vmem_shared>> -> memref<625x16xf32, #tpu.memory_space<vmem_shared>>
      tpu.enqueue_dma source(%dma_start3A_18 : memref<625x16xf32, #tpu.memory_space<vmem_shared>>) target(%dma_start3A_16 : memref<625x16xf32, #tpu.memory_space<hbm>>) target_semaphore(%run_scoped3A : memref<!tpu.dma_semaphore, #tpu.memory_space<semaphore_mem>>)
      %dma_wait3A = arith.constant 0 : i32
      %dma_wait3A_19 = tpu.memref_slice %arg5[%arg0, %mul3A_14, %dma_wait3A] : memref<2x10000x16xf32, #tpu.memory_space<hbm>> -> memref<1x625x16xf32, #tpu.memory_space<hbm>>
      %dma_wait3A_20 = tpu.memref_squeeze %dma_wait3A_19 : memref<1x625x16xf32, #tpu.memory_space<hbm>> -> memref<625x16xf32, #tpu.memory_space<hbm>>
      %dma_wait3A_21 = arith.constant 0 : i32
      %dma_wait3A_22 = tpu.memref_slice %arg6[%mul3A_12, %dma_wait3A_21] : memref<10000x16xf32, #tpu.memory_space<vmem_shared>> -> memref<625x16xf32, #tpu.memory_space<vmem_shared>>
      tpu.wait_dma2 semaphore(%run_scoped3A : memref<!tpu.dma_semaphore, #tpu.memory_space<semaphore_mem>>) src(%dma_wait3A_22 : memref<625x16xf32, #tpu.memory_space<vmem_shared>>) dst(%dma_wait3A_20 : memref<625x16xf32, #tpu.memory_space<hbm>>)
      tpu.yield
    }) : () -> ()
    return
  }
}

#map = affine_map<(d0, d1) -> (0, 0)>
#map1 = affine_map<(d0, d1) -> (0)>
module attributes {stable_mosaic.version = 14 : i64} {
  func.func @k(%arg0: i32, %arg1: i32, %arg2: memref<10000x16xf32, #tpu.memory_space<hbm>>, %arg3: memref<320000xi32, #tpu.memory_space<hbm>>, %arg4: memref<320000x16xf32, #tpu.memory_space<hbm>>, %arg5: memref<80xi32, #tpu.memory_space<vmem>>, %arg6: memref<80x16xf32, #tpu.memory_space<vmem>>, %arg7: memref<!tpu.dma_semaphore, #tpu.memory_space<semaphore_mem>>) attributes {dimension_semantics = [#tpu.dimension_semantics<core_parallel>, #tpu.dimension_semantics<subcore_parallel>], iteration_bounds = array<i64: 2, 16>, scalar_prefetch = 0 : i64, scratch_operands = 3 : i64, tpu.core_type = #tpu.core_type<sc_vector_subcore>, window_params = [{transform_indices = #map}, {transform_indices = #map1}, {transform_indices = #map}]} {
    %mul3A = arith.constant 2 : i32
    %mul3A_0 = arith.muli %arg1, %mul3A : i32
    %add3A = arith.addi %mul3A_0, %arg0 : i32
    %mul3A_1 = arith.constant 10000 : i32
    %mul3A_2 = arith.muli %add3A, %mul3A_1 : i32
    %scan3A = arith.constant 0 : i32
    %scan3A_3 = arith.constant 0 : i32
    %scan3A_4 = arith.constant 125 : i32
    %scan3A_5 = arith.addi %scan3A_3, %scan3A_4 : i32
    %scan3A_6 = arith.constant 1 : i32
    scf.for %scan3A_8 = %scan3A_3 to %scan3A_5 step %scan3A_6  : i32 {
      %mul3A_9 = arith.constant 80 : i32
      %mul3A_10 = arith.muli %scan3A_8, %mul3A_9 : i32
      %add3A_11 = arith.addi %mul3A_2, %mul3A_10 : i32
      "tpu.region"() ({
        %run_scoped3A = tpu.sem_alloc : memref<!tpu.dma_semaphore, #tpu.memory_space<semaphore_mem>>
        %dma_start3A_16 = tpu.memref_slice %arg3[%add3A_11] : memref<320000xi32, #tpu.memory_space<hbm>> -> memref<80xi32, #tpu.memory_space<hbm>>
        %dma_start3A_17 = tpu.memref_slice %arg3[%add3A_11] : memref<320000xi32, #tpu.memory_space<hbm>> -> memref<80xi32, #tpu.memory_space<hbm>>
        tpu.enqueue_dma source(%dma_start3A_17 : memref<80xi32, #tpu.memory_space<hbm>>) target(%arg5 : memref<80xi32, #tpu.memory_space<vmem>>) target_semaphore(%run_scoped3A : memref<!tpu.dma_semaphore, #tpu.memory_space<semaphore_mem>>)
        %dma_wait3A_18 = tpu.memref_slice %arg3[%add3A_11] : memref<320000xi32, #tpu.memory_space<hbm>> -> memref<80xi32, #tpu.memory_space<hbm>>
        %dma_wait3A_19 = tpu.memref_slice %arg3[%add3A_11] : memref<320000xi32, #tpu.memory_space<hbm>> -> memref<80xi32, #tpu.memory_space<hbm>>
        tpu.wait_dma2 semaphore(%run_scoped3A : memref<!tpu.dma_semaphore, #tpu.memory_space<semaphore_mem>>) src(%dma_wait3A_19 : memref<80xi32, #tpu.memory_space<hbm>>) dst(%arg5 : memref<80xi32, #tpu.memory_space<vmem>>)
        tpu.yield
      }) : () -> ()
      %dma_start3A = arith.constant 0 : i32
      %dma_start3A_12 = arith.constant 0 : i32
      %dma_start3A_13 = tpu.memref_slice %arg2[%dma_start3A, %dma_start3A_12] : memref<10000x16xf32, #tpu.memory_space<hbm>> -> memref<10000x16xf32, #tpu.memory_space<hbm>>
      tpu.enqueue_indirect_dma source(%dma_start3A_13 : memref<10000x16xf32, #tpu.memory_space<hbm>>) target(%arg6 : memref<80x16xf32, #tpu.memory_space<vmem>>) offsets(%arg5 : memref<80xi32, #tpu.memory_space<vmem>>) semaphore(%arg7 : memref<!tpu.dma_semaphore, #tpu.memory_space<semaphore_mem>>)
      %dma_wait3A = arith.constant 0 : i32
      %dma_wait3A_14 = arith.constant 0 : i32
      %dma_wait3A_15 = tpu.memref_slice %arg2[%dma_wait3A, %dma_wait3A_14] : memref<10000x16xf32, #tpu.memory_space<hbm>> -> memref<10000x16xf32, #tpu.memory_space<hbm>>
      tpu.wait_indirect_dma semaphore(%arg7 : memref<!tpu.dma_semaphore, #tpu.memory_space<semaphore_mem>>) src(%dma_wait3A_15 : memref<10000x16xf32, #tpu.memory_space<hbm>>) dst(%arg6 : memref<80x16xf32, #tpu.memory_space<vmem>>)
      "tpu.region"() ({
        %run_scoped3A = tpu.sem_alloc : memref<!tpu.dma_semaphore, #tpu.memory_space<semaphore_mem>>
        %dma_start3A_16 = arith.constant 0 : i32
        %dma_start3A_17 = tpu.memref_slice %arg4[%add3A_11, %dma_start3A_16] : memref<320000x16xf32, #tpu.memory_space<hbm>> -> memref<80x16xf32, #tpu.memory_space<hbm>>
        %dma_start3A_18 = arith.constant 0 : i32
        %dma_start3A_19 = tpu.memref_slice %arg4[%add3A_11, %dma_start3A_18] : memref<320000x16xf32, #tpu.memory_space<hbm>> -> memref<80x16xf32, #tpu.memory_space<hbm>>
        tpu.enqueue_dma source(%arg6 : memref<80x16xf32, #tpu.memory_space<vmem>>) target(%dma_start3A_19 : memref<80x16xf32, #tpu.memory_space<hbm>>) target_semaphore(%run_scoped3A : memref<!tpu.dma_semaphore, #tpu.memory_space<semaphore_mem>>)
        %dma_wait3A_20 = arith.constant 0 : i32
        %dma_wait3A_21 = tpu.memref_slice %arg4[%add3A_11, %dma_wait3A_20] : memref<320000x16xf32, #tpu.memory_space<hbm>> -> memref<80x16xf32, #tpu.memory_space<hbm>>
        %dma_wait3A_22 = arith.constant 0 : i32
        %dma_wait3A_23 = tpu.memref_slice %arg4[%add3A_11, %dma_wait3A_22] : memref<320000x16xf32, #tpu.memory_space<hbm>> -> memref<80x16xf32, #tpu.memory_space<hbm>>
        tpu.wait_dma2 semaphore(%run_scoped3A : memref<!tpu.dma_semaphore, #tpu.memory_space<semaphore_mem>>) src(%arg6 : memref<80x16xf32, #tpu.memory_space<vmem>>) dst(%dma_wait3A_23 : memref<80x16xf32, #tpu.memory_space<hbm>>)
        tpu.yield
      }) : () -> ()
    }
    %scan3A_7 = arith.constant 125 : i32
    return
  }
}

#map = affine_map<(d0, d1) -> (0, 0)>
#map1 = affine_map<(d0, d1) -> (0)>
#map2 = affine_map<(d0, d1) -> (0, 0, 0)>
module attributes {stable_mosaic.version = 14 : i64} {
  func.func @k(%arg0: i32, %arg1: i32, %arg2: memref<320000x32xf32, #tpu.memory_space<hbm>>, %arg3: memref<320000xi32, #tpu.memory_space<hbm>>, %arg4: memref<625x32xf32, #tpu.memory_space<hbm>>, %arg5: memref<2x10000x32xf32, #tpu.memory_space<hbm>>, %arg6: memref<10000x32xf32, #tpu.memory_space<vmem_shared>>, %arg7: memref<80xi32, #tpu.memory_space<vmem>>, %arg8: memref<80x32xf32, #tpu.memory_space<vmem>>) attributes {dimension_semantics = [#tpu.dimension_semantics<core_parallel>, #tpu.dimension_semantics<subcore_parallel>], iteration_bounds = array<i64: 2, 16>, scalar_prefetch = 0 : i64, scratch_operands = 3 : i64, tpu.core_type = #tpu.core_type<sc_vector_subcore>, window_params = [{transform_indices = #map}, {transform_indices = #map1}, {transform_indices = #map}, {transform_indices = #map2}]} {
    %mul3A = arith.constant 625 : i32
    %mul3A_0 = arith.muli %arg1, %mul3A : i32
    "tpu.region"() ({
      %run_scoped3A = tpu.sem_alloc : memref<!tpu.dma_semaphore, #tpu.memory_space<semaphore_mem>>
      %dma_start3A = arith.constant 0 : i32
      %dma_start3A_15 = tpu.memref_slice %arg6[%mul3A_0, %dma_start3A] : memref<10000x32xf32, #tpu.memory_space<vmem_shared>> -> memref<625x32xf32, #tpu.memory_space<vmem_shared>>
      tpu.enqueue_dma source(%arg4 : memref<625x32xf32, #tpu.memory_space<hbm>>) target(%dma_start3A_15 : memref<625x32xf32, #tpu.memory_space<vmem_shared>>) target_semaphore(%run_scoped3A : memref<!tpu.dma_semaphore, #tpu.memory_space<semaphore_mem>>)
      %dma_wait3A = arith.constant 0 : i32
      %dma_wait3A_16 = tpu.memref_slice %arg6[%mul3A_0, %dma_wait3A] : memref<10000x32xf32, #tpu.memory_space<vmem_shared>> -> memref<625x32xf32, #tpu.memory_space<vmem_shared>>
      tpu.wait_dma2 semaphore(%run_scoped3A : memref<!tpu.dma_semaphore, #tpu.memory_space<semaphore_mem>>) src(%arg4 : memref<625x32xf32, #tpu.memory_space<hbm>>) dst(%dma_wait3A_16 : memref<625x32xf32, #tpu.memory_space<vmem_shared>>)
      tpu.yield
    }) : () -> ()
    %barrier3A = arith.constant 0 : index
    tpu.barrier barrier_id(%barrier3A)
    %mul3A_1 = arith.constant 2 : i32
    %mul3A_2 = arith.muli %arg1, %mul3A_1 : i32
    %add3A = arith.addi %mul3A_2, %arg0 : i32
    %mul3A_3 = arith.constant 10000 : i32
    %mul3A_4 = arith.muli %add3A, %mul3A_3 : i32
    %scan3A = arith.constant 0 : i32
    %scan3A_5 = arith.constant 0 : i32
    %scan3A_6 = arith.constant 125 : i32
    %scan3A_7 = arith.addi %scan3A_5, %scan3A_6 : i32
    %scan3A_8 = arith.constant 1 : i32
    scf.for %scan3A_15 = %scan3A_5 to %scan3A_7 step %scan3A_8  : i32 {
      %mul3A_16 = arith.constant 80 : i32
      %mul3A_17 = arith.muli %scan3A_15, %mul3A_16 : i32
      %add3A_18 = arith.addi %mul3A_4, %mul3A_17 : i32
      "tpu.region"() ({
        %run_scoped3A = tpu.sem_alloc : memref<!tpu.dma_semaphore, #tpu.memory_space<semaphore_mem>>
        %dma_start3A = tpu.memref_slice %arg3[%add3A_18] : memref<320000xi32, #tpu.memory_space<hbm>> -> memref<80xi32, #tpu.memory_space<hbm>>
        %dma_start3A_19 = tpu.memref_slice %arg3[%add3A_18] : memref<320000xi32, #tpu.memory_space<hbm>> -> memref<80xi32, #tpu.memory_space<hbm>>
        tpu.enqueue_dma source(%dma_start3A_19 : memref<80xi32, #tpu.memory_space<hbm>>) target(%arg7 : memref<80xi32, #tpu.memory_space<vmem>>) target_semaphore(%run_scoped3A : memref<!tpu.dma_semaphore, #tpu.memory_space<semaphore_mem>>)
        %dma_wait3A = tpu.memref_slice %arg3[%add3A_18] : memref<320000xi32, #tpu.memory_space<hbm>> -> memref<80xi32, #tpu.memory_space<hbm>>
        %dma_wait3A_20 = tpu.memref_slice %arg3[%add3A_18] : memref<320000xi32, #tpu.memory_space<hbm>> -> memref<80xi32, #tpu.memory_space<hbm>>
        tpu.wait_dma2 semaphore(%run_scoped3A : memref<!tpu.dma_semaphore, #tpu.memory_space<semaphore_mem>>) src(%dma_wait3A_20 : memref<80xi32, #tpu.memory_space<hbm>>) dst(%arg7 : memref<80xi32, #tpu.memory_space<vmem>>)
        tpu.yield
      }) : () -> ()
      "tpu.region"() ({
        %run_scoped3A = tpu.sem_alloc : memref<!tpu.dma_semaphore, #tpu.memory_space<semaphore_mem>>
        %dma_start3A = arith.constant 0 : i32
        %dma_start3A_19 = tpu.memref_slice %arg2[%add3A_18, %dma_start3A] : memref<320000x32xf32, #tpu.memory_space<hbm>> -> memref<80x32xf32, #tpu.memory_space<hbm>>
        %dma_start3A_20 = arith.constant 0 : i32
        %dma_start3A_21 = tpu.memref_slice %arg2[%add3A_18, %dma_start3A_20] : memref<320000x32xf32, #tpu.memory_space<hbm>> -> memref<80x32xf32, #tpu.memory_space<hbm>>
        tpu.enqueue_dma source(%dma_start3A_21 : memref<80x32xf32, #tpu.memory_space<hbm>>) target(%arg8 : memref<80x32xf32, #tpu.memory_space<vmem>>) target_semaphore(%run_scoped3A : memref<!tpu.dma_semaphore, #tpu.memory_space<semaphore_mem>>)
        %dma_wait3A = arith.constant 0 : i32
        %dma_wait3A_22 = tpu.memref_slice %arg2[%add3A_18, %dma_wait3A] : memref<320000x32xf32, #tpu.memory_space<hbm>> -> memref<80x32xf32, #tpu.memory_space<hbm>>
        %dma_wait3A_23 = arith.constant 0 : i32
        %dma_wait3A_24 = tpu.memref_slice %arg2[%add3A_18, %dma_wait3A_23] : memref<320000x32xf32, #tpu.memory_space<hbm>> -> memref<80x32xf32, #tpu.memory_space<hbm>>
        tpu.wait_dma2 semaphore(%run_scoped3A : memref<!tpu.dma_semaphore, #tpu.memory_space<semaphore_mem>>) src(%dma_wait3A_24 : memref<80x32xf32, #tpu.memory_space<hbm>>) dst(%arg8 : memref<80x32xf32, #tpu.memory_space<vmem>>)
        tpu.yield
      }) : () -> ()
      "tpu.region"() ({
        %run_scoped3A = tpu.sem_alloc : memref<!tpu.dma_semaphore, #tpu.memory_space<semaphore_mem>>
        %dma_start3A = arith.constant 0 : i32
        %dma_start3A_19 = arith.constant 0 : i32
        %dma_start3A_20 = tpu.memref_slice %arg6[%dma_start3A, %dma_start3A_19] : memref<10000x32xf32, #tpu.memory_space<vmem_shared>> -> memref<10000x32xf32, #tpu.memory_space<vmem_shared>>
        tpu.enqueue_indirect_dma source(%arg8 : memref<80x32xf32, #tpu.memory_space<vmem>>) target(%dma_start3A_20 : memref<10000x32xf32, #tpu.memory_space<vmem_shared>>) offsets(%arg7 : memref<80xi32, #tpu.memory_space<vmem>>) semaphore(%run_scoped3A : memref<!tpu.dma_semaphore, #tpu.memory_space<semaphore_mem>>) {add = true}
        %dma_wait3A = arith.constant 0 : i32
        %dma_wait3A_21 = arith.constant 0 : i32
        %dma_wait3A_22 = tpu.memref_slice %arg6[%dma_wait3A, %dma_wait3A_21] : memref<10000x32xf32, #tpu.memory_space<vmem_shared>> -> memref<10000x32xf32, #tpu.memory_space<vmem_shared>>
        tpu.wait_indirect_dma semaphore(%run_scoped3A : memref<!tpu.dma_semaphore, #tpu.memory_space<semaphore_mem>>) src(%arg8 : memref<80x32xf32, #tpu.memory_space<vmem>>) dst(%dma_wait3A_22 : memref<10000x32xf32, #tpu.memory_space<vmem_shared>>)
        tpu.yield
      }) : () -> ()
    }
    %scan3A_9 = arith.constant 125 : i32
    %barrier3A_10 = arith.constant 0 : index
    tpu.barrier barrier_id(%barrier3A_10)
    %mul3A_11 = arith.constant 625 : i32
    %mul3A_12 = arith.muli %arg1, %mul3A_11 : i32
    %mul3A_13 = arith.constant 625 : i32
    %mul3A_14 = arith.muli %arg1, %mul3A_13 : i32
    "tpu.region"() ({
      %run_scoped3A = tpu.sem_alloc : memref<!tpu.dma_semaphore, #tpu.memory_space<semaphore_mem>>
      %dma_start3A = arith.constant 0 : i32
      %dma_start3A_15 = tpu.memref_slice %arg5[%arg0, %mul3A_14, %dma_start3A] : memref<2x10000x32xf32, #tpu.memory_space<hbm>> -> memref<1x625x32xf32, #tpu.memory_space<hbm>>
      %dma_start3A_16 = tpu.memref_squeeze %dma_start3A_15 : memref<1x625x32xf32, #tpu.memory_space<hbm>> -> memref<625x32xf32, #tpu.memory_space<hbm>>
      %dma_start3A_17 = arith.constant 0 : i32
      %dma_start3A_18 = tpu.memref_slice %arg6[%mul3A_12, %dma_start3A_17] : memref<10000x32xf32, #tpu.memory_space<vmem_shared>> -> memref<625x32xf32, #tpu.memory_space<vmem_shared>>
      tpu.enqueue_dma source(%dma_start3A_18 : memref<625x32xf32, #tpu.memory_space<vmem_shared>>) target(%dma_start3A_16 : memref<625x32xf32, #tpu.memory_space<hbm>>) target_semaphore(%run_scoped3A : memref<!tpu.dma_semaphore, #tpu.memory_space<semaphore_mem>>)
      %dma_wait3A = arith.constant 0 : i32
      %dma_wait3A_19 = tpu.memref_slice %arg5[%arg0, %mul3A_14, %dma_wait3A] : memref<2x10000x32xf32, #tpu.memory_space<hbm>> -> memref<1x625x32xf32, #tpu.memory_space<hbm>>
      %dma_wait3A_20 = tpu.memref_squeeze %dma_wait3A_19 : memref<1x625x32xf32, #tpu.memory_space<hbm>> -> memref<625x32xf32, #tpu.memory_space<hbm>>
      %dma_wait3A_21 = arith.constant 0 : i32
      %dma_wait3A_22 = tpu.memref_slice %arg6[%mul3A_12, %dma_wait3A_21] : memref<10000x32xf32, #tpu.memory_space<vmem_shared>> -> memref<625x32xf32, #tpu.memory_space<vmem_shared>>
      tpu.wait_dma2 semaphore(%run_scoped3A : memref<!tpu.dma_semaphore, #tpu.memory_space<semaphore_mem>>) src(%dma_wait3A_22 : memref<625x32xf32, #tpu.memory_space<vmem_shared>>) dst(%dma_wait3A_20 : memref<625x32xf32, #tpu.memory_space<hbm>>)
      tpu.yield
    }) : () -> ()
    return
  }
}

module attributes {stable_mosaic.version = 14 : i64} {
  func.func @body(%arg0: i32, %arg1: memref<1000x128xf32, #tpu.memory_space<vmem>>, %arg2: memref<128x64xf32, #tpu.memory_space<vmem>>, %arg3: memref<1x64xf32, #tpu.memory_space<vmem>>, %arg4: memref<128x64xf32, #tpu.memory_space<vmem>>, %arg5: memref<1x64xf32, #tpu.memory_space<vmem>>, %arg6: memref<1000x64xf32, #tpu.memory_space<vmem>>, %arg7: memref<1000x64xf32, #tpu.memory_space<vmem>>) attributes {dimension_semantics = [#tpu.dimension_semantics<arbitrary>], iteration_bounds = array<i64: 10>, scalar_prefetch = 0 : i64, scratch_operands = 0 : i64, tpu.core_type = #tpu.core_type<tc>, window_params = [{transform_indices = @transform_0, window_bounds = array<i64: 1000, 128>}, {pipeline_mode = #tpu.pipeline_mode<synchronous>, transform_indices = @transform_1, window_bounds = array<i64: 128, 64>}, {pipeline_mode = #tpu.pipeline_mode<synchronous>, transform_indices = @transform_2, window_bounds = array<i64: 1, 64>}, {pipeline_mode = #tpu.pipeline_mode<synchronous>, transform_indices = @transform_3, window_bounds = array<i64: 128, 64>}, {pipeline_mode = #tpu.pipeline_mode<synchronous>, transform_indices = @transform_4, window_bounds = array<i64: 1, 64>}, {transform_indices = @transform_5, window_bounds = array<i64: 1000, 64>}, {transform_indices = @transform_6, window_bounds = array<i64: 1000, 64>}]} {
    %get3A = arith.constant 0 : index
    %get3A_0 = arith.constant 0 : index
    %get3A_1 = vector.load %arg1[%get3A, %get3A_0] : memref<1000x128xf32, #tpu.memory_space<vmem>>, vector<1000x128xf32>
    %get3A_2 = arith.constant 0 : index
    %get3A_3 = arith.constant 0 : index
    %get3A_4 = vector.load %arg2[%get3A_2, %get3A_3] : memref<128x64xf32, #tpu.memory_space<vmem>>, vector<128x64xf32>
    %dot_general3A = arith.constant dense<0.000000e+00> : vector<1000x64xf32>
    %dot_general3A_5 = tpu.matmul %get3A_1, %get3A_4, %dot_general3A {dimension_numbers = #tpu.dot_dimension_numbers<[1], [0], [0], [1], [0, 0, 1, 1], [], []>, transpose_lhs_hint = false} : vector<1000x128xf32>, vector<128x64xf32>, vector<1000x64xf32> -> vector<1000x64xf32>
    %get3A_6 = arith.constant 0 : index
    %get3A_7 = arith.constant 0 : index
    %get3A_8 = vector.load %arg3[%get3A_6, %get3A_7] : memref<1x64xf32, #tpu.memory_space<vmem>>, vector<1x64xf32>
    %add3A = vector.broadcast %get3A_8 : vector<1x64xf32> to vector<1000x64xf32>
    %add3A_9 = arith.addf %dot_general3A_5, %add3A : vector<1000x64xf32>
    %swap3A = arith.constant 0 : index
    %swap3A_10 = arith.constant 0 : index
    %swap3A_11 = vector.load %arg6[%swap3A, %swap3A_10] : memref<1000x64xf32, #tpu.memory_space<vmem>>, vector<1000x64xf32>
    tpu.vector_store %arg6[%swap3A, %swap3A_10], %add3A_9 {strides = array<i32>} : memref<1000x64xf32, #tpu.memory_space<vmem>>, vector<1000x64xf32>,
    %get3A_12 = arith.constant 0 : index
    %get3A_13 = arith.constant 0 : index
    %get3A_14 = vector.load %arg4[%get3A_12, %get3A_13] : memref<128x64xf32, #tpu.memory_space<vmem>>, vector<128x64xf32>
    %dot_general3A_15 = arith.constant dense<0.000000e+00> : vector<1000x64xf32>
    %dot_general3A_16 = tpu.matmul %get3A_1, %get3A_14, %dot_general3A_15 {dimension_numbers = #tpu.dot_dimension_numbers<[1], [0], [0], [1], [0, 0, 1, 1], [], []>, transpose_lhs_hint = false} : vector<1000x128xf32>, vector<128x64xf32>, vector<1000x64xf32> -> vector<1000x64xf32>
    %get3A_17 = arith.constant 0 : index
    %get3A_18 = arith.constant 0 : index
    %get3A_19 = vector.load %arg5[%get3A_17, %get3A_18] : memref<1x64xf32, #tpu.memory_space<vmem>>, vector<1x64xf32>
    %add3A_20 = vector.broadcast %get3A_19 : vector<1x64xf32> to vector<1000x64xf32>
    %add3A_21 = arith.addf %dot_general3A_16, %add3A_20 : vector<1000x64xf32>
    %swap3A_22 = arith.constant 0 : index
    %swap3A_23 = arith.constant 0 : index
    %swap3A_24 = vector.load %arg7[%swap3A_22, %swap3A_23] : memref<1000x64xf32, #tpu.memory_space<vmem>>, vector<1000x64xf32>
    tpu.vector_store %arg7[%swap3A_22, %swap3A_23], %add3A_21 {strides = array<i32>} : memref<1000x64xf32, #tpu.memory_space<vmem>>, vector<1000x64xf32>,
    return
  }
  func.func @transform_0(%arg0: i32) -> (i32, i32) {
    %c0_i32 = arith.constant 0 : i32
    %c0_i32_0 = arith.constant 0 : i32
    return %arg0, %c0_i32 : i32, i32
  }
  func.func @transform_1(%arg0: i32) -> (i32, i32) {
    %c0_i32 = arith.constant 0 : i32
    %c0_i32_0 = arith.constant 0 : i32
    %c0_i32_1 = arith.constant 0 : i32
    return %c0_i32, %c0_i32_0 : i32, i32
  }
  func.func @transform_2(%arg0: i32) -> (i32, i32) {
    %c0_i32 = arith.constant 0 : i32
    %c0_i32_0 = arith.constant 0 : i32
    %c0_i32_1 = arith.constant 0 : i32
    return %c0_i32, %c0_i32_0 : i32, i32
  }
  func.func @transform_3(%arg0: i32) -> (i32, i32) {
    %c0_i32 = arith.constant 0 : i32
    %c0_i32_0 = arith.constant 0 : i32
    %c0_i32_1 = arith.constant 0 : i32
    return %c0_i32, %c0_i32_0 : i32, i32
  }
  func.func @transform_4(%arg0: i32) -> (i32, i32) {
    %c0_i32 = arith.constant 0 : i32
    %c0_i32_0 = arith.constant 0 : i32
    %c0_i32_1 = arith.constant 0 : i32
    return %c0_i32, %c0_i32_0 : i32, i32
  }
  func.func @transform_5(%arg0: i32) -> (i32, i32) {
    %c0_i32 = arith.constant 0 : i32
    %c0_i32_0 = arith.constant 0 : i32
    return %arg0, %c0_i32 : i32, i32
  }
  func.func @transform_6(%arg0: i32) -> (i32, i32) {
    %c0_i32 = arith.constant 0 : i32
    %c0_i32_0 = arith.constant 0 : i32
    return %arg0, %c0_i32 : i32, i32
  }
}

module attributes {stable_mosaic.version = 14 : i64} {
  func.func @body(%arg0: i32, %arg1: memref<4000x64xf32, #tpu.memory_space<vmem>>, %arg2: memref<4000x64xf32, #tpu.memory_space<vmem>>, %arg3: memref<4000x16xf32, #tpu.memory_space<vmem>>, %arg4: memref<16x64xf32, #tpu.memory_space<vmem>>, %arg5: memref<1x64xf32, #tpu.memory_space<vmem>>, %arg6: memref<64x16xf32, #tpu.memory_space<vmem>>, %arg7: memref<1x16xf32, #tpu.memory_space<vmem>>, %arg8: memref<4000x16xf32, #tpu.memory_space<vmem>>, %arg9: memref<4000x16xf32, #tpu.memory_space<vmem>>) attributes {dimension_semantics = [#tpu.dimension_semantics<arbitrary>], iteration_bounds = array<i64: 80>, scalar_prefetch = 0 : i64, scratch_operands = 0 : i64, tpu.core_type = #tpu.core_type<tc>, window_params = [{transform_indices = @transform_0, window_bounds = array<i64: 4000, 64>}, {transform_indices = @transform_1, window_bounds = array<i64: 4000, 64>}, {transform_indices = @transform_2, window_bounds = array<i64: 4000, 16>}, {pipeline_mode = #tpu.pipeline_mode<synchronous>, transform_indices = @transform_3, window_bounds = array<i64: 16, 64>}, {pipeline_mode = #tpu.pipeline_mode<synchronous>, transform_indices = @transform_4, window_bounds = array<i64: 1, 64>}, {pipeline_mode = #tpu.pipeline_mode<synchronous>, transform_indices = @transform_5, window_bounds = array<i64: 64, 16>}, {pipeline_mode = #tpu.pipeline_mode<synchronous>, transform_indices = @transform_6, window_bounds = array<i64: 1, 16>}, {transform_indices = @transform_7, window_bounds = array<i64: 4000, 16>}, {transform_indices = @transform_8, window_bounds = array<i64: 4000, 16>}]} {
    %get3A = arith.constant 0 : index
    %get3A_0 = arith.constant 0 : index
    %get3A_1 = vector.load %arg1[%get3A, %get3A_0] : memref<4000x64xf32, #tpu.memory_space<vmem>>, vector<4000x64xf32>
    %get3A_2 = arith.constant 0 : index
    %get3A_3 = arith.constant 0 : index
    %get3A_4 = vector.load %arg2[%get3A_2, %get3A_3] : memref<4000x64xf32, #tpu.memory_space<vmem>>, vector<4000x64xf32>
    %add3A = arith.addf %get3A_1, %get3A_4 : vector<4000x64xf32>
    %get3A_5 = arith.constant 0 : index
    %get3A_6 = arith.constant 0 : index
    %get3A_7 = vector.load %arg3[%get3A_5, %get3A_6] : memref<4000x16xf32, #tpu.memory_space<vmem>>, vector<4000x16xf32>
    %get3A_8 = arith.constant 0 : index
    %get3A_9 = arith.constant 0 : index
    %get3A_10 = vector.load %arg4[%get3A_8, %get3A_9] : memref<16x64xf32, #tpu.memory_space<vmem>>, vector<16x64xf32>
    %dot_general3A = arith.constant dense<0.000000e+00> : vector<4000x64xf32>
    %dot_general3A_11 = tpu.matmul %get3A_7, %get3A_10, %dot_general3A {dimension_numbers = #tpu.dot_dimension_numbers<[1], [0], [0], [1], [0, 0, 1, 1], [], []>, transpose_lhs_hint = false} : vector<4000x16xf32>, vector<16x64xf32>, vector<4000x64xf32> -> vector<4000x64xf32>
    %add3A_12 = arith.addf %add3A, %dot_general3A_11 : vector<4000x64xf32>
    %ge3A = arith.constant 0.000000e+00 : f32
    %ge3A_13 = vector.broadcast %ge3A : f32 to vector<4000x64xf32>
    %ge3A_14 = arith.cmpf oge, %add3A_12, %ge3A_13 : vector<4000x64xf32>
    %mul3A = arith.constant 2.000000e-01 : f32
    %mul3A_15 = vector.broadcast %mul3A : f32 to vector<4000x64xf32>
    %mul3A_16 = arith.mulf %mul3A_15, %add3A_12 : vector<4000x64xf32>
    %select_n3A = arith.select %ge3A_14, %add3A_12, %mul3A_16 : vector<4000x64xi1>, vector<4000x64xf32>
    %get3A_17 = arith.constant 0 : index
    %get3A_18 = arith.constant 0 : index
    %get3A_19 = vector.load %arg5[%get3A_17, %get3A_18] : memref<1x64xf32, #tpu.memory_space<vmem>>, vector<1x64xf32>
    %mul3A_20 = vector.broadcast %get3A_19 : vector<1x64xf32> to vector<4000x64xf32>
    %mul3A_21 = arith.mulf %select_n3A, %mul3A_20 : vector<4000x64xf32>
    %get3A_22 = arith.constant 0 : index
    %get3A_23 = arith.constant 0 : index
    %get3A_24 = vector.load %arg6[%get3A_22, %get3A_23] : memref<64x16xf32, #tpu.memory_space<vmem>>, vector<64x16xf32>
    %dot_general3A_25 = arith.constant dense<0.000000e+00> : vector<4000x16xf32>
    %dot_general3A_26 = tpu.matmul %mul3A_21, %get3A_24, %dot_general3A_25 {dimension_numbers = #tpu.dot_dimension_numbers<[1], [0], [0], [1], [0, 0, 1, 1], [], []>, transpose_lhs_hint = false} : vector<4000x64xf32>, vector<64x16xf32>, vector<4000x16xf32> -> vector<4000x16xf32>
    %add3A_27 = arith.constant 5.000000e-01 : f32
    %add3A_28 = vector.broadcast %add3A_27 : f32 to vector<4000x16xf32>
    %add3A_29 = arith.addf %dot_general3A_26, %add3A_28 : vector<4000x16xf32>
    %floor3A = math.floor %add3A_29 : vector<4000x16xf32>
    %jit3A = arith.constant -1.200000e+02 : f32
    %jit3A_30 = arith.constant 1.000000e+02 : f32
    %max3A = vector.broadcast %jit3A : f32 to vector<4000x16xf32>
    %max3A_31 = arith.maximumf %max3A, %floor3A : vector<4000x16xf32>
    %min3A = vector.broadcast %jit3A_30 : f32 to vector<4000x16xf32>
    %min3A_32 = arith.minimumf %min3A, %max3A_31 : vector<4000x16xf32>
    %swap3A = arith.constant 0 : index
    %swap3A_33 = arith.constant 0 : index
    %swap3A_34 = vector.load %arg8[%swap3A, %swap3A_33] : memref<4000x16xf32, #tpu.memory_space<vmem>>, vector<4000x16xf32>
    tpu.vector_store %arg8[%swap3A, %swap3A_33], %dot_general3A_26 {strides = array<i32>} : memref<4000x16xf32, #tpu.memory_space<vmem>>, vector<4000x16xf32>,
    %exp23A = math.exp2 %min3A_32 : vector<4000x16xf32>
    %get3A_35 = arith.constant 0 : index
    %get3A_36 = arith.constant 0 : index
    %get3A_37 = vector.load %arg7[%get3A_35, %get3A_36] : memref<1x16xf32, #tpu.memory_space<vmem>>, vector<1x16xf32>
    %mul3A_38 = vector.broadcast %get3A_37 : vector<1x16xf32> to vector<4000x16xf32>
    %mul3A_39 = arith.mulf %exp23A, %mul3A_38 : vector<4000x16xf32>
    %swap3A_40 = arith.constant 0 : index
    %swap3A_41 = arith.constant 0 : index
    %swap3A_42 = vector.load %arg9[%swap3A_40, %swap3A_41] : memref<4000x16xf32, #tpu.memory_space<vmem>>, vector<4000x16xf32>
    tpu.vector_store %arg9[%swap3A_40, %swap3A_41], %mul3A_39 {strides = array<i32>} : memref<4000x16xf32, #tpu.memory_space<vmem>>, vector<4000x16xf32>,
    return
  }
  func.func @transform_0(%arg0: i32) -> (i32, i32) {
    %c0_i32 = arith.constant 0 : i32
    %c0_i32_0 = arith.constant 0 : i32
    return %arg0, %c0_i32 : i32, i32
  }
  func.func @transform_1(%arg0: i32) -> (i32, i32) {
    %c0_i32 = arith.constant 0 : i32
    %c0_i32_0 = arith.constant 0 : i32
    return %arg0, %c0_i32 : i32, i32
  }
  func.func @transform_2(%arg0: i32) -> (i32, i32) {
    %c0_i32 = arith.constant 0 : i32
    %c0_i32_0 = arith.constant 0 : i32
    return %arg0, %c0_i32 : i32, i32
  }
  func.func @transform_3(%arg0: i32) -> (i32, i32) {
    %c0_i32 = arith.constant 0 : i32
    %c0_i32_0 = arith.constant 0 : i32
    %c0_i32_1 = arith.constant 0 : i32
    return %c0_i32, %c0_i32_0 : i32, i32
  }
  func.func @transform_4(%arg0: i32) -> (i32, i32) {
    %c0_i32 = arith.constant 0 : i32
    %c0_i32_0 = arith.constant 0 : i32
    %c0_i32_1 = arith.constant 0 : i32
    return %c0_i32, %c0_i32_0 : i32, i32
  }
  func.func @transform_5(%arg0: i32) -> (i32, i32) {
    %c0_i32 = arith.constant 0 : i32
    %c0_i32_0 = arith.constant 0 : i32
    %c0_i32_1 = arith.constant 0 : i32
    return %c0_i32, %c0_i32_0 : i32, i32
  }
  func.func @transform_6(%arg0: i32) -> (i32, i32) {
    %c0_i32 = arith.constant 0 : i32
    %c0_i32_0 = arith.constant 0 : i32
    %c0_i32_1 = arith.constant 0 : i32
    return %c0_i32, %c0_i32_0 : i32, i32
  }
  func.func @transform_7(%arg0: i32) -> (i32, i32) {
    %c0_i32 = arith.constant 0 : i32
    %c0_i32_0 = arith.constant 0 : i32
    return %arg0, %c0_i32 : i32, i32
  }
  func.func @transform_8(%arg0: i32) -> (i32, i32) {
    %c0_i32 = arith.constant 0 : i32
    %c0_i32_0 = arith.constant 0 : i32
    return %arg0, %c0_i32 : i32, i32
  }
}

module attributes {stable_mosaic.version = 14 : i64} {
  func.func @body(%arg0: i32, %arg1: memref<2x2000x16xf32, #tpu.memory_space<vmem>>, %arg2: memref<2000x16xf32, #tpu.memory_space<vmem>>) attributes {dimension_semantics = [#tpu.dimension_semantics<arbitrary>], iteration_bounds = array<i64: 5>, scalar_prefetch = 0 : i64, scratch_operands = 0 : i64, tpu.core_type = #tpu.core_type<tc>, window_params = [{transform_indices = @transform_0, window_bounds = array<i64: 2, 2000, 16>}, {transform_indices = @transform_1, window_bounds = array<i64: 2000, 16>}]} {
    %get3A = arith.constant 0 : index
    %get3A_0 = arith.constant 0 : index
    %get3A_1 = arith.constant 0 : index
    %get3A_2 = vector.load %arg1[%get3A, %get3A_0, %get3A_1] : memref<2x2000x16xf32, #tpu.memory_space<vmem>>, vector<1x2000x16xf32>
    %get3A_3 = vector.shape_cast %get3A_2 : vector<1x2000x16xf32> to vector<2000x16xf32>
    %get3A_4 = arith.constant 1 : index
    %get3A_5 = arith.constant 0 : index
    %get3A_6 = arith.constant 0 : index
    %get3A_7 = vector.load %arg1[%get3A_4, %get3A_5, %get3A_6] : memref<2x2000x16xf32, #tpu.memory_space<vmem>>, vector<1x2000x16xf32>
    %get3A_8 = vector.shape_cast %get3A_7 : vector<1x2000x16xf32> to vector<2000x16xf32>
    %add3A = arith.addf %get3A_3, %get3A_8 : vector<2000x16xf32>
    %gt3A = arith.constant 0.000000e+00 : f32
    %gt3A_9 = vector.broadcast %gt3A : f32 to vector<2000x16xf32>
    %gt3A_10 = arith.cmpf ogt, %add3A, %gt3A_9 : vector<2000x16xf32>
    %max3A = arith.constant 9.99999935E-39 : f32
    %max3A_11 = vector.broadcast %max3A : f32 to vector<2000x16xf32>
    %max3A_12 = arith.maximumf %add3A, %max3A_11 : vector<2000x16xf32>
    %log3A = math.log %max3A_12 : vector<2000x16xf32>
    %log3A_13 = arith.constant 2.000000e+00 : f32
    %log3A_14 = math.log %log3A_13 : f32
    %div3A = vector.broadcast %log3A_14 : f32 to vector<2000x16xf32>
    %div3A_15 = arith.divf %log3A, %div3A : vector<2000x16xf32>
    %floor3A = math.floor %div3A_15 : vector<2000x16xf32>
    %jit3A = arith.constant 0.000000e+00 : f32
    %broadcast_in_dim3A = vector.broadcast %jit3A : f32 to vector<2000x16xf32>
    %select_n3A = arith.select %gt3A_10, %floor3A, %broadcast_in_dim3A : vector<2000x16xi1>, vector<2000x16xf32>
    %swap3A = arith.constant 0 : index
    %swap3A_16 = arith.constant 0 : index
    %swap3A_17 = vector.load %arg2[%swap3A, %swap3A_16] : memref<2000x16xf32, #tpu.memory_space<vmem>>, vector<2000x16xf32>
    tpu.vector_store %arg2[%swap3A, %swap3A_16], %select_n3A {strides = array<i32>} : memref<2000x16xf32, #tpu.memory_space<vmem>>, vector<2000x16xf32>,
    return
  }
  func.func @transform_0(%arg0: i32) -> (i32, i32, i32) {
    %c0_i32 = arith.constant 0 : i32
    %c0_i32_0 = arith.constant 0 : i32
    %c0_i32_1 = arith.constant 0 : i32
    return %c0_i32, %arg0, %c0_i32_0 : i32, i32, i32
  }
  func.func @transform_1(%arg0: i32) -> (i32, i32) {
    %c0_i32 = arith.constant 0 : i32
    %c0_i32_0 = arith.constant 0 : i32
    return %arg0, %c0_i32 : i32, i32
  }
}

module attributes {stable_mosaic.version = 14 : i64} {
  func.func @body(%arg0: i32, %arg1: memref<4000x16xf32, #tpu.memory_space<vmem>>, %arg2: memref<4000x16xf32, #tpu.memory_space<vmem>>, %arg3: memref<4000x64xf32, #tpu.memory_space<vmem>>, %arg4: memref<16x64xf32, #tpu.memory_space<vmem>>, %arg5: memref<1x16xf32, #tpu.memory_space<vmem>>, %arg6: memref<4000x80xf32, #tpu.memory_space<vmem>>) attributes {dimension_semantics = [#tpu.dimension_semantics<arbitrary>], iteration_bounds = array<i64: 80>, scalar_prefetch = 0 : i64, scratch_operands = 0 : i64, tpu.core_type = #tpu.core_type<tc>, window_params = [{transform_indices = @transform_0, window_bounds = array<i64: 4000, 16>}, {transform_indices = @transform_1, window_bounds = array<i64: 4000, 16>}, {transform_indices = @transform_2, window_bounds = array<i64: 4000, 64>}, {pipeline_mode = #tpu.pipeline_mode<synchronous>, transform_indices = @transform_3, window_bounds = array<i64: 16, 64>}, {pipeline_mode = #tpu.pipeline_mode<synchronous>, transform_indices = @transform_4, window_bounds = array<i64: 1, 16>}, {transform_indices = @transform_5, window_bounds = array<i64: 4000, 80>}]} {
    %get3A = arith.constant 0 : index
    %get3A_0 = arith.constant 0 : index
    %get3A_1 = vector.load %arg1[%get3A, %get3A_0] : memref<4000x16xf32, #tpu.memory_space<vmem>>, vector<4000x16xf32>
    %get3A_2 = arith.constant 0 : index
    %get3A_3 = arith.constant 0 : index
    %get3A_4 = vector.load %arg2[%get3A_2, %get3A_3] : memref<4000x16xf32, #tpu.memory_space<vmem>>, vector<4000x16xf32>
    %sub3A = arith.subf %get3A_1, %get3A_4 : vector<4000x16xf32>
    %exp3A = math.exp %sub3A : vector<4000x16xf32>
    %get3A_5 = arith.constant 0 : index
    %get3A_6 = arith.constant 0 : index
    %get3A_7 = vector.load %arg5[%get3A_5, %get3A_6] : memref<1x16xf32, #tpu.memory_space<vmem>>, vector<1x16xf32>
    %mul3A = vector.broadcast %get3A_7 : vector<1x16xf32> to vector<4000x16xf32>
    %mul3A_8 = arith.mulf %exp3A, %mul3A : vector<4000x16xf32>
    %get3A_9 = arith.constant 0 : index
    %get3A_10 = arith.constant 0 : index
    %get3A_11 = vector.load %arg4[%get3A_9, %get3A_10] : memref<16x64xf32, #tpu.memory_space<vmem>>, vector<16x64xf32>
    %dot_general3A = arith.constant dense<0.000000e+00> : vector<4000x64xf32>
    %dot_general3A_12 = tpu.matmul %mul3A_8, %get3A_11, %dot_general3A {dimension_numbers = #tpu.dot_dimension_numbers<[1], [0], [0], [1], [0, 0, 1, 1], [], []>, transpose_lhs_hint = false} : vector<4000x16xf32>, vector<16x64xf32>, vector<4000x64xf32> -> vector<4000x64xf32>
    %get3A_13 = arith.constant 0 : index
    %get3A_14 = arith.constant 0 : index
    %get3A_15 = vector.load %arg3[%get3A_13, %get3A_14] : memref<4000x64xf32, #tpu.memory_space<vmem>>, vector<4000x64xf32>
    %mul3A_16 = arith.mulf %get3A_15, %dot_general3A_12 : vector<4000x64xf32>
    %concatenate3A = tpu.concatenate %mul3A_8, %mul3A_16 in 1 : vector<4000x16xf32>, vector<4000x64xf32> -> vector<4000x80xf32>
    %swap3A = arith.constant 0 : index
    %swap3A_17 = arith.constant 0 : index
    %swap3A_18 = vector.load %arg6[%swap3A, %swap3A_17] : memref<4000x80xf32, #tpu.memory_space<vmem>>, vector<4000x80xf32>
    tpu.vector_store %arg6[%swap3A, %swap3A_17], %concatenate3A {strides = array<i32>} : memref<4000x80xf32, #tpu.memory_space<vmem>>, vector<4000x80xf32>,
    return
  }
  func.func @transform_0(%arg0: i32) -> (i32, i32) {
    %c0_i32 = arith.constant 0 : i32
    %c0_i32_0 = arith.constant 0 : i32
    return %arg0, %c0_i32 : i32, i32
  }
  func.func @transform_1(%arg0: i32) -> (i32, i32) {
    %c0_i32 = arith.constant 0 : i32
    %c0_i32_0 = arith.constant 0 : i32
    return %arg0, %c0_i32 : i32, i32
  }
  func.func @transform_2(%arg0: i32) -> (i32, i32) {
    %c0_i32 = arith.constant 0 : i32
    %c0_i32_0 = arith.constant 0 : i32
    return %arg0, %c0_i32 : i32, i32
  }
  func.func @transform_3(%arg0: i32) -> (i32, i32) {
    %c0_i32 = arith.constant 0 : i32
    %c0_i32_0 = arith.constant 0 : i32
    %c0_i32_1 = arith.constant 0 : i32
    return %c0_i32, %c0_i32_0 : i32, i32
  }
  func.func @transform_4(%arg0: i32) -> (i32, i32) {
    %c0_i32 = arith.constant 0 : i32
    %c0_i32_0 = arith.constant 0 : i32
    %c0_i32_1 = arith.constant 0 : i32
    return %c0_i32, %c0_i32_0 : i32, i32
  }
  func.func @transform_5(%arg0: i32) -> (i32, i32) {
    %c0_i32 = arith.constant 0 : i32
    %c0_i32_0 = arith.constant 0 : i32
    return %arg0, %c0_i32 : i32, i32
  }
}

module attributes {stable_mosaic.version = 14 : i64} {
  func.func @body(%arg0: i32, %arg1: memref<2x1000x80xf32, #tpu.memory_space<vmem>>, %arg2: memref<16x64xf32, #tpu.memory_space<vmem>>, %arg3: memref<64x8xf32, #tpu.memory_space<vmem>>, %arg4: memref<1x8xf32, #tpu.memory_space<vmem>>, %arg5: memref<1000x8xf32, #tpu.memory_space<vmem>>, %arg6: memref<1000x16xf32, #tpu.memory_space<vmem>>) attributes {dimension_semantics = [#tpu.dimension_semantics<arbitrary>], iteration_bounds = array<i64: 10>, scalar_prefetch = 0 : i64, scratch_operands = 0 : i64, tpu.core_type = #tpu.core_type<tc>, window_params = [{transform_indices = @transform_0, window_bounds = array<i64: 2, 1000, 80>}, {pipeline_mode = #tpu.pipeline_mode<synchronous>, transform_indices = @transform_1, window_bounds = array<i64: 16, 64>}, {pipeline_mode = #tpu.pipeline_mode<synchronous>, transform_indices = @transform_2, window_bounds = array<i64: 64, 8>}, {pipeline_mode = #tpu.pipeline_mode<synchronous>, transform_indices = @transform_3, window_bounds = array<i64: 1, 8>}, {transform_indices = @transform_4, window_bounds = array<i64: 1000, 8>}, {transform_indices = @transform_5, window_bounds = array<i64: 1000, 16>}]} {
    %get3A = arith.constant 0 : index
    %get3A_0 = arith.constant 0 : index
    %get3A_1 = arith.constant 0 : index
    %get3A_2 = vector.load %arg1[%get3A, %get3A_0, %get3A_1] : memref<2x1000x80xf32, #tpu.memory_space<vmem>>, vector<1x1000x80xf32>
    %get3A_3 = vector.shape_cast %get3A_2 : vector<1x1000x80xf32> to vector<1000x80xf32>
    %get3A_4 = arith.constant 1 : index
    %get3A_5 = arith.constant 0 : index
    %get3A_6 = arith.constant 0 : index
    %get3A_7 = vector.load %arg1[%get3A_4, %get3A_5, %get3A_6] : memref<2x1000x80xf32, #tpu.memory_space<vmem>>, vector<1x1000x80xf32>
    %get3A_8 = vector.shape_cast %get3A_7 : vector<1x1000x80xf32> to vector<1000x80xf32>
    %add3A = arith.addf %get3A_3, %get3A_8 : vector<1000x80xf32>
    %slice3A = vector.extract_strided_slice %add3A {offsets = [0, 0], sizes = [1000, 16], strides = [1, 1]} : vector<1000x80xf32> to vector<1000x16xf32>
    %slice3A_9 = vector.extract_strided_slice %add3A {offsets = [0, 16], sizes = [1000, 64], strides = [1, 1]} : vector<1000x80xf32> to vector<1000x64xf32>
    %get3A_10 = arith.constant 0 : index
    %get3A_11 = arith.constant 0 : index
    %get3A_12 = vector.load %arg2[%get3A_10, %get3A_11] : memref<16x64xf32, #tpu.memory_space<vmem>>, vector<16x64xf32>
    %dot_general3A = arith.constant dense<0.000000e+00> : vector<1000x64xf32>
    %dot_general3A_13 = tpu.matmul %slice3A, %get3A_12, %dot_general3A {dimension_numbers = #tpu.dot_dimension_numbers<[1], [0], [0], [1], [0, 0, 1, 1], [], []>, transpose_lhs_hint = false} : vector<1000x16xf32>, vector<16x64xf32>, vector<1000x64xf32> -> vector<1000x64xf32>
    %gt3A = arith.constant 0.000000e+00 : f32
    %gt3A_14 = vector.broadcast %gt3A : f32 to vector<1000x64xf32>
    %gt3A_15 = arith.cmpf ogt, %dot_general3A_13, %gt3A_14 : vector<1000x64xf32>
    %gt3A_16 = arith.constant 0.000000e+00 : f32
    %gt3A_17 = vector.broadcast %gt3A_16 : f32 to vector<1000x64xf32>
    %gt3A_18 = arith.cmpf ogt, %dot_general3A_13, %gt3A_17 : vector<1000x64xf32>
    %jit3A = arith.constant 1.000000e+00 : f32
    %broadcast_in_dim3A = vector.broadcast %jit3A : f32 to vector<1000x64xf32>
    %select_n3A = arith.select %gt3A_18, %dot_general3A_13, %broadcast_in_dim3A : vector<1000x64xi1>, vector<1000x64xf32>
    %div3A = arith.divf %slice3A_9, %select_n3A : vector<1000x64xf32>
    %jit3A_19 = arith.constant 0.000000e+00 : f32
    %broadcast_in_dim3A_20 = vector.broadcast %jit3A_19 : f32 to vector<1000x64xf32>
    %select_n3A_21 = arith.select %gt3A_15, %div3A, %broadcast_in_dim3A_20 : vector<1000x64xi1>, vector<1000x64xf32>
    %get3A_22 = arith.constant 0 : index
    %get3A_23 = arith.constant 0 : index
    %get3A_24 = vector.load %arg3[%get3A_22, %get3A_23] : memref<64x8xf32, #tpu.memory_space<vmem>>, vector<64x8xf32>
    %dot_general3A_25 = arith.constant dense<0.000000e+00> : vector<1000x8xf32>
    %dot_general3A_26 = tpu.matmul %select_n3A_21, %get3A_24, %dot_general3A_25 {dimension_numbers = #tpu.dot_dimension_numbers<[1], [0], [0], [1], [0, 0, 1, 1], [], []>, transpose_lhs_hint = false} : vector<1000x64xf32>, vector<64x8xf32>, vector<1000x8xf32> -> vector<1000x8xf32>
    %get3A_27 = arith.constant 0 : index
    %get3A_28 = arith.constant 0 : index
    %get3A_29 = vector.load %arg4[%get3A_27, %get3A_28] : memref<1x8xf32, #tpu.memory_space<vmem>>, vector<1x8xf32>
    %add3A_30 = vector.broadcast %get3A_29 : vector<1x8xf32> to vector<1000x8xf32>
    %add3A_31 = arith.addf %dot_general3A_26, %add3A_30 : vector<1000x8xf32>
    %swap3A = arith.constant 0 : index
    %swap3A_32 = arith.constant 0 : index
    %swap3A_33 = vector.load %arg5[%swap3A, %swap3A_32] : memref<1000x8xf32, #tpu.memory_space<vmem>>, vector<1000x8xf32>
    tpu.vector_store %arg5[%swap3A, %swap3A_32], %add3A_31 {strides = array<i32>} : memref<1000x8xf32, #tpu.memory_space<vmem>>, vector<1000x8xf32>,
    %slice3A_34 = vector.extract_strided_slice %add3A_31 {offsets = [0, 0], sizes = [1000, 5], strides = [1, 1]} : vector<1000x8xf32> to vector<1000x5xf32>
    %mul3A = arith.mulf %slice3A_34, %slice3A_34 : vector<1000x5xf32>
    %broadcast_in_dim3A_35 = arith.constant 1.000000e+00 : f32
    %broadcast_in_dim3A_36 = vector.broadcast %broadcast_in_dim3A_35 : f32 to vector<1000x1xf32>
    %broadcast_in_dim3A_37 = arith.constant 0.000000e+00 : f32
    %broadcast_in_dim3A_38 = vector.broadcast %broadcast_in_dim3A_37 : f32 to vector<1000x5xf32>
    %concatenate3A = tpu.concatenate %slice3A_34, %mul3A, %broadcast_in_dim3A_36, %broadcast_in_dim3A_38 in 1 : vector<1000x5xf32>, vector<1000x5xf32>, vector<1000x1xf32>, vector<1000x5xf32> -> vector<1000x16xf32>
    %swap3A_39 = arith.constant 0 : index
    %swap3A_40 = arith.constant 0 : index
    %swap3A_41 = vector.load %arg6[%swap3A_39, %swap3A_40] : memref<1000x16xf32, #tpu.memory_space<vmem>>, vector<1000x16xf32>
    tpu.vector_store %arg6[%swap3A_39, %swap3A_40], %concatenate3A {strides = array<i32>} : memref<1000x16xf32, #tpu.memory_space<vmem>>, vector<1000x16xf32>,
    return
  }
  func.func @transform_0(%arg0: i32) -> (i32, i32, i32) {
    %c0_i32 = arith.constant 0 : i32
    %c0_i32_0 = arith.constant 0 : i32
    %c0_i32_1 = arith.constant 0 : i32
    return %c0_i32, %arg0, %c0_i32_0 : i32, i32, i32
  }
  func.func @transform_1(%arg0: i32) -> (i32, i32) {
    %c0_i32 = arith.constant 0 : i32
    %c0_i32_0 = arith.constant 0 : i32
    %c0_i32_1 = arith.constant 0 : i32
    return %c0_i32, %c0_i32_0 : i32, i32
  }
  func.func @transform_2(%arg0: i32) -> (i32, i32) {
    %c0_i32 = arith.constant 0 : i32
    %c0_i32_0 = arith.constant 0 : i32
    %c0_i32_1 = arith.constant 0 : i32
    return %c0_i32, %c0_i32_0 : i32, i32
  }
  func.func @transform_3(%arg0: i32) -> (i32, i32) {
    %c0_i32 = arith.constant 0 : i32
    %c0_i32_0 = arith.constant 0 : i32
    %c0_i32_1 = arith.constant 0 : i32
    return %c0_i32, %c0_i32_0 : i32, i32
  }
  func.func @transform_4(%arg0: i32) -> (i32, i32) {
    %c0_i32 = arith.constant 0 : i32
    %c0_i32_0 = arith.constant 0 : i32
    return %arg0, %c0_i32 : i32, i32
  }
  func.func @transform_5(%arg0: i32) -> (i32, i32) {
    %c0_i32 = arith.constant 0 : i32
    %c0_i32_0 = arith.constant 0 : i32
    return %arg0, %c0_i32 : i32, i32
  }
}

module attributes {stable_mosaic.version = 14 : i64} {
  func.func @body(%arg0: i32, %arg1: memref<2x64x16xf32, #tpu.memory_space<vmem>>, %arg2: memref<1x8xf32, #tpu.memory_space<vmem>>, %arg3: memref<1x8xf32, #tpu.memory_space<vmem>>, %arg4: memref<64x16xf32, #tpu.memory_space<vmem>>) attributes {dimension_semantics = [#tpu.dimension_semantics<arbitrary>], iteration_bounds = array<i64: 1>, scalar_prefetch = 0 : i64, scratch_operands = 0 : i64, tpu.core_type = #tpu.core_type<tc>, window_params = [{pipeline_mode = #tpu.pipeline_mode<synchronous>, transform_indices = @transform_0, window_bounds = array<i64: 2, 64, 16>}, {pipeline_mode = #tpu.pipeline_mode<synchronous>, transform_indices = @transform_1, window_bounds = array<i64: 1, 8>}, {pipeline_mode = #tpu.pipeline_mode<synchronous>, transform_indices = @transform_2, window_bounds = array<i64: 1, 8>}, {pipeline_mode = #tpu.pipeline_mode<synchronous>, transform_indices = @transform_3, window_bounds = array<i64: 64, 16>}]} {
    %get3A = arith.constant 0 : index
    %get3A_0 = arith.constant 0 : index
    %get3A_1 = arith.constant 0 : index
    %get3A_2 = vector.load %arg1[%get3A, %get3A_0, %get3A_1] : memref<2x64x16xf32, #tpu.memory_space<vmem>>, vector<1x64x16xf32>
    %get3A_3 = vector.shape_cast %get3A_2 : vector<1x64x16xf32> to vector<64x16xf32>
    %get3A_4 = arith.constant 1 : index
    %get3A_5 = arith.constant 0 : index
    %get3A_6 = arith.constant 0 : index
    %get3A_7 = vector.load %arg1[%get3A_4, %get3A_5, %get3A_6] : memref<2x64x16xf32, #tpu.memory_space<vmem>>, vector<1x64x16xf32>
    %get3A_8 = vector.shape_cast %get3A_7 : vector<1x64x16xf32> to vector<64x16xf32>
    %add3A = arith.addf %get3A_3, %get3A_8 : vector<64x16xf32>
    %slice3A = vector.extract_strided_slice %add3A {offsets = [0, 10], sizes = [64, 1], strides = [1, 1]} : vector<64x16xf32> to vector<64x1xf32>
    %max3A = arith.constant 1.000000e+00 : f32
    %max3A_9 = vector.broadcast %max3A : f32 to vector<64x1xf32>
    %max3A_10 = arith.maximumf %slice3A, %max3A_9 : vector<64x1xf32>
    %slice3A_11 = vector.extract_strided_slice %add3A {offsets = [0, 0], sizes = [64, 5], strides = [1, 1]} : vector<64x16xf32> to vector<64x5xf32>
    %div3A = vector.broadcast %max3A_10 : vector<64x1xf32> to vector<64x5xf32>
    %div3A_12 = arith.divf %slice3A_11, %div3A : vector<64x5xf32>
    %slice3A_13 = vector.extract_strided_slice %add3A {offsets = [0, 5], sizes = [64, 5], strides = [1, 1]} : vector<64x16xf32> to vector<64x5xf32>
    %div3A_14 = vector.broadcast %max3A_10 : vector<64x1xf32> to vector<64x5xf32>
    %div3A_15 = arith.divf %slice3A_13, %div3A_14 : vector<64x5xf32>
    %get3A_16 = arith.constant 0 : index
    %get3A_17 = arith.constant 0 : index
    %get3A_18 = vector.load %arg3[%get3A_16, %get3A_17] : memref<1x8xf32, #tpu.memory_space<vmem>>, vector<1x8xf32>
    %slice3A_19 = vector.extract_strided_slice %get3A_18 {offsets = [0, 0], sizes = [1, 5], strides = [1, 1]} : vector<1x8xf32> to vector<1x5xf32>
    %get3A_20 = arith.constant 0 : index
    %get3A_21 = arith.constant 0 : index
    %get3A_22 = vector.load %arg2[%get3A_20, %get3A_21] : memref<1x8xf32, #tpu.memory_space<vmem>>, vector<1x8xf32>
    %slice3A_23 = vector.extract_strided_slice %get3A_22 {offsets = [0, 0], sizes = [1, 5], strides = [1, 1]} : vector<1x8xf32> to vector<1x5xf32>
    %mul3A = arith.mulf %div3A_12, %div3A_12 : vector<64x5xf32>
    %mul3A_24 = vector.broadcast %slice3A_19 : vector<1x5xf32> to vector<64x5xf32>
    %mul3A_25 = arith.mulf %mul3A, %mul3A_24 : vector<64x5xf32>
    %sub3A = arith.constant 2.000000e+00 : f32
    %sub3A_26 = vector.broadcast %sub3A : f32 to vector<1x5xf32>
    %sub3A_27 = arith.subf %sub3A_26, %slice3A_19 : vector<1x5xf32>
    %mul3A_28 = vector.broadcast %sub3A_27 : vector<1x5xf32> to vector<64x5xf32>
    %mul3A_29 = arith.mulf %mul3A_25, %mul3A_28 : vector<64x5xf32>
    %sub3A_30 = arith.subf %div3A_15, %mul3A_29 : vector<64x5xf32>
    %add3A_31 = arith.constant 9.99999974E-6 : f32
    %add3A_32 = vector.broadcast %add3A_31 : f32 to vector<64x5xf32>
    %add3A_33 = arith.addf %sub3A_30, %add3A_32 : vector<64x5xf32>
    %sqrt3A = math.sqrt %add3A_33 : vector<64x5xf32>
    %mul3A_34 = vector.broadcast %slice3A_19 : vector<1x5xf32> to vector<64x5xf32>
    %mul3A_35 = arith.mulf %div3A_12, %mul3A_34 : vector<64x5xf32>
    %div3A_36 = vector.broadcast %slice3A_23 : vector<1x5xf32> to vector<64x5xf32>
    %div3A_37 = arith.divf %div3A_36, %sqrt3A : vector<64x5xf32>
    %broadcast_in_dim3A = arith.constant 0.000000e+00 : f32
    %broadcast_in_dim3A_38 = vector.broadcast %broadcast_in_dim3A : f32 to vector<64x6xf32>
    %concatenate3A = tpu.concatenate %mul3A_35, %div3A_37, %broadcast_in_dim3A_38 in 1 : vector<64x5xf32>, vector<64x5xf32>, vector<64x6xf32> -> vector<64x16xf32>
    %swap3A = arith.constant 0 : index
    %swap3A_39 = arith.constant 0 : index
    %swap3A_40 = vector.load %arg4[%swap3A, %swap3A_39] : memref<64x16xf32, #tpu.memory_space<vmem>>, vector<64x16xf32>
    tpu.vector_store %arg4[%swap3A, %swap3A_39], %concatenate3A {strides = array<i32>} : memref<64x16xf32, #tpu.memory_space<vmem>>, vector<64x16xf32>,
    return
  }
  func.func @transform_0(%arg0: i32) -> (i32, i32, i32) {
    %c0_i32 = arith.constant 0 : i32
    %c0_i32_0 = arith.constant 0 : i32
    %c0_i32_1 = arith.constant 0 : i32
    %c0_i32_2 = arith.constant 0 : i32
    return %c0_i32, %c0_i32_0, %c0_i32_1 : i32, i32, i32
  }
  func.func @transform_1(%arg0: i32) -> (i32, i32) {
    %c0_i32 = arith.constant 0 : i32
    %c0_i32_0 = arith.constant 0 : i32
    %c0_i32_1 = arith.constant 0 : i32
    return %c0_i32, %c0_i32_0 : i32, i32
  }
  func.func @transform_2(%arg0: i32) -> (i32, i32) {
    %c0_i32 = arith.constant 0 : i32
    %c0_i32_0 = arith.constant 0 : i32
    %c0_i32_1 = arith.constant 0 : i32
    return %c0_i32, %c0_i32_0 : i32, i32
  }
  func.func @transform_3(%arg0: i32) -> (i32, i32) {
    %c0_i32 = arith.constant 0 : i32
    %c0_i32_0 = arith.constant 0 : i32
    %c0_i32_1 = arith.constant 0 : i32
    return %c0_i32, %c0_i32_0 : i32, i32
  }
}

module attributes {stable_mosaic.version = 14 : i64} {
  func.func @body(%arg0: i32, %arg1: memref<1000x8xf32, #tpu.memory_space<vmem>>, %arg2: memref<1000x16xf32, #tpu.memory_space<vmem>>, %arg3: memref<1x8xf32, #tpu.memory_space<vmem>>, %arg4: memref<8x16xf32, #tpu.memory_space<vmem>>, %arg5: memref<1x16xf32, #tpu.memory_space<vmem>>, %arg6: memref<8x16xf32, #tpu.memory_space<vmem>>, %arg7: memref<1x16xf32, #tpu.memory_space<vmem>>, %arg8: memref<1000x16xf32, #tpu.memory_space<vmem>>, %arg9: memref<1000x16xf32, #tpu.memory_space<vmem>>) attributes {dimension_semantics = [#tpu.dimension_semantics<arbitrary>], iteration_bounds = array<i64: 10>, scalar_prefetch = 0 : i64, scratch_operands = 0 : i64, tpu.core_type = #tpu.core_type<tc>, window_params = [{transform_indices = @transform_0, window_bounds = array<i64: 1000, 8>}, {transform_indices = @transform_1, window_bounds = array<i64: 1000, 16>}, {pipeline_mode = #tpu.pipeline_mode<synchronous>, transform_indices = @transform_2, window_bounds = array<i64: 1, 8>}, {pipeline_mode = #tpu.pipeline_mode<synchronous>, transform_indices = @transform_3, window_bounds = array<i64: 8, 16>}, {pipeline_mode = #tpu.pipeline_mode<synchronous>, transform_indices = @transform_4, window_bounds = array<i64: 1, 16>}, {pipeline_mode = #tpu.pipeline_mode<synchronous>, transform_indices = @transform_5, window_bounds = array<i64: 8, 16>}, {pipeline_mode = #tpu.pipeline_mode<synchronous>, transform_indices = @transform_6, window_bounds = array<i64: 1, 16>}, {transform_indices = @transform_7, window_bounds = array<i64: 1000, 16>}, {transform_indices = @transform_8, window_bounds = array<i64: 1000, 16>}]} {
    %get3A = arith.constant 0 : index
    %get3A_0 = arith.constant 0 : index
    %get3A_1 = vector.load %arg1[%get3A, %get3A_0] : memref<1000x8xf32, #tpu.memory_space<vmem>>, vector<1000x8xf32>
    %get3A_2 = arith.constant 0 : index
    %get3A_3 = arith.constant 0 : index
    %get3A_4 = vector.load %arg2[%get3A_2, %get3A_3] : memref<1000x16xf32, #tpu.memory_space<vmem>>, vector<1000x16xf32>
    %slice3A = vector.extract_strided_slice %get3A_1 {offsets = [0, 0], sizes = [1000, 5], strides = [1, 1]} : vector<1000x8xf32> to vector<1000x5xf32>
    %slice3A_5 = vector.extract_strided_slice %get3A_4 {offsets = [0, 0], sizes = [1000, 5], strides = [1, 1]} : vector<1000x16xf32> to vector<1000x5xf32>
    %sub3A = arith.subf %slice3A, %slice3A_5 : vector<1000x5xf32>
    %slice3A_6 = vector.extract_strided_slice %get3A_4 {offsets = [0, 5], sizes = [1000, 5], strides = [1, 1]} : vector<1000x16xf32> to vector<1000x5xf32>
    %mul3A = arith.mulf %sub3A, %slice3A_6 : vector<1000x5xf32>
    %get3A_7 = arith.constant 0 : index
    %get3A_8 = arith.constant 0 : index
    %get3A_9 = vector.load %arg3[%get3A_7, %get3A_8] : memref<1x8xf32, #tpu.memory_space<vmem>>, vector<1x8xf32>
    %slice3A_10 = vector.extract_strided_slice %get3A_9 {offsets = [0, 0], sizes = [1, 5], strides = [1, 1]} : vector<1x8xf32> to vector<1x5xf32>
    %add3A = vector.broadcast %slice3A_10 : vector<1x5xf32> to vector<1000x5xf32>
    %add3A_11 = arith.addf %mul3A, %add3A : vector<1000x5xf32>
    %max3A = arith.constant 0.000000e+00 : f32
    %max3A_12 = vector.broadcast %max3A : f32 to vector<1000x5xf32>
    %max3A_13 = arith.maximumf %add3A_11, %max3A_12 : vector<1000x5xf32>
    %broadcast_in_dim3A = arith.constant 0.000000e+00 : f32
    %broadcast_in_dim3A_14 = vector.broadcast %broadcast_in_dim3A : f32 to vector<1000x3xf32>
    %concatenate3A = tpu.concatenate %max3A_13, %broadcast_in_dim3A_14 in 1 : vector<1000x5xf32>, vector<1000x3xf32> -> vector<1000x8xf32>
    %get3A_15 = arith.constant 0 : index
    %get3A_16 = arith.constant 0 : index
    %get3A_17 = vector.load %arg4[%get3A_15, %get3A_16] : memref<8x16xf32, #tpu.memory_space<vmem>>, vector<8x16xf32>
    %dot_general3A = arith.constant dense<0.000000e+00> : vector<1000x16xf32>
    %dot_general3A_18 = tpu.matmul %concatenate3A, %get3A_17, %dot_general3A {dimension_numbers = #tpu.dot_dimension_numbers<[1], [0], [0], [1], [0, 0, 1, 1], [], []>, transpose_lhs_hint = false} : vector<1000x8xf32>, vector<8x16xf32>, vector<1000x16xf32> -> vector<1000x16xf32>
    %get3A_19 = arith.constant 0 : index
    %get3A_20 = arith.constant 0 : index
    %get3A_21 = vector.load %arg5[%get3A_19, %get3A_20] : memref<1x16xf32, #tpu.memory_space<vmem>>, vector<1x16xf32>
    %add3A_22 = vector.broadcast %get3A_21 : vector<1x16xf32> to vector<1000x16xf32>
    %add3A_23 = arith.addf %dot_general3A_18, %add3A_22 : vector<1000x16xf32>
    %swap3A = arith.constant 0 : index
    %swap3A_24 = arith.constant 0 : index
    %swap3A_25 = vector.load %arg8[%swap3A, %swap3A_24] : memref<1000x16xf32, #tpu.memory_space<vmem>>, vector<1000x16xf32>
    tpu.vector_store %arg8[%swap3A, %swap3A_24], %add3A_23 {strides = array<i32>} : memref<1000x16xf32, #tpu.memory_space<vmem>>, vector<1000x16xf32>,
    %get3A_26 = arith.constant 0 : index
    %get3A_27 = arith.constant 0 : index
    %get3A_28 = vector.load %arg6[%get3A_26, %get3A_27] : memref<8x16xf32, #tpu.memory_space<vmem>>, vector<8x16xf32>
    %dot_general3A_29 = arith.constant dense<0.000000e+00> : vector<1000x16xf32>
    %dot_general3A_30 = tpu.matmul %concatenate3A, %get3A_28, %dot_general3A_29 {dimension_numbers = #tpu.dot_dimension_numbers<[1], [0], [0], [1], [0, 0, 1, 1], [], []>, transpose_lhs_hint = false} : vector<1000x8xf32>, vector<8x16xf32>, vector<1000x16xf32> -> vector<1000x16xf32>
    %get3A_31 = arith.constant 0 : index
    %get3A_32 = arith.constant 0 : index
    %get3A_33 = vector.load %arg7[%get3A_31, %get3A_32] : memref<1x16xf32, #tpu.memory_space<vmem>>, vector<1x16xf32>
    %add3A_34 = vector.broadcast %get3A_33 : vector<1x16xf32> to vector<1000x16xf32>
    %add3A_35 = arith.addf %dot_general3A_30, %add3A_34 : vector<1000x16xf32>
    %swap3A_36 = arith.constant 0 : index
    %swap3A_37 = arith.constant 0 : index
    %swap3A_38 = vector.load %arg9[%swap3A_36, %swap3A_37] : memref<1000x16xf32, #tpu.memory_space<vmem>>, vector<1000x16xf32>
    tpu.vector_store %arg9[%swap3A_36, %swap3A_37], %add3A_35 {strides = array<i32>} : memref<1000x16xf32, #tpu.memory_space<vmem>>, vector<1000x16xf32>,
    return
  }
  func.func @transform_0(%arg0: i32) -> (i32, i32) {
    %c0_i32 = arith.constant 0 : i32
    %c0_i32_0 = arith.constant 0 : i32
    return %arg0, %c0_i32 : i32, i32
  }
  func.func @transform_1(%arg0: i32) -> (i32, i32) {
    %c0_i32 = arith.constant 0 : i32
    %c0_i32_0 = arith.constant 0 : i32
    return %arg0, %c0_i32 : i32, i32
  }
  func.func @transform_2(%arg0: i32) -> (i32, i32) {
    %c0_i32 = arith.constant 0 : i32
    %c0_i32_0 = arith.constant 0 : i32
    %c0_i32_1 = arith.constant 0 : i32
    return %c0_i32, %c0_i32_0 : i32, i32
  }
  func.func @transform_3(%arg0: i32) -> (i32, i32) {
    %c0_i32 = arith.constant 0 : i32
    %c0_i32_0 = arith.constant 0 : i32
    %c0_i32_1 = arith.constant 0 : i32
    return %c0_i32, %c0_i32_0 : i32, i32
  }
  func.func @transform_4(%arg0: i32) -> (i32, i32) {
    %c0_i32 = arith.constant 0 : i32
    %c0_i32_0 = arith.constant 0 : i32
    %c0_i32_1 = arith.constant 0 : i32
    return %c0_i32, %c0_i32_0 : i32, i32
  }
  func.func @transform_5(%arg0: i32) -> (i32, i32) {
    %c0_i32 = arith.constant 0 : i32
    %c0_i32_0 = arith.constant 0 : i32
    %c0_i32_1 = arith.constant 0 : i32
    return %c0_i32, %c0_i32_0 : i32, i32
  }
  func.func @transform_6(%arg0: i32) -> (i32, i32) {
    %c0_i32 = arith.constant 0 : i32
    %c0_i32_0 = arith.constant 0 : i32
    %c0_i32_1 = arith.constant 0 : i32
    return %c0_i32, %c0_i32_0 : i32, i32
  }
  func.func @transform_7(%arg0: i32) -> (i32, i32) {
    %c0_i32 = arith.constant 0 : i32
    %c0_i32_0 = arith.constant 0 : i32
    return %arg0, %c0_i32 : i32, i32
  }
  func.func @transform_8(%arg0: i32) -> (i32, i32) {
    %c0_i32 = arith.constant 0 : i32
    %c0_i32_0 = arith.constant 0 : i32
    return %arg0, %c0_i32 : i32, i32
  }
}

module attributes {stable_mosaic.version = 14 : i64} {
  func.func @body(%arg0: i32, %arg1: memref<4000x16xf32, #tpu.memory_space<vmem>>, %arg2: memref<4000x16xf32, #tpu.memory_space<vmem>>, %arg3: memref<4000x16xf32, #tpu.memory_space<vmem>>, %arg4: memref<16x16xf32, #tpu.memory_space<vmem>>, %arg5: memref<1x16xf32, #tpu.memory_space<vmem>>, %arg6: memref<1x16xf32, #tpu.memory_space<vmem>>, %arg7: memref<4000x16xf32, #tpu.memory_space<vmem>>, %arg8: memref<4000x16xf32, #tpu.memory_space<vmem>>) attributes {dimension_semantics = [#tpu.dimension_semantics<arbitrary>], iteration_bounds = array<i64: 80>, scalar_prefetch = 0 : i64, scratch_operands = 0 : i64, tpu.core_type = #tpu.core_type<tc>, window_params = [{transform_indices = @transform_0, window_bounds = array<i64: 4000, 16>}, {transform_indices = @transform_1, window_bounds = array<i64: 4000, 16>}, {transform_indices = @transform_2, window_bounds = array<i64: 4000, 16>}, {pipeline_mode = #tpu.pipeline_mode<synchronous>, transform_indices = @transform_3, window_bounds = array<i64: 16, 16>}, {pipeline_mode = #tpu.pipeline_mode<synchronous>, transform_indices = @transform_4, window_bounds = array<i64: 1, 16>}, {pipeline_mode = #tpu.pipeline_mode<synchronous>, transform_indices = @transform_5, window_bounds = array<i64: 1, 16>}, {transform_indices = @transform_6, window_bounds = array<i64: 4000, 16>}, {transform_indices = @transform_7, window_bounds = array<i64: 4000, 16>}]} {
    %get3A = arith.constant 0 : index
    %get3A_0 = arith.constant 0 : index
    %get3A_1 = vector.load %arg1[%get3A, %get3A_0] : memref<4000x16xf32, #tpu.memory_space<vmem>>, vector<4000x16xf32>
    %get3A_2 = arith.constant 0 : index
    %get3A_3 = arith.constant 0 : index
    %get3A_4 = vector.load %arg2[%get3A_2, %get3A_3] : memref<4000x16xf32, #tpu.memory_space<vmem>>, vector<4000x16xf32>
    %add3A = arith.addf %get3A_1, %get3A_4 : vector<4000x16xf32>
    %get3A_5 = arith.constant 0 : index
    %get3A_6 = arith.constant 0 : index
    %get3A_7 = vector.load %arg3[%get3A_5, %get3A_6] : memref<4000x16xf32, #tpu.memory_space<vmem>>, vector<4000x16xf32>
    %get3A_8 = arith.constant 0 : index
    %get3A_9 = arith.constant 0 : index
    %get3A_10 = vector.load %arg4[%get3A_8, %get3A_9] : memref<16x16xf32, #tpu.memory_space<vmem>>, vector<16x16xf32>
    %dot_general3A = arith.constant dense<0.000000e+00> : vector<4000x16xf32>
    %dot_general3A_11 = tpu.matmul %get3A_7, %get3A_10, %dot_general3A {dimension_numbers = #tpu.dot_dimension_numbers<[1], [0], [0], [1], [0, 0, 1, 1], [], []>, transpose_lhs_hint = false} : vector<4000x16xf32>, vector<16x16xf32>, vector<4000x16xf32> -> vector<4000x16xf32>
    %add3A_12 = arith.addf %add3A, %dot_general3A_11 : vector<4000x16xf32>
    %ge3A = arith.constant 0.000000e+00 : f32
    %ge3A_13 = vector.broadcast %ge3A : f32 to vector<4000x16xf32>
    %ge3A_14 = arith.cmpf oge, %add3A_12, %ge3A_13 : vector<4000x16xf32>
    %mul3A = arith.constant 2.000000e-01 : f32
    %mul3A_15 = vector.broadcast %mul3A : f32 to vector<4000x16xf32>
    %mul3A_16 = arith.mulf %mul3A_15, %add3A_12 : vector<4000x16xf32>
    %select_n3A = arith.select %ge3A_14, %add3A_12, %mul3A_16 : vector<4000x16xi1>, vector<4000x16xf32>
    %get3A_17 = arith.constant 0 : index
    %get3A_18 = arith.constant 0 : index
    %get3A_19 = vector.load %arg5[%get3A_17, %get3A_18] : memref<1x16xf32, #tpu.memory_space<vmem>>, vector<1x16xf32>
    %mul3A_20 = vector.broadcast %get3A_19 : vector<1x16xf32> to vector<4000x16xf32>
    %mul3A_21 = arith.mulf %select_n3A, %mul3A_20 : vector<4000x16xf32>
    %get3A_22 = arith.constant 0 : index
    %get3A_23 = arith.constant 0 : index
    %get3A_24 = vector.load %arg6[%get3A_22, %get3A_23] : memref<1x16xf32, #tpu.memory_space<vmem>>, vector<1x16xf32>
    %mul3A_25 = vector.broadcast %get3A_24 : vector<1x16xf32> to vector<4000x16xf32>
    %mul3A_26 = arith.mulf %mul3A_21, %mul3A_25 : vector<4000x16xf32>
    %add3A_27 = arith.constant 5.000000e-01 : f32
    %add3A_28 = vector.broadcast %add3A_27 : f32 to vector<4000x16xf32>
    %add3A_29 = arith.addf %mul3A_26, %add3A_28 : vector<4000x16xf32>
    %floor3A = math.floor %add3A_29 : vector<4000x16xf32>
    %jit3A = arith.constant -1.200000e+02 : f32
    %jit3A_30 = arith.constant 1.000000e+02 : f32
    %max3A = vector.broadcast %jit3A : f32 to vector<4000x16xf32>
    %max3A_31 = arith.maximumf %max3A, %floor3A : vector<4000x16xf32>
    %min3A = vector.broadcast %jit3A_30 : f32 to vector<4000x16xf32>
    %min3A_32 = arith.minimumf %min3A, %max3A_31 : vector<4000x16xf32>
    %swap3A = arith.constant 0 : index
    %swap3A_33 = arith.constant 0 : index
    %swap3A_34 = vector.load %arg7[%swap3A, %swap3A_33] : memref<4000x16xf32, #tpu.memory_space<vmem>>, vector<4000x16xf32>
    tpu.vector_store %arg7[%swap3A, %swap3A_33], %mul3A_26 {strides = array<i32>} : memref<4000x16xf32, #tpu.memory_space<vmem>>, vector<4000x16xf32>,
    %exp23A = math.exp2 %min3A_32 : vector<4000x16xf32>
    %get3A_35 = arith.constant 0 : index
    %get3A_36 = arith.constant 0 : index
    %get3A_37 = vector.load %arg6[%get3A_35, %get3A_36] : memref<1x16xf32, #tpu.memory_space<vmem>>, vector<1x16xf32>
    %mul3A_38 = vector.broadcast %get3A_37 : vector<1x16xf32> to vector<4000x16xf32>
    %mul3A_39 = arith.mulf %exp23A, %mul3A_38 : vector<4000x16xf32>
    %swap3A_40 = arith.constant 0 : index
    %swap3A_41 = arith.constant 0 : index
    %swap3A_42 = vector.load %arg8[%swap3A_40, %swap3A_41] : memref<4000x16xf32, #tpu.memory_space<vmem>>, vector<4000x16xf32>
    tpu.vector_store %arg8[%swap3A_40, %swap3A_41], %mul3A_39 {strides = array<i32>} : memref<4000x16xf32, #tpu.memory_space<vmem>>, vector<4000x16xf32>,
    return
  }
  func.func @transform_0(%arg0: i32) -> (i32, i32) {
    %c0_i32 = arith.constant 0 : i32
    %c0_i32_0 = arith.constant 0 : i32
    return %arg0, %c0_i32 : i32, i32
  }
  func.func @transform_1(%arg0: i32) -> (i32, i32) {
    %c0_i32 = arith.constant 0 : i32
    %c0_i32_0 = arith.constant 0 : i32
    return %arg0, %c0_i32 : i32, i32
  }
  func.func @transform_2(%arg0: i32) -> (i32, i32) {
    %c0_i32 = arith.constant 0 : i32
    %c0_i32_0 = arith.constant 0 : i32
    return %arg0, %c0_i32 : i32, i32
  }
  func.func @transform_3(%arg0: i32) -> (i32, i32) {
    %c0_i32 = arith.constant 0 : i32
    %c0_i32_0 = arith.constant 0 : i32
    %c0_i32_1 = arith.constant 0 : i32
    return %c0_i32, %c0_i32_0 : i32, i32
  }
  func.func @transform_4(%arg0: i32) -> (i32, i32) {
    %c0_i32 = arith.constant 0 : i32
    %c0_i32_0 = arith.constant 0 : i32
    %c0_i32_1 = arith.constant 0 : i32
    return %c0_i32, %c0_i32_0 : i32, i32
  }
  func.func @transform_5(%arg0: i32) -> (i32, i32) {
    %c0_i32 = arith.constant 0 : i32
    %c0_i32_0 = arith.constant 0 : i32
    %c0_i32_1 = arith.constant 0 : i32
    return %c0_i32, %c0_i32_0 : i32, i32
  }
  func.func @transform_6(%arg0: i32) -> (i32, i32) {
    %c0_i32 = arith.constant 0 : i32
    %c0_i32_0 = arith.constant 0 : i32
    return %arg0, %c0_i32 : i32, i32
  }
  func.func @transform_7(%arg0: i32) -> (i32, i32) {
    %c0_i32 = arith.constant 0 : i32
    %c0_i32_0 = arith.constant 0 : i32
    return %arg0, %c0_i32 : i32, i32
  }
}

module attributes {stable_mosaic.version = 14 : i64} {
  func.func @body(%arg0: i32, %arg1: memref<4000x16xf32, #tpu.memory_space<vmem>>, %arg2: memref<4000x16xf32, #tpu.memory_space<vmem>>, %arg3: memref<4000x16xf32, #tpu.memory_space<vmem>>, %arg4: memref<1x16xf32, #tpu.memory_space<vmem>>, %arg5: memref<4000x32xf32, #tpu.memory_space<vmem>>) attributes {dimension_semantics = [#tpu.dimension_semantics<arbitrary>], iteration_bounds = array<i64: 80>, scalar_prefetch = 0 : i64, scratch_operands = 0 : i64, tpu.core_type = #tpu.core_type<tc>, window_params = [{transform_indices = @transform_0, window_bounds = array<i64: 4000, 16>}, {transform_indices = @transform_1, window_bounds = array<i64: 4000, 16>}, {transform_indices = @transform_2, window_bounds = array<i64: 4000, 16>}, {pipeline_mode = #tpu.pipeline_mode<synchronous>, transform_indices = @transform_3, window_bounds = array<i64: 1, 16>}, {transform_indices = @transform_4, window_bounds = array<i64: 4000, 32>}]} {
    %get3A = arith.constant 0 : index
    %get3A_0 = arith.constant 0 : index
    %get3A_1 = vector.load %arg1[%get3A, %get3A_0] : memref<4000x16xf32, #tpu.memory_space<vmem>>, vector<4000x16xf32>
    %get3A_2 = arith.constant 0 : index
    %get3A_3 = arith.constant 0 : index
    %get3A_4 = vector.load %arg2[%get3A_2, %get3A_3] : memref<4000x16xf32, #tpu.memory_space<vmem>>, vector<4000x16xf32>
    %sub3A = arith.subf %get3A_1, %get3A_4 : vector<4000x16xf32>
    %exp3A = math.exp %sub3A : vector<4000x16xf32>
    %get3A_5 = arith.constant 0 : index
    %get3A_6 = arith.constant 0 : index
    %get3A_7 = vector.load %arg4[%get3A_5, %get3A_6] : memref<1x16xf32, #tpu.memory_space<vmem>>, vector<1x16xf32>
    %mul3A = vector.broadcast %get3A_7 : vector<1x16xf32> to vector<4000x16xf32>
    %mul3A_8 = arith.mulf %exp3A, %mul3A : vector<4000x16xf32>
    %get3A_9 = arith.constant 0 : index
    %get3A_10 = arith.constant 0 : index
    %get3A_11 = vector.load %arg3[%get3A_9, %get3A_10] : memref<4000x16xf32, #tpu.memory_space<vmem>>, vector<4000x16xf32>
    %mul3A_12 = arith.mulf %get3A_11, %mul3A_8 : vector<4000x16xf32>
    %concatenate3A = tpu.concatenate %mul3A_8, %mul3A_12 in 1 : vector<4000x16xf32>, vector<4000x16xf32> -> vector<4000x32xf32>
    %swap3A = arith.constant 0 : index
    %swap3A_13 = arith.constant 0 : index
    %swap3A_14 = vector.load %arg5[%swap3A, %swap3A_13] : memref<4000x32xf32, #tpu.memory_space<vmem>>, vector<4000x32xf32>
    tpu.vector_store %arg5[%swap3A, %swap3A_13], %concatenate3A {strides = array<i32>} : memref<4000x32xf32, #tpu.memory_space<vmem>>, vector<4000x32xf32>,
    return
  }
  func.func @transform_0(%arg0: i32) -> (i32, i32) {
    %c0_i32 = arith.constant 0 : i32
    %c0_i32_0 = arith.constant 0 : i32
    return %arg0, %c0_i32 : i32, i32
  }
  func.func @transform_1(%arg0: i32) -> (i32, i32) {
    %c0_i32 = arith.constant 0 : i32
    %c0_i32_0 = arith.constant 0 : i32
    return %arg0, %c0_i32 : i32, i32
  }
  func.func @transform_2(%arg0: i32) -> (i32, i32) {
    %c0_i32 = arith.constant 0 : i32
    %c0_i32_0 = arith.constant 0 : i32
    return %arg0, %c0_i32 : i32, i32
  }
  func.func @transform_3(%arg0: i32) -> (i32, i32) {
    %c0_i32 = arith.constant 0 : i32
    %c0_i32_0 = arith.constant 0 : i32
    %c0_i32_1 = arith.constant 0 : i32
    return %c0_i32, %c0_i32_0 : i32, i32
  }
  func.func @transform_4(%arg0: i32) -> (i32, i32) {
    %c0_i32 = arith.constant 0 : i32
    %c0_i32_0 = arith.constant 0 : i32
    return %arg0, %c0_i32 : i32, i32
  }
}

module attributes {stable_mosaic.version = 14 : i64} {
  func.func @body(%arg0: i32, %arg1: memref<2x1000x32xf32, #tpu.memory_space<vmem>>, %arg2: memref<16x8xf32, #tpu.memory_space<vmem>>, %arg3: memref<1x8xf32, #tpu.memory_space<vmem>>, %arg4: memref<1000x8xf32, #tpu.memory_space<vmem>>) attributes {dimension_semantics = [#tpu.dimension_semantics<arbitrary>], iteration_bounds = array<i64: 10>, scalar_prefetch = 0 : i64, scratch_operands = 0 : i64, tpu.core_type = #tpu.core_type<tc>, window_params = [{transform_indices = @transform_0, window_bounds = array<i64: 2, 1000, 32>}, {pipeline_mode = #tpu.pipeline_mode<synchronous>, transform_indices = @transform_1, window_bounds = array<i64: 16, 8>}, {pipeline_mode = #tpu.pipeline_mode<synchronous>, transform_indices = @transform_2, window_bounds = array<i64: 1, 8>}, {transform_indices = @transform_3, window_bounds = array<i64: 1000, 8>}]} {
    %get3A = arith.constant 0 : index
    %get3A_0 = arith.constant 0 : index
    %get3A_1 = arith.constant 0 : index
    %get3A_2 = vector.load %arg1[%get3A, %get3A_0, %get3A_1] : memref<2x1000x32xf32, #tpu.memory_space<vmem>>, vector<1x1000x32xf32>
    %get3A_3 = vector.shape_cast %get3A_2 : vector<1x1000x32xf32> to vector<1000x32xf32>
    %get3A_4 = arith.constant 1 : index
    %get3A_5 = arith.constant 0 : index
    %get3A_6 = arith.constant 0 : index
    %get3A_7 = vector.load %arg1[%get3A_4, %get3A_5, %get3A_6] : memref<2x1000x32xf32, #tpu.memory_space<vmem>>, vector<1x1000x32xf32>
    %get3A_8 = vector.shape_cast %get3A_7 : vector<1x1000x32xf32> to vector<1000x32xf32>
    %add3A = arith.addf %get3A_3, %get3A_8 : vector<1000x32xf32>
    %slice3A = vector.extract_strided_slice %add3A {offsets = [0, 0], sizes = [1000, 16], strides = [1, 1]} : vector<1000x32xf32> to vector<1000x16xf32>
    %slice3A_9 = vector.extract_strided_slice %add3A {offsets = [0, 16], sizes = [1000, 16], strides = [1, 1]} : vector<1000x32xf32> to vector<1000x16xf32>
    %gt3A = arith.constant 0.000000e+00 : f32
    %gt3A_10 = vector.broadcast %gt3A : f32 to vector<1000x16xf32>
    %gt3A_11 = arith.cmpf ogt, %slice3A, %gt3A_10 : vector<1000x16xf32>
    %gt3A_12 = arith.constant 0.000000e+00 : f32
    %gt3A_13 = vector.broadcast %gt3A_12 : f32 to vector<1000x16xf32>
    %gt3A_14 = arith.cmpf ogt, %slice3A, %gt3A_13 : vector<1000x16xf32>
    %jit3A = arith.constant 1.000000e+00 : f32
    %broadcast_in_dim3A = vector.broadcast %jit3A : f32 to vector<1000x16xf32>
    %select_n3A = arith.select %gt3A_14, %slice3A, %broadcast_in_dim3A : vector<1000x16xi1>, vector<1000x16xf32>
    %div3A = arith.divf %slice3A_9, %select_n3A : vector<1000x16xf32>
    %jit3A_15 = arith.constant 0.000000e+00 : f32
    %broadcast_in_dim3A_16 = vector.broadcast %jit3A_15 : f32 to vector<1000x16xf32>
    %select_n3A_17 = arith.select %gt3A_11, %div3A, %broadcast_in_dim3A_16 : vector<1000x16xi1>, vector<1000x16xf32>
    %get3A_18 = arith.constant 0 : index
    %get3A_19 = arith.constant 0 : index
    %get3A_20 = vector.load %arg2[%get3A_18, %get3A_19] : memref<16x8xf32, #tpu.memory_space<vmem>>, vector<16x8xf32>
    %dot_general3A = arith.constant dense<0.000000e+00> : vector<1000x8xf32>
    %dot_general3A_21 = tpu.matmul %select_n3A_17, %get3A_20, %dot_general3A {dimension_numbers = #tpu.dot_dimension_numbers<[1], [0], [0], [1], [0, 0, 1, 1], [], []>, transpose_lhs_hint = false} : vector<1000x16xf32>, vector<16x8xf32>, vector<1000x8xf32> -> vector<1000x8xf32>
    %get3A_22 = arith.constant 0 : index
    %get3A_23 = arith.constant 0 : index
    %get3A_24 = vector.load %arg3[%get3A_22, %get3A_23] : memref<1x8xf32, #tpu.memory_space<vmem>>, vector<1x8xf32>
    %add3A_25 = vector.broadcast %get3A_24 : vector<1x8xf32> to vector<1000x8xf32>
    %add3A_26 = arith.addf %dot_general3A_21, %add3A_25 : vector<1000x8xf32>
    %logistic3A = arith.negf %add3A_26 : vector<1000x8xf32>
    %logistic3A_27 = math.exp %logistic3A : vector<1000x8xf32>
    %logistic3A_28 = arith.constant 1.000000e+00 : f32
    %logistic3A_29 = vector.broadcast %logistic3A_28 : f32 to vector<1000x8xf32>
    %logistic3A_30 = arith.addf %logistic3A_29, %logistic3A_27 : vector<1000x8xf32>
    %logistic3A_31 = arith.divf %logistic3A_29, %logistic3A_30 : vector<1000x8xf32>
    %swap3A = arith.constant 0 : index
    %swap3A_32 = arith.constant 0 : index
    %swap3A_33 = vector.load %arg4[%swap3A, %swap3A_32] : memref<1000x8xf32, #tpu.memory_space<vmem>>, vector<1000x8xf32>
    tpu.vector_store %arg4[%swap3A, %swap3A_32], %logistic3A_31 {strides = array<i32>} : memref<1000x8xf32, #tpu.memory_space<vmem>>, vector<1000x8xf32>,
    return
  }
  func.func @transform_0(%arg0: i32) -> (i32, i32, i32) {
    %c0_i32 = arith.constant 0 : i32
    %c0_i32_0 = arith.constant 0 : i32
    %c0_i32_1 = arith.constant 0 : i32
    return %c0_i32, %arg0, %c0_i32_0 : i32, i32, i32
  }
  func.func @transform_1(%arg0: i32) -> (i32, i32) {
    %c0_i32 = arith.constant 0 : i32
    %c0_i32_0 = arith.constant 0 : i32
    %c0_i32_1 = arith.constant 0 : i32
    return %c0_i32, %c0_i32_0 : i32, i32
  }
  func.func @transform_2(%arg0: i32) -> (i32, i32) {
    %c0_i32 = arith.constant 0 : i32
    %c0_i32_0 = arith.constant 0 : i32
    %c0_i32_1 = arith.constant 0 : i32
    return %c0_i32, %c0_i32_0 : i32, i32
  }
  func.func @transform_3(%arg0: i32) -> (i32, i32) {
    %c0_i32 = arith.constant 0 : i32
    %c0_i32_0 = arith.constant 0 : i32
    return %arg0, %c0_i32 : i32, i32
  }
}

</mosaic_0001>

<sc_bundles>
// kernel: kernel.23.cloned.1.call-start
scs
__scs_entry_jumppad:
0x0: {  	(pc) =	sbr.rel $0x88, $3  }
0x1: {  	(tag) =	ssettag $0x0;
	lr =	simm.s32 $0x1  }
0x2: {  	[smem:$0x3F8C] =	sst lr;
	_ =	strace $0xD0000000  }
0x3: {  	_ = 	snop  }
0x4: {  	_ = 	snop  }
0x5: {  	_ = 	snop  }
0x6: {  	_ = 	snop  }
0x7: {  	_ = 	snop  }
__scs_overlays_trampoline_lowered:
0x8: {  	[smem:$0x3F9B] =	sst s0  }
0x9: {  	[smem:$0x3F9C] =	sst s1  }
0xa: {  	[smem:$0x3F9D] =	sst s2  }
0xb: {  	[smem:$0x3F9E] =	sst s3  }
0xc: {  	[smem:$0x3F9F] =	sst s4  }
0xd: {  	[smem:$0x3FA0] =	sst s5  }
0xe: {  	[smem:$0x3FA1] =	sst s6  }
0xf: {  	[smem:$0x3FA2] =	sst s7  }
0x10: {  	[smem:$0x3FA3] =	sst s8  }
0x11: {  	[smem:$0x3FA4] =	sst s9;
	s0 =	simm.s32 @!p0 $0x0  }
0x12: {  	s1 =	sld [smem:$0x3F8A];
	s0 =	simm.s32 @p0 $0x1  }
0x13: {  	[smem:$0x3FA5] =	sst s0;
	s0 =	simm.s32 @!p1 $0x0  }
0x14: {  	s2 =	sld [smem:$0x3F89];
	s0 =	simm.s32 @p1 $0x1  }
0x15: {  	[smem:$0x3FA6] =	sst s0;
	s0 =	simm.s32 @!p2 $0x0  }
0x16: {  	s3 =	sld [smem:$0x3FDB];
	s0 =	simm.s32 @p2 $0x1  }
0x17: {  	s4 =	simm.s32 $0x1BF5;
	[smem:$0x3FA8] =	sst s0  }
0x18: {  	s0 =	sld [smem:$0x3F8B];
	_ =	swait.ge [sflag:s4], $0x0  }
0x19: {  	s7 =	sld [smem:$0x3F8C]  }
0x1a: {  	s8 =	sadd.s32 $0xFFFFE003, lr  }
0x1b: {  	s9 =	sadd.s32 $0xFFFFFEF7, lr;
	s5 =	simm.s32 $0xFFFFFFFF;
	p2 =	slt.u32 s8, $0xFFFFF086  }
0x1c: {  	p1 =	slt.u32 s9, $0xF7A;
	s5 =	simm.s32 @!p2 $0x0  }
0x1d: {  	s5 =	simm.s32 @p1 $0x1;
	p0 =	seq.s32 s7, s2  }
0x1e: {  	s7 =	smul.u32 @!p0 $0xF7A, s2;
	p2 =	seq.s32 @!p0 s5, $0x0  }
0x1f: {  	s9 =	smul.u32 $0xF7A, s1;
	s8 =	simm.s32 @!p0 $0x1BF5;
	p2 =	por !p2, p0  }
0x20: {  	[sflag:s8] =	ssyncset.s32 @!p0 $0xFFFFF086;
	s6 =	sadd.s32 @!p0 s3, s7;
	s7 =	simm.s32 @!p0 $0x108  }
0x21: {  	s3 =	sadd.s32 s3, s9;
	s6 =	sadd.s32 @!p0 $0x88, s6;
	s7 =	simm.s32 @p2 $0x1082  }
0x22: {  	[simem:s7], [sflag:s8] =	dma.local @!p0 [hbm:s6], $0xF7A  }
0x23: {  	s9 =	sor.u32 $0xD0000000, s2;
	s6 =	simm.s32 $0x108;
	_ =	swait.ge @!p0 [sflag:s8], $0x0  }
0x24: {  	s3 =	sadd.s32 $0x88, s3;
	s6 =	simm.s32 @!p1 $0x1082;
	[sflag:s4] =	ssyncset.s32 $0xFFFFF086  }
0x25: {  	[simem:s6], [sflag:s4] =	dma.local [hbm:s3], $0xF7A  }
0x26: {  	[smem:$0x3F8C] =	sst s1;
	(tag) =	ssettag s2;
	_ =	strace s9  }
0x27: {  	s1 =	sld [smem:$0x3F9C]  }
0x28: {  	s2 =	sld [smem:$0x3F9D]  }
0x29: {  	s4 =	sld [smem:$0x3F9F]  }
0x2a: {  	p0 =	seq.s32 s5, $0x0;
	s5 =	sld [smem:$0x3FA0]  }
0x2b: {  	s6 =	sld [smem:$0x3FA1]  }
0x2c: {  	s7 =	sld [smem:$0x3FA2]  }
0x2d: {  	s3 =	simm.s32 $0x108;
	s8 =	sld [smem:$0x3FA3]  }
0x2e: {  	s3 =	simm.s32 @!p0 $0x1082;
	s9 =	sld [smem:$0x3FA4]  }
0x2f: {  	lr =	sadd.s32 s0, s3;
	s0 =	sld [smem:$0x3F9B]  }
0x30: {  	s3 =	sld [smem:$0x3F9E]  }
0x31: {  	[smem:$0x3FA7] =	sst s10  }
0x32: {  	s10 =	sld [smem:$0x3FA5];
	_ =	sdelay $0x3  }
0x33: {  	p0 =	seq.s32 s10, $0x1;
	s10 =	sld [smem:$0x3FA7];
	_ =	sdelay $0x3  }
0x34: {  	[smem:$0x3FA7] =	sst s10  }
0x35: {  	s10 =	sld [smem:$0x3FA6];
	_ =	sdelay $0x3  }
0x36: {  	p1 =	seq.s32 s10, $0x1;
	s10 =	sld [smem:$0x3FA7];
	_ =	sdelay $0x3  }
0x37: {  	[smem:$0x3FA7] =	sst s10  }
0x38: {  	s10 =	sld [smem:$0x3FA8]  }
0x39: {  	_ = 	snop;
	(pc) =	sbr.ind lr, $3  }
0x3a: {  	_ = 	snop  }
0x3b: {  	_ = 	snop  }
0x3c: {  	p2 =	seq.s32 s10, $0x1;
	s10 =	sld [smem:$0x3FA7]  }
0x3d: {  	_ =	shalt  }
0x3e: {  	_ =	shalt  }
0x3f: {  	_ =	shalt  }
0x40: {  	_ =	shalt  }
0x41: {  	_ =	shalt  }
0x42: {  	_ =	shalt  }
0x43: {  	_ =	shalt  }
0x44: {  	_ =	shalt  }
0x45: {  	_ =	shalt  }
0x46: {  	_ =	shalt  }
0x47: {  	_ =	shalt  }
0x48: {  	_ =	shalt  }
0x49: {  	_ =	shalt  }
0x4a: {  	_ =	shalt  }
0x4b: {  	_ =	shalt  }
0x4c: {  	_ =	shalt  }
0x4d: {  	_ =	shalt  }
0x4e: {  	_ =	shalt  }
0x4f: {  	_ =	shalt  }
0x50: {  	_ =	shalt  }
0x51: {  	_ =	shalt  }
0x52: {  	_ =	shalt  }
0x53: {  	_ =	shalt  }
0x54: {  	_ =	shalt  }
0x55: {  	_ =	shalt  }
0x56: {  	_ =	shalt  }
0x57: {  	_ =	shalt  }
0x58: {  	_ =	shalt  }
0x59: {  	_ =	shalt  }
0x5a: {  	_ =	shalt  }
0x5b: {  	_ =	shalt  }
0x5c: {  	_ =	shalt  }
0x5d: {  	_ =	shalt  }
0x5e: {  	_ =	shalt  }
0x5f: {  	_ =	shalt  }
0x60: {  	_ =	shalt  }
0x61: {  	_ =	shalt  }
0x62: {  	_ =	shalt  }
0x63: {  	_ =	shalt  }
0x64: {  	_ =	shalt  }
0x65: {  	_ =	shalt  }
0x66: {  	_ =	shalt  }
0x67: {  	_ =	shalt  }
0x68: {  	_ =	shalt  }
0x69: {  	_ =	shalt  }
0x6a: {  	_ =	shalt  }
0x6b: {  	_ =	shalt  }
0x6c: {  	_ =	shalt  }
0x6d: {  	_ =	shalt  }
0x6e: {  	_ =	shalt  }
0x6f: {  	_ =	shalt  }
0x70: {  	_ =	shalt  }
0x71: {  	_ =	shalt  }
0x72: {  	_ =	shalt  }
0x73: {  	_ =	shalt  }
0x74: {  	_ =	shalt  }
0x75: {  	_ =	shalt  }
0x76: {  	_ =	shalt  }
0x77: {  	_ =	shalt  }
0x78: {  	_ =	shalt  }
0x79: {  	_ =	shalt  }
0x7a: {  	_ =	shalt  }
0x7b: {  	_ =	shalt  }
0x7c: {  	_ =	shalt  }
0x7d: {  	_ =	shalt  }
0x7e: {  	_ =	shalt  }
0x7f: {  	_ =	shalt  }
0x80: {  	_ =	shalt  }
0x81: {  	_ =	shalt  }
0x82: {  	_ =	shalt  }
0x83: {  	_ =	shalt  }
0x84: {  	_ =	shalt  }
0x85: {  	_ =	shalt  }
0x86: {  	_ =	shalt  }
0x87: {  	_ =	shalt  }
.Lfunc_end0:
.L_simem_size_0:
called_computation_lowered:
.L_overlay_start_0:
0x88: {  	s2 =	sld [smem:$0x3FD9]  }
0x89: {  	s3 =	sld [smem:$0x3FFE];
	_ =	sdelay $0x1  }
0x8a: {  	s1 =	srdreg.scid  }
0x8b: {  	s0 =	sand.u32 $0x1, s1  }
0x8c: {  	s16 =	sshll.u32 s0, $0xA;
	s2 =	sadd.s32 s3, s2  }
0x8d: {  	s2 =	sadd.s32 s2, s16  }
0x8e: {  	[smem:$0x3FB3] =	sst s2  }
0x8f: {  	_ = 	snop  }
0x90: {  	(tm) =	ssettm $0x1  }
0x91: {  	s17 =	sld [smem:$0x3FFB];
	_ =	sdelay $0x3  }
0x92: {  	_ =	strace s17  }
0x93: {  	s2 =	sld [smem:$0x3FFC];
	_ =	sdelay $0x3  }
0x94: {  	_ =	strace s2  }
0x95: {  	s2 =	sld [smem:$0x3FFD];
	_ =	sdelay $0x3  }
0x96: {  	_ =	strace s2  }
0x97: {  	_ =	strace $0x8FFFFFFF  }
0x98: {  	s18 =	sld [smem:$0x3FDB];
	_ =	sdelay $0x1  }
0x99: {  	s19 =	simm.s32 $_scs_section_size  }
0x9a: {  	s4 =	simm.s32 $_size__tile_overlayer_lowered;
	s5 =	simm.s32 $_tile_overlayer_lowered  }
0x9b: {  	s22 =	simm.s32 $0x1BFF;
	s21 =	sshll.u32 s5, $0x1;
	s2 =	sadd.s32 s19, s18  }
0x9c: {  	s6 =	simm.s32 $0x0;
	s20 =	sshll.u32 s4, $0x1;
	s4 =	sadd.s32 s21, s2  }
0x9d: {  	[timem:s6], [sflag:s22] =	dma.local [hbm:s4], s20  }
0x9e: {  	_ =	swait.ge [sflag:s22], s20  }
0x9f: {  	s3 =	ssub.s32 $0x0, s20;
	[sflag:s22] =	ssyncset.done $0x0  }
0xa0: {  	[sflag:s22] =	ssyncadd.s32 s3;
	_ =	sdelay $0x1  }
0xa1: {  	s23 =	simm.s32 $0x1B8B  }
0xa2: {  	_ =	swait.ge [sflag:s23], $0x1  }
0xa3: {  	[sflag:s23] =	ssyncset.done $0x0  }
0xa4: {  	s25 =	simm.s32 $0x1B8E;
	s24 =	sld [smem:$0x3FFE];
	[sflag:s23] =	ssyncadd.s32 $0xFFFFFFFF  }
0xa5: {  	s26 =	simm.s32 $execute0_lowered;
	[smem:$0x3FD2] =	sst s25  }
0xa6: {  	s4 =	sshll.u32 s26, $0x1;
	_ =	strace $0x80000046;
	[dreg:$0x1] =	wrdreg $0xFFFFFFFF  }
0xa7: {  	s28 =	simm.s32 $_size_execute0_lowered;
	s2 =	sadd.s32 s2, s4;
	[dreg:$0x0] =	wrdreg $0x0  }
0xa8: {  	s4 =	sshll.u32 s28, $0x1;
	[dreg:$0x2] =	wrdreg s2  }
0xa9: {  	[dreg:$0x3] =	wrdreg s4  }
0xaa: {  	[dreg:$0x4] =	wrdreg $0xC0  }
0xab: {  	_ =	task [dreg:s6], $0x5FFFF  }
0xac: {  	[dreg:$0x1] =	wrdreg $0xFFFFFFFF  }
0xad: {  	[dreg:$0x0] =	wrdreg $0x60  }
0xae: {  	[dreg:$0x2] =	wrdreg s24  }
0xaf: {  	[dreg:$0x3] =	wrdreg $0x9  }
0xb0: {  	_ =	task.clear_ibuf [dreg:s6], $0x4FFFF;
	_ =	strace $0x90000046  }
0xb1: {  	s29 =	simm.s32 $0x9;
	_ =	strace $0x80000048  }
0xb2: {  	_ =	swait.ge [sflag:s29], $0x1  }
0xb3: {  	[sflag:s29] =	ssyncadd.s32 $0xFFFFFFFF  }
0xb4: {  	_ =	strace $0x90000048  }
0xb5: {  	_ =	sfence  }
0xb6: {  	s30 =	sld [smem:$0x0];
	_ =	sdelay $0x2  }
0xb7: {  	s31 =	sshll.u32 s1, $0xD;
	s1 =	sshrl.u32 s1, $0x2  }
0xb8: {  	s3 =	sand.u32 $0x4000, s31;
	s1 =	sadd.s32 s1, s30  }
0xb9: {  	s0 =	sor.u32 s3, s0;
	s1 =	sshll.u32 s1, $0x11  }
0xba: {  	s0 =	sor.u32 s1, s0  }
0xbb: {  	s0 =	sadd.s32 $0x8F2B, s0  }
0xbc: {  	[sflag:s0] =	ssyncadd.remote.s32 $0x1  }
0xbd: {  	_ =	sfence.sel $0xFFFF  }
0xbe: {  	[dreg:$0x0] =	wrdreg $0xFFFFFFFF;
	(pc) =	sbr.abs _section_cstart, $3  }
0xbf: {  	[dreg:$0x1] =	wrdreg $0xFFFFFFFF  }
0xc0: {  	_ =	task.clear_ibuf [dreg:s6], $0x2FFFF;
	_ =	strace $0x9FFFFFFF  }
0xc1: {  	(tm) =	ssettm $0x7FFFFFFF  }
tec
execute0_lowered:
.L_overlay_start_1:
0x0: {  	(tag) =	ssettag $0x1  }
0x1: {  	s5 =	rddreg [dreg:$0x0]  }
0x2: {  	s0 =	rddreg [dreg:$0x1];
	s2 =	simm.s32 $0x0;
	s3 =	srdreg.scid  }
0x3: {  	s1 =	stileid.u32;
	s12 =	simm.s32 $0x1;
	s13 =	simm.s32 $0x1450  }
0x4: {  	s14 =	simm.s32 $0x14A0;
	s15 =	simm.s32 $0x2;
	s7 =	smul.u32 $0x4E20, s1  }
0x5: {  	s16 =	simm.s32 $0x0;
	s6 =	sand.u32 $0x1, s3;
	s9 =	smul.u32 $0x27100, s1  }
0x6: {  	[smem:$0x7FF] =	sst s2;
	s3 =	sadd.s32 $0x2EC00, s5;
	s8 =	smul.u32 $0x2710, s6  }
0x7: {  	s4 =	sadd.s32 $0x1B200, s5;
	s29 =	ssub.s32 $0x2, s6;
	s6 =	smul.u32 $0x13880, s6  }
0x8: {  	_ =	strace $0x80000047;
	s9 =	sadd.s32 s9, s5;
	s10 =	sshrl.u32 s29, $0x1  }
0x9: {  	s7 =	sadd.s32 s8, s7;
	s30 =	ssub.s32 s29, s10;
	s31 =	sadd.s32 s6, s9  }
0xa: {  	s10 =	simm.s32 $0x3;
	s7 =	sshrl.u32 s7, $0x3;
	s6 =	sadd.s32 $0x2B3600, s31  }
0xb: {  	s11 =	sadd.s32 s7, s5;
	s5 =	smax.u32 s30, $0x1;
	s7 =	sadd.s32 $0x42600, s31  }
0xc: {  	s8 =	sadd.s32 $0x11400, s11;
	s9 =	sadd.s32 $0x7600, s11;
	s11 =	simm.s32 $0x50  }
.LBB2_1:
0xd: {  	s17 =	sadd.s32 $0x0, s9  }
0xe: {  	[tilespmem:s2], [sflag:$0x3] =	stream.linear.gather [hbm4b:s17+s2], $0x50, $0x38;
	[tilespmem:$0x28A0] =	vst v63  }
0xf: {  	_ =	swait.ge [sflag:s10], $0x50  }
0x10: {  	[sflag:s10] =	ssyncset.done $0x0  }
0x11: {  	[sflag:s10] =	ssyncadd.s32 $0xFFFFFFB0  }
0x12: {  	[tilespmem:s11], [sflag:$0x1] =	stream.indirect.gather [hbm4b:s3+s11], $0x40, s2, s11, $0xb8;
	[tilespmem:$0x28A0] =	vst v63  }
0x13: {  	_ =	swait.ge [sflag:s12], $0x1400  }
0x14: {  	[sflag:s12] =	ssyncset.done $0x0  }
0x15: {  	[sflag:s12] =	ssyncadd.s32 $0xFFFFEC00  }
0x16: {  	[hbm4b:s7+s2] =	stream.linear.scatter [tilespmem:s11], [sflag:$0x3], $0x1400, $0x38;
	[tilespmem:$0x28A0] =	vst v63  }
0x17: {  	_ =	swait.ge [sflag:s10], $0x1400  }
0x18: {  	[sflag:s10] =	ssyncset.done $0x0  }
0x19: {  	s31 =	sadd.s32 $0x0, s8;
	[sflag:s10] =	ssyncadd.s32 $0xFFFFEC00  }
0x1a: {  	[tilespmem:s13], [sflag:$0x3] =	stream.linear.gather [hbm4b:s31+s2], $0x50, $0x38;
	[tilespmem:$0x28A0] =	vst v63  }
0x1b: {  	_ =	swait.ge [sflag:s10], $0x50  }
0x1c: {  	[sflag:s10] =	ssyncset.done $0x0  }
0x1d: {  	[sflag:s10] =	ssyncadd.s32 $0xFFFFFFB0  }
0x1e: {  	[tilespmem:s14], [sflag:$0x2] =	stream.indirect.gather [hbm4b:s4+s11], $0x40, s13, s11, $0xb8;
	[tilespmem:$0x28A0] =	vst v63  }
0x1f: {  	_ =	swait.ge [sflag:s15], $0x1400  }
0x20: {  	[sflag:s15] =	ssyncset.done $0x0  }
0x21: {  	[sflag:s15] =	ssyncadd.s32 $0xFFFFEC00  }
0x22: {  	[hbm4b:s6+s2] =	stream.linear.scatter [tilespmem:s14], [sflag:$0x3], $0x1400, $0x38;
	[tilespmem:$0x28A0] =	vst v63  }
0x23: {  	s18 =	simm.s32 $0xA;
	s20 =	simm.s32 $0x14;
	_ =	swait.ge [sflag:s10], $0x1400  }
0x24: {  	s19 =	sadd.s32 $0x280, s7;
	s17 =	sadd.s32 $0x280, s6;
	[sflag:s10] =	ssyncset.done $0x0  }
.LBB2_2:
0x25: {  	s21 =	sadd.s32 s18, s9  }
0x26: {  	[sflag:s10] =	ssyncadd.s32 $0xFFFFEC00;
	s22 =	smov.u32 s20;
	s23 =	sadd.s32 $0xA, s20  }
0x27: {  	[tilespmem:s2], [sflag:$0x3] =	stream.linear.gather [hbm4b:s21+s2], $0x50, $0x38;
	[tilespmem:$0x28A0] =	vst v63  }
0x28: {  	p0 =	sne.s32 s20, $0x4D8;
	_ =	swait.ge [sflag:s10], $0x50  }
0x29: {  	[sflag:s10] =	ssyncset.done $0x0  }
0x2a: {  	[sflag:s10] =	ssyncadd.s32 $0xFFFFFFB0  }
0x2b: {  	[tilespmem:s11], [sflag:$0x1] =	stream.indirect.gather [hbm4b:s3+s11], $0x40, s2, s11, $0xb8;
	[tilespmem:$0x28A0] =	vst v63  }
0x2c: {  	_ =	swait.ge [sflag:s12], $0x1400  }
0x2d: {  	[sflag:s12] =	ssyncset.done $0x0  }
0x2e: {  	[sflag:s12] =	ssyncadd.s32 $0xFFFFEC00  }
0x2f: {  	[hbm4b:s19+s2] =	stream.linear.scatter [tilespmem:s11], [sflag:$0x3], $0x1400, $0x38;
	[tilespmem:$0x28A0] =	vst v63  }
0x30: {  	_ =	swait.ge [sflag:s10], $0x1400  }
0x31: {  	[sflag:s10] =	ssyncset.done $0x0  }
0x32: {  	s20 =	sadd.s32 s18, s8;
	s18 =	smov.u32 s22;
	[sflag:s10] =	ssyncadd.s32 $0xFFFFEC00  }
0x33: {  	[tilespmem:s13], [sflag:$0x3] =	stream.linear.gather [hbm4b:s20+s2], $0x50, $0x38;
	[tilespmem:$0x28A0] =	vst v63  }
0x34: {  	_ =	swait.ge [sflag:s10], $0x50  }
0x35: {  	[sflag:s10] =	ssyncset.done $0x0  }
0x36: {  	[sflag:s10] =	ssyncadd.s32 $0xFFFFFFB0  }
0x37: {  	[tilespmem:s14], [sflag:$0x2] =	stream.indirect.gather [hbm4b:s4+s11], $0x40, s13, s11, $0xb8;
	[tilespmem:$0x28A0] =	vst v63  }
0x38: {  	_ =	swait.ge [sflag:s15], $0x1400  }
.Ltmp0:
0x39: {  	[sflag:s15] =	ssyncset.done $0x0;
	(pc) =	sbr.rel @p0 .LBB2_2-.Ltmp0, $4  }
0x3a: {  	[sflag:s15] =	ssyncadd.s32 $0xFFFFEC00  }
0x3b: {  	[hbm4b:s17+s2] =	stream.linear.scatter [tilespmem:s14], [sflag:$0x3], $0x1400, $0x38;
	[tilespmem:$0x28A0] =	vst v63  }
0x3c: {  	s19 =	sadd.s32 $0x280, s19;
	_ =	swait.ge [sflag:s10], $0x1400  }
0x3d: {  	s20 =	smov.u32 s23;
	s17 =	sadd.s32 $0x280, s17;
	[sflag:s10] =	ssyncset.done $0x0  }
0x3e: {  	s20 =	sadd.s32 s18, s9;
	[sflag:s10] =	ssyncadd.s32 $0xFFFFEC00  }
0x3f: {  	[tilespmem:s2], [sflag:$0x3] =	stream.linear.gather [hbm4b:s20+s2], $0x50, $0x38;
	[tilespmem:$0x28A0] =	vst v63  }
0x40: {  	_ =	swait.ge [sflag:s10], $0x50  }
0x41: {  	[sflag:s10] =	ssyncset.done $0x0  }
0x42: {  	[sflag:s10] =	ssyncadd.s32 $0xFFFFFFB0  }
0x43: {  	[tilespmem:s11], [sflag:$0x1] =	stream.indirect.gather [hbm4b:s3+s11], $0x40, s2, s11, $0xb8;
	[tilespmem:$0x28A0] =	vst v63  }
0x44: {  	_ =	swait.ge [sflag:s12], $0x1400  }
0x45: {  	[sflag:s12] =	ssyncset.done $0x0  }
0x46: {  	[sflag:s12] =	ssyncadd.s32 $0xFFFFEC00  }
0x47: {  	[hbm4b:s19+s2] =	stream.linear.scatter [tilespmem:s11], [sflag:$0x3], $0x1400, $0x38;
	[tilespmem:$0x28A0] =	vst v63  }
0x48: {  	_ =	swait.ge [sflag:s10], $0x1400  }
0x49: {  	[sflag:s10] =	ssyncset.done $0x0  }
0x4a: {  	s31 =	sadd.s32 s18, s8;
	[sflag:s10] =	ssyncadd.s32 $0xFFFFEC00  }
0x4b: {  	[tilespmem:s13], [sflag:$0x3] =	stream.linear.gather [hbm4b:s31+s2], $0x50, $0x38;
	[tilespmem:$0x28A0] =	vst v63  }
0x4c: {  	_ =	swait.ge [sflag:s10], $0x50  }
0x4d: {  	[sflag:s10] =	ssyncset.done $0x0  }
0x4e: {  	[sflag:s10] =	ssyncadd.s32 $0xFFFFFFB0  }
0x4f: {  	[tilespmem:s14], [sflag:$0x2] =	stream.indirect.gather [hbm4b:s4+s11], $0x40, s13, s11, $0xb8;
	[tilespmem:$0x28A0] =	vst v63  }
0x50: {  	s16 =	sadd.s32 $0x1, s16;
	_ =	swait.ge [sflag:s15], $0x1400  }
0x51: {  	p0 =	sne.s32 s16, s5;
	[sflag:s15] =	ssyncset.done $0x0  }
.Ltmp1:
0x52: {  	[sflag:s15] =	ssyncadd.s32 $0xFFFFEC00;
	(pc) =	sbr.rel @p0 .LBB2_1-.Ltmp1, $4  }
0x53: {  	[hbm4b:s17+s2] =	stream.linear.scatter [tilespmem:s14], [sflag:$0x3], $0x1400, $0x38;
	[tilespmem:$0x28A0] =	vst v63  }
0x54: {  	_ =	swait.ge [sflag:s10], $0x1400  }
0x55: {  	[sflag:s10] =	ssyncset.done $0x0  }
0x56: {  	[sflag:s10] =	ssyncadd.s32 $0xFFFFEC00  }
0x57: {  	_ =	sfence.sel $0x180000  }
0x58: {  	[bflag:$0x0] =	sbarrier.arrive $0xFFFF  }
0x59: {  	p0 =	sne.s32 s1, $0x0;
	_ =	strace $0x90000047  }
0x5a: {  	s0 =	sadd.s32 @!p0 $0x100000, s0;
	[bflag:$0x2] =	sbarrier.arrive $0xFFFF  }
0x5b: {  	[sflag:s0] =	ssyncadd.tile.s32 @!p0 $0x1;
	_ =	shalt  }
.Lfunc_end2:
_tile_overlayer_lowered:
.L_overlay_start_2:
0x5c: {  	(tag) =	ssettag $0x2  }
0x5d: {  	s0 =	rddreg [dreg:$0x0];
	s2 =	stileid.u32  }
0x5e: {  	s1 =	rddreg [dreg:$0x1];
	p0 =	sne.s32 s2, $0x0  }
0x5f: {  	s3 =	rddreg [dreg:$0x2];
	[bflag:$0x3] =	sbarrier.arrive $0xFFFF;
	s2 =	simm.s32 @!p0 $0x1C03  }
0x60: {  	[timem:s3], [sflag:s2] =	dma.local @!p0 [hbm:s0], s1  }
0x61: {  	s0 =	simm.s32 @!p0 $0x3  }
0x62: {  	_ =	swait.ge @!p0 [sflag:s0], s1  }
0x63: {  	s1 =	ssub.s32 @!p0 $0x0, s1;
	[sflag:s0] =	ssyncset.done @!p0 $0x0  }
0x64: {  	[sflag:s0] =	ssyncadd.s32 @!p0 s1  }
0x65: {  	[bflag:$0x3] =	sbarrier.arrive $0xFFFF  }
0x66: {  	_ =	shalt  }

// kernel: kernel.26.cloned.1.call-start
scs
__scs_entry_jumppad:
0x0: {  	(pc) =	sbr.rel $0x88, $3  }
0x1: {  	(tag) =	ssettag $0x0;
	lr =	simm.s32 $0x1  }
0x2: {  	[smem:$0x3F8C] =	sst lr;
	_ =	strace $0xD0000000  }
0x3: {  	_ = 	snop  }
0x4: {  	_ = 	snop  }
0x5: {  	_ = 	snop  }
0x6: {  	_ = 	snop  }
0x7: {  	_ = 	snop  }
__scs_overlays_trampoline_lowered:
0x8: {  	[smem:$0x3F9B] =	sst s0  }
0x9: {  	[smem:$0x3F9C] =	sst s1  }
0xa: {  	[smem:$0x3F9D] =	sst s2  }
0xb: {  	[smem:$0x3F9E] =	sst s3  }
0xc: {  	[smem:$0x3F9F] =	sst s4  }
0xd: {  	[smem:$0x3FA0] =	sst s5  }
0xe: {  	[smem:$0x3FA1] =	sst s6  }
0xf: {  	[smem:$0x3FA2] =	sst s7  }
0x10: {  	[smem:$0x3FA3] =	sst s8  }
0x11: {  	[smem:$0x3FA4] =	sst s9;
	s0 =	simm.s32 @!p0 $0x0  }
0x12: {  	s1 =	sld [smem:$0x3F8A];
	s0 =	simm.s32 @p0 $0x1  }
0x13: {  	[smem:$0x3FA5] =	sst s0;
	s0 =	simm.s32 @!p1 $0x0  }
0x14: {  	s2 =	sld [smem:$0x3F89];
	s0 =	simm.s32 @p1 $0x1  }
0x15: {  	[smem:$0x3FA6] =	sst s0;
	s0 =	simm.s32 @!p2 $0x0  }
0x16: {  	s3 =	sld [smem:$0x3FDB];
	s0 =	simm.s32 @p2 $0x1  }
0x17: {  	s4 =	simm.s32 $0x1BF5;
	[smem:$0x3FA8] =	sst s0  }
0x18: {  	s0 =	sld [smem:$0x3F8B];
	_ =	swait.ge [sflag:s4], $0x0  }
0x19: {  	s7 =	sld [smem:$0x3F8C]  }
0x1a: {  	s8 =	sadd.s32 $0xFFFFE003, lr  }
0x1b: {  	s9 =	sadd.s32 $0xFFFFFEF7, lr;
	s5 =	simm.s32 $0xFFFFFFFF;
	p2 =	slt.u32 s8, $0xFFFFF086  }
0x1c: {  	p1 =	slt.u32 s9, $0xF7A;
	s5 =	simm.s32 @!p2 $0x0  }
0x1d: {  	s5 =	simm.s32 @p1 $0x1;
	p0 =	seq.s32 s7, s2  }
0x1e: {  	s7 =	smul.u32 @!p0 $0xF7A, s2;
	p2 =	seq.s32 @!p0 s5, $0x0  }
0x1f: {  	s9 =	smul.u32 $0xF7A, s1;
	s8 =	simm.s32 @!p0 $0x1BF5;
	p2 =	por !p2, p0  }
0x20: {  	[sflag:s8] =	ssyncset.s32 @!p0 $0xFFFFF086;
	s6 =	sadd.s32 @!p0 s3, s7;
	s7 =	simm.s32 @!p0 $0x108  }
0x21: {  	s3 =	sadd.s32 s3, s9;
	s6 =	sadd.s32 @!p0 $0x88, s6;
	s7 =	simm.s32 @p2 $0x1082  }
0x22: {  	[simem:s7], [sflag:s8] =	dma.local @!p0 [hbm:s6], $0xF7A  }
0x23: {  	s9 =	sor.u32 $0xD0000000, s2;
	s6 =	simm.s32 $0x108;
	_ =	swait.ge @!p0 [sflag:s8], $0x0  }
0x24: {  	s3 =	sadd.s32 $0x88, s3;
	s6 =	simm.s32 @!p1 $0x1082;
	[sflag:s4] =	ssyncset.s32 $0xFFFFF086  }
0x25: {  	[simem:s6], [sflag:s4] =	dma.local [hbm:s3], $0xF7A  }
0x26: {  	[smem:$0x3F8C] =	sst s1;
	(tag) =	ssettag s2;
	_ =	strace s9  }
0x27: {  	s1 =	sld [smem:$0x3F9C]  }
0x28: {  	s2 =	sld [smem:$0x3F9D]  }
0x29: {  	s4 =	sld [smem:$0x3F9F]  }
0x2a: {  	p0 =	seq.s32 s5, $0x0;
	s5 =	sld [smem:$0x3FA0]  }
0x2b: {  	s6 =	sld [smem:$0x3FA1]  }
0x2c: {  	s7 =	sld [smem:$0x3FA2]  }
0x2d: {  	s3 =	simm.s32 $0x108;
	s8 =	sld [smem:$0x3FA3]  }
0x2e: {  	s3 =	simm.s32 @!p0 $0x1082;
	s9 =	sld [smem:$0x3FA4]  }
0x2f: {  	lr =	sadd.s32 s0, s3;
	s0 =	sld [smem:$0x3F9B]  }
0x30: {  	s3 =	sld [smem:$0x3F9E]  }
0x31: {  	[smem:$0x3FA7] =	sst s10  }
0x32: {  	s10 =	sld [smem:$0x3FA5];
	_ =	sdelay $0x3  }
0x33: {  	p0 =	seq.s32 s10, $0x1;
	s10 =	sld [smem:$0x3FA7];
	_ =	sdelay $0x3  }
0x34: {  	[smem:$0x3FA7] =	sst s10  }
0x35: {  	s10 =	sld [smem:$0x3FA6];
	_ =	sdelay $0x3  }
0x36: {  	p1 =	seq.s32 s10, $0x1;
	s10 =	sld [smem:$0x3FA7];
	_ =	sdelay $0x3  }
0x37: {  	[smem:$0x3FA7] =	sst s10  }
0x38: {  	s10 =	sld [smem:$0x3FA8]  }
0x39: {  	_ = 	snop;
	(pc) =	sbr.ind lr, $3  }
0x3a: {  	_ = 	snop  }
0x3b: {  	_ = 	snop  }
0x3c: {  	p2 =	seq.s32 s10, $0x1;
	s10 =	sld [smem:$0x3FA7]  }
0x3d: {  	_ =	shalt  }
0x3e: {  	_ =	shalt  }
0x3f: {  	_ =	shalt  }
0x40: {  	_ =	shalt  }
0x41: {  	_ =	shalt  }
0x42: {  	_ =	shalt  }
0x43: {  	_ =	shalt  }
0x44: {  	_ =	shalt  }
0x45: {  	_ =	shalt  }
0x46: {  	_ =	shalt  }
0x47: {  	_ =	shalt  }
0x48: {  	_ =	shalt  }
0x49: {  	_ =	shalt  }
0x4a: {  	_ =	shalt  }
0x4b: {  	_ =	shalt  }
0x4c: {  	_ =	shalt  }
0x4d: {  	_ =	shalt  }
0x4e: {  	_ =	shalt  }
0x4f: {  	_ =	shalt  }
0x50: {  	_ =	shalt  }
0x51: {  	_ =	shalt  }
0x52: {  	_ =	shalt  }
0x53: {  	_ =	shalt  }
0x54: {  	_ =	shalt  }
0x55: {  	_ =	shalt  }
0x56: {  	_ =	shalt  }
0x57: {  	_ =	shalt  }
0x58: {  	_ =	shalt  }
0x59: {  	_ =	shalt  }
0x5a: {  	_ =	shalt  }
0x5b: {  	_ =	shalt  }
0x5c: {  	_ =	shalt  }
0x5d: {  	_ =	shalt  }
0x5e: {  	_ =	shalt  }
0x5f: {  	_ =	shalt  }
0x60: {  	_ =	shalt  }
0x61: {  	_ =	shalt  }
0x62: {  	_ =	shalt  }
0x63: {  	_ =	shalt  }
0x64: {  	_ =	shalt  }
0x65: {  	_ =	shalt  }
0x66: {  	_ =	shalt  }
0x67: {  	_ =	shalt  }
0x68: {  	_ =	shalt  }
0x69: {  	_ =	shalt  }
0x6a: {  	_ =	shalt  }
0x6b: {  	_ =	shalt  }
0x6c: {  	_ =	shalt  }
0x6d: {  	_ =	shalt  }
0x6e: {  	_ =	shalt  }
0x6f: {  	_ =	shalt  }
0x70: {  	_ =	shalt  }
0x71: {  	_ =	shalt  }
0x72: {  	_ =	shalt  }
0x73: {  	_ =	shalt  }
0x74: {  	_ =	shalt  }
0x75: {  	_ =	shalt  }
0x76: {  	_ =	shalt  }
0x77: {  	_ =	shalt  }
0x78: {  	_ =	shalt  }
0x79: {  	_ =	shalt  }
0x7a: {  	_ =	shalt  }
0x7b: {  	_ =	shalt  }
0x7c: {  	_ =	shalt  }
0x7d: {  	_ =	shalt  }
0x7e: {  	_ =	shalt  }
0x7f: {  	_ =	shalt  }
0x80: {  	_ =	shalt  }
0x81: {  	_ =	shalt  }
0x82: {  	_ =	shalt  }
0x83: {  	_ =	shalt  }
0x84: {  	_ =	shalt  }
0x85: {  	_ =	shalt  }
0x86: {  	_ =	shalt  }
0x87: {  	_ =	shalt  }
.Lfunc_end0:
.L_simem_size_0:
called_computation.1_lowered:
.L_overlay_start_0:
0x88: {  	s2 =	sld [smem:$0x3FD9]  }
0x89: {  	s3 =	sld [smem:$0x3FFE];
	_ =	sdelay $0x1  }
0x8a: {  	s1 =	srdreg.scid  }
0x8b: {  	s0 =	sand.u32 $0x1, s1  }
0x8c: {  	s16 =	sshll.u32 s0, $0xA;
	s2 =	sadd.s32 s3, s2  }
0x8d: {  	s2 =	sadd.s32 s2, s16  }
0x8e: {  	[smem:$0x3FB3] =	sst s2  }
0x8f: {  	_ = 	snop  }
0x90: {  	(tm) =	ssettm $0x1  }
0x91: {  	s17 =	sld [smem:$0x3FFB];
	_ =	sdelay $0x3  }
0x92: {  	_ =	strace s17  }
0x93: {  	s2 =	sld [smem:$0x3FFC];
	_ =	sdelay $0x3  }
0x94: {  	_ =	strace s2  }
0x95: {  	s2 =	sld [smem:$0x3FFD];
	_ =	sdelay $0x3  }
0x96: {  	_ =	strace s2  }
0x97: {  	_ =	strace $0x8FFFFFFF  }
0x98: {  	s18 =	sld [smem:$0x3FDB];
	_ =	sdelay $0x1  }
0x99: {  	s19 =	simm.s32 $_scs_section_size  }
0x9a: {  	s4 =	simm.s32 $_size__tile_overlayer_lowered;
	s5 =	simm.s32 $_tile_overlayer_lowered  }
0x9b: {  	s22 =	simm.s32 $0x1BFF;
	s21 =	sshll.u32 s5, $0x1;
	s2 =	sadd.s32 s19, s18  }
0x9c: {  	s6 =	simm.s32 $0x0;
	s20 =	sshll.u32 s4, $0x1;
	s4 =	sadd.s32 s21, s2  }
0x9d: {  	[timem:s6], [sflag:s22] =	dma.local [hbm:s4], s20  }
0x9e: {  	_ =	swait.ge [sflag:s22], s20  }
0x9f: {  	s3 =	ssub.s32 $0x0, s20;
	[sflag:s22] =	ssyncset.done $0x0  }
0xa0: {  	[sflag:s22] =	ssyncadd.s32 s3;
	_ =	sdelay $0x1  }
0xa1: {  	s23 =	simm.s32 $0x1B8B  }
0xa2: {  	_ =	swait.ge [sflag:s23], $0x1  }
0xa3: {  	[sflag:s23] =	ssyncset.done $0x0  }
0xa4: {  	s25 =	simm.s32 $0x1B8E;
	s24 =	sld [smem:$0x3FFE];
	[sflag:s23] =	ssyncadd.s32 $0xFFFFFFFF  }
0xa5: {  	s26 =	simm.s32 $execute0_lowered;
	[smem:$0x3FD2] =	sst s25  }
0xa6: {  	s4 =	sshll.u32 s26, $0x1;
	_ =	strace $0x80000049;
	[dreg:$0x1] =	wrdreg $0xFFFFFFFF  }
0xa7: {  	s28 =	simm.s32 $_size_execute0_lowered;
	s2 =	sadd.s32 s2, s4;
	[dreg:$0x0] =	wrdreg $0x0  }
0xa8: {  	s4 =	sshll.u32 s28, $0x1;
	[dreg:$0x2] =	wrdreg s2  }
0xa9: {  	[dreg:$0x3] =	wrdreg s4  }
0xaa: {  	[dreg:$0x4] =	wrdreg $0xC0  }
0xab: {  	_ =	task [dreg:s6], $0x5FFFF  }
0xac: {  	[dreg:$0x1] =	wrdreg $0xFFFFFFFF  }
0xad: {  	[dreg:$0x0] =	wrdreg $0x60  }
0xae: {  	[dreg:$0x2] =	wrdreg s24  }
0xaf: {  	[dreg:$0x3] =	wrdreg $0x0  }
0xb0: {  	[dreg:$0x4] =	wrdreg $0x9  }
0xb1: {  	_ =	task.clear_ibuf [dreg:s6], $0x5FFFF;
	_ =	strace $0x90000049  }
0xb2: {  	s29 =	simm.s32 $0x9;
	_ =	strace $0x8000004B  }
0xb3: {  	_ =	swait.ge [sflag:s29], $0x1  }
0xb4: {  	[sflag:s29] =	ssyncadd.s32 $0xFFFFFFFF  }
0xb5: {  	_ =	strace $0x9000004B  }
0xb6: {  	_ =	sfence  }
0xb7: {  	s30 =	sld [smem:$0x0];
	_ =	sdelay $0x2  }
0xb8: {  	s31 =	sshll.u32 s1, $0xD;
	s1 =	sshrl.u32 s1, $0x2  }
0xb9: {  	s3 =	sand.u32 $0x4000, s31;
	s1 =	sadd.s32 s1, s30  }
0xba: {  	s0 =	sor.u32 s3, s0;
	s1 =	sshll.u32 s1, $0x11  }
0xbb: {  	s0 =	sor.u32 s1, s0  }
0xbc: {  	s0 =	sadd.s32 $0x8F2B, s0  }
0xbd: {  	[sflag:s0] =	ssyncadd.remote.s32 $0x1  }
0xbe: {  	_ =	sfence.sel $0xFFFF  }
0xbf: {  	[dreg:$0x0] =	wrdreg $0xFFFFFFFF;
	(pc) =	sbr.abs _section_cstart, $3  }
0xc0: {  	[dreg:$0x1] =	wrdreg $0xFFFFFFFF  }
0xc1: {  	_ =	task.clear_ibuf [dreg:s6], $0x2FFFF;
	_ =	strace $0x9FFFFFFF  }
0xc2: {  	(tm) =	ssettm $0x7FFFFFFF  }
0xc3: {  	_ =	shalt  }
tec
execute0_lowered:
.L_overlay_start_1:
0x0: {  	(tag) =	ssettag $0x1  }
0x1: {  	s0 =	stileid.u32;
	s1 =	srdreg.scid  }
0x2: {  	s5 =	rddreg [dreg:$0x0];
	s4 =	smul.u32 $0x9C40, s0  }
0x3: {  	s2 =	rddreg [dreg:$0x1];
	s3 =	simm.s32 $0x0;
	s7 =	smul.u32 $0x4E20, s0  }
0x4: {  	s14 =	simm.s32 $0x50;
	s6 =	sand.u32 $0x1, s1;
	s9 =	smul.u32 $0x2710, s0  }
0x5: {  	s15 =	simm.s32 $0x0;
	s1 =	rddreg [dreg:$0x2];
	s8 =	smul.u32 $0x2710, s6  }
0x6: {  	[smem:$0x7FF] =	sst s3;
	s30 =	sshll.u32 s0, $0x6;
	s25 =	smul.u32 $0x27100, s6  }
0x7: {  	_ =	strace $0x8000004A;
	s28 =	ssub.s32 $0x2, s6;
	s12 =	smul.u32 $0x4E20, s6  }
0x8: {  	s10 =	sadd.s32 s4, s5;
	s4 =	sadd.s32 $0xF84A00, s5;
	s29 =	sshrl.u32 s28, $0x1  }
0x9: {  	s13 =	sadd.s32 s9, s2;
	s7 =	sadd.s32 s8, s7;
	s26 =	sadd.s32 s9, s25  }
0xa: {  	s8 =	ssub.s32 s28, s29;
	s31 =	sadd.s32 s12, s10;
	s7 =	sshrl.u32 s7, $0x3  }
0xb: {  	s10 =	sshrl.u32 s13, $0x3;
	s11 =	sadd.s32 s7, s5;
	s7 =	sshrl.u32 s26, $0x3  }
0xc: {  	s12 =	simm.s32 $0x2710;
	s13 =	simm.s32 $0x2760;
	s7 =	sadd.s32 s7, s5  }
0xd: {  	s5 =	sor.u32 $0x1C01, s30;
	s9 =	sadd.s32 $0x11400, s11;
	s11 =	simm.s32 $0x1  }
0xe: {  	s6 =	sadd.s32 $0xF85000, s7;
	s7 =	smax.u32 s8, $0x1;
	s8 =	sadd.s32 $0xEE8600, s31  }
.LBB2_1:
0xf: {  	[spmem:s10], [sflag:s5] =	dma.local [hbm:s4], $0x4E2  }
0x10: {  	_ =	swait.ge [sflag:s11], $0x4E2  }
0x11: {  	[sflag:s11] =	ssyncset.done $0x0  }
0x12: {  	[sflag:s11] =	ssyncadd.s32 $0xFFFFFB1E  }
0x13: {  	s16 =	sadd.s32 $0x0, s9;
	[bflag:$0x0] =	sbarrier.arrive $0xFFFF  }
0x14: {  	[tilespmem:s12], [sflag:$0x1] =	stream.linear.gather [hbm4b:s16+s3], $0x50, $0x38;
	[tilespmem:$0x2C60] =	vst v63  }
0x15: {  	_ =	swait.ge [sflag:s11], $0x50  }
0x16: {  	[sflag:s11] =	ssyncset.done $0x0  }
0x17: {  	[sflag:s11] =	ssyncadd.s32 $0xFFFFFFB0  }
0x18: {  	[tilespmem:s13], [sflag:$0x1] =	stream.linear.gather [hbm4b:s8+s3], $0x500, $0x38;
	[tilespmem:$0x2C60] =	vst v63  }
0x19: {  	_ =	swait.ge [sflag:s11], $0x500  }
0x1a: {  	[sflag:s11] =	ssyncset.done $0x0  }
0x1b: {  	[sflag:s11] =	ssyncadd.s32 $0xFFFFFB00  }
0x1c: {  	[spmem:s2] =	stream.indirect.scatter.add.f32 [tilespmem:s13], [sflag:$0x1], $0x10, s12, s14, $0xb8;
	[tilespmem:$0x2C60] =	vst v63  }
0x1d: {  	s17 =	simm.s32 $0xA;
	_ =	swait.ge [sflag:s11], $0x500  }
0x1e: {  	s18 =	simm.s32 $0x14;
	s16 =	sadd.s32 $0xA0, s8;
	[sflag:s11] =	ssyncset.done $0x0  }
.LBB2_2:
0x1f: {  	s19 =	sadd.s32 s17, s9  }
0x20: {  	[sflag:s11] =	ssyncadd.s32 $0xFFFFFB00;
	s17 =	smov.u32 s18;
	s20 =	sadd.s32 $0xA, s18  }
0x21: {  	[tilespmem:s12], [sflag:$0x1] =	stream.linear.gather [hbm4b:s19+s3], $0x50, $0x38;
	[tilespmem:$0x2C60] =	vst v63  }
0x22: {  	p0 =	sne.s32 s18, $0x4D8;
	_ =	swait.ge [sflag:s11], $0x50  }
0x23: {  	[sflag:s11] =	ssyncset.done $0x0  }
0x24: {  	[sflag:s11] =	ssyncadd.s32 $0xFFFFFFB0  }
0x25: {  	[tilespmem:s13], [sflag:$0x1] =	stream.linear.gather [hbm4b:s16+s3], $0x500, $0x38;
	[tilespmem:$0x2C60] =	vst v63  }
0x26: {  	_ =	swait.ge [sflag:s11], $0x500  }
.Ltmp0:
0x27: {  	[sflag:s11] =	ssyncset.done $0x0;
	(pc) =	sbr.rel @p0 .LBB2_2-.Ltmp0, $4  }
0x28: {  	[sflag:s11] =	ssyncadd.s32 $0xFFFFFB00  }
0x29: {  	[spmem:s2] =	stream.indirect.scatter.add.f32 [tilespmem:s13], [sflag:$0x1], $0x10, s12, s14, $0xb8;
	[tilespmem:$0x2C60] =	vst v63  }
0x2a: {  	_ =	swait.ge [sflag:s11], $0x500  }
0x2b: {  	s18 =	smov.u32 s20;
	s16 =	sadd.s32 $0xA0, s16;
	[sflag:s11] =	ssyncset.done $0x0  }
0x2c: {  	s17 =	sadd.s32 s17, s9;
	[sflag:s11] =	ssyncadd.s32 $0xFFFFFB00  }
0x2d: {  	[tilespmem:s12], [sflag:$0x1] =	stream.linear.gather [hbm4b:s17+s3], $0x50, $0x38;
	[tilespmem:$0x2C60] =	vst v63  }
0x2e: {  	_ =	swait.ge [sflag:s11], $0x50  }
0x2f: {  	[sflag:s11] =	ssyncset.done $0x0  }
0x30: {  	[sflag:s11] =	ssyncadd.s32 $0xFFFFFFB0  }
0x31: {  	[tilespmem:s13], [sflag:$0x1] =	stream.linear.gather [hbm4b:s16+s3], $0x500, $0x38;
	[tilespmem:$0x2C60] =	vst v63  }
0x32: {  	_ =	swait.ge [sflag:s11], $0x500  }
0x33: {  	[sflag:s11] =	ssyncset.done $0x0  }
0x34: {  	[sflag:s11] =	ssyncadd.s32 $0xFFFFFB00  }
0x35: {  	[spmem:s2] =	stream.indirect.scatter.add.f32 [tilespmem:s13], [sflag:$0x1], $0x10, s12, s14, $0xb8;
	[tilespmem:$0x2C60] =	vst v63  }
0x36: {  	_ =	swait.ge [sflag:s11], $0x500  }
0x37: {  	s15 =	sadd.s32 $0x1, s15;
	[sflag:s11] =	ssyncset.done $0x0  }
0x38: {  	p0 =	sne.s32 s15, s7;
	[sflag:s11] =	ssyncadd.s32 $0xFFFFFB00  }
.Ltmp1:
0x39: {  	[bflag:$0x0] =	sbarrier.arrive $0xFFFF;
	(pc) =	sbr.rel @p0 .LBB2_1-.Ltmp1, $4  }
0x3a: {  	[hbm:s6], [sflag:s5] =	dma.local [spmem:s10], $0x4E2  }
0x3b: {  	_ =	swait.ge [sflag:s11], $0x4E2  }
0x3c: {  	[sflag:s11] =	ssyncset.done $0x0  }
0x3d: {  	[sflag:s11] =	ssyncadd.s32 $0xFFFFFB1E  }
0x3e: {  	_ =	sfence.sel $0x180000  }
0x3f: {  	[bflag:$0x0] =	sbarrier.arrive $0xFFFF  }
0x40: {  	p0 =	sne.s32 s0, $0x0;
	_ =	strace $0x9000004A  }
0x41: {  	s0 =	sadd.s32 @!p0 $0x100000, s1;
	[bflag:$0x2] =	sbarrier.arrive $0xFFFF  }
0x42: {  	[sflag:s0] =	ssyncadd.tile.s32 @!p0 $0x1;
	_ =	shalt  }
.Lfunc_end2:
_tile_overlayer_lowered:
.L_overlay_start_2:
0x43: {  	(tag) =	ssettag $0x2  }
0x44: {  	s0 =	rddreg [dreg:$0x0];
	s2 =	stileid.u32  }
0x45: {  	s1 =	rddreg [dreg:$0x1];
	p0 =	sne.s32 s2, $0x0  }
0x46: {  	s3 =	rddreg [dreg:$0x2];
	[bflag:$0x3] =	sbarrier.arrive $0xFFFF;
	s2 =	simm.s32 @!p0 $0x1C01  }
0x47: {  	[timem:s3], [sflag:s2] =	dma.local @!p0 [hbm:s0], s1  }
0x48: {  	s0 =	simm.s32 @!p0 $0x1  }
0x49: {  	_ =	swait.ge @!p0 [sflag:s0], s1  }
0x4a: {  	s1 =	ssub.s32 @!p0 $0x0, s1;
	[sflag:s0] =	ssyncset.done @!p0 $0x0  }
0x4b: {  	[sflag:s0] =	ssyncadd.s32 @!p0 s1  }
0x4c: {  	[bflag:$0x3] =	sbarrier.arrive $0xFFFF  }
0x4d: {  	_ =	shalt  }

// kernel: kernel.29.cloned.1.call-start
scs
__scs_entry_jumppad:
0x0: {  	(pc) =	sbr.rel $0x88, $3  }
0x1: {  	(tag) =	ssettag $0x0;
	lr =	simm.s32 $0x1  }
0x2: {  	[smem:$0x3F8C] =	sst lr;
	_ =	strace $0xD0000000  }
0x3: {  	_ = 	snop  }
0x4: {  	_ = 	snop  }
0x5: {  	_ = 	snop  }
0x6: {  	_ = 	snop  }
0x7: {  	_ = 	snop  }
__scs_overlays_trampoline_lowered:
0x8: {  	[smem:$0x3F9B] =	sst s0  }
0x9: {  	[smem:$0x3F9C] =	sst s1  }
0xa: {  	[smem:$0x3F9D] =	sst s2  }
0xb: {  	[smem:$0x3F9E] =	sst s3  }
0xc: {  	[smem:$0x3F9F] =	sst s4  }
0xd: {  	[smem:$0x3FA0] =	sst s5  }
0xe: {  	[smem:$0x3FA1] =	sst s6  }
0xf: {  	[smem:$0x3FA2] =	sst s7  }
0x10: {  	[smem:$0x3FA3] =	sst s8  }
0x11: {  	[smem:$0x3FA4] =	sst s9;
	s0 =	simm.s32 @!p0 $0x0  }
0x12: {  	s1 =	sld [smem:$0x3F8A];
	s0 =	simm.s32 @p0 $0x1  }
0x13: {  	[smem:$0x3FA5] =	sst s0;
	s0 =	simm.s32 @!p1 $0x0  }
0x14: {  	s2 =	sld [smem:$0x3F89];
	s0 =	simm.s32 @p1 $0x1  }
0x15: {  	[smem:$0x3FA6] =	sst s0;
	s0 =	simm.s32 @!p2 $0x0  }
0x16: {  	s3 =	sld [smem:$0x3FDB];
	s0 =	simm.s32 @p2 $0x1  }
0x17: {  	s4 =	simm.s32 $0x1BF5;
	[smem:$0x3FA8] =	sst s0  }
0x18: {  	s0 =	sld [smem:$0x3F8B];
	_ =	swait.ge [sflag:s4], $0x0  }
0x19: {  	s7 =	sld [smem:$0x3F8C]  }
0x1a: {  	s8 =	sadd.s32 $0xFFFFE003, lr  }
0x1b: {  	s9 =	sadd.s32 $0xFFFFFEF7, lr;
	s5 =	simm.s32 $0xFFFFFFFF;
	p2 =	slt.u32 s8, $0xFFFFF086  }
0x1c: {  	p1 =	slt.u32 s9, $0xF7A;
	s5 =	simm.s32 @!p2 $0x0  }
0x1d: {  	s5 =	simm.s32 @p1 $0x1;
	p0 =	seq.s32 s7, s2  }
0x1e: {  	s7 =	smul.u32 @!p0 $0xF7A, s2;
	p2 =	seq.s32 @!p0 s5, $0x0  }
0x1f: {  	s9 =	smul.u32 $0xF7A, s1;
	s8 =	simm.s32 @!p0 $0x1BF5;
	p2 =	por !p2, p0  }
0x20: {  	[sflag:s8] =	ssyncset.s32 @!p0 $0xFFFFF086;
	s6 =	sadd.s32 @!p0 s3, s7;
	s7 =	simm.s32 @!p0 $0x108  }
0x21: {  	s3 =	sadd.s32 s3, s9;
	s6 =	sadd.s32 @!p0 $0x88, s6;
	s7 =	simm.s32 @p2 $0x1082  }
0x22: {  	[simem:s7], [sflag:s8] =	dma.local @!p0 [hbm:s6], $0xF7A  }
0x23: {  	s9 =	sor.u32 $0xD0000000, s2;
	s6 =	simm.s32 $0x108;
	_ =	swait.ge @!p0 [sflag:s8], $0x0  }
0x24: {  	s3 =	sadd.s32 $0x88, s3;
	s6 =	simm.s32 @!p1 $0x1082;
	[sflag:s4] =	ssyncset.s32 $0xFFFFF086  }
0x25: {  	[simem:s6], [sflag:s4] =	dma.local [hbm:s3], $0xF7A  }
0x26: {  	[smem:$0x3F8C] =	sst s1;
	(tag) =	ssettag s2;
	_ =	strace s9  }
0x27: {  	s1 =	sld [smem:$0x3F9C]  }
0x28: {  	s2 =	sld [smem:$0x3F9D]  }
0x29: {  	s4 =	sld [smem:$0x3F9F]  }
0x2a: {  	p0 =	seq.s32 s5, $0x0;
	s5 =	sld [smem:$0x3FA0]  }
0x2b: {  	s6 =	sld [smem:$0x3FA1]  }
0x2c: {  	s7 =	sld [smem:$0x3FA2]  }
0x2d: {  	s3 =	simm.s32 $0x108;
	s8 =	sld [smem:$0x3FA3]  }
0x2e: {  	s3 =	simm.s32 @!p0 $0x1082;
	s9 =	sld [smem:$0x3FA4]  }
0x2f: {  	lr =	sadd.s32 s0, s3;
	s0 =	sld [smem:$0x3F9B]  }
0x30: {  	s3 =	sld [smem:$0x3F9E]  }
0x31: {  	[smem:$0x3FA7] =	sst s10  }
0x32: {  	s10 =	sld [smem:$0x3FA5];
	_ =	sdelay $0x3  }
0x33: {  	p0 =	seq.s32 s10, $0x1;
	s10 =	sld [smem:$0x3FA7];
	_ =	sdelay $0x3  }
0x34: {  	[smem:$0x3FA7] =	sst s10  }
0x35: {  	s10 =	sld [smem:$0x3FA6];
	_ =	sdelay $0x3  }
0x36: {  	p1 =	seq.s32 s10, $0x1;
	s10 =	sld [smem:$0x3FA7];
	_ =	sdelay $0x3  }
0x37: {  	[smem:$0x3FA7] =	sst s10  }
0x38: {  	s10 =	sld [smem:$0x3FA8]  }
0x39: {  	_ = 	snop;
	(pc) =	sbr.ind lr, $3  }
0x3a: {  	_ = 	snop  }
0x3b: {  	_ = 	snop  }
0x3c: {  	p2 =	seq.s32 s10, $0x1;
	s10 =	sld [smem:$0x3FA7]  }
0x3d: {  	_ =	shalt  }
0x3e: {  	_ =	shalt  }
0x3f: {  	_ =	shalt  }
0x40: {  	_ =	shalt  }
0x41: {  	_ =	shalt  }
0x42: {  	_ =	shalt  }
0x43: {  	_ =	shalt  }
0x44: {  	_ =	shalt  }
0x45: {  	_ =	shalt  }
0x46: {  	_ =	shalt  }
0x47: {  	_ =	shalt  }
0x48: {  	_ =	shalt  }
0x49: {  	_ =	shalt  }
0x4a: {  	_ =	shalt  }
0x4b: {  	_ =	shalt  }
0x4c: {  	_ =	shalt  }
0x4d: {  	_ =	shalt  }
0x4e: {  	_ =	shalt  }
0x4f: {  	_ =	shalt  }
0x50: {  	_ =	shalt  }
0x51: {  	_ =	shalt  }
0x52: {  	_ =	shalt  }
0x53: {  	_ =	shalt  }
0x54: {  	_ =	shalt  }
0x55: {  	_ =	shalt  }
0x56: {  	_ =	shalt  }
0x57: {  	_ =	shalt  }
0x58: {  	_ =	shalt  }
0x59: {  	_ =	shalt  }
0x5a: {  	_ =	shalt  }
0x5b: {  	_ =	shalt  }
0x5c: {  	_ =	shalt  }
0x5d: {  	_ =	shalt  }
0x5e: {  	_ =	shalt  }
0x5f: {  	_ =	shalt  }
0x60: {  	_ =	shalt  }
0x61: {  	_ =	shalt  }
0x62: {  	_ =	shalt  }
0x63: {  	_ =	shalt  }
0x64: {  	_ =	shalt  }
0x65: {  	_ =	shalt  }
0x66: {  	_ =	shalt  }
0x67: {  	_ =	shalt  }
0x68: {  	_ =	shalt  }
0x69: {  	_ =	shalt  }
0x6a: {  	_ =	shalt  }
0x6b: {  	_ =	shalt  }
0x6c: {  	_ =	shalt  }
0x6d: {  	_ =	shalt  }
0x6e: {  	_ =	shalt  }
0x6f: {  	_ =	shalt  }
0x70: {  	_ =	shalt  }
0x71: {  	_ =	shalt  }
0x72: {  	_ =	shalt  }
0x73: {  	_ =	shalt  }
0x74: {  	_ =	shalt  }
0x75: {  	_ =	shalt  }
0x76: {  	_ =	shalt  }
0x77: {  	_ =	shalt  }
0x78: {  	_ =	shalt  }
0x79: {  	_ =	shalt  }
0x7a: {  	_ =	shalt  }
0x7b: {  	_ =	shalt  }
0x7c: {  	_ =	shalt  }
0x7d: {  	_ =	shalt  }
0x7e: {  	_ =	shalt  }
0x7f: {  	_ =	shalt  }
0x80: {  	_ =	shalt  }
0x81: {  	_ =	shalt  }
0x82: {  	_ =	shalt  }
0x83: {  	_ =	shalt  }
0x84: {  	_ =	shalt  }
0x85: {  	_ =	shalt  }
0x86: {  	_ =	shalt  }
0x87: {  	_ =	shalt  }
.Lfunc_end0:
.L_simem_size_0:
called_computation.2_lowered:
.L_overlay_start_0:
0x88: {  	s2 =	sld [smem:$0x3FD9]  }
0x89: {  	s3 =	sld [smem:$0x3FFE];
	_ =	sdelay $0x1  }
0x8a: {  	s1 =	srdreg.scid  }
0x8b: {  	s0 =	sand.u32 $0x1, s1  }
0x8c: {  	s16 =	sshll.u32 s0, $0xA;
	s2 =	sadd.s32 s3, s2  }
0x8d: {  	s2 =	sadd.s32 s2, s16  }
0x8e: {  	[smem:$0x3FB3] =	sst s2  }
0x8f: {  	_ = 	snop  }
0x90: {  	(tm) =	ssettm $0x1  }
0x91: {  	s17 =	sld [smem:$0x3FFB];
	_ =	sdelay $0x3  }
0x92: {  	_ =	strace s17  }
0x93: {  	s2 =	sld [smem:$0x3FFC];
	_ =	sdelay $0x3  }
0x94: {  	_ =	strace s2  }
0x95: {  	s2 =	sld [smem:$0x3FFD];
	_ =	sdelay $0x3  }
0x96: {  	_ =	strace s2  }
0x97: {  	_ =	strace $0x8FFFFFFF  }
0x98: {  	s18 =	sld [smem:$0x3FDB];
	_ =	sdelay $0x1  }
0x99: {  	s19 =	simm.s32 $_scs_section_size  }
0x9a: {  	s4 =	simm.s32 $_size__tile_overlayer_lowered;
	s5 =	simm.s32 $_tile_overlayer_lowered  }
0x9b: {  	s22 =	simm.s32 $0x1BFF;
	s21 =	sshll.u32 s5, $0x1;
	s2 =	sadd.s32 s19, s18  }
0x9c: {  	s6 =	simm.s32 $0x0;
	s20 =	sshll.u32 s4, $0x1;
	s4 =	sadd.s32 s21, s2  }
0x9d: {  	[timem:s6], [sflag:s22] =	dma.local [hbm:s4], s20  }
0x9e: {  	_ =	swait.ge [sflag:s22], s20  }
0x9f: {  	s3 =	ssub.s32 $0x0, s20;
	[sflag:s22] =	ssyncset.done $0x0  }
0xa0: {  	[sflag:s22] =	ssyncadd.s32 s3;
	_ =	sdelay $0x1  }
0xa1: {  	s23 =	simm.s32 $0x1B8B  }
0xa2: {  	_ =	swait.ge [sflag:s23], $0x1  }
0xa3: {  	[sflag:s23] =	ssyncset.done $0x0  }
0xa4: {  	s25 =	simm.s32 $0x1B8E;
	s24 =	sld [smem:$0x3FFE];
	[sflag:s23] =	ssyncadd.s32 $0xFFFFFFFF  }
0xa5: {  	s26 =	simm.s32 $execute0_lowered;
	[smem:$0x3FD2] =	sst s25  }
0xa6: {  	s4 =	sshll.u32 s26, $0x1;
	_ =	strace $0x8000004C;
	[dreg:$0x1] =	wrdreg $0xFFFFFFFF  }
0xa7: {  	s28 =	simm.s32 $_size_execute0_lowered;
	s2 =	sadd.s32 s2, s4;
	[dreg:$0x0] =	wrdreg $0x0  }
0xa8: {  	s4 =	sshll.u32 s28, $0x1;
	[dreg:$0x2] =	wrdreg s2  }
0xa9: {  	[dreg:$0x3] =	wrdreg s4  }
0xaa: {  	[dreg:$0x4] =	wrdreg $0xC0  }
0xab: {  	_ =	task [dreg:s6], $0x5FFFF  }
0xac: {  	[dreg:$0x1] =	wrdreg $0xFFFFFFFF  }
0xad: {  	[dreg:$0x0] =	wrdreg $0x60  }
0xae: {  	[dreg:$0x2] =	wrdreg s24  }
0xaf: {  	[dreg:$0x3] =	wrdreg $0x9  }
0xb0: {  	_ =	task.clear_ibuf [dreg:s6], $0x4FFFF;
	_ =	strace $0x9000004C  }
0xb1: {  	s29 =	simm.s32 $0x9;
	_ =	strace $0x8000004E  }
0xb2: {  	_ =	swait.ge [sflag:s29], $0x1  }
0xb3: {  	[sflag:s29] =	ssyncadd.s32 $0xFFFFFFFF  }
0xb4: {  	_ =	strace $0x9000004E  }
0xb5: {  	_ =	sfence  }
0xb6: {  	s30 =	sld [smem:$0x0];
	_ =	sdelay $0x2  }
0xb7: {  	s31 =	sshll.u32 s1, $0xD;
	s1 =	sshrl.u32 s1, $0x2  }
0xb8: {  	s3 =	sand.u32 $0x4000, s31;
	s1 =	sadd.s32 s1, s30  }
0xb9: {  	s0 =	sor.u32 s3, s0;
	s1 =	sshll.u32 s1, $0x11  }
0xba: {  	s0 =	sor.u32 s1, s0  }
0xbb: {  	s0 =	sadd.s32 $0x8F2B, s0  }
0xbc: {  	[sflag:s0] =	ssyncadd.remote.s32 $0x1  }
0xbd: {  	_ =	sfence.sel $0xFFFF  }
0xbe: {  	[dreg:$0x0] =	wrdreg $0xFFFFFFFF;
	(pc) =	sbr.abs _section_cstart, $3  }
0xbf: {  	[dreg:$0x1] =	wrdreg $0xFFFFFFFF  }
0xc0: {  	_ =	task.clear_ibuf [dreg:s6], $0x2FFFF;
	_ =	strace $0x9FFFFFFF  }
0xc1: {  	(tm) =	ssettm $0x7FFFFFFF  }
tec
execute0_lowered:
.L_overlay_start_1:
0x0: {  	(tag) =	ssettag $0x1  }
0x1: {  	s4 =	rddreg [dreg:$0x0]  }
0x2: {  	s0 =	rddreg [dreg:$0x1];
	s2 =	simm.s32 $0x0;
	s1 =	stileid.u32  }
0x3: {  	s3 =	srdreg.scid;
	s10 =	simm.s32 $0x0;
	s6 =	smul.u32 $0x4E20, s1  }
0x4: {  	[smem:$0x7FF] =	sst s2;
	s5 =	sand.u32 $0x1, s3;
	s8 =	smul.u32 $0x9C40, s1  }
0x5: {  	s3 =	sadd.s32 $0xEE8600, s4;
	s7 =	smul.u32 $0x2710, s5;
	s9 =	ssub.s32 $0x2, s5  }
0x6: {  	_ =	strace $0x8000004D;
	s5 =	smul.u32 $0x4E20, s5;
	s31 =	sshrl.u32 s9, $0x1  }
0x7: {  	s8 =	sadd.s32 s8, s4;
	s6 =	sadd.s32 s7, s6;
	s7 =	ssub.s32 s9, s31  }
0x8: {  	s5 =	sadd.s32 s5, s8;
	s8 =	simm.s32 $0x50;
	s6 =	sshrl.u32 s6, $0x3  }
0x9: {  	s9 =	simm.s32 $0x1;
	s5 =	sadd.s32 $0xF85000, s5;
	s6 =	sadd.s32 s6, s4  }
0xa: {  	s4 =	smax.u32 s7, $0x1;
	s7 =	simm.s32 $0x2;
	s6 =	sadd.s32 $0x11400, s6  }
.LBB2_1:
0xb: {  	s11 =	sadd.s32 $0x0, s6  }
0xc: {  	[tilespmem:s2], [sflag:$0x2] =	stream.linear.gather [hbm4b:s11+s2], $0x50, $0x38;
	[tilespmem:$0x550] =	vst v63  }
0xd: {  	_ =	swait.ge [sflag:s7], $0x50  }
0xe: {  	[sflag:s7] =	ssyncset.done $0x0  }
0xf: {  	[sflag:s7] =	ssyncadd.s32 $0xFFFFFFB0  }
0x10: {  	[tilespmem:s8], [sflag:$0x1] =	stream.indirect.gather [hbm4b:s3+s8], $0x10, s2, s8, $0xb8;
	[tilespmem:$0x550] =	vst v63  }
0x11: {  	_ =	swait.ge [sflag:s9], $0x500  }
0x12: {  	[sflag:s9] =	ssyncset.done $0x0  }
0x13: {  	[sflag:s9] =	ssyncadd.s32 $0xFFFFFB00  }
0x14: {  	[hbm4b:s5+s2] =	stream.linear.scatter [tilespmem:s8], [sflag:$0x2], $0x500, $0x38;
	[tilespmem:$0x550] =	vst v63  }
0x15: {  	s12 =	simm.s32 $0xA;
	_ =	swait.ge [sflag:s7], $0x500  }
0x16: {  	s13 =	simm.s32 $0x14;
	s11 =	sadd.s32 $0xA0, s5;
	[sflag:s7] =	ssyncset.done $0x0  }
.LBB2_2:
0x17: {  	s14 =	sadd.s32 s12, s6  }
0x18: {  	[sflag:s7] =	ssyncadd.s32 $0xFFFFFB00;
	s12 =	smov.u32 s13;
	s15 =	sadd.s32 $0xA, s13  }
0x19: {  	[tilespmem:s2], [sflag:$0x2] =	stream.linear.gather [hbm4b:s14+s2], $0x50, $0x38;
	[tilespmem:$0x550] =	vst v63  }
0x1a: {  	p0 =	sne.s32 s13, $0x4D8;
	_ =	swait.ge [sflag:s7], $0x50  }
0x1b: {  	[sflag:s7] =	ssyncset.done $0x0  }
0x1c: {  	[sflag:s7] =	ssyncadd.s32 $0xFFFFFFB0  }
0x1d: {  	[tilespmem:s8], [sflag:$0x1] =	stream.indirect.gather [hbm4b:s3+s8], $0x10, s2, s8, $0xb8;
	[tilespmem:$0x550] =	vst v63  }
0x1e: {  	_ =	swait.ge [sflag:s9], $0x500  }
.Ltmp0:
0x1f: {  	[sflag:s9] =	ssyncset.done $0x0;
	(pc) =	sbr.rel @p0 .LBB2_2-.Ltmp0, $4  }
0x20: {  	[sflag:s9] =	ssyncadd.s32 $0xFFFFFB00  }
0x21: {  	[hbm4b:s11+s2] =	stream.linear.scatter [tilespmem:s8], [sflag:$0x2], $0x500, $0x38;
	[tilespmem:$0x550] =	vst v63  }
0x22: {  	_ =	swait.ge [sflag:s7], $0x500  }
0x23: {  	s13 =	smov.u32 s15;
	s11 =	sadd.s32 $0xA0, s11;
	[sflag:s7] =	ssyncset.done $0x0  }
0x24: {  	s12 =	sadd.s32 s12, s6;
	[sflag:s7] =	ssyncadd.s32 $0xFFFFFB00  }
0x25: {  	[tilespmem:s2], [sflag:$0x2] =	stream.linear.gather [hbm4b:s12+s2], $0x50, $0x38;
	[tilespmem:$0x550] =	vst v63  }
0x26: {  	_ =	swait.ge [sflag:s7], $0x50  }
0x27: {  	[sflag:s7] =	ssyncset.done $0x0  }
0x28: {  	[sflag:s7] =	ssyncadd.s32 $0xFFFFFFB0  }
0x29: {  	[tilespmem:s8], [sflag:$0x1] =	stream.indirect.gather [hbm4b:s3+s8], $0x10, s2, s8, $0xb8;
	[tilespmem:$0x550] =	vst v63  }
0x2a: {  	s10 =	sadd.s32 $0x1, s10;
	_ =	swait.ge [sflag:s9], $0x500  }
0x2b: {  	p0 =	sne.s32 s10, s4;
	[sflag:s9] =	ssyncset.done $0x0  }
.Ltmp1:
0x2c: {  	[sflag:s9] =	ssyncadd.s32 $0xFFFFFB00;
	(pc) =	sbr.rel @p0 .LBB2_1-.Ltmp1, $4  }
0x2d: {  	[hbm4b:s11+s2] =	stream.linear.scatter [tilespmem:s8], [sflag:$0x2], $0x500, $0x38;
	[tilespmem:$0x550] =	vst v63  }
0x2e: {  	_ =	swait.ge [sflag:s7], $0x500  }
0x2f: {  	[sflag:s7] =	ssyncset.done $0x0  }
0x30: {  	[sflag:s7] =	ssyncadd.s32 $0xFFFFFB00  }
0x31: {  	_ =	sfence.sel $0x180000  }
0x32: {  	[bflag:$0x0] =	sbarrier.arrive $0xFFFF  }
0x33: {  	p0 =	sne.s32 s1, $0x0;
	_ =	strace $0x9000004D  }
0x34: {  	s0 =	sadd.s32 @!p0 $0x100000, s0;
	[bflag:$0x2] =	sbarrier.arrive $0xFFFF  }
0x35: {  	[sflag:s0] =	ssyncadd.tile.s32 @!p0 $0x1;
	_ =	shalt  }
.Lfunc_end2:
_tile_overlayer_lowered:
.L_overlay_start_2:
0x36: {  	(tag) =	ssettag $0x2  }
0x37: {  	s0 =	rddreg [dreg:$0x0];
	s2 =	stileid.u32  }
0x38: {  	s1 =	rddreg [dreg:$0x1];
	p0 =	sne.s32 s2, $0x0  }
0x39: {  	s3 =	rddreg [dreg:$0x2];
	[bflag:$0x3] =	sbarrier.arrive $0xFFFF;
	s2 =	simm.s32 @!p0 $0x1C02  }
0x3a: {  	[timem:s3], [sflag:s2] =	dma.local @!p0 [hbm:s0], s1  }
0x3b: {  	s0 =	simm.s32 @!p0 $0x2  }
0x3c: {  	_ =	swait.ge @!p0 [sflag:s0], s1  }
0x3d: {  	s1 =	ssub.s32 @!p0 $0x0, s1;
	[sflag:s0] =	ssyncset.done @!p0 $0x0  }
0x3e: {  	[sflag:s0] =	ssyncadd.s32 @!p0 s1  }
0x3f: {  	[bflag:$0x3] =	sbarrier.arrive $0xFFFF  }
0x40: {  	_ =	shalt  }

// kernel: kernel.32.cloned.1.call-start
scs
__scs_entry_jumppad:
0x0: {  	(pc) =	sbr.rel $0x88, $3  }
0x1: {  	(tag) =	ssettag $0x0;
	lr =	simm.s32 $0x1  }
0x2: {  	[smem:$0x3F8C] =	sst lr;
	_ =	strace $0xD0000000  }
0x3: {  	_ = 	snop  }
0x4: {  	_ = 	snop  }
0x5: {  	_ = 	snop  }
0x6: {  	_ = 	snop  }
0x7: {  	_ = 	snop  }
__scs_overlays_trampoline_lowered:
0x8: {  	[smem:$0x3F9B] =	sst s0  }
0x9: {  	[smem:$0x3F9C] =	sst s1  }
0xa: {  	[smem:$0x3F9D] =	sst s2  }
0xb: {  	[smem:$0x3F9E] =	sst s3  }
0xc: {  	[smem:$0x3F9F] =	sst s4  }
0xd: {  	[smem:$0x3FA0] =	sst s5  }
0xe: {  	[smem:$0x3FA1] =	sst s6  }
0xf: {  	[smem:$0x3FA2] =	sst s7  }
0x10: {  	[smem:$0x3FA3] =	sst s8  }
0x11: {  	[smem:$0x3FA4] =	sst s9;
	s0 =	simm.s32 @!p0 $0x0  }
0x12: {  	s1 =	sld [smem:$0x3F8A];
	s0 =	simm.s32 @p0 $0x1  }
0x13: {  	[smem:$0x3FA5] =	sst s0;
	s0 =	simm.s32 @!p1 $0x0  }
0x14: {  	s2 =	sld [smem:$0x3F89];
	s0 =	simm.s32 @p1 $0x1  }
0x15: {  	[smem:$0x3FA6] =	sst s0;
	s0 =	simm.s32 @!p2 $0x0  }
0x16: {  	s3 =	sld [smem:$0x3FDB];
	s0 =	simm.s32 @p2 $0x1  }
0x17: {  	s4 =	simm.s32 $0x1BF5;
	[smem:$0x3FA8] =	sst s0  }
0x18: {  	s0 =	sld [smem:$0x3F8B];
	_ =	swait.ge [sflag:s4], $0x0  }
0x19: {  	s7 =	sld [smem:$0x3F8C]  }
0x1a: {  	s8 =	sadd.s32 $0xFFFFE003, lr  }
0x1b: {  	s9 =	sadd.s32 $0xFFFFFEF7, lr;
	s5 =	simm.s32 $0xFFFFFFFF;
	p2 =	slt.u32 s8, $0xFFFFF086  }
0x1c: {  	p1 =	slt.u32 s9, $0xF7A;
	s5 =	simm.s32 @!p2 $0x0  }
0x1d: {  	s5 =	simm.s32 @p1 $0x1;
	p0 =	seq.s32 s7, s2  }
0x1e: {  	s7 =	smul.u32 @!p0 $0xF7A, s2;
	p2 =	seq.s32 @!p0 s5, $0x0  }
0x1f: {  	s9 =	smul.u32 $0xF7A, s1;
	s8 =	simm.s32 @!p0 $0x1BF5;
	p2 =	por !p2, p0  }
0x20: {  	[sflag:s8] =	ssyncset.s32 @!p0 $0xFFFFF086;
	s6 =	sadd.s32 @!p0 s3, s7;
	s7 =	simm.s32 @!p0 $0x108  }
0x21: {  	s3 =	sadd.s32 s3, s9;
	s6 =	sadd.s32 @!p0 $0x88, s6;
	s7 =	simm.s32 @p2 $0x1082  }
0x22: {  	[simem:s7], [sflag:s8] =	dma.local @!p0 [hbm:s6], $0xF7A  }
0x23: {  	s9 =	sor.u32 $0xD0000000, s2;
	s6 =	simm.s32 $0x108;
	_ =	swait.ge @!p0 [sflag:s8], $0x0  }
0x24: {  	s3 =	sadd.s32 $0x88, s3;
	s6 =	simm.s32 @!p1 $0x1082;
	[sflag:s4] =	ssyncset.s32 $0xFFFFF086  }
0x25: {  	[simem:s6], [sflag:s4] =	dma.local [hbm:s3], $0xF7A  }
0x26: {  	[smem:$0x3F8C] =	sst s1;
	(tag) =	ssettag s2;
	_ =	strace s9  }
0x27: {  	s1 =	sld [smem:$0x3F9C]  }
0x28: {  	s2 =	sld [smem:$0x3F9D]  }
0x29: {  	s4 =	sld [smem:$0x3F9F]  }
0x2a: {  	p0 =	seq.s32 s5, $0x0;
	s5 =	sld [smem:$0x3FA0]  }
0x2b: {  	s6 =	sld [smem:$0x3FA1]  }
0x2c: {  	s7 =	sld [smem:$0x3FA2]  }
0x2d: {  	s3 =	simm.s32 $0x108;
	s8 =	sld [smem:$0x3FA3]  }
0x2e: {  	s3 =	simm.s32 @!p0 $0x1082;
	s9 =	sld [smem:$0x3FA4]  }
0x2f: {  	lr =	sadd.s32 s0, s3;
	s0 =	sld [smem:$0x3F9B]  }
0x30: {  	s3 =	sld [smem:$0x3F9E]  }
0x31: {  	[smem:$0x3FA7] =	sst s10  }
0x32: {  	s10 =	sld [smem:$0x3FA5];
	_ =	sdelay $0x3  }
0x33: {  	p0 =	seq.s32 s10, $0x1;
	s10 =	sld [smem:$0x3FA7];
	_ =	sdelay $0x3  }
0x34: {  	[smem:$0x3FA7] =	sst s10  }
0x35: {  	s10 =	sld [smem:$0x3FA6];
	_ =	sdelay $0x3  }
0x36: {  	p1 =	seq.s32 s10, $0x1;
	s10 =	sld [smem:$0x3FA7];
	_ =	sdelay $0x3  }
0x37: {  	[smem:$0x3FA7] =	sst s10  }
0x38: {  	s10 =	sld [smem:$0x3FA8]  }
0x39: {  	_ = 	snop;
	(pc) =	sbr.ind lr, $3  }
0x3a: {  	_ = 	snop  }
0x3b: {  	_ = 	snop  }
0x3c: {  	p2 =	seq.s32 s10, $0x1;
	s10 =	sld [smem:$0x3FA7]  }
0x3d: {  	_ =	shalt  }
0x3e: {  	_ =	shalt  }
0x3f: {  	_ =	shalt  }
0x40: {  	_ =	shalt  }
0x41: {  	_ =	shalt  }
0x42: {  	_ =	shalt  }
0x43: {  	_ =	shalt  }
0x44: {  	_ =	shalt  }
0x45: {  	_ =	shalt  }
0x46: {  	_ =	shalt  }
0x47: {  	_ =	shalt  }
0x48: {  	_ =	shalt  }
0x49: {  	_ =	shalt  }
0x4a: {  	_ =	shalt  }
0x4b: {  	_ =	shalt  }
0x4c: {  	_ =	shalt  }
0x4d: {  	_ =	shalt  }
0x4e: {  	_ =	shalt  }
0x4f: {  	_ =	shalt  }
0x50: {  	_ =	shalt  }
0x51: {  	_ =	shalt  }
0x52: {  	_ =	shalt  }
0x53: {  	_ =	shalt  }
0x54: {  	_ =	shalt  }
0x55: {  	_ =	shalt  }
0x56: {  	_ =	shalt  }
0x57: {  	_ =	shalt  }
0x58: {  	_ =	shalt  }
0x59: {  	_ =	shalt  }
0x5a: {  	_ =	shalt  }
0x5b: {  	_ =	shalt  }
0x5c: {  	_ =	shalt  }
0x5d: {  	_ =	shalt  }
0x5e: {  	_ =	shalt  }
0x5f: {  	_ =	shalt  }
0x60: {  	_ =	shalt  }
0x61: {  	_ =	shalt  }
0x62: {  	_ =	shalt  }
0x63: {  	_ =	shalt  }
0x64: {  	_ =	shalt  }
0x65: {  	_ =	shalt  }
0x66: {  	_ =	shalt  }
0x67: {  	_ =	shalt  }
0x68: {  	_ =	shalt  }
0x69: {  	_ =	shalt  }
0x6a: {  	_ =	shalt  }
0x6b: {  	_ =	shalt  }
0x6c: {  	_ =	shalt  }
0x6d: {  	_ =	shalt  }
0x6e: {  	_ =	shalt  }
0x6f: {  	_ =	shalt  }
0x70: {  	_ =	shalt  }
0x71: {  	_ =	shalt  }
0x72: {  	_ =	shalt  }
0x73: {  	_ =	shalt  }
0x74: {  	_ =	shalt  }
0x75: {  	_ =	shalt  }
0x76: {  	_ =	shalt  }
0x77: {  	_ =	shalt  }
0x78: {  	_ =	shalt  }
0x79: {  	_ =	shalt  }
0x7a: {  	_ =	shalt  }
0x7b: {  	_ =	shalt  }
0x7c: {  	_ =	shalt  }
0x7d: {  	_ =	shalt  }
0x7e: {  	_ =	shalt  }
0x7f: {  	_ =	shalt  }
0x80: {  	_ =	shalt  }
0x81: {  	_ =	shalt  }
0x82: {  	_ =	shalt  }
0x83: {  	_ =	shalt  }
0x84: {  	_ =	shalt  }
0x85: {  	_ =	shalt  }
0x86: {  	_ =	shalt  }
0x87: {  	_ =	shalt  }
.Lfunc_end0:
.L_simem_size_0:
called_computation.3_lowered:
.L_overlay_start_0:
0x88: {  	s2 =	sld [smem:$0x3FD9]  }
0x89: {  	s3 =	sld [smem:$0x3FFE];
	_ =	sdelay $0x1  }
0x8a: {  	s1 =	srdreg.scid  }
0x8b: {  	s0 =	sand.u32 $0x1, s1  }
0x8c: {  	s16 =	sshll.u32 s0, $0xA;
	s2 =	sadd.s32 s3, s2  }
0x8d: {  	s2 =	sadd.s32 s2, s16  }
0x8e: {  	[smem:$0x3FB3] =	sst s2  }
0x8f: {  	_ = 	snop  }
0x90: {  	(tm) =	ssettm $0x1  }
0x91: {  	s17 =	sld [smem:$0x3FFB];
	_ =	sdelay $0x3  }
0x92: {  	_ =	strace s17  }
0x93: {  	s2 =	sld [smem:$0x3FFC];
	_ =	sdelay $0x3  }
0x94: {  	_ =	strace s2  }
0x95: {  	s2 =	sld [smem:$0x3FFD];
	_ =	sdelay $0x3  }
0x96: {  	_ =	strace s2  }
0x97: {  	_ =	strace $0x8FFFFFFF  }
0x98: {  	s18 =	sld [smem:$0x3FDB];
	_ =	sdelay $0x1  }
0x99: {  	s19 =	simm.s32 $_scs_section_size  }
0x9a: {  	s4 =	simm.s32 $_size__tile_overlayer_lowered;
	s5 =	simm.s32 $_tile_overlayer_lowered  }
0x9b: {  	s22 =	simm.s32 $0x1BFF;
	s21 =	sshll.u32 s5, $0x1;
	s2 =	sadd.s32 s19, s18  }
0x9c: {  	s6 =	simm.s32 $0x0;
	s20 =	sshll.u32 s4, $0x1;
	s4 =	sadd.s32 s21, s2  }
0x9d: {  	[timem:s6], [sflag:s22] =	dma.local [hbm:s4], s20  }
0x9e: {  	_ =	swait.ge [sflag:s22], s20  }
0x9f: {  	s3 =	ssub.s32 $0x0, s20;
	[sflag:s22] =	ssyncset.done $0x0  }
0xa0: {  	[sflag:s22] =	ssyncadd.s32 s3;
	_ =	sdelay $0x1  }
0xa1: {  	s23 =	simm.s32 $0x1B8B  }
0xa2: {  	_ =	swait.ge [sflag:s23], $0x1  }
0xa3: {  	[sflag:s23] =	ssyncset.done $0x0  }
0xa4: {  	s25 =	simm.s32 $0x1B8E;
	s24 =	sld [smem:$0x3FFE];
	[sflag:s23] =	ssyncadd.s32 $0xFFFFFFFF  }
0xa5: {  	s26 =	simm.s32 $execute0_lowered;
	[smem:$0x3FD2] =	sst s25  }
0xa6: {  	s4 =	sshll.u32 s26, $0x1;
	_ =	strace $0x8000004F;
	[dreg:$0x1] =	wrdreg $0xFFFFFFFF  }
0xa7: {  	s28 =	simm.s32 $_size_execute0_lowered;
	s2 =	sadd.s32 s2, s4;
	[dreg:$0x0] =	wrdreg $0x0  }
0xa8: {  	s4 =	sshll.u32 s28, $0x1;
	[dreg:$0x2] =	wrdreg s2  }
0xa9: {  	[dreg:$0x3] =	wrdreg s4  }
0xaa: {  	[dreg:$0x4] =	wrdreg $0xC0  }
0xab: {  	_ =	task [dreg:s6], $0x5FFFF  }
0xac: {  	[dreg:$0x1] =	wrdreg $0xFFFFFFFF  }
0xad: {  	[dreg:$0x0] =	wrdreg $0x60  }
0xae: {  	[dreg:$0x2] =	wrdreg s24  }
0xaf: {  	[dreg:$0x3] =	wrdreg $0x0  }
0xb0: {  	[dreg:$0x4] =	wrdreg $0x9  }
0xb1: {  	_ =	task.clear_ibuf [dreg:s6], $0x5FFFF;
	_ =	strace $0x9000004F  }
0xb2: {  	s29 =	simm.s32 $0x9;
	_ =	strace $0x80000051  }
0xb3: {  	_ =	swait.ge [sflag:s29], $0x1  }
0xb4: {  	[sflag:s29] =	ssyncadd.s32 $0xFFFFFFFF  }
0xb5: {  	_ =	strace $0x90000051  }
0xb6: {  	_ =	sfence  }
0xb7: {  	s30 =	sld [smem:$0x0];
	_ =	sdelay $0x2  }
0xb8: {  	s31 =	sshll.u32 s1, $0xD;
	s1 =	sshrl.u32 s1, $0x2  }
0xb9: {  	s3 =	sand.u32 $0x4000, s31;
	s1 =	sadd.s32 s1, s30  }
0xba: {  	s0 =	sor.u32 s3, s0;
	s1 =	sshll.u32 s1, $0x11  }
0xbb: {  	s0 =	sor.u32 s1, s0  }
0xbc: {  	s0 =	sadd.s32 $0x8F2B, s0  }
0xbd: {  	[sflag:s0] =	ssyncadd.remote.s32 $0x1  }
0xbe: {  	_ =	sfence.sel $0xFFFF  }
0xbf: {  	[dreg:$0x0] =	wrdreg $0xFFFFFFFF;
	(pc) =	sbr.abs _section_cstart, $3  }
0xc0: {  	[dreg:$0x1] =	wrdreg $0xFFFFFFFF  }
0xc1: {  	_ =	task.clear_ibuf [dreg:s6], $0x2FFFF;
	_ =	strace $0x9FFFFFFF  }
0xc2: {  	(tm) =	ssettm $0x7FFFFFFF  }
0xc3: {  	_ =	shalt  }
tec
execute0_lowered:
.L_overlay_start_1:
0x0: {  	(tag) =	ssettag $0x1  }
0x1: {  	s0 =	stileid.u32;
	s1 =	srdreg.scid  }
0x2: {  	s5 =	rddreg [dreg:$0x0];
	s4 =	smul.u32 $0x30D40, s0  }
0x3: {  	s2 =	rddreg [dreg:$0x1];
	s3 =	simm.s32 $0x0;
	s7 =	smul.u32 $0x4E20, s0  }
0x4: {  	s14 =	simm.s32 $0x50;
	s6 =	sand.u32 $0x1, s1;
	s9 =	smul.u32 $0xC350, s0  }
0x5: {  	s15 =	simm.s32 $0x0;
	s1 =	rddreg [dreg:$0x2];
	s8 =	smul.u32 $0x2710, s6  }
0x6: {  	[smem:$0x7FF] =	sst s3;
	s30 =	sshll.u32 s0, $0x6;
	s25 =	smul.u32 $0xC3500, s6  }
0x7: {  	_ =	strace $0x80000050;
	s28 =	ssub.s32 $0x2, s6;
	s12 =	smul.u32 $0x186A0, s6  }
0x8: {  	s10 =	sadd.s32 s4, s5;
	s4 =	sadd.s32 $0x328600, s5;
	s29 =	sshrl.u32 s28, $0x1  }
0x9: {  	s13 =	sadd.s32 s9, s2;
	s7 =	sadd.s32 s8, s7;
	s26 =	sadd.s32 s9, s25  }
0xa: {  	s8 =	ssub.s32 s28, s29;
	s31 =	sadd.s32 s12, s10;
	s7 =	sshrl.u32 s7, $0x3  }
0xb: {  	s10 =	sshrl.u32 s13, $0x3;
	s11 =	sadd.s32 s7, s5;
	s7 =	sshrl.u32 s26, $0x3  }
0xc: {  	s12 =	simm.s32 $0xC350;
	s13 =	simm.s32 $0xC3A0;
	s7 =	sadd.s32 s7, s5  }
0xd: {  	s5 =	sor.u32 $0x1C01, s30;
	s9 =	sadd.s32 $0x11400, s11;
	s11 =	simm.s32 $0x1  }
0xe: {  	s6 =	sadd.s32 $0x32A000, s7;
	s7 =	smax.u32 s8, $0x1;
	s8 =	sadd.s32 $0x1B200, s31  }
.LBB2_1:
0xf: {  	[spmem:s10], [sflag:s5] =	dma.local [hbm:s4], $0x186A  }
0x10: {  	_ =	swait.ge [sflag:s11], $0x186A  }
0x11: {  	[sflag:s11] =	ssyncset.done $0x0  }
0x12: {  	[sflag:s11] =	ssyncadd.s32 $0xFFFFE796  }
0x13: {  	s16 =	sadd.s32 $0x0, s9;
	[bflag:$0x0] =	sbarrier.arrive $0xFFFF  }
0x14: {  	[tilespmem:s12], [sflag:$0x1] =	stream.linear.gather [hbm4b:s16+s3], $0x50, $0x38;
	[tilespmem:$0xDCA0] =	vst v63  }
0x15: {  	_ =	swait.ge [sflag:s11], $0x50  }
0x16: {  	[sflag:s11] =	ssyncset.done $0x0  }
0x17: {  	[sflag:s11] =	ssyncadd.s32 $0xFFFFFFB0  }
0x18: {  	[tilespmem:s13], [sflag:$0x1] =	stream.linear.gather [hbm4b:s8+s3], $0x1900, $0x38;
	[tilespmem:$0xDCA0] =	vst v63  }
0x19: {  	_ =	swait.ge [sflag:s11], $0x1900  }
0x1a: {  	[sflag:s11] =	ssyncset.done $0x0  }
0x1b: {  	[sflag:s11] =	ssyncadd.s32 $0xFFFFE700  }
0x1c: {  	[spmem:s2] =	stream.indirect.scatter.add.f32 [tilespmem:s13], [sflag:$0x1], $0x50, s12, s14, $0xb8;
	[tilespmem:$0xDCA0] =	vst v63  }
0x1d: {  	s17 =	simm.s32 $0xA;
	_ =	swait.ge [sflag:s11], $0x1900  }
0x1e: {  	s18 =	simm.s32 $0x14;
	s16 =	sadd.s32 $0x320, s8;
	[sflag:s11] =	ssyncset.done $0x0  }
.LBB2_2:
0x1f: {  	s19 =	sadd.s32 s17, s9  }
0x20: {  	[sflag:s11] =	ssyncadd.s32 $0xFFFFE700;
	s17 =	smov.u32 s18;
	s20 =	sadd.s32 $0xA, s18  }
0x21: {  	[tilespmem:s12], [sflag:$0x1] =	stream.linear.gather [hbm4b:s19+s3], $0x50, $0x38;
	[tilespmem:$0xDCA0] =	vst v63  }
0x22: {  	p0 =	sne.s32 s18, $0x4D8;
	_ =	swait.ge [sflag:s11], $0x50  }
0x23: {  	[sflag:s11] =	ssyncset.done $0x0  }
0x24: {  	[sflag:s11] =	ssyncadd.s32 $0xFFFFFFB0  }
0x25: {  	[tilespmem:s13], [sflag:$0x1] =	stream.linear.gather [hbm4b:s16+s3], $0x1900, $0x38;
	[tilespmem:$0xDCA0] =	vst v63  }
0x26: {  	_ =	swait.ge [sflag:s11], $0x1900  }
.Ltmp0:
0x27: {  	[sflag:s11] =	ssyncset.done $0x0;
	(pc) =	sbr.rel @p0 .LBB2_2-.Ltmp0, $4  }
0x28: {  	[sflag:s11] =	ssyncadd.s32 $0xFFFFE700  }
0x29: {  	[spmem:s2] =	stream.indirect.scatter.add.f32 [tilespmem:s13], [sflag:$0x1], $0x50, s12, s14, $0xb8;
	[tilespmem:$0xDCA0] =	vst v63  }
0x2a: {  	_ =	swait.ge [sflag:s11], $0x1900  }
0x2b: {  	s18 =	smov.u32 s20;
	s16 =	sadd.s32 $0x320, s16;
	[sflag:s11] =	ssyncset.done $0x0  }
0x2c: {  	s17 =	sadd.s32 s17, s9;
	[sflag:s11] =	ssyncadd.s32 $0xFFFFE700  }
0x2d: {  	[tilespmem:s12], [sflag:$0x1] =	stream.linear.gather [hbm4b:s17+s3], $0x50, $0x38;
	[tilespmem:$0xDCA0] =	vst v63  }
0x2e: {  	_ =	swait.ge [sflag:s11], $0x50  }
0x2f: {  	[sflag:s11] =	ssyncset.done $0x0  }
0x30: {  	[sflag:s11] =	ssyncadd.s32 $0xFFFFFFB0  }
0x31: {  	[tilespmem:s13], [sflag:$0x1] =	stream.linear.gather [hbm4b:s16+s3], $0x1900, $0x38;
	[tilespmem:$0xDCA0] =	vst v63  }
0x32: {  	_ =	swait.ge [sflag:s11], $0x1900  }
0x33: {  	[sflag:s11] =	ssyncset.done $0x0  }
0x34: {  	[sflag:s11] =	ssyncadd.s32 $0xFFFFE700  }
0x35: {  	[spmem:s2] =	stream.indirect.scatter.add.f32 [tilespmem:s13], [sflag:$0x1], $0x50, s12, s14, $0xb8;
	[tilespmem:$0xDCA0] =	vst v63  }
0x36: {  	_ =	swait.ge [sflag:s11], $0x1900  }
0x37: {  	s15 =	sadd.s32 $0x1, s15;
	[sflag:s11] =	ssyncset.done $0x0  }
0x38: {  	p0 =	sne.s32 s15, s7;
	[sflag:s11] =	ssyncadd.s32 $0xFFFFE700  }
.Ltmp1:
0x39: {  	[bflag:$0x0] =	sbarrier.arrive $0xFFFF;
	(pc) =	sbr.rel @p0 .LBB2_1-.Ltmp1, $4  }
0x3a: {  	[hbm:s6], [sflag:s5] =	dma.local [spmem:s10], $0x186A  }
0x3b: {  	_ =	swait.ge [sflag:s11], $0x186A  }
0x3c: {  	[sflag:s11] =	ssyncset.done $0x0  }
0x3d: {  	[sflag:s11] =	ssyncadd.s32 $0xFFFFE796  }
0x3e: {  	_ =	sfence.sel $0x180000  }
0x3f: {  	[bflag:$0x0] =	sbarrier.arrive $0xFFFF  }
0x40: {  	p0 =	sne.s32 s0, $0x0;
	_ =	strace $0x90000050  }
0x41: {  	s0 =	sadd.s32 @!p0 $0x100000, s1;
	[bflag:$0x2] =	sbarrier.arrive $0xFFFF  }
0x42: {  	[sflag:s0] =	ssyncadd.tile.s32 @!p0 $0x1;
	_ =	shalt  }
.Lfunc_end2:
_tile_overlayer_lowered:
.L_overlay_start_2:
0x43: {  	(tag) =	ssettag $0x2  }
0x44: {  	s0 =	rddreg [dreg:$0x0];
	s2 =	stileid.u32  }
0x45: {  	s1 =	rddreg [dreg:$0x1];
	p0 =	sne.s32 s2, $0x0  }
0x46: {  	s3 =	rddreg [dreg:$0x2];
	[bflag:$0x3] =	sbarrier.arrive $0xFFFF;
	s2 =	simm.s32 @!p0 $0x1C01  }
0x47: {  	[timem:s3], [sflag:s2] =	dma.local @!p0 [hbm:s0], s1  }
0x48: {  	s0 =	simm.s32 @!p0 $0x1  }
0x49: {  	_ =	swait.ge @!p0 [sflag:s0], s1  }
0x4a: {  	s1 =	ssub.s32 @!p0 $0x0, s1;
	[sflag:s0] =	ssyncset.done @!p0 $0x0  }
0x4b: {  	[sflag:s0] =	ssyncadd.s32 @!p0 s1  }
0x4c: {  	[bflag:$0x3] =	sbarrier.arrive $0xFFFF  }
0x4d: {  	_ =	shalt  }

// kernel: kernel.35.cloned.1.call-start
scs
__scs_entry_jumppad:
0x0: {  	(pc) =	sbr.rel $0x88, $3  }
0x1: {  	(tag) =	ssettag $0x0;
	lr =	simm.s32 $0x1  }
0x2: {  	[smem:$0x3F8C] =	sst lr;
	_ =	strace $0xD0000000  }
0x3: {  	_ = 	snop  }
0x4: {  	_ = 	snop  }
0x5: {  	_ = 	snop  }
0x6: {  	_ = 	snop  }
0x7: {  	_ = 	snop  }
__scs_overlays_trampoline_lowered:
0x8: {  	[smem:$0x3F9B] =	sst s0  }
0x9: {  	[smem:$0x3F9C] =	sst s1  }
0xa: {  	[smem:$0x3F9D] =	sst s2  }
0xb: {  	[smem:$0x3F9E] =	sst s3  }
0xc: {  	[smem:$0x3F9F] =	sst s4  }
0xd: {  	[smem:$0x3FA0] =	sst s5  }
0xe: {  	[smem:$0x3FA1] =	sst s6  }
0xf: {  	[smem:$0x3FA2] =	sst s7  }
0x10: {  	[smem:$0x3FA3] =	sst s8  }
0x11: {  	[smem:$0x3FA4] =	sst s9;
	s0 =	simm.s32 @!p0 $0x0  }
0x12: {  	s1 =	sld [smem:$0x3F8A];
	s0 =	simm.s32 @p0 $0x1  }
0x13: {  	[smem:$0x3FA5] =	sst s0;
	s0 =	simm.s32 @!p1 $0x0  }
0x14: {  	s2 =	sld [smem:$0x3F89];
	s0 =	simm.s32 @p1 $0x1  }
0x15: {  	[smem:$0x3FA6] =	sst s0;
	s0 =	simm.s32 @!p2 $0x0  }
0x16: {  	s3 =	sld [smem:$0x3FDB];
	s0 =	simm.s32 @p2 $0x1  }
0x17: {  	s4 =	simm.s32 $0x1BF5;
	[smem:$0x3FA8] =	sst s0  }
0x18: {  	s0 =	sld [smem:$0x3F8B];
	_ =	swait.ge [sflag:s4], $0x0  }
0x19: {  	s7 =	sld [smem:$0x3F8C]  }
0x1a: {  	s8 =	sadd.s32 $0xFFFFE003, lr  }
0x1b: {  	s9 =	sadd.s32 $0xFFFFFEF7, lr;
	s5 =	simm.s32 $0xFFFFFFFF;
	p2 =	slt.u32 s8, $0xFFFFF086  }
0x1c: {  	p1 =	slt.u32 s9, $0xF7A;
	s5 =	simm.s32 @!p2 $0x0  }
0x1d: {  	s5 =	simm.s32 @p1 $0x1;
	p0 =	seq.s32 s7, s2  }
0x1e: {  	s7 =	smul.u32 @!p0 $0xF7A, s2;
	p2 =	seq.s32 @!p0 s5, $0x0  }
0x1f: {  	s9 =	smul.u32 $0xF7A, s1;
	s8 =	simm.s32 @!p0 $0x1BF5;
	p2 =	por !p2, p0  }
0x20: {  	[sflag:s8] =	ssyncset.s32 @!p0 $0xFFFFF086;
	s6 =	sadd.s32 @!p0 s3, s7;
	s7 =	simm.s32 @!p0 $0x108  }
0x21: {  	s3 =	sadd.s32 s3, s9;
	s6 =	sadd.s32 @!p0 $0x88, s6;
	s7 =	simm.s32 @p2 $0x1082  }
0x22: {  	[simem:s7], [sflag:s8] =	dma.local @!p0 [hbm:s6], $0xF7A  }
0x23: {  	s9 =	sor.u32 $0xD0000000, s2;
	s6 =	simm.s32 $0x108;
	_ =	swait.ge @!p0 [sflag:s8], $0x0  }
0x24: {  	s3 =	sadd.s32 $0x88, s3;
	s6 =	simm.s32 @!p1 $0x1082;
	[sflag:s4] =	ssyncset.s32 $0xFFFFF086  }
0x25: {  	[simem:s6], [sflag:s4] =	dma.local [hbm:s3], $0xF7A  }
0x26: {  	[smem:$0x3F8C] =	sst s1;
	(tag) =	ssettag s2;
	_ =	strace s9  }
0x27: {  	s1 =	sld [smem:$0x3F9C]  }
0x28: {  	s2 =	sld [smem:$0x3F9D]  }
0x29: {  	s4 =	sld [smem:$0x3F9F]  }
0x2a: {  	p0 =	seq.s32 s5, $0x0;
	s5 =	sld [smem:$0x3FA0]  }
0x2b: {  	s6 =	sld [smem:$0x3FA1]  }
0x2c: {  	s7 =	sld [smem:$0x3FA2]  }
0x2d: {  	s3 =	simm.s32 $0x108;
	s8 =	sld [smem:$0x3FA3]  }
0x2e: {  	s3 =	simm.s32 @!p0 $0x1082;
	s9 =	sld [smem:$0x3FA4]  }
0x2f: {  	lr =	sadd.s32 s0, s3;
	s0 =	sld [smem:$0x3F9B]  }
0x30: {  	s3 =	sld [smem:$0x3F9E]  }
0x31: {  	[smem:$0x3FA7] =	sst s10  }
0x32: {  	s10 =	sld [smem:$0x3FA5];
	_ =	sdelay $0x3  }
0x33: {  	p0 =	seq.s32 s10, $0x1;
	s10 =	sld [smem:$0x3FA7];
	_ =	sdelay $0x3  }
0x34: {  	[smem:$0x3FA7] =	sst s10  }
0x35: {  	s10 =	sld [smem:$0x3FA6];
	_ =	sdelay $0x3  }
0x36: {  	p1 =	seq.s32 s10, $0x1;
	s10 =	sld [smem:$0x3FA7];
	_ =	sdelay $0x3  }
0x37: {  	[smem:$0x3FA7] =	sst s10  }
0x38: {  	s10 =	sld [smem:$0x3FA8]  }
0x39: {  	_ = 	snop;
	(pc) =	sbr.ind lr, $3  }
0x3a: {  	_ = 	snop  }
0x3b: {  	_ = 	snop  }
0x3c: {  	p2 =	seq.s32 s10, $0x1;
	s10 =	sld [smem:$0x3FA7]  }
0x3d: {  	_ =	shalt  }
0x3e: {  	_ =	shalt  }
0x3f: {  	_ =	shalt  }
0x40: {  	_ =	shalt  }
0x41: {  	_ =	shalt  }
0x42: {  	_ =	shalt  }
0x43: {  	_ =	shalt  }
0x44: {  	_ =	shalt  }
0x45: {  	_ =	shalt  }
0x46: {  	_ =	shalt  }
0x47: {  	_ =	shalt  }
0x48: {  	_ =	shalt  }
0x49: {  	_ =	shalt  }
0x4a: {  	_ =	shalt  }
0x4b: {  	_ =	shalt  }
0x4c: {  	_ =	shalt  }
0x4d: {  	_ =	shalt  }
0x4e: {  	_ =	shalt  }
0x4f: {  	_ =	shalt  }
0x50: {  	_ =	shalt  }
0x51: {  	_ =	shalt  }
0x52: {  	_ =	shalt  }
0x53: {  	_ =	shalt  }
0x54: {  	_ =	shalt  }
0x55: {  	_ =	shalt  }
0x56: {  	_ =	shalt  }
0x57: {  	_ =	shalt  }
0x58: {  	_ =	shalt  }
0x59: {  	_ =	shalt  }
0x5a: {  	_ =	shalt  }
0x5b: {  	_ =	shalt  }
0x5c: {  	_ =	shalt  }
0x5d: {  	_ =	shalt  }
0x5e: {  	_ =	shalt  }
0x5f: {  	_ =	shalt  }
0x60: {  	_ =	shalt  }
0x61: {  	_ =	shalt  }
0x62: {  	_ =	shalt  }
0x63: {  	_ =	shalt  }
0x64: {  	_ =	shalt  }
0x65: {  	_ =	shalt  }
0x66: {  	_ =	shalt  }
0x67: {  	_ =	shalt  }
0x68: {  	_ =	shalt  }
0x69: {  	_ =	shalt  }
0x6a: {  	_ =	shalt  }
0x6b: {  	_ =	shalt  }
0x6c: {  	_ =	shalt  }
0x6d: {  	_ =	shalt  }
0x6e: {  	_ =	shalt  }
0x6f: {  	_ =	shalt  }
0x70: {  	_ =	shalt  }
0x71: {  	_ =	shalt  }
0x72: {  	_ =	shalt  }
0x73: {  	_ =	shalt  }
0x74: {  	_ =	shalt  }
0x75: {  	_ =	shalt  }
0x76: {  	_ =	shalt  }
0x77: {  	_ =	shalt  }
0x78: {  	_ =	shalt  }
0x79: {  	_ =	shalt  }
0x7a: {  	_ =	shalt  }
0x7b: {  	_ =	shalt  }
0x7c: {  	_ =	shalt  }
0x7d: {  	_ =	shalt  }
0x7e: {  	_ =	shalt  }
0x7f: {  	_ =	shalt  }
0x80: {  	_ =	shalt  }
0x81: {  	_ =	shalt  }
0x82: {  	_ =	shalt  }
0x83: {  	_ =	shalt  }
0x84: {  	_ =	shalt  }
0x85: {  	_ =	shalt  }
0x86: {  	_ =	shalt  }
0x87: {  	_ =	shalt  }
.Lfunc_end0:
.L_simem_size_0:
called_computation.4_lowered:
.L_overlay_start_0:
0x88: {  	s2 =	sld [smem:$0x3FD9]  }
0x89: {  	s3 =	sld [smem:$0x3FFE];
	_ =	sdelay $0x1  }
0x8a: {  	s1 =	srdreg.scid  }
0x8b: {  	s0 =	sand.u32 $0x1, s1  }
0x8c: {  	s17 =	sshll.u32 s0, $0xA;
	s2 =	sadd.s32 s3, s2  }
0x8d: {  	s2 =	sadd.s32 s2, s17  }
0x8e: {  	[smem:$0x3FB3] =	sst s2  }
0x8f: {  	_ = 	snop  }
0x90: {  	s2 =	sld [smem:$0x3FD0];
	(tm) =	ssettm $0x1  }
0x91: {  	s18 =	sld [smem:$0x3FFB];
	_ =	sdelay $0x3  }
0x92: {  	_ =	strace s18  }
0x93: {  	s3 =	sld [smem:$0x3FFC];
	_ =	sdelay $0x3  }
0x94: {  	_ =	strace s3  }
0x95: {  	s3 =	sld [smem:$0x3FFD];
	_ =	sdelay $0x3  }
0x96: {  	_ =	strace s3  }
0x97: {  	_ =	strace $0x8FFFFFFF  }
0x98: {  	s19 =	sld [smem:$0x3FDB];
	_ =	sdelay $0x1  }
0x99: {  	s4 =	simm.s32 $_scs_section_size  }
0x9a: {  	s5 =	simm.s32 $_size__tile_overlayer_lowered;
	s6 =	simm.s32 $_tile_overlayer_lowered  }
0x9b: {  	s22 =	simm.s32 $0x1BFF;
	s21 =	sshll.u32 s6, $0x1;
	s3 =	sadd.s32 s4, s19  }
0x9c: {  	s7 =	simm.s32 $0x0;
	s20 =	sshll.u32 s5, $0x1;
	s5 =	sadd.s32 s21, s3  }
0x9d: {  	[timem:s7], [sflag:s22] =	dma.local [hbm:s5], s20  }
0x9e: {  	_ =	swait.ge [sflag:s22], s20  }
0x9f: {  	s4 =	ssub.s32 $0x0, s20;
	[sflag:s22] =	ssyncset.done $0x0  }
0xa0: {  	[sflag:s22] =	ssyncadd.s32 s4;
	_ =	sdelay $0x1  }
0xa1: {  	s23 =	simm.s32 $0x1B8B  }
0xa2: {  	_ =	swait.ge [sflag:s23], $0x1  }
0xa3: {  	[sflag:s23] =	ssyncset.done $0x0  }
0xa4: {  	s25 =	simm.s32 $0x1B8E;
	s24 =	sld [smem:$0x3FFE];
	[sflag:s23] =	ssyncadd.s32 $0xFFFFFFFF  }
0xa5: {  	s26 =	simm.s32 $execute0_lowered;
	[smem:$0x3FD2] =	sst s25  }
0xa6: {  	s5 =	sshll.u32 s26, $0x1;
	_ =	strace $0x80000052;
	[dreg:$0x1] =	wrdreg $0xFFFFFFFF  }
0xa7: {  	s28 =	simm.s32 $_size_execute0_lowered;
	s3 =	sadd.s32 s3, s5;
	[dreg:$0x0] =	wrdreg $0x0  }
0xa8: {  	s5 =	sshll.u32 s28, $0x1;
	[dreg:$0x2] =	wrdreg s3  }
0xa9: {  	[dreg:$0x3] =	wrdreg s5  }
0xaa: {  	[dreg:$0x4] =	wrdreg $0xC0  }
0xab: {  	_ =	task [dreg:s7], $0x5FFFF  }
0xac: {  	[dreg:$0x1] =	wrdreg $0xFFFFFFFF  }
0xad: {  	[dreg:$0x0] =	wrdreg $0x60  }
0xae: {  	[dreg:$0x2] =	wrdreg s24  }
0xaf: {  	[dreg:$0x3] =	wrdreg s2  }
0xb0: {  	[dreg:$0x4] =	wrdreg $0x0  }
0xb1: {  	[dreg:$0x5] =	wrdreg $0x9  }
0xb2: {  	_ =	task.clear_ibuf [dreg:s7], $0x6FFFF;
	_ =	strace $0x90000052  }
0xb3: {  	s29 =	simm.s32 $0x9;
	_ =	strace $0x80000054  }
0xb4: {  	_ =	swait.ge [sflag:s29], $0x1  }
0xb5: {  	[sflag:s29] =	ssyncadd.s32 $0xFFFFFFFF  }
0xb6: {  	_ =	strace $0x90000054  }
0xb7: {  	_ =	sfence  }
0xb8: {  	s30 =	sld [smem:$0x0];
	_ =	sdelay $0x2  }
0xb9: {  	s31 =	sshll.u32 s1, $0xD;
	s1 =	sshrl.u32 s1, $0x2  }
0xba: {  	s3 =	sand.u32 $0x4000, s31;
	s1 =	sadd.s32 s1, s30  }
0xbb: {  	s0 =	sor.u32 s3, s0;
	s1 =	sshll.u32 s1, $0x11  }
0xbc: {  	s0 =	sor.u32 s1, s0  }
0xbd: {  	s0 =	sadd.s32 $0x8F2B, s0  }
0xbe: {  	[sflag:s0] =	ssyncadd.remote.s32 $0x1  }
0xbf: {  	_ =	sfence.sel $0xFFFF  }
0xc0: {  	[dreg:$0x0] =	wrdreg $0xFFFFFFFF;
	(pc) =	sbr.abs _section_cstart, $3  }
0xc1: {  	[dreg:$0x1] =	wrdreg $0xFFFFFFFF  }
0xc2: {  	_ =	task.clear_ibuf [dreg:s7], $0x2FFFF;
	_ =	strace $0x9FFFFFFF  }
0xc3: {  	(tm) =	ssettm $0x7FFFFFFF  }
tec
execute0_lowered:
.L_overlay_start_1:
0x0: {  	(tag) =	ssettag $0x1  }
0x1: {  	s10 =	rddreg [dreg:$0x0]  }
0x2: {  	s19 =	rddreg [dreg:$0x1]  }
0x3: {  	s1 =	rddreg [dreg:$0x2]  }
0x4: {  	s0 =	rddreg [dreg:$0x3];
	s3 =	simm.s32 $0x0;
	s5 =	srdreg.scid  }
0x5: {  	s2 =	stileid.u32;
	[smem:$0x7FF] =	sst s3;
	s4 =	sadd.s32 $0x360400, s10  }
0x6: {  	s21 =	sand.u32 $0x1, s5;
	s20 =	sshll.u32 s2, $0x6;
	s7 =	sshll.u32 s2, $0x1  }
0x7: {  	_ =	strace $0x80000053;
	s6 =	sadd.s32 s20, s1;
	s5 =	sor.u32 $0x1C01, s20  }
0x8: {  	s11 =	sor.u32 s21, s7;
	s7 =	sshrl.u32 s6, $0x3;
	s6 =	simm.s32 $0x1  }
0x9: {  	[spmem:s7], [sflag:s5] =	dma.local [hbm:s4], $0x8  }
0xa: {  	s17 =	smul.u32 $0x140, s11;
	_ =	swait.ge [sflag:s6], $0x8  }
0xb: {  	[sflag:s6] =	ssyncset.done $0x0  }
0xc: {  	s18 =	sadd.s32 $0x35AE00, s10;
	s8 =	sshrl.u32 s17, $0x3;
	[sflag:s6] =	ssyncadd.s32 $0xFFFFFFF8  }
0xd: {  	s9 =	simm.s32 $0x40;
	s8 =	sadd.s32 s18, s8;
	[bflag:$0x0] =	sbarrier.arrive $0xFFFF  }
0xe: {  	[tilespmem:s9], [sflag:$0x1] =	stream.linear.gather [hbm4b:s8+s3], $0x50, $0x38;
	[tilespmem:$0x590] =	vst v63  }
0xf: {  	s11 =	smul.u32 $0x280, s11;
	_ =	swait.ge [sflag:s6], $0x50  }
0x10: {  	s22 =	sadd.s32 $0x35B400, s10;
	[sflag:s6] =	ssyncset.done $0x0  }
0x11: {  	s10 =	sadd.s32 s22, s11;
	s11 =	simm.s32 $0x90;
	[sflag:s6] =	ssyncadd.s32 $0xFFFFFFB0  }
0x12: {  	[tilespmem:s11], [sflag:$0x1] =	stream.linear.gather [hbm4b:s10+s3], $0x500, $0x38;
	[tilespmem:$0x590] =	vst v63  }
0x13: {  	_ =	swait.ge [sflag:s6], $0x500  }
0x14: {  	[sflag:s6] =	ssyncset.done $0x0  }
0x15: {  	s12 =	simm.s32 $0x50;
	[sflag:s6] =	ssyncadd.s32 $0xFFFFFB00  }
0x16: {  	[spmem:s1] =	stream.indirect.scatter.add.f32 [tilespmem:s11], [sflag:$0x1], $0x10, s9, s12, $0xb8;
	[tilespmem:$0x590] =	vst v63  }
0x17: {  	s14 =	sadd.s32 $0x50, s17;
	_ =	swait.ge [sflag:s6], $0x500  }
0x18: {  	s13 =	sshrl.u32 s14, $0x3;
	[sflag:s6] =	ssyncset.done $0x0  }
0x19: {  	s13 =	sadd.s32 s18, s13;
	[sflag:s6] =	ssyncadd.s32 $0xFFFFFB00  }
0x1a: {  	[tilespmem:s9], [sflag:$0x1] =	stream.linear.gather [hbm4b:s13+s3], $0x50, $0x38;
	[tilespmem:$0x590] =	vst v63  }
0x1b: {  	_ =	swait.ge [sflag:s6], $0x50  }
0x1c: {  	s14 =	sshll.u32 s14, $0x1;
	[sflag:s6] =	ssyncset.done $0x0  }
0x1d: {  	s14 =	sadd.s32 s22, s14;
	[sflag:s6] =	ssyncadd.s32 $0xFFFFFFB0  }
0x1e: {  	[tilespmem:s11], [sflag:$0x1] =	stream.linear.gather [hbm4b:s14+s3], $0x500, $0x38;
	[tilespmem:$0x590] =	vst v63  }
0x1f: {  	_ =	swait.ge [sflag:s6], $0x500  }
0x20: {  	[sflag:s6] =	ssyncset.done $0x0  }
0x21: {  	[sflag:s6] =	ssyncadd.s32 $0xFFFFFB00  }
0x22: {  	[spmem:s1] =	stream.indirect.scatter.add.f32 [tilespmem:s11], [sflag:$0x1], $0x10, s9, s12, $0xb8;
	[tilespmem:$0x590] =	vst v63  }
0x23: {  	s16 =	sadd.s32 $0xA0, s17;
	_ =	swait.ge [sflag:s6], $0x500  }
0x24: {  	s15 =	sshrl.u32 s16, $0x3;
	[sflag:s6] =	ssyncset.done $0x0  }
0x25: {  	s15 =	sadd.s32 s18, s15;
	[sflag:s6] =	ssyncadd.s32 $0xFFFFFB00  }
0x26: {  	[tilespmem:s9], [sflag:$0x1] =	stream.linear.gather [hbm4b:s15+s3], $0x50, $0x38;
	[tilespmem:$0x590] =	vst v63  }
0x27: {  	_ =	swait.ge [sflag:s6], $0x50  }
0x28: {  	s16 =	sshll.u32 s16, $0x1;
	[sflag:s6] =	ssyncset.done $0x0  }
0x29: {  	s16 =	sadd.s32 s22, s16;
	[sflag:s6] =	ssyncadd.s32 $0xFFFFFFB0  }
0x2a: {  	[tilespmem:s11], [sflag:$0x1] =	stream.linear.gather [hbm4b:s16+s3], $0x500, $0x38;
	[tilespmem:$0x590] =	vst v63  }
0x2b: {  	_ =	swait.ge [sflag:s6], $0x500  }
0x2c: {  	[sflag:s6] =	ssyncset.done $0x0  }
0x2d: {  	[sflag:s6] =	ssyncadd.s32 $0xFFFFFB00  }
0x2e: {  	[spmem:s1] =	stream.indirect.scatter.add.f32 [tilespmem:s11], [sflag:$0x1], $0x10, s9, s12, $0xb8;
	[tilespmem:$0x590] =	vst v63  }
0x2f: {  	s23 =	sadd.s32 $0xF0, s17;
	_ =	swait.ge [sflag:s6], $0x500  }
0x30: {  	s17 =	sshrl.u32 s23, $0x3;
	[sflag:s6] =	ssyncset.done $0x0  }
0x31: {  	s17 =	sadd.s32 s18, s17;
	[sflag:s6] =	ssyncadd.s32 $0xFFFFFB00  }
0x32: {  	[tilespmem:s9], [sflag:$0x1] =	stream.linear.gather [hbm4b:s17+s3], $0x50, $0x38;
	[tilespmem:$0x590] =	vst v63  }
0x33: {  	_ =	swait.ge [sflag:s6], $0x50  }
0x34: {  	s28 =	sshll.u32 s23, $0x1;
	[sflag:s6] =	ssyncset.done $0x0  }
0x35: {  	s18 =	sadd.s32 s22, s28;
	[sflag:s6] =	ssyncadd.s32 $0xFFFFFFB0  }
0x36: {  	[tilespmem:s11], [sflag:$0x1] =	stream.linear.gather [hbm4b:s18+s3], $0x500, $0x38;
	[tilespmem:$0x590] =	vst v63  }
0x37: {  	s29 =	ssub.s32 $0x2, s21;
	_ =	swait.ge [sflag:s6], $0x500  }
0x38: {  	s21 =	sshll.u32 s21, $0xA;
	s30 =	sshrl.u32 s29, $0x1;
	[sflag:s6] =	ssyncset.done $0x0  }
0x39: {  	s20 =	sor.u32 s20, s21;
	s21 =	ssub.s32 s29, s30;
	[sflag:s6] =	ssyncadd.s32 $0xFFFFFB00  }
0x3a: {  	[spmem:s1] =	stream.indirect.scatter.add.f32 [tilespmem:s11], [sflag:$0x1], $0x10, s9, s12, $0xb8;
	[tilespmem:$0x590] =	vst v63  }
0x3b: {  	s31 =	smax.u32 s21, $0x1;
	_ =	swait.ge [sflag:s6], $0x500  }
0x3c: {  	p0 =	sne.s32 s31, $0x1;
	[sflag:s6] =	ssyncset.done $0x0  }
.Ltmp0:
0x3d: {  	s20 =	sshrl.u32 s20, $0x3;
	[sflag:s6] =	ssyncadd.s32 $0xFFFFFB00;
	(pc) =	sbr.rel @!p0 .LBB2_2-.Ltmp0, $4  }
0x3e: {  	s19 =	sadd.s32 s19, s20;
	[bflag:$0x0] =	sbarrier.arrive $0xFFFF  }
0x3f: {  	[hbm:s19], [sflag:s5] =	dma.local [spmem:s7], $0x8  }
0x40: {  	_ =	swait.ge [sflag:s6], $0x8  }
0x41: {  	s20 =	sadd.s32 $0xFFFFFFFF, s31;
	[sflag:s6] =	ssyncset.done $0x0  }
.LBB2_1:
0x42: {  	p0 =	sne.s32 s20, $0x1;
	s20 =	sadd.s32 $0xFFFFFFFF, s20;
	[sflag:s6] =	ssyncadd.s32 $0xFFFFFFF8  }
0x43: {  	[spmem:s7], [sflag:s5] =	dma.local [hbm:s4], $0x8  }
0x44: {  	_ =	swait.ge [sflag:s6], $0x8  }
0x45: {  	[sflag:s6] =	ssyncset.done $0x0  }
0x46: {  	[sflag:s6] =	ssyncadd.s32 $0xFFFFFFF8  }
0x47: {  	[bflag:$0x0] =	sbarrier.arrive $0xFFFF  }
0x48: {  	[tilespmem:s9], [sflag:$0x1] =	stream.linear.gather [hbm4b:s8+s3], $0x50, $0x38;
	[tilespmem:$0x590] =	vst v63  }
0x49: {  	_ =	swait.ge [sflag:s6], $0x50  }
0x4a: {  	[sflag:s6] =	ssyncset.done $0x0  }
0x4b: {  	[sflag:s6] =	ssyncadd.s32 $0xFFFFFFB0  }
0x4c: {  	[tilespmem:s11], [sflag:$0x1] =	stream.linear.gather [hbm4b:s10+s3], $0x500, $0x38;
	[tilespmem:$0x590] =	vst v63  }
0x4d: {  	_ =	swait.ge [sflag:s6], $0x500  }
0x4e: {  	[sflag:s6] =	ssyncset.done $0x0  }
0x4f: {  	[sflag:s6] =	ssyncadd.s32 $0xFFFFFB00  }
0x50: {  	[spmem:s1] =	stream.indirect.scatter.add.f32 [tilespmem:s11], [sflag:$0x1], $0x10, s9, s12, $0xb8;
	[tilespmem:$0x590] =	vst v63  }
0x51: {  	_ =	swait.ge [sflag:s6], $0x500  }
0x52: {  	[sflag:s6] =	ssyncset.done $0x0  }
0x53: {  	[sflag:s6] =	ssyncadd.s32 $0xFFFFFB00  }
0x54: {  	[tilespmem:s9], [sflag:$0x1] =	stream.linear.gather [hbm4b:s13+s3], $0x50, $0x38;
	[tilespmem:$0x590] =	vst v63  }
0x55: {  	_ =	swait.ge [sflag:s6], $0x50  }
0x56: {  	[sflag:s6] =	ssyncset.done $0x0  }
0x57: {  	[sflag:s6] =	ssyncadd.s32 $0xFFFFFFB0  }
0x58: {  	[tilespmem:s11], [sflag:$0x1] =	stream.linear.gather [hbm4b:s14+s3], $0x500, $0x38;
	[tilespmem:$0x590] =	vst v63  }
0x59: {  	_ =	swait.ge [sflag:s6], $0x500  }
0x5a: {  	[sflag:s6] =	ssyncset.done $0x0  }
0x5b: {  	[sflag:s6] =	ssyncadd.s32 $0xFFFFFB00  }
0x5c: {  	[spmem:s1] =	stream.indirect.scatter.add.f32 [tilespmem:s11], [sflag:$0x1], $0x10, s9, s12, $0xb8;
	[tilespmem:$0x590] =	vst v63  }
0x5d: {  	_ =	swait.ge [sflag:s6], $0x500  }
0x5e: {  	[sflag:s6] =	ssyncset.done $0x0  }
0x5f: {  	[sflag:s6] =	ssyncadd.s32 $0xFFFFFB00  }
0x60: {  	[tilespmem:s9], [sflag:$0x1] =	stream.linear.gather [hbm4b:s15+s3], $0x50, $0x38;
	[tilespmem:$0x590] =	vst v63  }
0x61: {  	_ =	swait.ge [sflag:s6], $0x50  }
0x62: {  	[sflag:s6] =	ssyncset.done $0x0  }
0x63: {  	[sflag:s6] =	ssyncadd.s32 $0xFFFFFFB0  }
0x64: {  	[tilespmem:s11], [sflag:$0x1] =	stream.linear.gather [hbm4b:s16+s3], $0x500, $0x38;
	[tilespmem:$0x590] =	vst v63  }
0x65: {  	_ =	swait.ge [sflag:s6], $0x500  }
0x66: {  	[sflag:s6] =	ssyncset.done $0x0  }
0x67: {  	[sflag:s6] =	ssyncadd.s32 $0xFFFFFB00  }
0x68: {  	[spmem:s1] =	stream.indirect.scatter.add.f32 [tilespmem:s11], [sflag:$0x1], $0x10, s9, s12, $0xb8;
	[tilespmem:$0x590] =	vst v63  }
0x69: {  	_ =	swait.ge [sflag:s6], $0x500  }
0x6a: {  	[sflag:s6] =	ssyncset.done $0x0  }
0x6b: {  	[sflag:s6] =	ssyncadd.s32 $0xFFFFFB00  }
0x6c: {  	[tilespmem:s9], [sflag:$0x1] =	stream.linear.gather [hbm4b:s17+s3], $0x50, $0x38;
	[tilespmem:$0x590] =	vst v63  }
0x6d: {  	_ =	swait.ge [sflag:s6], $0x50  }
0x6e: {  	[sflag:s6] =	ssyncset.done $0x0  }
0x6f: {  	[sflag:s6] =	ssyncadd.s32 $0xFFFFFFB0  }
0x70: {  	[tilespmem:s11], [sflag:$0x1] =	stream.linear.gather [hbm4b:s18+s3], $0x500, $0x38;
	[tilespmem:$0x590] =	vst v63  }
0x71: {  	_ =	swait.ge [sflag:s6], $0x500  }
0x72: {  	[sflag:s6] =	ssyncset.done $0x0  }
0x73: {  	[sflag:s6] =	ssyncadd.s32 $0xFFFFFB00  }
0x74: {  	[spmem:s1] =	stream.indirect.scatter.add.f32 [tilespmem:s11], [sflag:$0x1], $0x10, s9, s12, $0xb8;
	[tilespmem:$0x590] =	vst v63  }
0x75: {  	_ =	swait.ge [sflag:s6], $0x500  }
0x76: {  	[sflag:s6] =	ssyncset.done $0x0  }
.Ltmp1:
0x77: {  	[sflag:s6] =	ssyncadd.s32 $0xFFFFFB00;
	(pc) =	sbr.rel @p0 .LBB2_1-.Ltmp1, $4  }
0x78: {  	[bflag:$0x0] =	sbarrier.arrive $0xFFFF  }
0x79: {  	[hbm:s19], [sflag:s5] =	dma.local [spmem:s7], $0x8  }
0x7a: {  	_ =	swait.ge [sflag:s6], $0x8  }
0x7b: {  	[sflag:s6] =	ssyncset.done $0x0  }
.LBB2_2:
0x7c: {  	[sflag:s6] =	ssyncadd.s32 $0xFFFFFFF8  }
0x7d: {  	_ =	sfence.sel $0x180000  }
0x7e: {  	[bflag:$0x0] =	sbarrier.arrive $0xFFFF  }
0x7f: {  	p0 =	sne.s32 s2, $0x0;
	_ =	strace $0x90000053  }
0x80: {  	s0 =	sadd.s32 @!p0 $0x100000, s0;
	[bflag:$0x2] =	sbarrier.arrive $0xFFFF  }
0x81: {  	[sflag:s0] =	ssyncadd.tile.s32 @!p0 $0x1;
	_ =	shalt  }
.Lfunc_end2:
_tile_overlayer_lowered:
.L_overlay_start_2:
0x82: {  	(tag) =	ssettag $0x2  }
0x83: {  	s0 =	rddreg [dreg:$0x0];
	s2 =	stileid.u32  }
0x84: {  	s1 =	rddreg [dreg:$0x1];
	p0 =	sne.s32 s2, $0x0  }
0x85: {  	s3 =	rddreg [dreg:$0x2];
	[bflag:$0x3] =	sbarrier.arrive $0xFFFF;
	s2 =	simm.s32 @!p0 $0x1C01  }
0x86: {  	[timem:s3], [sflag:s2] =	dma.local @!p0 [hbm:s0], s1  }
0x87: {  	s0 =	simm.s32 @!p0 $0x1  }
0x88: {  	_ =	swait.ge @!p0 [sflag:s0], s1  }
0x89: {  	s1 =	ssub.s32 @!p0 $0x0, s1;
	[sflag:s0] =	ssyncset.done @!p0 $0x0  }
0x8a: {  	[sflag:s0] =	ssyncadd.s32 @!p0 s1  }
0x8b: {  	[bflag:$0x3] =	sbarrier.arrive $0xFFFF  }
0x8c: {  	_ =	shalt  }

// kernel: kernel.38.cloned.1.call-start
scs
__scs_entry_jumppad:
0x0: {  	(pc) =	sbr.rel $0x88, $3  }
0x1: {  	(tag) =	ssettag $0x0;
	lr =	simm.s32 $0x1  }
0x2: {  	[smem:$0x3F8C] =	sst lr;
	_ =	strace $0xD0000000  }
0x3: {  	_ = 	snop  }
0x4: {  	_ = 	snop  }
0x5: {  	_ = 	snop  }
0x6: {  	_ = 	snop  }
0x7: {  	_ = 	snop  }
__scs_overlays_trampoline_lowered:
0x8: {  	[smem:$0x3F9B] =	sst s0  }
0x9: {  	[smem:$0x3F9C] =	sst s1  }
0xa: {  	[smem:$0x3F9D] =	sst s2  }
0xb: {  	[smem:$0x3F9E] =	sst s3  }
0xc: {  	[smem:$0x3F9F] =	sst s4  }
0xd: {  	[smem:$0x3FA0] =	sst s5  }
0xe: {  	[smem:$0x3FA1] =	sst s6  }
0xf: {  	[smem:$0x3FA2] =	sst s7  }
0x10: {  	[smem:$0x3FA3] =	sst s8  }
0x11: {  	[smem:$0x3FA4] =	sst s9;
	s0 =	simm.s32 @!p0 $0x0  }
0x12: {  	s1 =	sld [smem:$0x3F8A];
	s0 =	simm.s32 @p0 $0x1  }
0x13: {  	[smem:$0x3FA5] =	sst s0;
	s0 =	simm.s32 @!p1 $0x0  }
0x14: {  	s2 =	sld [smem:$0x3F89];
	s0 =	simm.s32 @p1 $0x1  }
0x15: {  	[smem:$0x3FA6] =	sst s0;
	s0 =	simm.s32 @!p2 $0x0  }
0x16: {  	s3 =	sld [smem:$0x3FDB];
	s0 =	simm.s32 @p2 $0x1  }
0x17: {  	s4 =	simm.s32 $0x1BF5;
	[smem:$0x3FA8] =	sst s0  }
0x18: {  	s0 =	sld [smem:$0x3F8B];
	_ =	swait.ge [sflag:s4], $0x0  }
0x19: {  	s7 =	sld [smem:$0x3F8C]  }
0x1a: {  	s8 =	sadd.s32 $0xFFFFE003, lr  }
0x1b: {  	s9 =	sadd.s32 $0xFFFFFEF7, lr;
	s5 =	simm.s32 $0xFFFFFFFF;
	p2 =	slt.u32 s8, $0xFFFFF086  }
0x1c: {  	p1 =	slt.u32 s9, $0xF7A;
	s5 =	simm.s32 @!p2 $0x0  }
0x1d: {  	s5 =	simm.s32 @p1 $0x1;
	p0 =	seq.s32 s7, s2  }
0x1e: {  	s7 =	smul.u32 @!p0 $0xF7A, s2;
	p2 =	seq.s32 @!p0 s5, $0x0  }
0x1f: {  	s9 =	smul.u32 $0xF7A, s1;
	s8 =	simm.s32 @!p0 $0x1BF5;
	p2 =	por !p2, p0  }
0x20: {  	[sflag:s8] =	ssyncset.s32 @!p0 $0xFFFFF086;
	s6 =	sadd.s32 @!p0 s3, s7;
	s7 =	simm.s32 @!p0 $0x108  }
0x21: {  	s3 =	sadd.s32 s3, s9;
	s6 =	sadd.s32 @!p0 $0x88, s6;
	s7 =	simm.s32 @p2 $0x1082  }
0x22: {  	[simem:s7], [sflag:s8] =	dma.local @!p0 [hbm:s6], $0xF7A  }
0x23: {  	s9 =	sor.u32 $0xD0000000, s2;
	s6 =	simm.s32 $0x108;
	_ =	swait.ge @!p0 [sflag:s8], $0x0  }
0x24: {  	s3 =	sadd.s32 $0x88, s3;
	s6 =	simm.s32 @!p1 $0x1082;
	[sflag:s4] =	ssyncset.s32 $0xFFFFF086  }
0x25: {  	[simem:s6], [sflag:s4] =	dma.local [hbm:s3], $0xF7A  }
0x26: {  	[smem:$0x3F8C] =	sst s1;
	(tag) =	ssettag s2;
	_ =	strace s9  }
0x27: {  	s1 =	sld [smem:$0x3F9C]  }
0x28: {  	s2 =	sld [smem:$0x3F9D]  }
0x29: {  	s4 =	sld [smem:$0x3F9F]  }
0x2a: {  	p0 =	seq.s32 s5, $0x0;
	s5 =	sld [smem:$0x3FA0]  }
0x2b: {  	s6 =	sld [smem:$0x3FA1]  }
0x2c: {  	s7 =	sld [smem:$0x3FA2]  }
0x2d: {  	s3 =	simm.s32 $0x108;
	s8 =	sld [smem:$0x3FA3]  }
0x2e: {  	s3 =	simm.s32 @!p0 $0x1082;
	s9 =	sld [smem:$0x3FA4]  }
0x2f: {  	lr =	sadd.s32 s0, s3;
	s0 =	sld [smem:$0x3F9B]  }
0x30: {  	s3 =	sld [smem:$0x3F9E]  }
0x31: {  	[smem:$0x3FA7] =	sst s10  }
0x32: {  	s10 =	sld [smem:$0x3FA5];
	_ =	sdelay $0x3  }
0x33: {  	p0 =	seq.s32 s10, $0x1;
	s10 =	sld [smem:$0x3FA7];
	_ =	sdelay $0x3  }
0x34: {  	[smem:$0x3FA7] =	sst s10  }
0x35: {  	s10 =	sld [smem:$0x3FA6];
	_ =	sdelay $0x3  }
0x36: {  	p1 =	seq.s32 s10, $0x1;
	s10 =	sld [smem:$0x3FA7];
	_ =	sdelay $0x3  }
0x37: {  	[smem:$0x3FA7] =	sst s10  }
0x38: {  	s10 =	sld [smem:$0x3FA8]  }
0x39: {  	_ = 	snop;
	(pc) =	sbr.ind lr, $3  }
0x3a: {  	_ = 	snop  }
0x3b: {  	_ = 	snop  }
0x3c: {  	p2 =	seq.s32 s10, $0x1;
	s10 =	sld [smem:$0x3FA7]  }
0x3d: {  	_ =	shalt  }
0x3e: {  	_ =	shalt  }
0x3f: {  	_ =	shalt  }
0x40: {  	_ =	shalt  }
0x41: {  	_ =	shalt  }
0x42: {  	_ =	shalt  }
0x43: {  	_ =	shalt  }
0x44: {  	_ =	shalt  }
0x45: {  	_ =	shalt  }
0x46: {  	_ =	shalt  }
0x47: {  	_ =	shalt  }
0x48: {  	_ =	shalt  }
0x49: {  	_ =	shalt  }
0x4a: {  	_ =	shalt  }
0x4b: {  	_ =	shalt  }
0x4c: {  	_ =	shalt  }
0x4d: {  	_ =	shalt  }
0x4e: {  	_ =	shalt  }
0x4f: {  	_ =	shalt  }
0x50: {  	_ =	shalt  }
0x51: {  	_ =	shalt  }
0x52: {  	_ =	shalt  }
0x53: {  	_ =	shalt  }
0x54: {  	_ =	shalt  }
0x55: {  	_ =	shalt  }
0x56: {  	_ =	shalt  }
0x57: {  	_ =	shalt  }
0x58: {  	_ =	shalt  }
0x59: {  	_ =	shalt  }
0x5a: {  	_ =	shalt  }
0x5b: {  	_ =	shalt  }
0x5c: {  	_ =	shalt  }
0x5d: {  	_ =	shalt  }
0x5e: {  	_ =	shalt  }
0x5f: {  	_ =	shalt  }
0x60: {  	_ =	shalt  }
0x61: {  	_ =	shalt  }
0x62: {  	_ =	shalt  }
0x63: {  	_ =	shalt  }
0x64: {  	_ =	shalt  }
0x65: {  	_ =	shalt  }
0x66: {  	_ =	shalt  }
0x67: {  	_ =	shalt  }
0x68: {  	_ =	shalt  }
0x69: {  	_ =	shalt  }
0x6a: {  	_ =	shalt  }
0x6b: {  	_ =	shalt  }
0x6c: {  	_ =	shalt  }
0x6d: {  	_ =	shalt  }
0x6e: {  	_ =	shalt  }
0x6f: {  	_ =	shalt  }
0x70: {  	_ =	shalt  }
0x71: {  	_ =	shalt  }
0x72: {  	_ =	shalt  }
0x73: {  	_ =	shalt  }
0x74: {  	_ =	shalt  }
0x75: {  	_ =	shalt  }
0x76: {  	_ =	shalt  }
0x77: {  	_ =	shalt  }
0x78: {  	_ =	shalt  }
0x79: {  	_ =	shalt  }
0x7a: {  	_ =	shalt  }
0x7b: {  	_ =	shalt  }
0x7c: {  	_ =	shalt  }
0x7d: {  	_ =	shalt  }
0x7e: {  	_ =	shalt  }
0x7f: {  	_ =	shalt  }
0x80: {  	_ =	shalt  }
0x81: {  	_ =	shalt  }
0x82: {  	_ =	shalt  }
0x83: {  	_ =	shalt  }
0x84: {  	_ =	shalt  }
0x85: {  	_ =	shalt  }
0x86: {  	_ =	shalt  }
0x87: {  	_ =	shalt  }
.Lfunc_end0:
.L_simem_size_0:
called_computation.5_lowered:
.L_overlay_start_0:
0x88: {  	s2 =	sld [smem:$0x3FD9]  }
0x89: {  	s3 =	sld [smem:$0x3FFE];
	_ =	sdelay $0x1  }
0x8a: {  	s1 =	srdreg.scid  }
0x8b: {  	s0 =	sand.u32 $0x1, s1  }
0x8c: {  	s17 =	sshll.u32 s0, $0xA;
	s2 =	sadd.s32 s3, s2  }
0x8d: {  	s2 =	sadd.s32 s2, s17  }
0x8e: {  	[smem:$0x3FB3] =	sst s2  }
0x8f: {  	_ = 	snop  }
0x90: {  	s2 =	sld [smem:$0x3FD0];
	(tm) =	ssettm $0x1  }
0x91: {  	s18 =	sld [smem:$0x3FFB];
	_ =	sdelay $0x3  }
0x92: {  	_ =	strace s18  }
0x93: {  	s3 =	sld [smem:$0x3FFC];
	_ =	sdelay $0x3  }
0x94: {  	_ =	strace s3  }
0x95: {  	s3 =	sld [smem:$0x3FFD];
	_ =	sdelay $0x3  }
0x96: {  	_ =	strace s3  }
0x97: {  	_ =	strace $0x8FFFFFFF  }
0x98: {  	s19 =	sld [smem:$0x3FDB];
	_ =	sdelay $0x1  }
0x99: {  	s4 =	simm.s32 $_scs_section_size  }
0x9a: {  	s5 =	simm.s32 $_size__tile_overlayer_lowered;
	s6 =	simm.s32 $_tile_overlayer_lowered  }
0x9b: {  	s22 =	simm.s32 $0x1BFF;
	s21 =	sshll.u32 s6, $0x1;
	s3 =	sadd.s32 s4, s19  }
0x9c: {  	s7 =	simm.s32 $0x0;
	s20 =	sshll.u32 s5, $0x1;
	s5 =	sadd.s32 s21, s3  }
0x9d: {  	[timem:s7], [sflag:s22] =	dma.local [hbm:s5], s20  }
0x9e: {  	_ =	swait.ge [sflag:s22], s20  }
0x9f: {  	s4 =	ssub.s32 $0x0, s20;
	[sflag:s22] =	ssyncset.done $0x0  }
0xa0: {  	[sflag:s22] =	ssyncadd.s32 s4;
	_ =	sdelay $0x1  }
0xa1: {  	s23 =	simm.s32 $0x1B8B  }
0xa2: {  	_ =	swait.ge [sflag:s23], $0x1  }
0xa3: {  	[sflag:s23] =	ssyncset.done $0x0  }
0xa4: {  	s25 =	simm.s32 $0x1B8E;
	s24 =	sld [smem:$0x3FFE];
	[sflag:s23] =	ssyncadd.s32 $0xFFFFFFFF  }
0xa5: {  	s26 =	simm.s32 $execute0_lowered;
	[smem:$0x3FD2] =	sst s25  }
0xa6: {  	s5 =	sshll.u32 s26, $0x1;
	_ =	strace $0x80000055;
	[dreg:$0x1] =	wrdreg $0xFFFFFFFF  }
0xa7: {  	s28 =	simm.s32 $_size_execute0_lowered;
	s3 =	sadd.s32 s3, s5;
	[dreg:$0x0] =	wrdreg $0x0  }
0xa8: {  	s5 =	sshll.u32 s28, $0x1;
	[dreg:$0x2] =	wrdreg s3  }
0xa9: {  	[dreg:$0x3] =	wrdreg s5  }
0xaa: {  	[dreg:$0x4] =	wrdreg $0xC0  }
0xab: {  	_ =	task [dreg:s7], $0x5FFFF  }
0xac: {  	[dreg:$0x1] =	wrdreg $0xFFFFFFFF  }
0xad: {  	[dreg:$0x0] =	wrdreg $0x60  }
0xae: {  	[dreg:$0x2] =	wrdreg s2  }
0xaf: {  	[dreg:$0x3] =	wrdreg s24  }
0xb0: {  	[dreg:$0x4] =	wrdreg $0x9  }
0xb1: {  	_ =	task.clear_ibuf [dreg:s7], $0x5FFFF;
	_ =	strace $0x90000055  }
0xb2: {  	s29 =	simm.s32 $0x9;
	_ =	strace $0x80000057  }
0xb3: {  	_ =	swait.ge [sflag:s29], $0x1  }
0xb4: {  	[sflag:s29] =	ssyncadd.s32 $0xFFFFFFFF  }
0xb5: {  	_ =	strace $0x90000057  }
0xb6: {  	_ =	sfence  }
0xb7: {  	s30 =	sld [smem:$0x0];
	_ =	sdelay $0x2  }
0xb8: {  	s31 =	sshll.u32 s1, $0xD;
	s1 =	sshrl.u32 s1, $0x2  }
0xb9: {  	s3 =	sand.u32 $0x4000, s31;
	s1 =	sadd.s32 s1, s30  }
0xba: {  	s0 =	sor.u32 s3, s0;
	s1 =	sshll.u32 s1, $0x11  }
0xbb: {  	s0 =	sor.u32 s1, s0  }
0xbc: {  	s0 =	sadd.s32 $0x8F2B, s0  }
0xbd: {  	[sflag:s0] =	ssyncadd.remote.s32 $0x1  }
0xbe: {  	_ =	sfence.sel $0xFFFF  }
0xbf: {  	[dreg:$0x0] =	wrdreg $0xFFFFFFFF;
	(pc) =	sbr.abs _section_cstart, $3  }
0xc0: {  	[dreg:$0x1] =	wrdreg $0xFFFFFFFF  }
0xc1: {  	_ =	task.clear_ibuf [dreg:s7], $0x2FFFF;
	_ =	strace $0x9FFFFFFF  }
0xc2: {  	(tm) =	ssettm $0x7FFFFFFF  }
0xc3: {  	_ =	shalt  }
tec
execute0_lowered:
.L_overlay_start_1:
0x0: {  	(tag) =	ssettag $0x1  }
0x1: {  	s1 =	srdreg.scid;
	s0 =	stileid.u32  }
0x2: {  	s14 =	sand.u32 $0x1, s1;
	s28 =	sshll.u32 s0, $0x1  }
0x3: {  	s2 =	rddreg [dreg:$0x0];
	s8 =	sor.u32 s14, s28  }
0x4: {  	s9 =	rddreg [dreg:$0x1];
	s13 =	smul.u32 $0x140, s8  }
0x5: {  	s3 =	simm.s32 $0x0;
	s1 =	rddreg [dreg:$0x2]  }
0x6: {  	[smem:$0x7FF] =	sst s3;
	s15 =	sadd.s32 $0x35AE00, s9;
	s4 =	sshrl.u32 s13, $0x3  }
0x7: {  	_ =	strace $0x80000056;
	s5 =	sadd.s32 s15, s4;
	s4 =	simm.s32 $0x2  }
0x8: {  	[tilespmem:s3], [sflag:$0x2] =	stream.linear.gather [hbm4b:s5+s3], $0x50, $0x38;
	[tilespmem:$0x550] =	vst v63  }
0x9: {  	_ =	swait.ge [sflag:s4], $0x50  }
0xa: {  	[sflag:s4] =	ssyncset.done $0x0  }
0xb: {  	s6 =	simm.s32 $0x50;
	s7 =	simm.s32 $0x1;
	[sflag:s4] =	ssyncadd.s32 $0xFFFFFFB0  }
0xc: {  	[tilespmem:s6], [sflag:$0x1] =	stream.indirect.gather [hbm4b:s2+s6], $0x10, s3, s6, $0xb8;
	[tilespmem:$0x550] =	vst v63  }
0xd: {  	s8 =	smul.u32 $0x280, s8;
	_ =	swait.ge [sflag:s7], $0x500  }
0xe: {  	s16 =	sadd.s32 $0x35B400, s9;
	[sflag:s7] =	ssyncset.done $0x0  }
0xf: {  	s8 =	sadd.s32 s16, s8;
	[sflag:s7] =	ssyncadd.s32 $0xFFFFFB00  }
0x10: {  	[hbm4b:s8+s3] =	stream.linear.scatter [tilespmem:s6], [sflag:$0x2], $0x500, $0x38;
	[tilespmem:$0x550] =	vst v63  }
0x11: {  	s10 =	sadd.s32 $0x50, s13;
	_ =	swait.ge [sflag:s4], $0x500  }
0x12: {  	s29 =	sshrl.u32 s10, $0x3;
	[sflag:s4] =	ssyncset.done $0x0  }
0x13: {  	s9 =	sadd.s32 s15, s29;
	[sflag:s4] =	ssyncadd.s32 $0xFFFFFB00  }
0x14: {  	[tilespmem:s3], [sflag:$0x2] =	stream.linear.gather [hbm4b:s9+s3], $0x50, $0x38;
	[tilespmem:$0x550] =	vst v63  }
0x15: {  	_ =	swait.ge [sflag:s4], $0x50  }
0x16: {  	[sflag:s4] =	ssyncset.done $0x0  }
0x17: {  	[sflag:s4] =	ssyncadd.s32 $0xFFFFFFB0  }
0x18: {  	[tilespmem:s6], [sflag:$0x1] =	stream.indirect.gather [hbm4b:s2+s6], $0x10, s3, s6, $0xb8;
	[tilespmem:$0x550] =	vst v63  }
0x19: {  	_ =	swait.ge [sflag:s7], $0x500  }
0x1a: {  	s10 =	sshll.u32 s10, $0x1;
	[sflag:s7] =	ssyncset.done $0x0  }
0x1b: {  	s10 =	sadd.s32 s16, s10;
	[sflag:s7] =	ssyncadd.s32 $0xFFFFFB00  }
0x1c: {  	[hbm4b:s10+s3] =	stream.linear.scatter [tilespmem:s6], [sflag:$0x2], $0x500, $0x38;
	[tilespmem:$0x550] =	vst v63  }
0x1d: {  	s12 =	sadd.s32 $0xA0, s13;
	_ =	swait.ge [sflag:s4], $0x500  }
0x1e: {  	s11 =	sshrl.u32 s12, $0x3;
	[sflag:s4] =	ssyncset.done $0x0  }
0x1f: {  	s11 =	sadd.s32 s15, s11;
	[sflag:s4] =	ssyncadd.s32 $0xFFFFFB00  }
0x20: {  	[tilespmem:s3], [sflag:$0x2] =	stream.linear.gather [hbm4b:s11+s3], $0x50, $0x38;
	[tilespmem:$0x550] =	vst v63  }
0x21: {  	_ =	swait.ge [sflag:s4], $0x50  }
0x22: {  	[sflag:s4] =	ssyncset.done $0x0  }
0x23: {  	[sflag:s4] =	ssyncadd.s32 $0xFFFFFFB0  }
0x24: {  	[tilespmem:s6], [sflag:$0x1] =	stream.indirect.gather [hbm4b:s2+s6], $0x10, s3, s6, $0xb8;
	[tilespmem:$0x550] =	vst v63  }
0x25: {  	_ =	swait.ge [sflag:s7], $0x500  }
0x26: {  	s12 =	sshll.u32 s12, $0x1;
	[sflag:s7] =	ssyncset.done $0x0  }
0x27: {  	s12 =	sadd.s32 s16, s12;
	[sflag:s7] =	ssyncadd.s32 $0xFFFFFB00  }
0x28: {  	[hbm4b:s12+s3] =	stream.linear.scatter [tilespmem:s6], [sflag:$0x2], $0x500, $0x38;
	[tilespmem:$0x550] =	vst v63  }
0x29: {  	s17 =	sadd.s32 $0xF0, s13;
	_ =	swait.ge [sflag:s4], $0x500  }
0x2a: {  	s13 =	sshrl.u32 s17, $0x3;
	[sflag:s4] =	ssyncset.done $0x0  }
0x2b: {  	s14 =	ssub.s32 $0x2, s14;
	s13 =	sadd.s32 s15, s13;
	[sflag:s4] =	ssyncadd.s32 $0xFFFFFB00  }
0x2c: {  	[tilespmem:s3], [sflag:$0x2] =	stream.linear.gather [hbm4b:s13+s3], $0x50, $0x38;
	[tilespmem:$0x550] =	vst v63  }
0x2d: {  	s30 =	sshrl.u32 s14, $0x1;
	_ =	swait.ge [sflag:s4], $0x50  }
0x2e: {  	s15 =	ssub.s32 s14, s30;
	[sflag:s4] =	ssyncset.done $0x0  }
0x2f: {  	s15 =	smax.u32 s15, $0x1;
	[sflag:s4] =	ssyncadd.s32 $0xFFFFFFB0  }
0x30: {  	[tilespmem:s6], [sflag:$0x1] =	stream.indirect.gather [hbm4b:s2+s6], $0x10, s3, s6, $0xb8;
	[tilespmem:$0x550] =	vst v63  }
0x31: {  	p0 =	sne.s32 s15, $0x1;
	_ =	swait.ge [sflag:s7], $0x500  }
.Ltmp0:
0x32: {  	s31 =	sshll.u32 s17, $0x1;
	[sflag:s7] =	ssyncset.done $0x0;
	(pc) =	sbr.rel @!p0 .LBB2_2-.Ltmp0, $4  }
0x33: {  	s14 =	sadd.s32 s16, s31;
	[sflag:s7] =	ssyncadd.s32 $0xFFFFFB00  }
0x34: {  	[hbm4b:s14+s3] =	stream.linear.scatter [tilespmem:s6], [sflag:$0x2], $0x500, $0x38;
	[tilespmem:$0x550] =	vst v63  }
0x35: {  	_ =	swait.ge [sflag:s4], $0x500  }
0x36: {  	s15 =	sadd.s32 $0xFFFFFFFF, s15;
	[sflag:s4] =	ssyncset.done $0x0  }
.LBB2_1:
0x37: {  	p0 =	sne.s32 s15, $0x1;
	s15 =	sadd.s32 $0xFFFFFFFF, s15;
	[sflag:s4] =	ssyncadd.s32 $0xFFFFFB00  }
0x38: {  	[tilespmem:s3], [sflag:$0x2] =	stream.linear.gather [hbm4b:s5+s3], $0x50, $0x38;
	[tilespmem:$0x550] =	vst v63  }
0x39: {  	_ =	swait.ge [sflag:s4], $0x50  }
0x3a: {  	[sflag:s4] =	ssyncset.done $0x0  }
0x3b: {  	[sflag:s4] =	ssyncadd.s32 $0xFFFFFFB0  }
0x3c: {  	[tilespmem:s6], [sflag:$0x1] =	stream.indirect.gather [hbm4b:s2+s6], $0x10, s3, s6, $0xb8;
	[tilespmem:$0x550] =	vst v63  }
0x3d: {  	_ =	swait.ge [sflag:s7], $0x500  }
0x3e: {  	[sflag:s7] =	ssyncset.done $0x0  }
0x3f: {  	[sflag:s7] =	ssyncadd.s32 $0xFFFFFB00  }
0x40: {  	[hbm4b:s8+s3] =	stream.linear.scatter [tilespmem:s6], [sflag:$0x2], $0x500, $0x38;
	[tilespmem:$0x550] =	vst v63  }
0x41: {  	_ =	swait.ge [sflag:s4], $0x500  }
0x42: {  	[sflag:s4] =	ssyncset.done $0x0  }
0x43: {  	[sflag:s4] =	ssyncadd.s32 $0xFFFFFB00  }
0x44: {  	[tilespmem:s3], [sflag:$0x2] =	stream.linear.gather [hbm4b:s9+s3], $0x50, $0x38;
	[tilespmem:$0x550] =	vst v63  }
0x45: {  	_ =	swait.ge [sflag:s4], $0x50  }
0x46: {  	[sflag:s4] =	ssyncset.done $0x0  }
0x47: {  	[sflag:s4] =	ssyncadd.s32 $0xFFFFFFB0  }
0x48: {  	[tilespmem:s6], [sflag:$0x1] =	stream.indirect.gather [hbm4b:s2+s6], $0x10, s3, s6, $0xb8;
	[tilespmem:$0x550] =	vst v63  }
0x49: {  	_ =	swait.ge [sflag:s7], $0x500  }
0x4a: {  	[sflag:s7] =	ssyncset.done $0x0  }
0x4b: {  	[sflag:s7] =	ssyncadd.s32 $0xFFFFFB00  }
0x4c: {  	[hbm4b:s10+s3] =	stream.linear.scatter [tilespmem:s6], [sflag:$0x2], $0x500, $0x38;
	[tilespmem:$0x550] =	vst v63  }
0x4d: {  	_ =	swait.ge [sflag:s4], $0x500  }
0x4e: {  	[sflag:s4] =	ssyncset.done $0x0  }
0x4f: {  	[sflag:s4] =	ssyncadd.s32 $0xFFFFFB00  }
0x50: {  	[tilespmem:s3], [sflag:$0x2] =	stream.linear.gather [hbm4b:s11+s3], $0x50, $0x38;
	[tilespmem:$0x550] =	vst v63  }
0x51: {  	_ =	swait.ge [sflag:s4], $0x50  }
0x52: {  	[sflag:s4] =	ssyncset.done $0x0  }
0x53: {  	[sflag:s4] =	ssyncadd.s32 $0xFFFFFFB0  }
0x54: {  	[tilespmem:s6], [sflag:$0x1] =	stream.indirect.gather [hbm4b:s2+s6], $0x10, s3, s6, $0xb8;
	[tilespmem:$0x550] =	vst v63  }
0x55: {  	_ =	swait.ge [sflag:s7], $0x500  }
0x56: {  	[sflag:s7] =	ssyncset.done $0x0  }
0x57: {  	[sflag:s7] =	ssyncadd.s32 $0xFFFFFB00  }
0x58: {  	[hbm4b:s12+s3] =	stream.linear.scatter [tilespmem:s6], [sflag:$0x2], $0x500, $0x38;
	[tilespmem:$0x550] =	vst v63  }
0x59: {  	_ =	swait.ge [sflag:s4], $0x500  }
0x5a: {  	[sflag:s4] =	ssyncset.done $0x0  }
0x5b: {  	[sflag:s4] =	ssyncadd.s32 $0xFFFFFB00  }
0x5c: {  	[tilespmem:s3], [sflag:$0x2] =	stream.linear.gather [hbm4b:s13+s3], $0x50, $0x38;
	[tilespmem:$0x550] =	vst v63  }
0x5d: {  	_ =	swait.ge [sflag:s4], $0x50  }
0x5e: {  	[sflag:s4] =	ssyncset.done $0x0  }
0x5f: {  	[sflag:s4] =	ssyncadd.s32 $0xFFFFFFB0  }
0x60: {  	[tilespmem:s6], [sflag:$0x1] =	stream.indirect.gather [hbm4b:s2+s6], $0x10, s3, s6, $0xb8;
	[tilespmem:$0x550] =	vst v63  }
0x61: {  	_ =	swait.ge [sflag:s7], $0x500  }
.Ltmp1:
0x62: {  	[sflag:s7] =	ssyncset.done $0x0;
	(pc) =	sbr.rel @p0 .LBB2_1-.Ltmp1, $4  }
0x63: {  	[sflag:s7] =	ssyncadd.s32 $0xFFFFFB00  }
0x64: {  	[hbm4b:s14+s3] =	stream.linear.scatter [tilespmem:s6], [sflag:$0x2], $0x500, $0x38;
	[tilespmem:$0x550] =	vst v63  }
0x65: {  	_ =	swait.ge [sflag:s4], $0x500  }
0x66: {  	[sflag:s4] =	ssyncset.done $0x0  }
.LBB2_2:
0x67: {  	[sflag:s4] =	ssyncadd.s32 $0xFFFFFB00  }
0x68: {  	_ =	sfence.sel $0x180000  }
0x69: {  	[bflag:$0x0] =	sbarrier.arrive $0xFFFF  }
0x6a: {  	p0 =	sne.s32 s0, $0x0;
	_ =	strace $0x90000056  }
0x6b: {  	s0 =	sadd.s32 @!p0 $0x100000, s1;
	[bflag:$0x2] =	sbarrier.arrive $0xFFFF  }
0x6c: {  	[sflag:s0] =	ssyncadd.tile.s32 @!p0 $0x1;
	_ =	shalt  }
.Lfunc_end2:
_tile_overlayer_lowered:
.L_overlay_start_2:
0x6d: {  	(tag) =	ssettag $0x2  }
0x6e: {  	s0 =	rddreg [dreg:$0x0];
	s2 =	stileid.u32  }
0x6f: {  	s1 =	rddreg [dreg:$0x1];
	p0 =	sne.s32 s2, $0x0  }
0x70: {  	s3 =	rddreg [dreg:$0x2];
	[bflag:$0x3] =	sbarrier.arrive $0xFFFF;
	s2 =	simm.s32 @!p0 $0x1C02  }
0x71: {  	[timem:s3], [sflag:s2] =	dma.local @!p0 [hbm:s0], s1  }
0x72: {  	s0 =	simm.s32 @!p0 $0x2  }
0x73: {  	_ =	swait.ge @!p0 [sflag:s0], s1  }
0x74: {  	s1 =	ssub.s32 @!p0 $0x0, s1;
	[sflag:s0] =	ssyncset.done @!p0 $0x0  }
0x75: {  	[sflag:s0] =	ssyncadd.s32 @!p0 s1  }
0x76: {  	[bflag:$0x3] =	sbarrier.arrive $0xFFFF  }
0x77: {  	_ =	shalt  }

// kernel: kernel.41.cloned.1.call-start
scs
__scs_entry_jumppad:
0x0: {  	(pc) =	sbr.rel $0x88, $3  }
0x1: {  	(tag) =	ssettag $0x0;
	lr =	simm.s32 $0x1  }
0x2: {  	[smem:$0x3F8C] =	sst lr;
	_ =	strace $0xD0000000  }
0x3: {  	_ = 	snop  }
0x4: {  	_ = 	snop  }
0x5: {  	_ = 	snop  }
0x6: {  	_ = 	snop  }
0x7: {  	_ = 	snop  }
__scs_overlays_trampoline_lowered:
0x8: {  	[smem:$0x3F9B] =	sst s0  }
0x9: {  	[smem:$0x3F9C] =	sst s1  }
0xa: {  	[smem:$0x3F9D] =	sst s2  }
0xb: {  	[smem:$0x3F9E] =	sst s3  }
0xc: {  	[smem:$0x3F9F] =	sst s4  }
0xd: {  	[smem:$0x3FA0] =	sst s5  }
0xe: {  	[smem:$0x3FA1] =	sst s6  }
0xf: {  	[smem:$0x3FA2] =	sst s7  }
0x10: {  	[smem:$0x3FA3] =	sst s8  }
0x11: {  	[smem:$0x3FA4] =	sst s9;
	s0 =	simm.s32 @!p0 $0x0  }
0x12: {  	s1 =	sld [smem:$0x3F8A];
	s0 =	simm.s32 @p0 $0x1  }
0x13: {  	[smem:$0x3FA5] =	sst s0;
	s0 =	simm.s32 @!p1 $0x0  }
0x14: {  	s2 =	sld [smem:$0x3F89];
	s0 =	simm.s32 @p1 $0x1  }
0x15: {  	[smem:$0x3FA6] =	sst s0;
	s0 =	simm.s32 @!p2 $0x0  }
0x16: {  	s3 =	sld [smem:$0x3FDB];
	s0 =	simm.s32 @p2 $0x1  }
0x17: {  	s4 =	simm.s32 $0x1BF5;
	[smem:$0x3FA8] =	sst s0  }
0x18: {  	s0 =	sld [smem:$0x3F8B];
	_ =	swait.ge [sflag:s4], $0x0  }
0x19: {  	s7 =	sld [smem:$0x3F8C]  }
0x1a: {  	s8 =	sadd.s32 $0xFFFFE003, lr  }
0x1b: {  	s9 =	sadd.s32 $0xFFFFFEF7, lr;
	s5 =	simm.s32 $0xFFFFFFFF;
	p2 =	slt.u32 s8, $0xFFFFF086  }
0x1c: {  	p1 =	slt.u32 s9, $0xF7A;
	s5 =	simm.s32 @!p2 $0x0  }
0x1d: {  	s5 =	simm.s32 @p1 $0x1;
	p0 =	seq.s32 s7, s2  }
0x1e: {  	s7 =	smul.u32 @!p0 $0xF7A, s2;
	p2 =	seq.s32 @!p0 s5, $0x0  }
0x1f: {  	s9 =	smul.u32 $0xF7A, s1;
	s8 =	simm.s32 @!p0 $0x1BF5;
	p2 =	por !p2, p0  }
0x20: {  	[sflag:s8] =	ssyncset.s32 @!p0 $0xFFFFF086;
	s6 =	sadd.s32 @!p0 s3, s7;
	s7 =	simm.s32 @!p0 $0x108  }
0x21: {  	s3 =	sadd.s32 s3, s9;
	s6 =	sadd.s32 @!p0 $0x88, s6;
	s7 =	simm.s32 @p2 $0x1082  }
0x22: {  	[simem:s7], [sflag:s8] =	dma.local @!p0 [hbm:s6], $0xF7A  }
0x23: {  	s9 =	sor.u32 $0xD0000000, s2;
	s6 =	simm.s32 $0x108;
	_ =	swait.ge @!p0 [sflag:s8], $0x0  }
0x24: {  	s3 =	sadd.s32 $0x88, s3;
	s6 =	simm.s32 @!p1 $0x1082;
	[sflag:s4] =	ssyncset.s32 $0xFFFFF086  }
0x25: {  	[simem:s6], [sflag:s4] =	dma.local [hbm:s3], $0xF7A  }
0x26: {  	[smem:$0x3F8C] =	sst s1;
	(tag) =	ssettag s2;
	_ =	strace s9  }
0x27: {  	s1 =	sld [smem:$0x3F9C]  }
0x28: {  	s2 =	sld [smem:$0x3F9D]  }
0x29: {  	s4 =	sld [smem:$0x3F9F]  }
0x2a: {  	p0 =	seq.s32 s5, $0x0;
	s5 =	sld [smem:$0x3FA0]  }
0x2b: {  	s6 =	sld [smem:$0x3FA1]  }
0x2c: {  	s7 =	sld [smem:$0x3FA2]  }
0x2d: {  	s3 =	simm.s32 $0x108;
	s8 =	sld [smem:$0x3FA3]  }
0x2e: {  	s3 =	simm.s32 @!p0 $0x1082;
	s9 =	sld [smem:$0x3FA4]  }
0x2f: {  	lr =	sadd.s32 s0, s3;
	s0 =	sld [smem:$0x3F9B]  }
0x30: {  	s3 =	sld [smem:$0x3F9E]  }
0x31: {  	[smem:$0x3FA7] =	sst s10  }
0x32: {  	s10 =	sld [smem:$0x3FA5];
	_ =	sdelay $0x3  }
0x33: {  	p0 =	seq.s32 s10, $0x1;
	s10 =	sld [smem:$0x3FA7];
	_ =	sdelay $0x3  }
0x34: {  	[smem:$0x3FA7] =	sst s10  }
0x35: {  	s10 =	sld [smem:$0x3FA6];
	_ =	sdelay $0x3  }
0x36: {  	p1 =	seq.s32 s10, $0x1;
	s10 =	sld [smem:$0x3FA7];
	_ =	sdelay $0x3  }
0x37: {  	[smem:$0x3FA7] =	sst s10  }
0x38: {  	s10 =	sld [smem:$0x3FA8]  }
0x39: {  	_ = 	snop;
	(pc) =	sbr.ind lr, $3  }
0x3a: {  	_ = 	snop  }
0x3b: {  	_ = 	snop  }
0x3c: {  	p2 =	seq.s32 s10, $0x1;
	s10 =	sld [smem:$0x3FA7]  }
0x3d: {  	_ =	shalt  }
0x3e: {  	_ =	shalt  }
0x3f: {  	_ =	shalt  }
0x40: {  	_ =	shalt  }
0x41: {  	_ =	shalt  }
0x42: {  	_ =	shalt  }
0x43: {  	_ =	shalt  }
0x44: {  	_ =	shalt  }
0x45: {  	_ =	shalt  }
0x46: {  	_ =	shalt  }
0x47: {  	_ =	shalt  }
0x48: {  	_ =	shalt  }
0x49: {  	_ =	shalt  }
0x4a: {  	_ =	shalt  }
0x4b: {  	_ =	shalt  }
0x4c: {  	_ =	shalt  }
0x4d: {  	_ =	shalt  }
0x4e: {  	_ =	shalt  }
0x4f: {  	_ =	shalt  }
0x50: {  	_ =	shalt  }
0x51: {  	_ =	shalt  }
0x52: {  	_ =	shalt  }
0x53: {  	_ =	shalt  }
0x54: {  	_ =	shalt  }
0x55: {  	_ =	shalt  }
0x56: {  	_ =	shalt  }
0x57: {  	_ =	shalt  }
0x58: {  	_ =	shalt  }
0x59: {  	_ =	shalt  }
0x5a: {  	_ =	shalt  }
0x5b: {  	_ =	shalt  }
0x5c: {  	_ =	shalt  }
0x5d: {  	_ =	shalt  }
0x5e: {  	_ =	shalt  }
0x5f: {  	_ =	shalt  }
0x60: {  	_ =	shalt  }
0x61: {  	_ =	shalt  }
0x62: {  	_ =	shalt  }
0x63: {  	_ =	shalt  }
0x64: {  	_ =	shalt  }
0x65: {  	_ =	shalt  }
0x66: {  	_ =	shalt  }
0x67: {  	_ =	shalt  }
0x68: {  	_ =	shalt  }
0x69: {  	_ =	shalt  }
0x6a: {  	_ =	shalt  }
0x6b: {  	_ =	shalt  }
0x6c: {  	_ =	shalt  }
0x6d: {  	_ =	shalt  }
0x6e: {  	_ =	shalt  }
0x6f: {  	_ =	shalt  }
0x70: {  	_ =	shalt  }
0x71: {  	_ =	shalt  }
0x72: {  	_ =	shalt  }
0x73: {  	_ =	shalt  }
0x74: {  	_ =	shalt  }
0x75: {  	_ =	shalt  }
0x76: {  	_ =	shalt  }
0x77: {  	_ =	shalt  }
0x78: {  	_ =	shalt  }
0x79: {  	_ =	shalt  }
0x7a: {  	_ =	shalt  }
0x7b: {  	_ =	shalt  }
0x7c: {  	_ =	shalt  }
0x7d: {  	_ =	shalt  }
0x7e: {  	_ =	shalt  }
0x7f: {  	_ =	shalt  }
0x80: {  	_ =	shalt  }
0x81: {  	_ =	shalt  }
0x82: {  	_ =	shalt  }
0x83: {  	_ =	shalt  }
0x84: {  	_ =	shalt  }
0x85: {  	_ =	shalt  }
0x86: {  	_ =	shalt  }
0x87: {  	_ =	shalt  }
.Lfunc_end0:
.L_simem_size_0:
called_computation.6_lowered:
.L_overlay_start_0:
0x88: {  	s2 =	sld [smem:$0x3FD9]  }
0x89: {  	s3 =	sld [smem:$0x3FFE];
	_ =	sdelay $0x1  }
0x8a: {  	s1 =	srdreg.scid  }
0x8b: {  	s0 =	sand.u32 $0x1, s1  }
0x8c: {  	s16 =	sshll.u32 s0, $0xA;
	s2 =	sadd.s32 s3, s2  }
0x8d: {  	s2 =	sadd.s32 s2, s16  }
0x8e: {  	[smem:$0x3FB3] =	sst s2  }
0x8f: {  	_ = 	snop  }
0x90: {  	(tm) =	ssettm $0x1  }
0x91: {  	s17 =	sld [smem:$0x3FFB];
	_ =	sdelay $0x3  }
0x92: {  	_ =	strace s17  }
0x93: {  	s2 =	sld [smem:$0x3FFC];
	_ =	sdelay $0x3  }
0x94: {  	_ =	strace s2  }
0x95: {  	s2 =	sld [smem:$0x3FFD];
	_ =	sdelay $0x3  }
0x96: {  	_ =	strace s2  }
0x97: {  	_ =	strace $0x8FFFFFFF  }
0x98: {  	s18 =	sld [smem:$0x3FDB];
	_ =	sdelay $0x1  }
0x99: {  	s19 =	simm.s32 $_scs_section_size  }
0x9a: {  	s4 =	simm.s32 $_size__tile_overlayer_lowered;
	s5 =	simm.s32 $_tile_overlayer_lowered  }
0x9b: {  	s22 =	simm.s32 $0x1BFF;
	s21 =	sshll.u32 s5, $0x1;
	s2 =	sadd.s32 s19, s18  }
0x9c: {  	s6 =	simm.s32 $0x0;
	s20 =	sshll.u32 s4, $0x1;
	s4 =	sadd.s32 s21, s2  }
0x9d: {  	[timem:s6], [sflag:s22] =	dma.local [hbm:s4], s20  }
0x9e: {  	_ =	swait.ge [sflag:s22], s20  }
0x9f: {  	s3 =	ssub.s32 $0x0, s20;
	[sflag:s22] =	ssyncset.done $0x0  }
0xa0: {  	[sflag:s22] =	ssyncadd.s32 s3;
	_ =	sdelay $0x1  }
0xa1: {  	s23 =	simm.s32 $0x1B8B  }
0xa2: {  	_ =	swait.ge [sflag:s23], $0x1  }
0xa3: {  	[sflag:s23] =	ssyncset.done $0x0  }
0xa4: {  	s25 =	simm.s32 $0x1B8E;
	s24 =	sld [smem:$0x3FFE];
	[sflag:s23] =	ssyncadd.s32 $0xFFFFFFFF  }
0xa5: {  	s26 =	simm.s32 $execute0_lowered;
	[smem:$0x3FD2] =	sst s25  }
0xa6: {  	s4 =	sshll.u32 s26, $0x1;
	_ =	strace $0x80000058;
	[dreg:$0x1] =	wrdreg $0xFFFFFFFF  }
0xa7: {  	s28 =	simm.s32 $_size_execute0_lowered;
	s2 =	sadd.s32 s2, s4;
	[dreg:$0x0] =	wrdreg $0x0  }
0xa8: {  	s4 =	sshll.u32 s28, $0x1;
	[dreg:$0x2] =	wrdreg s2  }
0xa9: {  	[dreg:$0x3] =	wrdreg s4  }
0xaa: {  	[dreg:$0x4] =	wrdreg $0xC0  }
0xab: {  	_ =	task [dreg:s6], $0x5FFFF  }
0xac: {  	[dreg:$0x1] =	wrdreg $0xFFFFFFFF  }
0xad: {  	[dreg:$0x0] =	wrdreg $0x60  }
0xae: {  	[dreg:$0x2] =	wrdreg s24  }
0xaf: {  	[dreg:$0x3] =	wrdreg $0x9  }
0xb0: {  	_ =	task.clear_ibuf [dreg:s6], $0x4FFFF;
	_ =	strace $0x90000058  }
0xb1: {  	s29 =	simm.s32 $0x9;
	_ =	strace $0x8000005A  }
0xb2: {  	_ =	swait.ge [sflag:s29], $0x1  }
0xb3: {  	[sflag:s29] =	ssyncadd.s32 $0xFFFFFFFF  }
0xb4: {  	_ =	strace $0x9000005A  }
0xb5: {  	_ =	sfence  }
0xb6: {  	s30 =	sld [smem:$0x0];
	_ =	sdelay $0x2  }
0xb7: {  	s31 =	sshll.u32 s1, $0xD;
	s1 =	sshrl.u32 s1, $0x2  }
0xb8: {  	s3 =	sand.u32 $0x4000, s31;
	s1 =	sadd.s32 s1, s30  }
0xb9: {  	s0 =	sor.u32 s3, s0;
	s1 =	sshll.u32 s1, $0x11  }
0xba: {  	s0 =	sor.u32 s1, s0  }
0xbb: {  	s0 =	sadd.s32 $0x8F2B, s0  }
0xbc: {  	[sflag:s0] =	ssyncadd.remote.s32 $0x1  }
0xbd: {  	_ =	sfence.sel $0xFFFF  }
0xbe: {  	[dreg:$0x0] =	wrdreg $0xFFFFFFFF;
	(pc) =	sbr.abs _section_cstart, $3  }
0xbf: {  	[dreg:$0x1] =	wrdreg $0xFFFFFFFF  }
0xc0: {  	_ =	task.clear_ibuf [dreg:s6], $0x2FFFF;
	_ =	strace $0x9FFFFFFF  }
0xc1: {  	(tm) =	ssettm $0x7FFFFFFF  }
tec
execute0_lowered:
.L_overlay_start_1:
0x0: {  	(tag) =	ssettag $0x1  }
0x1: {  	s5 =	rddreg [dreg:$0x0]  }
0x2: {  	s0 =	rddreg [dreg:$0x1];
	s2 =	simm.s32 $0x0;
	s3 =	srdreg.scid  }
0x3: {  	s1 =	stileid.u32;
	s12 =	simm.s32 $0x1;
	s13 =	simm.s32 $0x550  }
0x4: {  	s14 =	simm.s32 $0x5A0;
	s15 =	simm.s32 $0x2;
	s7 =	smul.u32 $0x4E20, s1  }
0x5: {  	s16 =	simm.s32 $0x0;
	s6 =	sand.u32 $0x1, s3;
	s9 =	smul.u32 $0x9C40, s1  }
0x6: {  	[smem:$0x7FF] =	sst s2;
	s3 =	sadd.s32 $0x20200, s5;
	s8 =	smul.u32 $0x2710, s6  }
0x7: {  	s4 =	sadd.s32 $0x1B200, s5;
	s29 =	ssub.s32 $0x2, s6;
	s6 =	smul.u32 $0x4E20, s6  }
0x8: {  	_ =	strace $0x80000059;
	s9 =	sadd.s32 s9, s5;
	s10 =	sshrl.u32 s29, $0x1  }
0x9: {  	s7 =	sadd.s32 s8, s7;
	s30 =	ssub.s32 s29, s10;
	s31 =	sadd.s32 s6, s9  }
0xa: {  	s10 =	simm.s32 $0x3;
	s7 =	sshrl.u32 s7, $0x3;
	s6 =	sadd.s32 $0xC1600, s31  }
0xb: {  	s11 =	sadd.s32 s7, s5;
	s5 =	smax.u32 s30, $0x1;
	s7 =	sadd.s32 $0x25200, s31  }
0xc: {  	s8 =	sadd.s32 $0x11400, s11;
	s9 =	sadd.s32 $0x7600, s11;
	s11 =	simm.s32 $0x50  }
.LBB2_1:
0xd: {  	s17 =	sadd.s32 $0x0, s9  }
0xe: {  	[tilespmem:s2], [sflag:$0x3] =	stream.linear.gather [hbm4b:s17+s2], $0x50, $0x38;
	[tilespmem:$0xAA0] =	vst v63  }
0xf: {  	_ =	swait.ge [sflag:s10], $0x50  }
0x10: {  	[sflag:s10] =	ssyncset.done $0x0  }
0x11: {  	[sflag:s10] =	ssyncadd.s32 $0xFFFFFFB0  }
0x12: {  	[tilespmem:s11], [sflag:$0x1] =	stream.indirect.gather [hbm4b:s3+s11], $0x10, s2, s11, $0xb8;
	[tilespmem:$0xAA0] =	vst v63  }
0x13: {  	_ =	swait.ge [sflag:s12], $0x500  }
0x14: {  	[sflag:s12] =	ssyncset.done $0x0  }
0x15: {  	[sflag:s12] =	ssyncadd.s32 $0xFFFFFB00  }
0x16: {  	[hbm4b:s7+s2] =	stream.linear.scatter [tilespmem:s11], [sflag:$0x3], $0x500, $0x38;
	[tilespmem:$0xAA0] =	vst v63  }
0x17: {  	_ =	swait.ge [sflag:s10], $0x500  }
0x18: {  	[sflag:s10] =	ssyncset.done $0x0  }
0x19: {  	s31 =	sadd.s32 $0x0, s8;
	[sflag:s10] =	ssyncadd.s32 $0xFFFFFB00  }
0x1a: {  	[tilespmem:s13], [sflag:$0x3] =	stream.linear.gather [hbm4b:s31+s2], $0x50, $0x38;
	[tilespmem:$0xAA0] =	vst v63  }
0x1b: {  	_ =	swait.ge [sflag:s10], $0x50  }
0x1c: {  	[sflag:s10] =	ssyncset.done $0x0  }
0x1d: {  	[sflag:s10] =	ssyncadd.s32 $0xFFFFFFB0  }
0x1e: {  	[tilespmem:s14], [sflag:$0x2] =	stream.indirect.gather [hbm4b:s4+s11], $0x10, s13, s11, $0xb8;
	[tilespmem:$0xAA0] =	vst v63  }
0x1f: {  	_ =	swait.ge [sflag:s15], $0x500  }
0x20: {  	[sflag:s15] =	ssyncset.done $0x0  }
0x21: {  	[sflag:s15] =	ssyncadd.s32 $0xFFFFFB00  }
0x22: {  	[hbm4b:s6+s2] =	stream.linear.scatter [tilespmem:s14], [sflag:$0x3], $0x500, $0x38;
	[tilespmem:$0xAA0] =	vst v63  }
0x23: {  	s18 =	simm.s32 $0xA;
	s20 =	simm.s32 $0x14;
	_ =	swait.ge [sflag:s10], $0x500  }
0x24: {  	s19 =	sadd.s32 $0xA0, s7;
	s17 =	sadd.s32 $0xA0, s6;
	[sflag:s10] =	ssyncset.done $0x0  }
.LBB2_2:
0x25: {  	s21 =	sadd.s32 s18, s9  }
0x26: {  	[sflag:s10] =	ssyncadd.s32 $0xFFFFFB00;
	s22 =	smov.u32 s20;
	s23 =	sadd.s32 $0xA, s20  }
0x27: {  	[tilespmem:s2], [sflag:$0x3] =	stream.linear.gather [hbm4b:s21+s2], $0x50, $0x38;
	[tilespmem:$0xAA0] =	vst v63  }
0x28: {  	p0 =	sne.s32 s20, $0x4D8;
	_ =	swait.ge [sflag:s10], $0x50  }
0x29: {  	[sflag:s10] =	ssyncset.done $0x0  }
0x2a: {  	[sflag:s10] =	ssyncadd.s32 $0xFFFFFFB0  }
0x2b: {  	[tilespmem:s11], [sflag:$0x1] =	stream.indirect.gather [hbm4b:s3+s11], $0x10, s2, s11, $0xb8;
	[tilespmem:$0xAA0] =	vst v63  }
0x2c: {  	_ =	swait.ge [sflag:s12], $0x500  }
0x2d: {  	[sflag:s12] =	ssyncset.done $0x0  }
0x2e: {  	[sflag:s12] =	ssyncadd.s32 $0xFFFFFB00  }
0x2f: {  	[hbm4b:s19+s2] =	stream.linear.scatter [tilespmem:s11], [sflag:$0x3], $0x500, $0x38;
	[tilespmem:$0xAA0] =	vst v63  }
0x30: {  	_ =	swait.ge [sflag:s10], $0x500  }
0x31: {  	[sflag:s10] =	ssyncset.done $0x0  }
0x32: {  	s20 =	sadd.s32 s18, s8;
	s18 =	smov.u32 s22;
	[sflag:s10] =	ssyncadd.s32 $0xFFFFFB00  }
0x33: {  	[tilespmem:s13], [sflag:$0x3] =	stream.linear.gather [hbm4b:s20+s2], $0x50, $0x38;
	[tilespmem:$0xAA0] =	vst v63  }
0x34: {  	_ =	swait.ge [sflag:s10], $0x50  }
0x35: {  	[sflag:s10] =	ssyncset.done $0x0  }
0x36: {  	[sflag:s10] =	ssyncadd.s32 $0xFFFFFFB0  }
0x37: {  	[tilespmem:s14], [sflag:$0x2] =	stream.indirect.gather [hbm4b:s4+s11], $0x10, s13, s11, $0xb8;
	[tilespmem:$0xAA0] =	vst v63  }
0x38: {  	_ =	swait.ge [sflag:s15], $0x500  }
.Ltmp0:
0x39: {  	[sflag:s15] =	ssyncset.done $0x0;
	(pc) =	sbr.rel @p0 .LBB2_2-.Ltmp0, $4  }
0x3a: {  	[sflag:s15] =	ssyncadd.s32 $0xFFFFFB00  }
0x3b: {  	[hbm4b:s17+s2] =	stream.linear.scatter [tilespmem:s14], [sflag:$0x3], $0x500, $0x38;
	[tilespmem:$0xAA0] =	vst v63  }
0x3c: {  	s19 =	sadd.s32 $0xA0, s19;
	_ =	swait.ge [sflag:s10], $0x500  }
0x3d: {  	s20 =	smov.u32 s23;
	s17 =	sadd.s32 $0xA0, s17;
	[sflag:s10] =	ssyncset.done $0x0  }
0x3e: {  	s20 =	sadd.s32 s18, s9;
	[sflag:s10] =	ssyncadd.s32 $0xFFFFFB00  }
0x3f: {  	[tilespmem:s2], [sflag:$0x3] =	stream.linear.gather [hbm4b:s20+s2], $0x50, $0x38;
	[tilespmem:$0xAA0] =	vst v63  }
0x40: {  	_ =	swait.ge [sflag:s10], $0x50  }
0x41: {  	[sflag:s10] =	ssyncset.done $0x0  }
0x42: {  	[sflag:s10] =	ssyncadd.s32 $0xFFFFFFB0  }
0x43: {  	[tilespmem:s11], [sflag:$0x1] =	stream.indirect.gather [hbm4b:s3+s11], $0x10, s2, s11, $0xb8;
	[tilespmem:$0xAA0] =	vst v63  }
0x44: {  	_ =	swait.ge [sflag:s12], $0x500  }
0x45: {  	[sflag:s12] =	ssyncset.done $0x0  }
0x46: {  	[sflag:s12] =	ssyncadd.s32 $0xFFFFFB00  }
0x47: {  	[hbm4b:s19+s2] =	stream.linear.scatter [tilespmem:s11], [sflag:$0x3], $0x500, $0x38;
	[tilespmem:$0xAA0] =	vst v63  }
0x48: {  	_ =	swait.ge [sflag:s10], $0x500  }
0x49: {  	[sflag:s10] =	ssyncset.done $0x0  }
0x4a: {  	s31 =	sadd.s32 s18, s8;
	[sflag:s10] =	ssyncadd.s32 $0xFFFFFB00  }
0x4b: {  	[tilespmem:s13], [sflag:$0x3] =	stream.linear.gather [hbm4b:s31+s2], $0x50, $0x38;
	[tilespmem:$0xAA0] =	vst v63  }
0x4c: {  	_ =	swait.ge [sflag:s10], $0x50  }
0x4d: {  	[sflag:s10] =	ssyncset.done $0x0  }
0x4e: {  	[sflag:s10] =	ssyncadd.s32 $0xFFFFFFB0  }
0x4f: {  	[tilespmem:s14], [sflag:$0x2] =	stream.indirect.gather [hbm4b:s4+s11], $0x10, s13, s11, $0xb8;
	[tilespmem:$0xAA0] =	vst v63  }
0x50: {  	s16 =	sadd.s32 $0x1, s16;
	_ =	swait.ge [sflag:s15], $0x500  }
0x51: {  	p0 =	sne.s32 s16, s5;
	[sflag:s15] =	ssyncset.done $0x0  }
.Ltmp1:
0x52: {  	[sflag:s15] =	ssyncadd.s32 $0xFFFFFB00;
	(pc) =	sbr.rel @p0 .LBB2_1-.Ltmp1, $4  }
0x53: {  	[hbm4b:s17+s2] =	stream.linear.scatter [tilespmem:s14], [sflag:$0x3], $0x500, $0x38;
	[tilespmem:$0xAA0] =	vst v63  }
0x54: {  	_ =	swait.ge [sflag:s10], $0x500  }
0x55: {  	[sflag:s10] =	ssyncset.done $0x0  }
0x56: {  	[sflag:s10] =	ssyncadd.s32 $0xFFFFFB00  }
0x57: {  	_ =	sfence.sel $0x180000  }
0x58: {  	[bflag:$0x0] =	sbarrier.arrive $0xFFFF  }
0x59: {  	p0 =	sne.s32 s1, $0x0;
	_ =	strace $0x90000059  }
0x5a: {  	s0 =	sadd.s32 @!p0 $0x100000, s0;
	[bflag:$0x2] =	sbarrier.arrive $0xFFFF  }
0x5b: {  	[sflag:s0] =	ssyncadd.tile.s32 @!p0 $0x1;
	_ =	shalt  }
.Lfunc_end2:
_tile_overlayer_lowered:
.L_overlay_start_2:
0x5c: {  	(tag) =	ssettag $0x2  }
0x5d: {  	s0 =	rddreg [dreg:$0x0];
	s2 =	stileid.u32  }
0x5e: {  	s1 =	rddreg [dreg:$0x1];
	p0 =	sne.s32 s2, $0x0  }
0x5f: {  	s3 =	rddreg [dreg:$0x2];
	[bflag:$0x3] =	sbarrier.arrive $0xFFFF;
	s2 =	simm.s32 @!p0 $0x1C03  }
0x60: {  	[timem:s3], [sflag:s2] =	dma.local @!p0 [hbm:s0], s1  }
0x61: {  	s0 =	simm.s32 @!p0 $0x3  }
0x62: {  	_ =	swait.ge @!p0 [sflag:s0], s1  }
0x63: {  	s1 =	ssub.s32 @!p0 $0x0, s1;
	[sflag:s0] =	ssyncset.done @!p0 $0x0  }
0x64: {  	[sflag:s0] =	ssyncadd.s32 @!p0 s1  }
0x65: {  	[bflag:$0x3] =	sbarrier.arrive $0xFFFF  }
0x66: {  	_ =	shalt  }

// kernel: kernel.44.cloned.1.call-start
scs
__scs_entry_jumppad:
0x0: {  	(pc) =	sbr.rel $0x88, $3  }
0x1: {  	(tag) =	ssettag $0x0;
	lr =	simm.s32 $0x1  }
0x2: {  	[smem:$0x3F8C] =	sst lr;
	_ =	strace $0xD0000000  }
0x3: {  	_ = 	snop  }
0x4: {  	_ = 	snop  }
0x5: {  	_ = 	snop  }
0x6: {  	_ = 	snop  }
0x7: {  	_ = 	snop  }
__scs_overlays_trampoline_lowered:
0x8: {  	[smem:$0x3F9B] =	sst s0  }
0x9: {  	[smem:$0x3F9C] =	sst s1  }
0xa: {  	[smem:$0x3F9D] =	sst s2  }
0xb: {  	[smem:$0x3F9E] =	sst s3  }
0xc: {  	[smem:$0x3F9F] =	sst s4  }
0xd: {  	[smem:$0x3FA0] =	sst s5  }
0xe: {  	[smem:$0x3FA1] =	sst s6  }
0xf: {  	[smem:$0x3FA2] =	sst s7  }
0x10: {  	[smem:$0x3FA3] =	sst s8  }
0x11: {  	[smem:$0x3FA4] =	sst s9;
	s0 =	simm.s32 @!p0 $0x0  }
0x12: {  	s1 =	sld [smem:$0x3F8A];
	s0 =	simm.s32 @p0 $0x1  }
0x13: {  	[smem:$0x3FA5] =	sst s0;
	s0 =	simm.s32 @!p1 $0x0  }
0x14: {  	s2 =	sld [smem:$0x3F89];
	s0 =	simm.s32 @p1 $0x1  }
0x15: {  	[smem:$0x3FA6] =	sst s0;
	s0 =	simm.s32 @!p2 $0x0  }
0x16: {  	s3 =	sld [smem:$0x3FDB];
	s0 =	simm.s32 @p2 $0x1  }
0x17: {  	s4 =	simm.s32 $0x1BF5;
	[smem:$0x3FA8] =	sst s0  }
0x18: {  	s0 =	sld [smem:$0x3F8B];
	_ =	swait.ge [sflag:s4], $0x0  }
0x19: {  	s7 =	sld [smem:$0x3F8C]  }
0x1a: {  	s8 =	sadd.s32 $0xFFFFE003, lr  }
0x1b: {  	s9 =	sadd.s32 $0xFFFFFEF7, lr;
	s5 =	simm.s32 $0xFFFFFFFF;
	p2 =	slt.u32 s8, $0xFFFFF086  }
0x1c: {  	p1 =	slt.u32 s9, $0xF7A;
	s5 =	simm.s32 @!p2 $0x0  }
0x1d: {  	s5 =	simm.s32 @p1 $0x1;
	p0 =	seq.s32 s7, s2  }
0x1e: {  	s7 =	smul.u32 @!p0 $0xF7A, s2;
	p2 =	seq.s32 @!p0 s5, $0x0  }
0x1f: {  	s9 =	smul.u32 $0xF7A, s1;
	s8 =	simm.s32 @!p0 $0x1BF5;
	p2 =	por !p2, p0  }
0x20: {  	[sflag:s8] =	ssyncset.s32 @!p0 $0xFFFFF086;
	s6 =	sadd.s32 @!p0 s3, s7;
	s7 =	simm.s32 @!p0 $0x108  }
0x21: {  	s3 =	sadd.s32 s3, s9;
	s6 =	sadd.s32 @!p0 $0x88, s6;
	s7 =	simm.s32 @p2 $0x1082  }
0x22: {  	[simem:s7], [sflag:s8] =	dma.local @!p0 [hbm:s6], $0xF7A  }
0x23: {  	s9 =	sor.u32 $0xD0000000, s2;
	s6 =	simm.s32 $0x108;
	_ =	swait.ge @!p0 [sflag:s8], $0x0  }
0x24: {  	s3 =	sadd.s32 $0x88, s3;
	s6 =	simm.s32 @!p1 $0x1082;
	[sflag:s4] =	ssyncset.s32 $0xFFFFF086  }
0x25: {  	[simem:s6], [sflag:s4] =	dma.local [hbm:s3], $0xF7A  }
0x26: {  	[smem:$0x3F8C] =	sst s1;
	(tag) =	ssettag s2;
	_ =	strace s9  }
0x27: {  	s1 =	sld [smem:$0x3F9C]  }
0x28: {  	s2 =	sld [smem:$0x3F9D]  }
0x29: {  	s4 =	sld [smem:$0x3F9F]  }
0x2a: {  	p0 =	seq.s32 s5, $0x0;
	s5 =	sld [smem:$0x3FA0]  }
0x2b: {  	s6 =	sld [smem:$0x3FA1]  }
0x2c: {  	s7 =	sld [smem:$0x3FA2]  }
0x2d: {  	s3 =	simm.s32 $0x108;
	s8 =	sld [smem:$0x3FA3]  }
0x2e: {  	s3 =	simm.s32 @!p0 $0x1082;
	s9 =	sld [smem:$0x3FA4]  }
0x2f: {  	lr =	sadd.s32 s0, s3;
	s0 =	sld [smem:$0x3F9B]  }
0x30: {  	s3 =	sld [smem:$0x3F9E]  }
0x31: {  	[smem:$0x3FA7] =	sst s10  }
0x32: {  	s10 =	sld [smem:$0x3FA5];
	_ =	sdelay $0x3  }
0x33: {  	p0 =	seq.s32 s10, $0x1;
	s10 =	sld [smem:$0x3FA7];
	_ =	sdelay $0x3  }
0x34: {  	[smem:$0x3FA7] =	sst s10  }
0x35: {  	s10 =	sld [smem:$0x3FA6];
	_ =	sdelay $0x3  }
0x36: {  	p1 =	seq.s32 s10, $0x1;
	s10 =	sld [smem:$0x3FA7];
	_ =	sdelay $0x3  }
0x37: {  	[smem:$0x3FA7] =	sst s10  }
0x38: {  	s10 =	sld [smem:$0x3FA8]  }
0x39: {  	_ = 	snop;
	(pc) =	sbr.ind lr, $3  }
0x3a: {  	_ = 	snop  }
0x3b: {  	_ = 	snop  }
0x3c: {  	p2 =	seq.s32 s10, $0x1;
	s10 =	sld [smem:$0x3FA7]  }
0x3d: {  	_ =	shalt  }
0x3e: {  	_ =	shalt  }
0x3f: {  	_ =	shalt  }
0x40: {  	_ =	shalt  }
0x41: {  	_ =	shalt  }
0x42: {  	_ =	shalt  }
0x43: {  	_ =	shalt  }
0x44: {  	_ =	shalt  }
0x45: {  	_ =	shalt  }
0x46: {  	_ =	shalt  }
0x47: {  	_ =	shalt  }
0x48: {  	_ =	shalt  }
0x49: {  	_ =	shalt  }
0x4a: {  	_ =	shalt  }
0x4b: {  	_ =	shalt  }
0x4c: {  	_ =	shalt  }
0x4d: {  	_ =	shalt  }
0x4e: {  	_ =	shalt  }
0x4f: {  	_ =	shalt  }
0x50: {  	_ =	shalt  }
0x51: {  	_ =	shalt  }
0x52: {  	_ =	shalt  }
0x53: {  	_ =	shalt  }
0x54: {  	_ =	shalt  }
0x55: {  	_ =	shalt  }
0x56: {  	_ =	shalt  }
0x57: {  	_ =	shalt  }
0x58: {  	_ =	shalt  }
0x59: {  	_ =	shalt  }
0x5a: {  	_ =	shalt  }
0x5b: {  	_ =	shalt  }
0x5c: {  	_ =	shalt  }
0x5d: {  	_ =	shalt  }
0x5e: {  	_ =	shalt  }
0x5f: {  	_ =	shalt  }
0x60: {  	_ =	shalt  }
0x61: {  	_ =	shalt  }
0x62: {  	_ =	shalt  }
0x63: {  	_ =	shalt  }
0x64: {  	_ =	shalt  }
0x65: {  	_ =	shalt  }
0x66: {  	_ =	shalt  }
0x67: {  	_ =	shalt  }
0x68: {  	_ =	shalt  }
0x69: {  	_ =	shalt  }
0x6a: {  	_ =	shalt  }
0x6b: {  	_ =	shalt  }
0x6c: {  	_ =	shalt  }
0x6d: {  	_ =	shalt  }
0x6e: {  	_ =	shalt  }
0x6f: {  	_ =	shalt  }
0x70: {  	_ =	shalt  }
0x71: {  	_ =	shalt  }
0x72: {  	_ =	shalt  }
0x73: {  	_ =	shalt  }
0x74: {  	_ =	shalt  }
0x75: {  	_ =	shalt  }
0x76: {  	_ =	shalt  }
0x77: {  	_ =	shalt  }
0x78: {  	_ =	shalt  }
0x79: {  	_ =	shalt  }
0x7a: {  	_ =	shalt  }
0x7b: {  	_ =	shalt  }
0x7c: {  	_ =	shalt  }
0x7d: {  	_ =	shalt  }
0x7e: {  	_ =	shalt  }
0x7f: {  	_ =	shalt  }
0x80: {  	_ =	shalt  }
0x81: {  	_ =	shalt  }
0x82: {  	_ =	shalt  }
0x83: {  	_ =	shalt  }
0x84: {  	_ =	shalt  }
0x85: {  	_ =	shalt  }
0x86: {  	_ =	shalt  }
0x87: {  	_ =	shalt  }
.Lfunc_end0:
.L_simem_size_0:
called_computation.7_lowered:
.L_overlay_start_0:
0x88: {  	s2 =	sld [smem:$0x3FD9]  }
0x89: {  	s3 =	sld [smem:$0x3FFE];
	_ =	sdelay $0x1  }
0x8a: {  	s1 =	srdreg.scid  }
0x8b: {  	s0 =	sand.u32 $0x1, s1  }
0x8c: {  	s16 =	sshll.u32 s0, $0xA;
	s2 =	sadd.s32 s3, s2  }
0x8d: {  	s2 =	sadd.s32 s2, s16  }
0x8e: {  	[smem:$0x3FB3] =	sst s2  }
0x8f: {  	_ = 	snop  }
0x90: {  	(tm) =	ssettm $0x1  }
0x91: {  	s17 =	sld [smem:$0x3FFB];
	_ =	sdelay $0x3  }
0x92: {  	_ =	strace s17  }
0x93: {  	s2 =	sld [smem:$0x3FFC];
	_ =	sdelay $0x3  }
0x94: {  	_ =	strace s2  }
0x95: {  	s2 =	sld [smem:$0x3FFD];
	_ =	sdelay $0x3  }
0x96: {  	_ =	strace s2  }
0x97: {  	_ =	strace $0x8FFFFFFF  }
0x98: {  	s18 =	sld [smem:$0x3FDB];
	_ =	sdelay $0x1  }
0x99: {  	s19 =	simm.s32 $_scs_section_size  }
0x9a: {  	s4 =	simm.s32 $_size__tile_overlayer_lowered;
	s5 =	simm.s32 $_tile_overlayer_lowered  }
0x9b: {  	s22 =	simm.s32 $0x1BFF;
	s21 =	sshll.u32 s5, $0x1;
	s2 =	sadd.s32 s19, s18  }
0x9c: {  	s6 =	simm.s32 $0x0;
	s20 =	sshll.u32 s4, $0x1;
	s4 =	sadd.s32 s21, s2  }
0x9d: {  	[timem:s6], [sflag:s22] =	dma.local [hbm:s4], s20  }
0x9e: {  	_ =	swait.ge [sflag:s22], s20  }
0x9f: {  	s3 =	ssub.s32 $0x0, s20;
	[sflag:s22] =	ssyncset.done $0x0  }
0xa0: {  	[sflag:s22] =	ssyncadd.s32 s3;
	_ =	sdelay $0x1  }
0xa1: {  	s23 =	simm.s32 $0x1B8B  }
0xa2: {  	_ =	swait.ge [sflag:s23], $0x1  }
0xa3: {  	[sflag:s23] =	ssyncset.done $0x0  }
0xa4: {  	s25 =	simm.s32 $0x1B8E;
	s24 =	sld [smem:$0x3FFE];
	[sflag:s23] =	ssyncadd.s32 $0xFFFFFFFF  }
0xa5: {  	s26 =	simm.s32 $execute0_lowered;
	[smem:$0x3FD2] =	sst s25  }
0xa6: {  	s4 =	sshll.u32 s26, $0x1;
	_ =	strace $0x8000005B;
	[dreg:$0x1] =	wrdreg $0xFFFFFFFF  }
0xa7: {  	s28 =	simm.s32 $_size_execute0_lowered;
	s2 =	sadd.s32 s2, s4;
	[dreg:$0x0] =	wrdreg $0x0  }
0xa8: {  	s4 =	sshll.u32 s28, $0x1;
	[dreg:$0x2] =	wrdreg s2  }
0xa9: {  	[dreg:$0x3] =	wrdreg s4  }
0xaa: {  	[dreg:$0x4] =	wrdreg $0xC0  }
0xab: {  	_ =	task [dreg:s6], $0x5FFFF  }
0xac: {  	[dreg:$0x1] =	wrdreg $0xFFFFFFFF  }
0xad: {  	[dreg:$0x0] =	wrdreg $0x60  }
0xae: {  	[dreg:$0x2] =	wrdreg s24  }
0xaf: {  	[dreg:$0x3] =	wrdreg $0x0  }
0xb0: {  	[dreg:$0x4] =	wrdreg $0x9  }
0xb1: {  	_ =	task.clear_ibuf [dreg:s6], $0x5FFFF;
	_ =	strace $0x9000005B  }
0xb2: {  	s29 =	simm.s32 $0x9;
	_ =	strace $0x8000005D  }
0xb3: {  	_ =	swait.ge [sflag:s29], $0x1  }
0xb4: {  	[sflag:s29] =	ssyncadd.s32 $0xFFFFFFFF  }
0xb5: {  	_ =	strace $0x9000005D  }
0xb6: {  	_ =	sfence  }
0xb7: {  	s30 =	sld [smem:$0x0];
	_ =	sdelay $0x2  }
0xb8: {  	s31 =	sshll.u32 s1, $0xD;
	s1 =	sshrl.u32 s1, $0x2  }
0xb9: {  	s3 =	sand.u32 $0x4000, s31;
	s1 =	sadd.s32 s1, s30  }
0xba: {  	s0 =	sor.u32 s3, s0;
	s1 =	sshll.u32 s1, $0x11  }
0xbb: {  	s0 =	sor.u32 s1, s0  }
0xbc: {  	s0 =	sadd.s32 $0x8F2B, s0  }
0xbd: {  	[sflag:s0] =	ssyncadd.remote.s32 $0x1  }
0xbe: {  	_ =	sfence.sel $0xFFFF  }
0xbf: {  	[dreg:$0x0] =	wrdreg $0xFFFFFFFF;
	(pc) =	sbr.abs _section_cstart, $3  }
0xc0: {  	[dreg:$0x1] =	wrdreg $0xFFFFFFFF  }
0xc1: {  	_ =	task.clear_ibuf [dreg:s6], $0x2FFFF;
	_ =	strace $0x9FFFFFFF  }
0xc2: {  	(tm) =	ssettm $0x7FFFFFFF  }
0xc3: {  	_ =	shalt  }
tec
execute0_lowered:
.L_overlay_start_1:
0x0: {  	(tag) =	ssettag $0x1  }
0x1: {  	s0 =	stileid.u32;
	s1 =	srdreg.scid  }
0x2: {  	s5 =	rddreg [dreg:$0x0];
	s4 =	smul.u32 $0x9C40, s0  }
0x3: {  	s2 =	rddreg [dreg:$0x1];
	s3 =	simm.s32 $0x0;
	s7 =	smul.u32 $0x4E20, s0  }
0x4: {  	s14 =	simm.s32 $0x50;
	s6 =	sand.u32 $0x1, s1;
	s9 =	smul.u32 $0x2710, s0  }
0x5: {  	s15 =	simm.s32 $0x0;
	s1 =	rddreg [dreg:$0x2];
	s8 =	smul.u32 $0x2710, s6  }
0x6: {  	[smem:$0x7FF] =	sst s3;
	s30 =	sshll.u32 s0, $0x6;
	s25 =	smul.u32 $0x27100, s6  }
0x7: {  	_ =	strace $0x8000005C;
	s28 =	ssub.s32 $0x2, s6;
	s12 =	smul.u32 $0x4E20, s6  }
0x8: {  	s10 =	sadd.s32 s4, s5;
	s4 =	sadd.s32 $0xF84A00, s5;
	s29 =	sshrl.u32 s28, $0x1  }
0x9: {  	s13 =	sadd.s32 s9, s2;
	s7 =	sadd.s32 s8, s7;
	s26 =	sadd.s32 s9, s25  }
0xa: {  	s8 =	ssub.s32 s28, s29;
	s31 =	sadd.s32 s12, s10;
	s7 =	sshrl.u32 s7, $0x3  }
0xb: {  	s10 =	sshrl.u32 s13, $0x3;
	s11 =	sadd.s32 s7, s5;
	s7 =	sshrl.u32 s26, $0x3  }
0xc: {  	s12 =	simm.s32 $0x2710;
	s13 =	simm.s32 $0x2760;
	s7 =	sadd.s32 s7, s5  }
0xd: {  	s5 =	sor.u32 $0x1C01, s30;
	s9 =	sadd.s32 $0x11400, s11;
	s11 =	simm.s32 $0x1  }
0xe: {  	s6 =	sadd.s32 $0x7600, s7;
	s7 =	smax.u32 s8, $0x1;
	s8 =	sadd.s32 $0xEE8600, s31  }
.LBB2_1:
0xf: {  	[spmem:s10], [sflag:s5] =	dma.local [hbm:s4], $0x4E2  }
0x10: {  	_ =	swait.ge [sflag:s11], $0x4E2  }
0x11: {  	[sflag:s11] =	ssyncset.done $0x0  }
0x12: {  	[sflag:s11] =	ssyncadd.s32 $0xFFFFFB1E  }
0x13: {  	s16 =	sadd.s32 $0x0, s9;
	[bflag:$0x0] =	sbarrier.arrive $0xFFFF  }
0x14: {  	[tilespmem:s12], [sflag:$0x1] =	stream.linear.gather [hbm4b:s16+s3], $0x50, $0x38;
	[tilespmem:$0x2C60] =	vst v63  }
0x15: {  	_ =	swait.ge [sflag:s11], $0x50  }
0x16: {  	[sflag:s11] =	ssyncset.done $0x0  }
0x17: {  	[sflag:s11] =	ssyncadd.s32 $0xFFFFFFB0  }
0x18: {  	[tilespmem:s13], [sflag:$0x1] =	stream.linear.gather [hbm4b:s8+s3], $0x500, $0x38;
	[tilespmem:$0x2C60] =	vst v63  }
0x19: {  	_ =	swait.ge [sflag:s11], $0x500  }
0x1a: {  	[sflag:s11] =	ssyncset.done $0x0  }
0x1b: {  	[sflag:s11] =	ssyncadd.s32 $0xFFFFFB00  }
0x1c: {  	[spmem:s2] =	stream.indirect.scatter.add.f32 [tilespmem:s13], [sflag:$0x1], $0x10, s12, s14, $0xb8;
	[tilespmem:$0x2C60] =	vst v63  }
0x1d: {  	s17 =	simm.s32 $0xA;
	_ =	swait.ge [sflag:s11], $0x500  }
0x1e: {  	s18 =	simm.s32 $0x14;
	s16 =	sadd.s32 $0xA0, s8;
	[sflag:s11] =	ssyncset.done $0x0  }
.LBB2_2:
0x1f: {  	s19 =	sadd.s32 s17, s9  }
0x20: {  	[sflag:s11] =	ssyncadd.s32 $0xFFFFFB00;
	s17 =	smov.u32 s18;
	s20 =	sadd.s32 $0xA, s18  }
0x21: {  	[tilespmem:s12], [sflag:$0x1] =	stream.linear.gather [hbm4b:s19+s3], $0x50, $0x38;
	[tilespmem:$0x2C60] =	vst v63  }
0x22: {  	p0 =	sne.s32 s18, $0x4D8;
	_ =	swait.ge [sflag:s11], $0x50  }
0x23: {  	[sflag:s11] =	ssyncset.done $0x0  }
0x24: {  	[sflag:s11] =	ssyncadd.s32 $0xFFFFFFB0  }
0x25: {  	[tilespmem:s13], [sflag:$0x1] =	stream.linear.gather [hbm4b:s16+s3], $0x500, $0x38;
	[tilespmem:$0x2C60] =	vst v63  }
0x26: {  	_ =	swait.ge [sflag:s11], $0x500  }
.Ltmp0:
0x27: {  	[sflag:s11] =	ssyncset.done $0x0;
	(pc) =	sbr.rel @p0 .LBB2_2-.Ltmp0, $4  }
0x28: {  	[sflag:s11] =	ssyncadd.s32 $0xFFFFFB00  }
0x29: {  	[spmem:s2] =	stream.indirect.scatter.add.f32 [tilespmem:s13], [sflag:$0x1], $0x10, s12, s14, $0xb8;
	[tilespmem:$0x2C60] =	vst v63  }
0x2a: {  	_ =	swait.ge [sflag:s11], $0x500  }
0x2b: {  	s18 =	smov.u32 s20;
	s16 =	sadd.s32 $0xA0, s16;
	[sflag:s11] =	ssyncset.done $0x0  }
0x2c: {  	s17 =	sadd.s32 s17, s9;
	[sflag:s11] =	ssyncadd.s32 $0xFFFFFB00  }
0x2d: {  	[tilespmem:s12], [sflag:$0x1] =	stream.linear.gather [hbm4b:s17+s3], $0x50, $0x38;
	[tilespmem:$0x2C60] =	vst v63  }
0x2e: {  	_ =	swait.ge [sflag:s11], $0x50  }
0x2f: {  	[sflag:s11] =	ssyncset.done $0x0  }
0x30: {  	[sflag:s11] =	ssyncadd.s32 $0xFFFFFFB0  }
0x31: {  	[tilespmem:s13], [sflag:$0x1] =	stream.linear.gather [hbm4b:s16+s3], $0x500, $0x38;
	[tilespmem:$0x2C60] =	vst v63  }
0x32: {  	_ =	swait.ge [sflag:s11], $0x500  }
0x33: {  	[sflag:s11] =	ssyncset.done $0x0  }
0x34: {  	[sflag:s11] =	ssyncadd.s32 $0xFFFFFB00  }
0x35: {  	[spmem:s2] =	stream.indirect.scatter.add.f32 [tilespmem:s13], [sflag:$0x1], $0x10, s12, s14, $0xb8;
	[tilespmem:$0x2C60] =	vst v63  }
0x36: {  	_ =	swait.ge [sflag:s11], $0x500  }
0x37: {  	s15 =	sadd.s32 $0x1, s15;
	[sflag:s11] =	ssyncset.done $0x0  }
0x38: {  	p0 =	sne.s32 s15, s7;
	[sflag:s11] =	ssyncadd.s32 $0xFFFFFB00  }
.Ltmp1:
0x39: {  	[bflag:$0x0] =	sbarrier.arrive $0xFFFF;
	(pc) =	sbr.rel @p0 .LBB2_1-.Ltmp1, $4  }
0x3a: {  	[hbm:s6], [sflag:s5] =	dma.local [spmem:s10], $0x4E2  }
0x3b: {  	_ =	swait.ge [sflag:s11], $0x4E2  }
0x3c: {  	[sflag:s11] =	ssyncset.done $0x0  }
0x3d: {  	[sflag:s11] =	ssyncadd.s32 $0xFFFFFB1E  }
0x3e: {  	_ =	sfence.sel $0x180000  }
0x3f: {  	[bflag:$0x0] =	sbarrier.arrive $0xFFFF  }
0x40: {  	p0 =	sne.s32 s0, $0x0;
	_ =	strace $0x9000005C  }
0x41: {  	s0 =	sadd.s32 @!p0 $0x100000, s1;
	[bflag:$0x2] =	sbarrier.arrive $0xFFFF  }
0x42: {  	[sflag:s0] =	ssyncadd.tile.s32 @!p0 $0x1;
	_ =	shalt  }
.Lfunc_end2:
_tile_overlayer_lowered:
.L_overlay_start_2:
0x43: {  	(tag) =	ssettag $0x2  }
0x44: {  	s0 =	rddreg [dreg:$0x0];
	s2 =	stileid.u32  }
0x45: {  	s1 =	rddreg [dreg:$0x1];
	p0 =	sne.s32 s2, $0x0  }
0x46: {  	s3 =	rddreg [dreg:$0x2];
	[bflag:$0x3] =	sbarrier.arrive $0xFFFF;
	s2 =	simm.s32 @!p0 $0x1C01  }
0x47: {  	[timem:s3], [sflag:s2] =	dma.local @!p0 [hbm:s0], s1  }
0x48: {  	s0 =	simm.s32 @!p0 $0x1  }
0x49: {  	_ =	swait.ge @!p0 [sflag:s0], s1  }
0x4a: {  	s1 =	ssub.s32 @!p0 $0x0, s1;
	[sflag:s0] =	ssyncset.done @!p0 $0x0  }
0x4b: {  	[sflag:s0] =	ssyncadd.s32 @!p0 s1  }
0x4c: {  	[bflag:$0x3] =	sbarrier.arrive $0xFFFF  }
0x4d: {  	_ =	shalt  }

// kernel: kernel.47.cloned.1.call-start
scs
__scs_entry_jumppad:
0x0: {  	(pc) =	sbr.rel $0x88, $3  }
0x1: {  	(tag) =	ssettag $0x0;
	lr =	simm.s32 $0x1  }
0x2: {  	[smem:$0x3F8C] =	sst lr;
	_ =	strace $0xD0000000  }
0x3: {  	_ = 	snop  }
0x4: {  	_ = 	snop  }
0x5: {  	_ = 	snop  }
0x6: {  	_ = 	snop  }
0x7: {  	_ = 	snop  }
__scs_overlays_trampoline_lowered:
0x8: {  	[smem:$0x3F9B] =	sst s0  }
0x9: {  	[smem:$0x3F9C] =	sst s1  }
0xa: {  	[smem:$0x3F9D] =	sst s2  }
0xb: {  	[smem:$0x3F9E] =	sst s3  }
0xc: {  	[smem:$0x3F9F] =	sst s4  }
0xd: {  	[smem:$0x3FA0] =	sst s5  }
0xe: {  	[smem:$0x3FA1] =	sst s6  }
0xf: {  	[smem:$0x3FA2] =	sst s7  }
0x10: {  	[smem:$0x3FA3] =	sst s8  }
0x11: {  	[smem:$0x3FA4] =	sst s9;
	s0 =	simm.s32 @!p0 $0x0  }
0x12: {  	s1 =	sld [smem:$0x3F8A];
	s0 =	simm.s32 @p0 $0x1  }
0x13: {  	[smem:$0x3FA5] =	sst s0;
	s0 =	simm.s32 @!p1 $0x0  }
0x14: {  	s2 =	sld [smem:$0x3F89];
	s0 =	simm.s32 @p1 $0x1  }
0x15: {  	[smem:$0x3FA6] =	sst s0;
	s0 =	simm.s32 @!p2 $0x0  }
0x16: {  	s3 =	sld [smem:$0x3FDB];
	s0 =	simm.s32 @p2 $0x1  }
0x17: {  	s4 =	simm.s32 $0x1BF5;
	[smem:$0x3FA8] =	sst s0  }
0x18: {  	s0 =	sld [smem:$0x3F8B];
	_ =	swait.ge [sflag:s4], $0x0  }
0x19: {  	s7 =	sld [smem:$0x3F8C]  }
0x1a: {  	s8 =	sadd.s32 $0xFFFFE003, lr  }
0x1b: {  	s9 =	sadd.s32 $0xFFFFFEF7, lr;
	s5 =	simm.s32 $0xFFFFFFFF;
	p2 =	slt.u32 s8, $0xFFFFF086  }
0x1c: {  	p1 =	slt.u32 s9, $0xF7A;
	s5 =	simm.s32 @!p2 $0x0  }
0x1d: {  	s5 =	simm.s32 @p1 $0x1;
	p0 =	seq.s32 s7, s2  }
0x1e: {  	s7 =	smul.u32 @!p0 $0xF7A, s2;
	p2 =	seq.s32 @!p0 s5, $0x0  }
0x1f: {  	s9 =	smul.u32 $0xF7A, s1;
	s8 =	simm.s32 @!p0 $0x1BF5;
	p2 =	por !p2, p0  }
0x20: {  	[sflag:s8] =	ssyncset.s32 @!p0 $0xFFFFF086;
	s6 =	sadd.s32 @!p0 s3, s7;
	s7 =	simm.s32 @!p0 $0x108  }
0x21: {  	s3 =	sadd.s32 s3, s9;
	s6 =	sadd.s32 @!p0 $0x88, s6;
	s7 =	simm.s32 @p2 $0x1082  }
0x22: {  	[simem:s7], [sflag:s8] =	dma.local @!p0 [hbm:s6], $0xF7A  }
0x23: {  	s9 =	sor.u32 $0xD0000000, s2;
	s6 =	simm.s32 $0x108;
	_ =	swait.ge @!p0 [sflag:s8], $0x0  }
0x24: {  	s3 =	sadd.s32 $0x88, s3;
	s6 =	simm.s32 @!p1 $0x1082;
	[sflag:s4] =	ssyncset.s32 $0xFFFFF086  }
0x25: {  	[simem:s6], [sflag:s4] =	dma.local [hbm:s3], $0xF7A  }
0x26: {  	[smem:$0x3F8C] =	sst s1;
	(tag) =	ssettag s2;
	_ =	strace s9  }
0x27: {  	s1 =	sld [smem:$0x3F9C]  }
0x28: {  	s2 =	sld [smem:$0x3F9D]  }
0x29: {  	s4 =	sld [smem:$0x3F9F]  }
0x2a: {  	p0 =	seq.s32 s5, $0x0;
	s5 =	sld [smem:$0x3FA0]  }
0x2b: {  	s6 =	sld [smem:$0x3FA1]  }
0x2c: {  	s7 =	sld [smem:$0x3FA2]  }
0x2d: {  	s3 =	simm.s32 $0x108;
	s8 =	sld [smem:$0x3FA3]  }
0x2e: {  	s3 =	simm.s32 @!p0 $0x1082;
	s9 =	sld [smem:$0x3FA4]  }
0x2f: {  	lr =	sadd.s32 s0, s3;
	s0 =	sld [smem:$0x3F9B]  }
0x30: {  	s3 =	sld [smem:$0x3F9E]  }
0x31: {  	[smem:$0x3FA7] =	sst s10  }
0x32: {  	s10 =	sld [smem:$0x3FA5];
	_ =	sdelay $0x3  }
0x33: {  	p0 =	seq.s32 s10, $0x1;
	s10 =	sld [smem:$0x3FA7];
	_ =	sdelay $0x3  }
0x34: {  	[smem:$0x3FA7] =	sst s10  }
0x35: {  	s10 =	sld [smem:$0x3FA6];
	_ =	sdelay $0x3  }
0x36: {  	p1 =	seq.s32 s10, $0x1;
	s10 =	sld [smem:$0x3FA7];
	_ =	sdelay $0x3  }
0x37: {  	[smem:$0x3FA7] =	sst s10  }
0x38: {  	s10 =	sld [smem:$0x3FA8]  }
0x39: {  	_ = 	snop;
	(pc) =	sbr.ind lr, $3  }
0x3a: {  	_ = 	snop  }
0x3b: {  	_ = 	snop  }
0x3c: {  	p2 =	seq.s32 s10, $0x1;
	s10 =	sld [smem:$0x3FA7]  }
0x3d: {  	_ =	shalt  }
0x3e: {  	_ =	shalt  }
0x3f: {  	_ =	shalt  }
0x40: {  	_ =	shalt  }
0x41: {  	_ =	shalt  }
0x42: {  	_ =	shalt  }
0x43: {  	_ =	shalt  }
0x44: {  	_ =	shalt  }
0x45: {  	_ =	shalt  }
0x46: {  	_ =	shalt  }
0x47: {  	_ =	shalt  }
0x48: {  	_ =	shalt  }
0x49: {  	_ =	shalt  }
0x4a: {  	_ =	shalt  }
0x4b: {  	_ =	shalt  }
0x4c: {  	_ =	shalt  }
0x4d: {  	_ =	shalt  }
0x4e: {  	_ =	shalt  }
0x4f: {  	_ =	shalt  }
0x50: {  	_ =	shalt  }
0x51: {  	_ =	shalt  }
0x52: {  	_ =	shalt  }
0x53: {  	_ =	shalt  }
0x54: {  	_ =	shalt  }
0x55: {  	_ =	shalt  }
0x56: {  	_ =	shalt  }
0x57: {  	_ =	shalt  }
0x58: {  	_ =	shalt  }
0x59: {  	_ =	shalt  }
0x5a: {  	_ =	shalt  }
0x5b: {  	_ =	shalt  }
0x5c: {  	_ =	shalt  }
0x5d: {  	_ =	shalt  }
0x5e: {  	_ =	shalt  }
0x5f: {  	_ =	shalt  }
0x60: {  	_ =	shalt  }
0x61: {  	_ =	shalt  }
0x62: {  	_ =	shalt  }
0x63: {  	_ =	shalt  }
0x64: {  	_ =	shalt  }
0x65: {  	_ =	shalt  }
0x66: {  	_ =	shalt  }
0x67: {  	_ =	shalt  }
0x68: {  	_ =	shalt  }
0x69: {  	_ =	shalt  }
0x6a: {  	_ =	shalt  }
0x6b: {  	_ =	shalt  }
0x6c: {  	_ =	shalt  }
0x6d: {  	_ =	shalt  }
0x6e: {  	_ =	shalt  }
0x6f: {  	_ =	shalt  }
0x70: {  	_ =	shalt  }
0x71: {  	_ =	shalt  }
0x72: {  	_ =	shalt  }
0x73: {  	_ =	shalt  }
0x74: {  	_ =	shalt  }
0x75: {  	_ =	shalt  }
0x76: {  	_ =	shalt  }
0x77: {  	_ =	shalt  }
0x78: {  	_ =	shalt  }
0x79: {  	_ =	shalt  }
0x7a: {  	_ =	shalt  }
0x7b: {  	_ =	shalt  }
0x7c: {  	_ =	shalt  }
0x7d: {  	_ =	shalt  }
0x7e: {  	_ =	shalt  }
0x7f: {  	_ =	shalt  }
0x80: {  	_ =	shalt  }
0x81: {  	_ =	shalt  }
0x82: {  	_ =	shalt  }
0x83: {  	_ =	shalt  }
0x84: {  	_ =	shalt  }
0x85: {  	_ =	shalt  }
0x86: {  	_ =	shalt  }
0x87: {  	_ =	shalt  }
.Lfunc_end0:
.L_simem_size_0:
called_computation.8_lowered:
.L_overlay_start_0:
0x88: {  	s2 =	sld [smem:$0x3FD9]  }
0x89: {  	s3 =	sld [smem:$0x3FFE];
	_ =	sdelay $0x1  }
0x8a: {  	s1 =	srdreg.scid  }
0x8b: {  	s0 =	sand.u32 $0x1, s1  }
0x8c: {  	s16 =	sshll.u32 s0, $0xA;
	s2 =	sadd.s32 s3, s2  }
0x8d: {  	s2 =	sadd.s32 s2, s16  }
0x8e: {  	[smem:$0x3FB3] =	sst s2  }
0x8f: {  	_ = 	snop  }
0x90: {  	(tm) =	ssettm $0x1  }
0x91: {  	s17 =	sld [smem:$0x3FFB];
	_ =	sdelay $0x3  }
0x92: {  	_ =	strace s17  }
0x93: {  	s2 =	sld [smem:$0x3FFC];
	_ =	sdelay $0x3  }
0x94: {  	_ =	strace s2  }
0x95: {  	s2 =	sld [smem:$0x3FFD];
	_ =	sdelay $0x3  }
0x96: {  	_ =	strace s2  }
0x97: {  	_ =	strace $0x8FFFFFFF  }
0x98: {  	s18 =	sld [smem:$0x3FDB];
	_ =	sdelay $0x1  }
0x99: {  	s19 =	simm.s32 $_scs_section_size  }
0x9a: {  	s4 =	simm.s32 $_size__tile_overlayer_lowered;
	s5 =	simm.s32 $_tile_overlayer_lowered  }
0x9b: {  	s22 =	simm.s32 $0x1BFF;
	s21 =	sshll.u32 s5, $0x1;
	s2 =	sadd.s32 s19, s18  }
0x9c: {  	s6 =	simm.s32 $0x0;
	s20 =	sshll.u32 s4, $0x1;
	s4 =	sadd.s32 s21, s2  }
0x9d: {  	[timem:s6], [sflag:s22] =	dma.local [hbm:s4], s20  }
0x9e: {  	_ =	swait.ge [sflag:s22], s20  }
0x9f: {  	s3 =	ssub.s32 $0x0, s20;
	[sflag:s22] =	ssyncset.done $0x0  }
0xa0: {  	[sflag:s22] =	ssyncadd.s32 s3;
	_ =	sdelay $0x1  }
0xa1: {  	s23 =	simm.s32 $0x1B8B  }
0xa2: {  	_ =	swait.ge [sflag:s23], $0x1  }
0xa3: {  	[sflag:s23] =	ssyncset.done $0x0  }
0xa4: {  	s25 =	simm.s32 $0x1B8E;
	s24 =	sld [smem:$0x3FFE];
	[sflag:s23] =	ssyncadd.s32 $0xFFFFFFFF  }
0xa5: {  	s26 =	simm.s32 $execute0_lowered;
	[smem:$0x3FD2] =	sst s25  }
0xa6: {  	s4 =	sshll.u32 s26, $0x1;
	_ =	strace $0x8000005E;
	[dreg:$0x1] =	wrdreg $0xFFFFFFFF  }
0xa7: {  	s28 =	simm.s32 $_size_execute0_lowered;
	s2 =	sadd.s32 s2, s4;
	[dreg:$0x0] =	wrdreg $0x0  }
0xa8: {  	s4 =	sshll.u32 s28, $0x1;
	[dreg:$0x2] =	wrdreg s2  }
0xa9: {  	[dreg:$0x3] =	wrdreg s4  }
0xaa: {  	[dreg:$0x4] =	wrdreg $0xC0  }
0xab: {  	_ =	task [dreg:s6], $0x5FFFF  }
0xac: {  	[dreg:$0x1] =	wrdreg $0xFFFFFFFF  }
0xad: {  	[dreg:$0x0] =	wrdreg $0x60  }
0xae: {  	[dreg:$0x2] =	wrdreg s24  }
0xaf: {  	[dreg:$0x3] =	wrdreg $0x9  }
0xb0: {  	_ =	task.clear_ibuf [dreg:s6], $0x4FFFF;
	_ =	strace $0x9000005E  }
0xb1: {  	s29 =	simm.s32 $0x9;
	_ =	strace $0x80000060  }
0xb2: {  	_ =	swait.ge [sflag:s29], $0x1  }
0xb3: {  	[sflag:s29] =	ssyncadd.s32 $0xFFFFFFFF  }
0xb4: {  	_ =	strace $0x90000060  }
0xb5: {  	_ =	sfence  }
0xb6: {  	s30 =	sld [smem:$0x0];
	_ =	sdelay $0x2  }
0xb7: {  	s31 =	sshll.u32 s1, $0xD;
	s1 =	sshrl.u32 s1, $0x2  }
0xb8: {  	s3 =	sand.u32 $0x4000, s31;
	s1 =	sadd.s32 s1, s30  }
0xb9: {  	s0 =	sor.u32 s3, s0;
	s1 =	sshll.u32 s1, $0x11  }
0xba: {  	s0 =	sor.u32 s1, s0  }
0xbb: {  	s0 =	sadd.s32 $0x8F2B, s0  }
0xbc: {  	[sflag:s0] =	ssyncadd.remote.s32 $0x1  }
0xbd: {  	_ =	sfence.sel $0xFFFF  }
0xbe: {  	[dreg:$0x0] =	wrdreg $0xFFFFFFFF;
	(pc) =	sbr.abs _section_cstart, $3  }
0xbf: {  	[dreg:$0x1] =	wrdreg $0xFFFFFFFF  }
0xc0: {  	_ =	task.clear_ibuf [dreg:s6], $0x2FFFF;
	_ =	strace $0x9FFFFFFF  }
0xc1: {  	(tm) =	ssettm $0x7FFFFFFF  }
tec
execute0_lowered:
.L_overlay_start_1:
0x0: {  	(tag) =	ssettag $0x1  }
0x1: {  	s4 =	rddreg [dreg:$0x0]  }
0x2: {  	s0 =	rddreg [dreg:$0x1];
	s2 =	simm.s32 $0x0;
	s1 =	stileid.u32  }
0x3: {  	s3 =	srdreg.scid;
	s10 =	simm.s32 $0x0;
	s6 =	smul.u32 $0x4E20, s1  }
0x4: {  	[smem:$0x7FF] =	sst s2;
	s5 =	sand.u32 $0x1, s3;
	s8 =	smul.u32 $0x9C40, s1  }
0x5: {  	s3 =	sadd.s32 $0x7600, s4;
	s7 =	smul.u32 $0x2710, s5;
	s9 =	ssub.s32 $0x2, s5  }
0x6: {  	_ =	strace $0x8000005F;
	s5 =	smul.u32 $0x4E20, s5;
	s31 =	sshrl.u32 s9, $0x1  }
0x7: {  	s8 =	sadd.s32 s8, s4;
	s6 =	sadd.s32 s7, s6;
	s7 =	ssub.s32 s9, s31  }
0x8: {  	s5 =	sadd.s32 s5, s8;
	s8 =	simm.s32 $0x50;
	s6 =	sshrl.u32 s6, $0x3  }
0x9: {  	s9 =	simm.s32 $0x1;
	s5 =	sadd.s32 $0xEE8600, s5;
	s6 =	sadd.s32 s6, s4  }
0xa: {  	s4 =	smax.u32 s7, $0x1;
	s7 =	simm.s32 $0x2;
	s6 =	sadd.s32 $0x11400, s6  }
.LBB2_1:
0xb: {  	s11 =	sadd.s32 $0x0, s6  }
0xc: {  	[tilespmem:s2], [sflag:$0x2] =	stream.linear.gather [hbm4b:s11+s2], $0x50, $0x38;
	[tilespmem:$0x550] =	vst v63  }
0xd: {  	_ =	swait.ge [sflag:s7], $0x50  }
0xe: {  	[sflag:s7] =	ssyncset.done $0x0  }
0xf: {  	[sflag:s7] =	ssyncadd.s32 $0xFFFFFFB0  }
0x10: {  	[tilespmem:s8], [sflag:$0x1] =	stream.indirect.gather [hbm4b:s3+s8], $0x10, s2, s8, $0xb8;
	[tilespmem:$0x550] =	vst v63  }
0x11: {  	_ =	swait.ge [sflag:s9], $0x500  }
0x12: {  	[sflag:s9] =	ssyncset.done $0x0  }
0x13: {  	[sflag:s9] =	ssyncadd.s32 $0xFFFFFB00  }
0x14: {  	[hbm4b:s5+s2] =	stream.linear.scatter [tilespmem:s8], [sflag:$0x2], $0x500, $0x38;
	[tilespmem:$0x550] =	vst v63  }
0x15: {  	s12 =	simm.s32 $0xA;
	_ =	swait.ge [sflag:s7], $0x500  }
0x16: {  	s13 =	simm.s32 $0x14;
	s11 =	sadd.s32 $0xA0, s5;
	[sflag:s7] =	ssyncset.done $0x0  }
.LBB2_2:
0x17: {  	s14 =	sadd.s32 s12, s6  }
0x18: {  	[sflag:s7] =	ssyncadd.s32 $0xFFFFFB00;
	s12 =	smov.u32 s13;
	s15 =	sadd.s32 $0xA, s13  }
0x19: {  	[tilespmem:s2], [sflag:$0x2] =	stream.linear.gather [hbm4b:s14+s2], $0x50, $0x38;
	[tilespmem:$0x550] =	vst v63  }
0x1a: {  	p0 =	sne.s32 s13, $0x4D8;
	_ =	swait.ge [sflag:s7], $0x50  }
0x1b: {  	[sflag:s7] =	ssyncset.done $0x0  }
0x1c: {  	[sflag:s7] =	ssyncadd.s32 $0xFFFFFFB0  }
0x1d: {  	[tilespmem:s8], [sflag:$0x1] =	stream.indirect.gather [hbm4b:s3+s8], $0x10, s2, s8, $0xb8;
	[tilespmem:$0x550] =	vst v63  }
0x1e: {  	_ =	swait.ge [sflag:s9], $0x500  }
.Ltmp0:
0x1f: {  	[sflag:s9] =	ssyncset.done $0x0;
	(pc) =	sbr.rel @p0 .LBB2_2-.Ltmp0, $4  }
0x20: {  	[sflag:s9] =	ssyncadd.s32 $0xFFFFFB00  }
0x21: {  	[hbm4b:s11+s2] =	stream.linear.scatter [tilespmem:s8], [sflag:$0x2], $0x500, $0x38;
	[tilespmem:$0x550] =	vst v63  }
0x22: {  	_ =	swait.ge [sflag:s7], $0x500  }
0x23: {  	s13 =	smov.u32 s15;
	s11 =	sadd.s32 $0xA0, s11;
	[sflag:s7] =	ssyncset.done $0x0  }
0x24: {  	s12 =	sadd.s32 s12, s6;
	[sflag:s7] =	ssyncadd.s32 $0xFFFFFB00  }
0x25: {  	[tilespmem:s2], [sflag:$0x2] =	stream.linear.gather [hbm4b:s12+s2], $0x50, $0x38;
	[tilespmem:$0x550] =	vst v63  }
0x26: {  	_ =	swait.ge [sflag:s7], $0x50  }
0x27: {  	[sflag:s7] =	ssyncset.done $0x0  }
0x28: {  	[sflag:s7] =	ssyncadd.s32 $0xFFFFFFB0  }
0x29: {  	[tilespmem:s8], [sflag:$0x1] =	stream.indirect.gather [hbm4b:s3+s8], $0x10, s2, s8, $0xb8;
	[tilespmem:$0x550] =	vst v63  }
0x2a: {  	s10 =	sadd.s32 $0x1, s10;
	_ =	swait.ge [sflag:s9], $0x500  }
0x2b: {  	p0 =	sne.s32 s10, s4;
	[sflag:s9] =	ssyncset.done $0x0  }
.Ltmp1:
0x2c: {  	[sflag:s9] =	ssyncadd.s32 $0xFFFFFB00;
	(pc) =	sbr.rel @p0 .LBB2_1-.Ltmp1, $4  }
0x2d: {  	[hbm4b:s11+s2] =	stream.linear.scatter [tilespmem:s8], [sflag:$0x2], $0x500, $0x38;
	[tilespmem:$0x550] =	vst v63  }
0x2e: {  	_ =	swait.ge [sflag:s7], $0x500  }
0x2f: {  	[sflag:s7] =	ssyncset.done $0x0  }
0x30: {  	[sflag:s7] =	ssyncadd.s32 $0xFFFFFB00  }
0x31: {  	_ =	sfence.sel $0x180000  }
0x32: {  	[bflag:$0x0] =	sbarrier.arrive $0xFFFF  }
0x33: {  	p0 =	sne.s32 s1, $0x0;
	_ =	strace $0x9000005F  }
0x34: {  	s0 =	sadd.s32 @!p0 $0x100000, s0;
	[bflag:$0x2] =	sbarrier.arrive $0xFFFF  }
0x35: {  	[sflag:s0] =	ssyncadd.tile.s32 @!p0 $0x1;
	_ =	shalt  }
.Lfunc_end2:
_tile_overlayer_lowered:
.L_overlay_start_2:
0x36: {  	(tag) =	ssettag $0x2  }
0x37: {  	s0 =	rddreg [dreg:$0x0];
	s2 =	stileid.u32  }
0x38: {  	s1 =	rddreg [dreg:$0x1];
	p0 =	sne.s32 s2, $0x0  }
0x39: {  	s3 =	rddreg [dreg:$0x2];
	[bflag:$0x3] =	sbarrier.arrive $0xFFFF;
	s2 =	simm.s32 @!p0 $0x1C02  }
0x3a: {  	[timem:s3], [sflag:s2] =	dma.local @!p0 [hbm:s0], s1  }
0x3b: {  	s0 =	simm.s32 @!p0 $0x2  }
0x3c: {  	_ =	swait.ge @!p0 [sflag:s0], s1  }
0x3d: {  	s1 =	ssub.s32 @!p0 $0x0, s1;
	[sflag:s0] =	ssyncset.done @!p0 $0x0  }
0x3e: {  	[sflag:s0] =	ssyncadd.s32 @!p0 s1  }
0x3f: {  	[bflag:$0x3] =	sbarrier.arrive $0xFFFF  }
0x40: {  	_ =	shalt  }

// kernel: kernel.50.cloned.1.call-start
scs
__scs_entry_jumppad:
0x0: {  	(pc) =	sbr.rel $0x88, $3  }
0x1: {  	(tag) =	ssettag $0x0;
	lr =	simm.s32 $0x1  }
0x2: {  	[smem:$0x3F8C] =	sst lr;
	_ =	strace $0xD0000000  }
0x3: {  	_ = 	snop  }
0x4: {  	_ = 	snop  }
0x5: {  	_ = 	snop  }
0x6: {  	_ = 	snop  }
0x7: {  	_ = 	snop  }
__scs_overlays_trampoline_lowered:
0x8: {  	[smem:$0x3F9B] =	sst s0  }
0x9: {  	[smem:$0x3F9C] =	sst s1  }
0xa: {  	[smem:$0x3F9D] =	sst s2  }
0xb: {  	[smem:$0x3F9E] =	sst s3  }
0xc: {  	[smem:$0x3F9F] =	sst s4  }
0xd: {  	[smem:$0x3FA0] =	sst s5  }
0xe: {  	[smem:$0x3FA1] =	sst s6  }
0xf: {  	[smem:$0x3FA2] =	sst s7  }
0x10: {  	[smem:$0x3FA3] =	sst s8  }
0x11: {  	[smem:$0x3FA4] =	sst s9;
	s0 =	simm.s32 @!p0 $0x0  }
0x12: {  	s1 =	sld [smem:$0x3F8A];
	s0 =	simm.s32 @p0 $0x1  }
0x13: {  	[smem:$0x3FA5] =	sst s0;
	s0 =	simm.s32 @!p1 $0x0  }
0x14: {  	s2 =	sld [smem:$0x3F89];
	s0 =	simm.s32 @p1 $0x1  }
0x15: {  	[smem:$0x3FA6] =	sst s0;
	s0 =	simm.s32 @!p2 $0x0  }
0x16: {  	s3 =	sld [smem:$0x3FDB];
	s0 =	simm.s32 @p2 $0x1  }
0x17: {  	s4 =	simm.s32 $0x1BF5;
	[smem:$0x3FA8] =	sst s0  }
0x18: {  	s0 =	sld [smem:$0x3F8B];
	_ =	swait.ge [sflag:s4], $0x0  }
0x19: {  	s7 =	sld [smem:$0x3F8C]  }
0x1a: {  	s8 =	sadd.s32 $0xFFFFE003, lr  }
0x1b: {  	s9 =	sadd.s32 $0xFFFFFEF7, lr;
	s5 =	simm.s32 $0xFFFFFFFF;
	p2 =	slt.u32 s8, $0xFFFFF086  }
0x1c: {  	p1 =	slt.u32 s9, $0xF7A;
	s5 =	simm.s32 @!p2 $0x0  }
0x1d: {  	s5 =	simm.s32 @p1 $0x1;
	p0 =	seq.s32 s7, s2  }
0x1e: {  	s7 =	smul.u32 @!p0 $0xF7A, s2;
	p2 =	seq.s32 @!p0 s5, $0x0  }
0x1f: {  	s9 =	smul.u32 $0xF7A, s1;
	s8 =	simm.s32 @!p0 $0x1BF5;
	p2 =	por !p2, p0  }
0x20: {  	[sflag:s8] =	ssyncset.s32 @!p0 $0xFFFFF086;
	s6 =	sadd.s32 @!p0 s3, s7;
	s7 =	simm.s32 @!p0 $0x108  }
0x21: {  	s3 =	sadd.s32 s3, s9;
	s6 =	sadd.s32 @!p0 $0x88, s6;
	s7 =	simm.s32 @p2 $0x1082  }
0x22: {  	[simem:s7], [sflag:s8] =	dma.local @!p0 [hbm:s6], $0xF7A  }
0x23: {  	s9 =	sor.u32 $0xD0000000, s2;
	s6 =	simm.s32 $0x108;
	_ =	swait.ge @!p0 [sflag:s8], $0x0  }
0x24: {  	s3 =	sadd.s32 $0x88, s3;
	s6 =	simm.s32 @!p1 $0x1082;
	[sflag:s4] =	ssyncset.s32 $0xFFFFF086  }
0x25: {  	[simem:s6], [sflag:s4] =	dma.local [hbm:s3], $0xF7A  }
0x26: {  	[smem:$0x3F8C] =	sst s1;
	(tag) =	ssettag s2;
	_ =	strace s9  }
0x27: {  	s1 =	sld [smem:$0x3F9C]  }
0x28: {  	s2 =	sld [smem:$0x3F9D]  }
0x29: {  	s4 =	sld [smem:$0x3F9F]  }
0x2a: {  	p0 =	seq.s32 s5, $0x0;
	s5 =	sld [smem:$0x3FA0]  }
0x2b: {  	s6 =	sld [smem:$0x3FA1]  }
0x2c: {  	s7 =	sld [smem:$0x3FA2]  }
0x2d: {  	s3 =	simm.s32 $0x108;
	s8 =	sld [smem:$0x3FA3]  }
0x2e: {  	s3 =	simm.s32 @!p0 $0x1082;
	s9 =	sld [smem:$0x3FA4]  }
0x2f: {  	lr =	sadd.s32 s0, s3;
	s0 =	sld [smem:$0x3F9B]  }
0x30: {  	s3 =	sld [smem:$0x3F9E]  }
0x31: {  	[smem:$0x3FA7] =	sst s10  }
0x32: {  	s10 =	sld [smem:$0x3FA5];
	_ =	sdelay $0x3  }
0x33: {  	p0 =	seq.s32 s10, $0x1;
	s10 =	sld [smem:$0x3FA7];
	_ =	sdelay $0x3  }
0x34: {  	[smem:$0x3FA7] =	sst s10  }
0x35: {  	s10 =	sld [smem:$0x3FA6];
	_ =	sdelay $0x3  }
0x36: {  	p1 =	seq.s32 s10, $0x1;
	s10 =	sld [smem:$0x3FA7];
	_ =	sdelay $0x3  }
0x37: {  	[smem:$0x3FA7] =	sst s10  }
0x38: {  	s10 =	sld [smem:$0x3FA8]  }
0x39: {  	_ = 	snop;
	(pc) =	sbr.ind lr, $3  }
0x3a: {  	_ = 	snop  }
0x3b: {  	_ = 	snop  }
0x3c: {  	p2 =	seq.s32 s10, $0x1;
	s10 =	sld [smem:$0x3FA7]  }
0x3d: {  	_ =	shalt  }
0x3e: {  	_ =	shalt  }
0x3f: {  	_ =	shalt  }
0x40: {  	_ =	shalt  }
0x41: {  	_ =	shalt  }
0x42: {  	_ =	shalt  }
0x43: {  	_ =	shalt  }
0x44: {  	_ =	shalt  }
0x45: {  	_ =	shalt  }
0x46: {  	_ =	shalt  }
0x47: {  	_ =	shalt  }
0x48: {  	_ =	shalt  }
0x49: {  	_ =	shalt  }
0x4a: {  	_ =	shalt  }
0x4b: {  	_ =	shalt  }
0x4c: {  	_ =	shalt  }
0x4d: {  	_ =	shalt  }
0x4e: {  	_ =	shalt  }
0x4f: {  	_ =	shalt  }
0x50: {  	_ =	shalt  }
0x51: {  	_ =	shalt  }
0x52: {  	_ =	shalt  }
0x53: {  	_ =	shalt  }
0x54: {  	_ =	shalt  }
0x55: {  	_ =	shalt  }
0x56: {  	_ =	shalt  }
0x57: {  	_ =	shalt  }
0x58: {  	_ =	shalt  }
0x59: {  	_ =	shalt  }
0x5a: {  	_ =	shalt  }
0x5b: {  	_ =	shalt  }
0x5c: {  	_ =	shalt  }
0x5d: {  	_ =	shalt  }
0x5e: {  	_ =	shalt  }
0x5f: {  	_ =	shalt  }
0x60: {  	_ =	shalt  }
0x61: {  	_ =	shalt  }
0x62: {  	_ =	shalt  }
0x63: {  	_ =	shalt  }
0x64: {  	_ =	shalt  }
0x65: {  	_ =	shalt  }
0x66: {  	_ =	shalt  }
0x67: {  	_ =	shalt  }
0x68: {  	_ =	shalt  }
0x69: {  	_ =	shalt  }
0x6a: {  	_ =	shalt  }
0x6b: {  	_ =	shalt  }
0x6c: {  	_ =	shalt  }
0x6d: {  	_ =	shalt  }
0x6e: {  	_ =	shalt  }
0x6f: {  	_ =	shalt  }
0x70: {  	_ =	shalt  }
0x71: {  	_ =	shalt  }
0x72: {  	_ =	shalt  }
0x73: {  	_ =	shalt  }
0x74: {  	_ =	shalt  }
0x75: {  	_ =	shalt  }
0x76: {  	_ =	shalt  }
0x77: {  	_ =	shalt  }
0x78: {  	_ =	shalt  }
0x79: {  	_ =	shalt  }
0x7a: {  	_ =	shalt  }
0x7b: {  	_ =	shalt  }
0x7c: {  	_ =	shalt  }
0x7d: {  	_ =	shalt  }
0x7e: {  	_ =	shalt  }
0x7f: {  	_ =	shalt  }
0x80: {  	_ =	shalt  }
0x81: {  	_ =	shalt  }
0x82: {  	_ =	shalt  }
0x83: {  	_ =	shalt  }
0x84: {  	_ =	shalt  }
0x85: {  	_ =	shalt  }
0x86: {  	_ =	shalt  }
0x87: {  	_ =	shalt  }
.Lfunc_end0:
.L_simem_size_0:
called_computation.9_lowered:
.L_overlay_start_0:
0x88: {  	s2 =	sld [smem:$0x3FD9]  }
0x89: {  	s3 =	sld [smem:$0x3FFE];
	_ =	sdelay $0x1  }
0x8a: {  	s1 =	srdreg.scid  }
0x8b: {  	s0 =	sand.u32 $0x1, s1  }
0x8c: {  	s16 =	sshll.u32 s0, $0xA;
	s2 =	sadd.s32 s3, s2  }
0x8d: {  	s2 =	sadd.s32 s2, s16  }
0x8e: {  	[smem:$0x3FB3] =	sst s2  }
0x8f: {  	_ = 	snop  }
0x90: {  	(tm) =	ssettm $0x1  }
0x91: {  	s17 =	sld [smem:$0x3FFB];
	_ =	sdelay $0x3  }
0x92: {  	_ =	strace s17  }
0x93: {  	s2 =	sld [smem:$0x3FFC];
	_ =	sdelay $0x3  }
0x94: {  	_ =	strace s2  }
0x95: {  	s2 =	sld [smem:$0x3FFD];
	_ =	sdelay $0x3  }
0x96: {  	_ =	strace s2  }
0x97: {  	_ =	strace $0x8FFFFFFF  }
0x98: {  	s18 =	sld [smem:$0x3FDB];
	_ =	sdelay $0x1  }
0x99: {  	s19 =	simm.s32 $_scs_section_size  }
0x9a: {  	s4 =	simm.s32 $_size__tile_overlayer_lowered;
	s5 =	simm.s32 $_tile_overlayer_lowered  }
0x9b: {  	s22 =	simm.s32 $0x1BFF;
	s21 =	sshll.u32 s5, $0x1;
	s2 =	sadd.s32 s19, s18  }
0x9c: {  	s6 =	simm.s32 $0x0;
	s20 =	sshll.u32 s4, $0x1;
	s4 =	sadd.s32 s21, s2  }
0x9d: {  	[timem:s6], [sflag:s22] =	dma.local [hbm:s4], s20  }
0x9e: {  	_ =	swait.ge [sflag:s22], s20  }
0x9f: {  	s3 =	ssub.s32 $0x0, s20;
	[sflag:s22] =	ssyncset.done $0x0  }
0xa0: {  	[sflag:s22] =	ssyncadd.s32 s3;
	_ =	sdelay $0x1  }
0xa1: {  	s23 =	simm.s32 $0x1B8B  }
0xa2: {  	_ =	swait.ge [sflag:s23], $0x1  }
0xa3: {  	[sflag:s23] =	ssyncset.done $0x0  }
0xa4: {  	s25 =	simm.s32 $0x1B8E;
	s24 =	sld [smem:$0x3FFE];
	[sflag:s23] =	ssyncadd.s32 $0xFFFFFFFF  }
0xa5: {  	s26 =	simm.s32 $execute0_lowered;
	[smem:$0x3FD2] =	sst s25  }
0xa6: {  	s4 =	sshll.u32 s26, $0x1;
	_ =	strace $0x80000061;
	[dreg:$0x1] =	wrdreg $0xFFFFFFFF  }
0xa7: {  	s28 =	simm.s32 $_size_execute0_lowered;
	s2 =	sadd.s32 s2, s4;
	[dreg:$0x0] =	wrdreg $0x0  }
0xa8: {  	s4 =	sshll.u32 s28, $0x1;
	[dreg:$0x2] =	wrdreg s2  }
0xa9: {  	[dreg:$0x3] =	wrdreg s4  }
0xaa: {  	[dreg:$0x4] =	wrdreg $0xC0  }
0xab: {  	_ =	task [dreg:s6], $0x5FFFF  }
0xac: {  	[dreg:$0x1] =	wrdreg $0xFFFFFFFF  }
0xad: {  	[dreg:$0x0] =	wrdreg $0x60  }
0xae: {  	[dreg:$0x2] =	wrdreg s24  }
0xaf: {  	[dreg:$0x3] =	wrdreg $0x0  }
0xb0: {  	[dreg:$0x4] =	wrdreg $0x9  }
0xb1: {  	_ =	task.clear_ibuf [dreg:s6], $0x5FFFF;
	_ =	strace $0x90000061  }
0xb2: {  	s29 =	simm.s32 $0x9;
	_ =	strace $0x80000063  }
0xb3: {  	_ =	swait.ge [sflag:s29], $0x1  }
0xb4: {  	[sflag:s29] =	ssyncadd.s32 $0xFFFFFFFF  }
0xb5: {  	_ =	strace $0x90000063  }
0xb6: {  	_ =	sfence  }
0xb7: {  	s30 =	sld [smem:$0x0];
	_ =	sdelay $0x2  }
0xb8: {  	s31 =	sshll.u32 s1, $0xD;
	s1 =	sshrl.u32 s1, $0x2  }
0xb9: {  	s3 =	sand.u32 $0x4000, s31;
	s1 =	sadd.s32 s1, s30  }
0xba: {  	s0 =	sor.u32 s3, s0;
	s1 =	sshll.u32 s1, $0x11  }
0xbb: {  	s0 =	sor.u32 s1, s0  }
0xbc: {  	s0 =	sadd.s32 $0x8F2B, s0  }
0xbd: {  	[sflag:s0] =	ssyncadd.remote.s32 $0x1  }
0xbe: {  	_ =	sfence.sel $0xFFFF  }
0xbf: {  	[dreg:$0x0] =	wrdreg $0xFFFFFFFF;
	(pc) =	sbr.abs _section_cstart, $3  }
0xc0: {  	[dreg:$0x1] =	wrdreg $0xFFFFFFFF  }
0xc1: {  	_ =	task.clear_ibuf [dreg:s6], $0x2FFFF;
	_ =	strace $0x9FFFFFFF  }
0xc2: {  	(tm) =	ssettm $0x7FFFFFFF  }
0xc3: {  	_ =	shalt  }
tec
execute0_lowered:
.L_overlay_start_1:
0x0: {  	(tag) =	ssettag $0x1  }
0x1: {  	s0 =	stileid.u32  }
0x2: {  	s1 =	srdreg.scid;
	s5 =	rddreg [dreg:$0x0]  }
0x3: {  	s2 =	rddreg [dreg:$0x1];
	s3 =	simm.s32 $0x0;
	s7 =	smul.u32 $0x4E20, s0  }
0x4: {  	s14 =	simm.s32 $0x50;
	s6 =	sand.u32 $0x1, s1;
	s8 =	smul.u32 $0x13880, s0  }
0x5: {  	s15 =	simm.s32 $0x0;
	s1 =	rddreg [dreg:$0x2];
	s4 =	smul.u32 $0x2710, s6  }
0x6: {  	[smem:$0x7FF] =	sst s3;
	s31 =	sshll.u32 s0, $0x6;
	s9 =	smul.u32 $0x4E200, s6  }
0x7: {  	_ =	strace $0x80000062;
	s11 =	ssub.s32 $0x2, s6;
	s12 =	smul.u32 $0x9C40, s6  }
0x8: {  	s8 =	sadd.s32 s8, s5;
	s30 =	sshrl.u32 s11, $0x1;
	s13 =	sadd.s32 s7, s2  }
0x9: {  	s4 =	sadd.s32 s4, s7;
	s9 =	sadd.s32 s7, s9;
	s11 =	ssub.s32 s11, s30  }
0xa: {  	s8 =	sadd.s32 s12, s8;
	s12 =	simm.s32 $0x4E20;
	s4 =	sshrl.u32 s4, $0x3  }
0xb: {  	s9 =	sshrl.u32 s9, $0x3;
	s7 =	smax.u32 s11, $0x1;
	s8 =	sadd.s32 $0x4FD200, s8  }
0xc: {  	s11 =	simm.s32 $0x1;
	s10 =	sadd.s32 s4, s5;
	s9 =	sadd.s32 s9, s5  }
0xd: {  	s4 =	sadd.s32 $0x7600, s5;
	s5 =	sor.u32 $0x1C01, s31;
	s6 =	sadd.s32 $0x1B200, s9  }
0xe: {  	s9 =	sadd.s32 $0x11400, s10;
	s10 =	sshrl.u32 s13, $0x3;
	s13 =	simm.s32 $0x4E70  }
.LBB2_1:
0xf: {  	[spmem:s10], [sflag:s5] =	dma.local [hbm:s4], $0x9C4  }
0x10: {  	_ =	swait.ge [sflag:s11], $0x9C4  }
0x11: {  	[sflag:s11] =	ssyncset.done $0x0  }
0x12: {  	[sflag:s11] =	ssyncadd.s32 $0xFFFFF63C  }
0x13: {  	s16 =	sadd.s32 $0x0, s9;
	[bflag:$0x0] =	sbarrier.arrive $0xFFFF  }
0x14: {  	[tilespmem:s12], [sflag:$0x1] =	stream.linear.gather [hbm4b:s16+s3], $0x50, $0x38;
	[tilespmem:$0x5870] =	vst v63  }
0x15: {  	_ =	swait.ge [sflag:s11], $0x50  }
0x16: {  	[sflag:s11] =	ssyncset.done $0x0  }
0x17: {  	[sflag:s11] =	ssyncadd.s32 $0xFFFFFFB0  }
0x18: {  	[tilespmem:s13], [sflag:$0x1] =	stream.linear.gather [hbm4b:s8+s3], $0xA00, $0x38;
	[tilespmem:$0x5870] =	vst v63  }
0x19: {  	_ =	swait.ge [sflag:s11], $0xA00  }
0x1a: {  	[sflag:s11] =	ssyncset.done $0x0  }
0x1b: {  	[sflag:s11] =	ssyncadd.s32 $0xFFFFF600  }
0x1c: {  	[spmem:s2] =	stream.indirect.scatter.add.f32 [tilespmem:s13], [sflag:$0x1], $0x20, s12, s14, $0xb8;
	[tilespmem:$0x5870] =	vst v63  }
0x1d: {  	s17 =	simm.s32 $0xA;
	_ =	swait.ge [sflag:s11], $0xA00  }
0x1e: {  	s18 =	simm.s32 $0x14;
	s16 =	sadd.s32 $0x140, s8;
	[sflag:s11] =	ssyncset.done $0x0  }
.LBB2_2:
0x1f: {  	s19 =	sadd.s32 s17, s9  }
0x20: {  	[sflag:s11] =	ssyncadd.s32 $0xFFFFF600;
	s17 =	smov.u32 s18;
	s20 =	sadd.s32 $0xA, s18  }
0x21: {  	[tilespmem:s12], [sflag:$0x1] =	stream.linear.gather [hbm4b:s19+s3], $0x50, $0x38;
	[tilespmem:$0x5870] =	vst v63  }
0x22: {  	p0 =	sne.s32 s18, $0x4D8;
	_ =	swait.ge [sflag:s11], $0x50  }
0x23: {  	[sflag:s11] =	ssyncset.done $0x0  }
0x24: {  	[sflag:s11] =	ssyncadd.s32 $0xFFFFFFB0  }
0x25: {  	[tilespmem:s13], [sflag:$0x1] =	stream.linear.gather [hbm4b:s16+s3], $0xA00, $0x38;
	[tilespmem:$0x5870] =	vst v63  }
0x26: {  	_ =	swait.ge [sflag:s11], $0xA00  }
.Ltmp0:
0x27: {  	[sflag:s11] =	ssyncset.done $0x0;
	(pc) =	sbr.rel @p0 .LBB2_2-.Ltmp0, $4  }
0x28: {  	[sflag:s11] =	ssyncadd.s32 $0xFFFFF600  }
0x29: {  	[spmem:s2] =	stream.indirect.scatter.add.f32 [tilespmem:s13], [sflag:$0x1], $0x20, s12, s14, $0xb8;
	[tilespmem:$0x5870] =	vst v63  }
0x2a: {  	_ =	swait.ge [sflag:s11], $0xA00  }
0x2b: {  	s18 =	smov.u32 s20;
	s16 =	sadd.s32 $0x140, s16;
	[sflag:s11] =	ssyncset.done $0x0  }
0x2c: {  	s17 =	sadd.s32 s17, s9;
	[sflag:s11] =	ssyncadd.s32 $0xFFFFF600  }
0x2d: {  	[tilespmem:s12], [sflag:$0x1] =	stream.linear.gather [hbm4b:s17+s3], $0x50, $0x38;
	[tilespmem:$0x5870] =	vst v63  }
0x2e: {  	_ =	swait.ge [sflag:s11], $0x50  }
0x2f: {  	[sflag:s11] =	ssyncset.done $0x0  }
0x30: {  	[sflag:s11] =	ssyncadd.s32 $0xFFFFFFB0  }
0x31: {  	[tilespmem:s13], [sflag:$0x1] =	stream.linear.gather [hbm4b:s16+s3], $0xA00, $0x38;
	[tilespmem:$0x5870] =	vst v63  }
0x32: {  	_ =	swait.ge [sflag:s11], $0xA00  }
0x33: {  	[sflag:s11] =	ssyncset.done $0x0  }
0x34: {  	[sflag:s11] =	ssyncadd.s32 $0xFFFFF600  }
0x35: {  	[spmem:s2] =	stream.indirect.scatter.add.f32 [tilespmem:s13], [sflag:$0x1], $0x20, s12, s14, $0xb8;
	[tilespmem:$0x5870] =	vst v63  }
0x36: {  	_ =	swait.ge [sflag:s11], $0xA00  }
0x37: {  	s15 =	sadd.s32 $0x1, s15;
	[sflag:s11] =	ssyncset.done $0x0  }
0x38: {  	p0 =	sne.s32 s15, s7;
	[sflag:s11] =	ssyncadd.s32 $0xFFFFF600  }
.Ltmp1:
0x39: {  	[bflag:$0x0] =	sbarrier.arrive $0xFFFF;
	(pc) =	sbr.rel @p0 .LBB2_1-.Ltmp1, $4  }
0x3a: {  	[hbm:s6], [sflag:s5] =	dma.local [spmem:s10], $0x9C4  }
0x3b: {  	_ =	swait.ge [sflag:s11], $0x9C4  }
0x3c: {  	[sflag:s11] =	ssyncset.done $0x0  }
0x3d: {  	[sflag:s11] =	ssyncadd.s32 $0xFFFFF63C  }
0x3e: {  	_ =	sfence.sel $0x180000  }
0x3f: {  	[bflag:$0x0] =	sbarrier.arrive $0xFFFF  }
0x40: {  	p0 =	sne.s32 s0, $0x0;
	_ =	strace $0x90000062  }
0x41: {  	s0 =	sadd.s32 @!p0 $0x100000, s1;
	[bflag:$0x2] =	sbarrier.arrive $0xFFFF  }
0x42: {  	[sflag:s0] =	ssyncadd.tile.s32 @!p0 $0x1;
	_ =	shalt  }
.Lfunc_end2:
_tile_overlayer_lowered:
.L_overlay_start_2:
0x43: {  	(tag) =	ssettag $0x2  }
0x44: {  	s0 =	rddreg [dreg:$0x0];
	s2 =	stileid.u32  }
0x45: {  	s1 =	rddreg [dreg:$0x1];
	p0 =	sne.s32 s2, $0x0  }
0x46: {  	s3 =	rddreg [dreg:$0x2];
	[bflag:$0x3] =	sbarrier.arrive $0xFFFF;
	s2 =	simm.s32 @!p0 $0x1C01  }
0x47: {  	[timem:s3], [sflag:s2] =	dma.local @!p0 [hbm:s0], s1  }
0x48: {  	s0 =	simm.s32 @!p0 $0x1  }
0x49: {  	_ =	swait.ge @!p0 [sflag:s0], s1  }
0x4a: {  	s1 =	ssub.s32 @!p0 $0x0, s1;
	[sflag:s0] =	ssyncset.done @!p0 $0x0  }
0x4b: {  	[sflag:s0] =	ssyncadd.s32 @!p0 s1  }
0x4c: {  	[bflag:$0x3] =	sbarrier.arrive $0xFFFF  }
0x4d: {  	_ =	shalt  }

</sc_bundles>
